<compile_context>
chip_gen: v7x
topology: tpu7x:2x2x1
jax: 0.10.2.dev20260603
libtpu: 0.0.44.dev20260713+nightly
codegen_flags: <defaults>
</compile_context>

<pallas_src>
import functools

import jax
import jax.numpy as jnp
from jax import lax
from jax.experimental import pallas as pl
from jax.experimental.pallas import tpu as pltpu
from jax.experimental.pallas import tpu_sc as plsc

_LANES = 128


@functools.cache
def _gather_call(B, E, dtype):
    info = plsc.get_sparse_core_info()
    NC, NS, L = info.num_cores, info.num_subcores, info.num_lanes
    NW = NC * NS
    half = NW // 2
    b_per_w = B // half
    n_pairs = b_per_w // L
    mesh = plsc.VectorSubcoreMesh(core_axis_name="c", subcore_axis_name="s")

    @functools.partial(
        pl.kernel,
        mesh=mesh,
        out_type=jax.ShapeDtypeStruct((2 * E, B), dtype),
        scratch_types=[
            pltpu.VMEM((b_per_w,), jnp.int32),
            pltpu.VMEM((L // 2, E, _LANES), dtype),
            pltpu.VMEM((L // 2, E, _LANES), dtype),
            pltpu.VMEM((E, b_per_w), dtype),
            pltpu.SemaphoreType.DMA,
            pltpu.SemaphoreType.DMA,
        ],
        compiler_params=pltpu.CompilerParams(needs_layout_passes=False),
    )
    def gather_k(uids_hbm, iids_hbm, utabT_hbm, itabT_hbm, xT_out,
                 idx_v, buf_a, buf_b, outT_v, sem_a, sem_b):
        wid = lax.axis_index("s") * NC + lax.axis_index("c")
        base = lax.rem(wid, half) * b_per_w
        e_lo = jnp.arange(L, dtype=jnp.int32)
        e_hi = e_lo + L
        HALF = L // 2

        def do_table(ids_hbm, tabT_hbm, row0):
            pltpu.sync_copy(ids_hbm.at[pl.ds(base, b_per_w)], idx_v)

            def fire(buf, sem, idxvec, lane0):
                for j in range(HALF):
                    tc = idxvec[lane0 + j] // _LANES
                    off = pl.multiple_of(tc * _LANES, _LANES)
                    pltpu.async_copy(
                        tabT_hbm.at[:, pl.ds(off, _LANES)], buf.at[j], sem)

            def drain(buf, sem):
                for j in range(HALF):
                    pltpu.make_async_copy(
                        tabT_hbm.at[:, pl.ds(0, _LANES)],
                        buf.at[j], sem).wait()

            def extract(buf, idxvec, lane0, kbase):
                for j in range(HALF):
                    ln = jnp.full((L,), lax.rem(idxvec[lane0 + j], _LANES),
                                  dtype=jnp.int32)
                    k = jnp.full((L,), kbase + j, dtype=jnp.int32)
                    lo = plsc.load_gather(buf.at[j], [e_lo, ln])
                    hi = plsc.load_gather(buf.at[j], [e_hi, ln])
                    plsc.store_scatter(outT_v, [e_lo, k], lo)
                    plsc.store_scatter(outT_v, [e_hi, k], hi)

            idx0 = idx_v[pl.ds(0, L)]
            fire(buf_a, sem_a, idx0, 0)

            def pair(p, carry):
                idxvec = idx_v[pl.ds(p * L, L)]
                fire(buf_b, sem_b, idxvec, HALF)
                drain(buf_a, sem_a)
                extract(buf_a, idxvec, 0, p * L)

                @pl.when(p < n_pairs - 1)
                def _():
                    idxnext = idx_v[pl.ds((p + 1) * L, L)]
                    fire(buf_a, sem_a, idxnext, 0)

                drain(buf_b, sem_b)
                extract(buf_b, idxvec, HALF, p * L + HALF)
                return carry

            lax.fori_loop(0, n_pairs, pair, 0)
            pltpu.sync_copy(
                outT_v,
                xT_out.at[pl.ds(row0, E), pl.ds(base, b_per_w)])

        @pl.when(wid < half)
        def _():
            do_table(uids_hbm, utabT_hbm, 0)

        @pl.when(wid >= half)
        def _():
            do_table(iids_hbm, itabT_hbm, E)

    return gather_k


def _mlp_body(xT_ref, w1_ref, b1_ref, w2_ref, b2_ref, out_ref):
    hT = jnp.dot(w1_ref[...], xT_ref[...], preferred_element_type=jnp.float32)
    hT = jnp.maximum(hT + b1_ref[...], 0.0)
    out_ref[...] = (
        jnp.dot(w2_ref[...], hT, preferred_element_type=jnp.float32)
        + b2_ref[0, 0]
    )


@functools.cache
def _mlp_call(B, E, H, BB):
    grid = (B // BB,)
    return pl.pallas_call(
        _mlp_body,
        grid=grid,
        in_specs=[
            pl.BlockSpec((2 * E, BB), lambda i: (0, i)),
            pl.BlockSpec((H, 2 * E), lambda i: (0, 0)),
            pl.BlockSpec((H, 1), lambda i: (0, 0)),
            pl.BlockSpec((1, H), lambda i: (0, 0)),
            pl.BlockSpec((1, 1), lambda i: (0, 0)),
        ],
        out_specs=pl.BlockSpec((1, BB), lambda i: (0, i)),
        out_shape=jax.ShapeDtypeStruct((1, B), jnp.float32),
    )


def kernel(user_ids, item_ids, user_table, item_table, W1, b1, W2, b2):
    B = user_ids.shape[0]
    E = user_table.shape[1]
    H = W1.shape[0]

    xT = _gather_call(B, E, user_table.dtype)(
        user_ids, item_ids, user_table.T, item_table.T)

    logitsT = _mlp_call(B, E, H, 2048)(
        xT, W1, b1.reshape(H, 1), W2, b2.reshape(1, 1))
    return logitsT.reshape(B, 1)

# --- scband reference (transcript-rebuilt; emitter-appended) ---
"""Pipeline reference for scband-two-layer-model-3058016715016 (READ-ONLY COPY).

The authoritative reference and input builder live on the scoring server;
editing this copy changes nothing except your own understanding.
"""

import jax, jax.numpy as jnp
import numpy as np

NUM_USERS = 1000000
NUM_ITEMS = 1000000
EMBED_DIM = 32
HIDDEN = 64
BATCH = 16384


def setup_inputs(seed: int = 0) -> dict:
    key = jax.random.key(seed)
    k1, k2, k3, k4, k5, k6 = jax.random.split(key, 6)
    user_ids = jax.random.randint(k1, (BATCH,), 0, NUM_USERS, dtype=jnp.int32)
    item_ids = jax.random.randint(k2, (BATCH,), 0, NUM_ITEMS, dtype=jnp.int32)
    user_table = jax.random.normal(k3, (NUM_USERS, EMBED_DIM), dtype=jnp.float32) * 0.01
    item_table = jax.random.normal(k4, (NUM_ITEMS, EMBED_DIM), dtype=jnp.float32) * 0.01
    in_dim = 2 * EMBED_DIM
    # kaiming normal for relu: std = sqrt(2 / fan_in)
    W1 = jax.random.normal(k5, (HIDDEN, in_dim), dtype=jnp.float32) * np.sqrt(2.0 / in_dim)
    b1 = jnp.zeros((HIDDEN,), dtype=jnp.float32)
    # xavier uniform for fc2
    limit = np.sqrt(6.0 / (HIDDEN + 1))
    W2 = jax.random.uniform(k6, (1, HIDDEN), dtype=jnp.float32, minval=-limit, maxval=limit)
    b2 = jnp.zeros((1,), dtype=jnp.float32)
    return {
        "user_ids": user_ids,
        "item_ids": item_ids,
        "user_table": user_table,
        "item_table": item_table,
        "W1": W1,
        "b1": b1,
        "W2": W2,
        "b2": b2,
    }


def reference(user_ids, item_ids, user_table, item_table, W1, b1, W2, b2):
    u = jnp.take(user_table, user_ids, axis=0)
    v = jnp.take(item_table, item_ids, axis=0)
    x = jnp.concatenate([u, v], axis=-1)
    h = jax.nn.relu(x @ W1.T + b1)
    logits = h @ W2.T + b2
    return logits

if __name__ == "__main__":
    import jax
    _d = setup_inputs()
    print(jax.jit(kernel)(*tuple(_d.values())))

</pallas_src>

<mosaic_0001>
#map = affine_map<(d0, d1) -> (0)>
#map1 = affine_map<(d0, d1) -> (0, 0)>
module attributes {stable_mosaic.version = 14 : i64} {
  func.func @gather_k(%arg0: i32, %arg1: i32, %arg2: memref<16384xi32, #tpu.memory_space<hbm>>, %arg3: memref<16384xi32, #tpu.memory_space<hbm>>, %arg4: memref<32x1000000xf32, #tpu.memory_space<hbm>>, %arg5: memref<32x1000000xf32, #tpu.memory_space<hbm>>, %arg6: memref<64x16384xf32, #tpu.memory_space<hbm>>, %arg7: memref<1024xi32, #tpu.memory_space<vmem>>, %arg8: memref<8x32x128xf32, #tpu.memory_space<vmem>>, %arg9: memref<8x32x128xf32, #tpu.memory_space<vmem>>, %arg10: memref<32x1024xf32, #tpu.memory_space<vmem>>, %arg11: memref<!tpu.dma_semaphore, #tpu.memory_space<semaphore_mem>>, %arg12: memref<!tpu.dma_semaphore, #tpu.memory_space<semaphore_mem>>) attributes {dimension_semantics = [#tpu.dimension_semantics<core_parallel>, #tpu.dimension_semantics<subcore_parallel>], iteration_bounds = array<i64: 2, 16>, scalar_prefetch = 0 : i64, scratch_operands = 6 : i64, tpu.core_type = #tpu.core_type<sc_vector_subcore>, window_params = [{transform_indices = #map}, {transform_indices = #map}, {transform_indices = #map1}, {transform_indices = #map1}, {transform_indices = #map1}]} {
    %mul3A = arith.constant 2 : i32
    %mul3A_0 = arith.muli %arg1, %mul3A : i32
    %add3A = arith.addi %mul3A_0, %arg0 : i32
    %rem3A = arith.constant 16 : i32
    %rem3A_1 = arith.remsi %add3A, %rem3A : i32
    %mul3A_2 = arith.constant 1024 : i32
    %mul3A_3 = arith.muli %rem3A_1, %mul3A_2 : i32
    %iota3A = tpu.iota {dimensions = array<i32: 0>} : vector<16xi32>
    %add3A_4 = arith.constant 16 : i32
    %add3A_5 = vector.broadcast %add3A_4 : i32 to vector<16xi32>
    %add3A_6 = arith.addi %iota3A, %add3A_5 : vector<16xi32>
    %lt3A = arith.constant 16 : i32
    %lt3A_7 = arith.cmpi slt, %add3A, %lt3A : i32
    %convert_element_type3A = arith.extui %lt3A_7 : i1 to i32
    %cond3A = arith.constant 0 : i32
    %cond3A_8 = arith.cmpi ne, %convert_element_type3A, %cond3A : i32
    scf.if %cond3A_8 {
      "tpu.region"() ({
        %run_scoped3A = tpu.sem_alloc : memref<!tpu.dma_semaphore, #tpu.memory_space<semaphore_mem>>
        %dma_start3A_344 = tpu.memref_slice %arg2[%mul3A_3] : memref<16384xi32, #tpu.memory_space<hbm>> -> memref<1024xi32, #tpu.memory_space<hbm>>
        %dma_start3A_345 = tpu.memref_slice %arg2[%mul3A_3] : memref<16384xi32, #tpu.memory_space<hbm>> -> memref<1024xi32, #tpu.memory_space<hbm>>
        tpu.enqueue_dma source(%dma_start3A_345 : memref<1024xi32, #tpu.memory_space<hbm>>) target(%arg7 : memref<1024xi32, #tpu.memory_space<vmem>>) target_semaphore(%run_scoped3A : memref<!tpu.dma_semaphore, #tpu.memory_space<semaphore_mem>>)
        %dma_wait3A = tpu.memref_slice %arg2[%mul3A_3] : memref<16384xi32, #tpu.memory_space<hbm>> -> memref<1024xi32, #tpu.memory_space<hbm>>
        %dma_wait3A_346 = tpu.memref_slice %arg2[%mul3A_3] : memref<16384xi32, #tpu.memory_space<hbm>> -> memref<1024xi32, #tpu.memory_space<hbm>>
        tpu.wait_dma2 semaphore(%run_scoped3A : memref<!tpu.dma_semaphore, #tpu.memory_space<semaphore_mem>>) src(%dma_wait3A_346 : memref<1024xi32, #tpu.memory_space<hbm>>) dst(%arg7 : memref<1024xi32, #tpu.memory_space<vmem>>)
        tpu.yield
      }) : () -> ()
      %get3A = arith.constant 0 : index
      %get3A_13 = tpu.vector_load %arg7[%get3A] {strides = array<i32>} : memref<1024xi32, #tpu.memory_space<vmem>>, vector<16xi32>,
      %slice3A = vector.extract_strided_slice %get3A_13 {offsets = [0], sizes = [1], strides = [1]} : vector<16xi32> to vector<1xi32>
      %squeeze3A = vector.extract %slice3A[0] : i32 from vector<1xi32>
      %jit3A = arith.constant 128 : i32
      %div3A = arith.divsi %squeeze3A, %jit3A : i32
      %sign3A = arith.constant 0 : i32
      %sign3A_14 = arith.cmpi sgt, %squeeze3A, %sign3A : i32
      %sign3A_15 = arith.extui %sign3A_14 : i1 to i32
      %sign3A_16 = arith.constant 0 : i32
      %sign3A_17 = arith.cmpi slt, %squeeze3A, %sign3A_16 : i32
      %sign3A_18 = arith.extui %sign3A_17 : i1 to i32
      %sign3A_19 = arith.subi %sign3A_15, %sign3A_18 : i32
      %sign3A_20 = arith.constant 0 : i32
      %sign3A_21 = arith.cmpi sgt, %jit3A, %sign3A_20 : i32
      %sign3A_22 = arith.extui %sign3A_21 : i1 to i32
      %sign3A_23 = arith.constant 0 : i32
      %sign3A_24 = arith.cmpi slt, %jit3A, %sign3A_23 : i32
      %sign3A_25 = arith.extui %sign3A_24 : i1 to i32
      %sign3A_26 = arith.subi %sign3A_22, %sign3A_25 : i32
      %ne3A = arith.cmpi ne, %sign3A_19, %sign3A_26 : i32
      %rem3A_27 = arith.remsi %squeeze3A, %jit3A : i32
      %ne3A_28 = arith.constant 0 : i32
      %ne3A_29 = arith.cmpi ne, %rem3A_27, %ne3A_28 : i32
      %and3A = arith.andi %ne3A, %ne3A_29 : i1
      %sub3A = arith.constant 1 : i32
      %sub3A_30 = arith.subi %div3A, %sub3A : i32
      %select_n3A = arith.select %and3A, %sub3A_30, %div3A : i32
      %mul3A_31 = arith.constant 128 : i32
      %mul3A_32 = arith.muli %select_n3A, %mul3A_31 : i32
      %multiple_of3A = tpu.assume_multiple %mul3A_32, 128 : i32
      %dma_start3A = arith.constant 0 : i32
      %dma_start3A_33 = arith.constant 0 : i32
      %dma_start3A_34 = arith.constant 0 : i32
      %dma_start3A_35 = tpu.memref_slice %arg8[%dma_start3A, %dma_start3A_33, %dma_start3A_34] : memref<8x32x128xf32, #tpu.memory_space<vmem>> -> memref<1x32x128xf32, #tpu.memory_space<vmem>>
      %dma_start3A_36 = tpu.memref_squeeze %dma_start3A_35 : memref<1x32x128xf32, #tpu.memory_space<vmem>> -> memref<32x128xf32, #tpu.memory_space<vmem>>
      %dma_start3A_37 = arith.constant 0 : i32
      %dma_start3A_38 = tpu.memref_slice %arg4[%dma_start3A_37, %multiple_of3A] : memref<32x1000000xf32, #tpu.memory_space<hbm>> -> memref<32x128xf32, #tpu.memory_space<hbm>>
      %dma_start3A_39 = arith.constant 0 : i32
      %dma_start3A_40 = arith.constant 0 : i32
      %dma_start3A_41 = tpu.memref_slice %arg8[%dma_start3A, %dma_start3A_39, %dma_start3A_40] : memref<8x32x128xf32, #tpu.memory_space<vmem>> -> memref<1x32x128xf32, #tpu.memory_space<vmem>>
      %dma_start3A_42 = tpu.memref_squeeze %dma_start3A_41 : memref<1x32x128xf32, #tpu.memory_space<vmem>> -> memref<32x128xf32, #tpu.memory_space<vmem>>
      %dma_start3A_43 = arith.constant 0 : i32
      %dma_start3A_44 = tpu.memref_slice %arg4[%dma_start3A_43, %multiple_of3A] : memref<32x1000000xf32, #tpu.memory_space<hbm>> -> memref<32x128xf32, #tpu.memory_space<hbm>>
      tpu.enqueue_dma source(%dma_start3A_44 : memref<32x128xf32, #tpu.memory_space<hbm>>) target(%dma_start3A_42 : memref<32x128xf32, #tpu.memory_space<vmem>>) target_semaphore(%arg11 : memref<!tpu.dma_semaphore, #tpu.memory_space<semaphore_mem>>)
      %slice3A_45 = vector.extract_strided_slice %get3A_13 {offsets = [1], sizes = [1], strides = [1]} : vector<16xi32> to vector<1xi32>
      %squeeze3A_46 = vector.extract %slice3A_45[0] : i32 from vector<1xi32>
      %jit3A_47 = arith.constant 128 : i32
      %div3A_48 = arith.divsi %squeeze3A_46, %jit3A_47 : i32
      %sign3A_49 = arith.constant 0 : i32
      %sign3A_50 = arith.cmpi sgt, %squeeze3A_46, %sign3A_49 : i32
      %sign3A_51 = arith.extui %sign3A_50 : i1 to i32
      %sign3A_52 = arith.constant 0 : i32
      %sign3A_53 = arith.cmpi slt, %squeeze3A_46, %sign3A_52 : i32
      %sign3A_54 = arith.extui %sign3A_53 : i1 to i32
      %sign3A_55 = arith.subi %sign3A_51, %sign3A_54 : i32
      %sign3A_56 = arith.constant 0 : i32
      %sign3A_57 = arith.cmpi sgt, %jit3A_47, %sign3A_56 : i32
      %sign3A_58 = arith.extui %sign3A_57 : i1 to i32
      %sign3A_59 = arith.constant 0 : i32
      %sign3A_60 = arith.cmpi slt, %jit3A_47, %sign3A_59 : i32
      %sign3A_61 = arith.extui %sign3A_60 : i1 to i32
      %sign3A_62 = arith.subi %sign3A_58, %sign3A_61 : i32
      %ne3A_63 = arith.cmpi ne, %sign3A_55, %sign3A_62 : i32
      %rem3A_64 = arith.remsi %squeeze3A_46, %jit3A_47 : i32
      %ne3A_65 = arith.constant 0 : i32
      %ne3A_66 = arith.cmpi ne, %rem3A_64, %ne3A_65 : i32
      %and3A_67 = arith.andi %ne3A_63, %ne3A_66 : i1
      %sub3A_68 = arith.constant 1 : i32
      %sub3A_69 = arith.subi %div3A_48, %sub3A_68 : i32
      %select_n3A_70 = arith.select %and3A_67, %sub3A_69, %div3A_48 : i32
      %mul3A_71 = arith.constant 128 : i32
      %mul3A_72 = arith.muli %select_n3A_70, %mul3A_71 : i32
      %multiple_of3A_73 = tpu.assume_multiple %mul3A_72, 128 : i32
      %dma_start3A_74 = arith.constant 1 : i32
      %dma_start3A_75 = arith.constant 0 : i32
      %dma_start3A_76 = arith.constant 0 : i32
      %dma_start3A_77 = tpu.memref_slice %arg8[%dma_start3A_74, %dma_start3A_75, %dma_start3A_76] : memref<8x32x128xf32, #tpu.memory_space<vmem>> -> memref<1x32x128xf32, #tpu.memory_space<vmem>>
      %dma_start3A_78 = tpu.memref_squeeze %dma_start3A_77 : memref<1x32x128xf32, #tpu.memory_space<vmem>> -> memref<32x128xf32, #tpu.memory_space<vmem>>
      %dma_start3A_79 = arith.constant 0 : i32
      %dma_start3A_80 = tpu.memref_slice %arg4[%dma_start3A_79, %multiple_of3A_73] : memref<32x1000000xf32, #tpu.memory_space<hbm>> -> memref<32x128xf32, #tpu.memory_space<hbm>>
      %dma_start3A_81 = arith.constant 0 : i32
      %dma_start3A_82 = arith.constant 0 : i32
      %dma_start3A_83 = tpu.memref_slice %arg8[%dma_start3A_74, %dma_start3A_81, %dma_start3A_82] : memref<8x32x128xf32, #tpu.memory_space<vmem>> -> memref<1x32x128xf32, #tpu.memory_space<vmem>>
      %dma_start3A_84 = tpu.memref_squeeze %dma_start3A_83 : memref<1x32x128xf32, #tpu.memory_space<vmem>> -> memref<32x128xf32, #tpu.memory_space<vmem>>
      %dma_start3A_85 = arith.constant 0 : i32
      %dma_start3A_86 = tpu.memref_slice %arg4[%dma_start3A_85, %multiple_of3A_73] : memref<32x1000000xf32, #tpu.memory_space<hbm>> -> memref<32x128xf32, #tpu.memory_space<hbm>>
      tpu.enqueue_dma source(%dma_start3A_86 : memref<32x128xf32, #tpu.memory_space<hbm>>) target(%dma_start3A_84 : memref<32x128xf32, #tpu.memory_space<vmem>>) target_semaphore(%arg11 : memref<!tpu.dma_semaphore, #tpu.memory_space<semaphore_mem>>)
      %slice3A_87 = vector.extract_strided_slice %get3A_13 {offsets = [2], sizes = [1], strides = [1]} : vector<16xi32> to vector<1xi32>
      %squeeze3A_88 = vector.extract %slice3A_87[0] : i32 from vector<1xi32>
      %jit3A_89 = arith.constant 128 : i32
      %div3A_90 = arith.divsi %squeeze3A_88, %jit3A_89 : i32
      %sign3A_91 = arith.constant 0 : i32
      %sign3A_92 = arith.cmpi sgt, %squeeze3A_88, %sign3A_91 : i32
      %sign3A_93 = arith.extui %sign3A_92 : i1 to i32
      %sign3A_94 = arith.constant 0 : i32
      %sign3A_95 = arith.cmpi slt, %squeeze3A_88, %sign3A_94 : i32
      %sign3A_96 = arith.extui %sign3A_95 : i1 to i32
      %sign3A_97 = arith.subi %sign3A_93, %sign3A_96 : i32
      %sign3A_98 = arith.constant 0 : i32
      %sign3A_99 = arith.cmpi sgt, %jit3A_89, %sign3A_98 : i32
      %sign3A_100 = arith.extui %sign3A_99 : i1 to i32
      %sign3A_101 = arith.constant 0 : i32
      %sign3A_102 = arith.cmpi slt, %jit3A_89, %sign3A_101 : i32
      %sign3A_103 = arith.extui %sign3A_102 : i1 to i32
      %sign3A_104 = arith.subi %sign3A_100, %sign3A_103 : i32
      %ne3A_105 = arith.cmpi ne, %sign3A_97, %sign3A_104 : i32
      %rem3A_106 = arith.remsi %squeeze3A_88, %jit3A_89 : i32
      %ne3A_107 = arith.constant 0 : i32
      %ne3A_108 = arith.cmpi ne, %rem3A_106, %ne3A_107 : i32
      %and3A_109 = arith.andi %ne3A_105, %ne3A_108 : i1
      %sub3A_110 = arith.constant 1 : i32
      %sub3A_111 = arith.subi %div3A_90, %sub3A_110 : i32
      %select_n3A_112 = arith.select %and3A_109, %sub3A_111, %div3A_90 : i32
      %mul3A_113 = arith.constant 128 : i32
      %mul3A_114 = arith.muli %select_n3A_112, %mul3A_113 : i32
      %multiple_of3A_115 = tpu.assume_multiple %mul3A_114, 128 : i32
      %dma_start3A_116 = arith.constant 2 : i32
      %dma_start3A_117 = arith.constant 0 : i32
      %dma_start3A_118 = arith.constant 0 : i32
      %dma_start3A_119 = tpu.memref_slice %arg8[%dma_start3A_116, %dma_start3A_117, %dma_start3A_118] : memref<8x32x128xf32, #tpu.memory_space<vmem>> -> memref<1x32x128xf32, #tpu.memory_space<vmem>>
      %dma_start3A_120 = tpu.memref_squeeze %dma_start3A_119 : memref<1x32x128xf32, #tpu.memory_space<vmem>> -> memref<32x128xf32, #tpu.memory_space<vmem>>
      %dma_start3A_121 = arith.constant 0 : i32
      %dma_start3A_122 = tpu.memref_slice %arg4[%dma_start3A_121, %multiple_of3A_115] : memref<32x1000000xf32, #tpu.memory_space<hbm>> -> memref<32x128xf32, #tpu.memory_space<hbm>>
      %dma_start3A_123 = arith.constant 0 : i32
      %dma_start3A_124 = arith.constant 0 : i32
      %dma_start3A_125 = tpu.memref_slice %arg8[%dma_start3A_116, %dma_start3A_123, %dma_start3A_124] : memref<8x32x128xf32, #tpu.memory_space<vmem>> -> memref<1x32x128xf32, #tpu.memory_space<vmem>>
      %dma_start3A_126 = tpu.memref_squeeze %dma_start3A_125 : memref<1x32x128xf32, #tpu.memory_space<vmem>> -> memref<32x128xf32, #tpu.memory_space<vmem>>
      %dma_start3A_127 = arith.constant 0 : i32
      %dma_start3A_128 = tpu.memref_slice %arg4[%dma_start3A_127, %multiple_of3A_115] : memref<32x1000000xf32, #tpu.memory_space<hbm>> -> memref<32x128xf32, #tpu.memory_space<hbm>>
      tpu.enqueue_dma source(%dma_start3A_128 : memref<32x128xf32, #tpu.memory_space<hbm>>) target(%dma_start3A_126 : memref<32x128xf32, #tpu.memory_space<vmem>>) target_semaphore(%arg11 : memref<!tpu.dma_semaphore, #tpu.memory_space<semaphore_mem>>)
      %slice3A_129 = vector.extract_strided_slice %get3A_13 {offsets = [3], sizes = [1], strides = [1]} : vector<16xi32> to vector<1xi32>
      %squeeze3A_130 = vector.extract %slice3A_129[0] : i32 from vector<1xi32>
      %jit3A_131 = arith.constant 128 : i32
      %div3A_132 = arith.divsi %squeeze3A_130, %jit3A_131 : i32
      %sign3A_133 = arith.constant 0 : i32
      %sign3A_134 = arith.cmpi sgt, %squeeze3A_130, %sign3A_133 : i32
      %sign3A_135 = arith.extui %sign3A_134 : i1 to i32
      %sign3A_136 = arith.constant 0 : i32
      %sign3A_137 = arith.cmpi slt, %squeeze3A_130, %sign3A_136 : i32
      %sign3A_138 = arith.extui %sign3A_137 : i1 to i32
      %sign3A_139 = arith.subi %sign3A_135, %sign3A_138 : i32
      %sign3A_140 = arith.constant 0 : i32
      %sign3A_141 = arith.cmpi sgt, %jit3A_131, %sign3A_140 : i32
      %sign3A_142 = arith.extui %sign3A_141 : i1 to i32
      %sign3A_143 = arith.constant 0 : i32
      %sign3A_144 = arith.cmpi slt, %jit3A_131, %sign3A_143 : i32
      %sign3A_145 = arith.extui %sign3A_144 : i1 to i32
      %sign3A_146 = arith.subi %sign3A_142, %sign3A_145 : i32
      %ne3A_147 = arith.cmpi ne, %sign3A_139, %sign3A_146 : i32
      %rem3A_148 = arith.remsi %squeeze3A_130, %jit3A_131 : i32
      %ne3A_149 = arith.constant 0 : i32
      %ne3A_150 = arith.cmpi ne, %rem3A_148, %ne3A_149 : i32
      %and3A_151 = arith.andi %ne3A_147, %ne3A_150 : i1
      %sub3A_152 = arith.constant 1 : i32
      %sub3A_153 = arith.subi %div3A_132, %sub3A_152 : i32
      %select_n3A_154 = arith.select %and3A_151, %sub3A_153, %div3A_132 : i32
      %mul3A_155 = arith.constant 128 : i32
      %mul3A_156 = arith.muli %select_n3A_154, %mul3A_155 : i32
      %multiple_of3A_157 = tpu.assume_multiple %mul3A_156, 128 : i32
      %dma_start3A_158 = arith.constant 3 : i32
      %dma_start3A_159 = arith.constant 0 : i32
      %dma_start3A_160 = arith.constant 0 : i32
      %dma_start3A_161 = tpu.memref_slice %arg8[%dma_start3A_158, %dma_start3A_159, %dma_start3A_160] : memref<8x32x128xf32, #tpu.memory_space<vmem>> -> memref<1x32x128xf32, #tpu.memory_space<vmem>>
      %dma_start3A_162 = tpu.memref_squeeze %dma_start3A_161 : memref<1x32x128xf32, #tpu.memory_space<vmem>> -> memref<32x128xf32, #tpu.memory_space<vmem>>
      %dma_start3A_163 = arith.constant 0 : i32
      %dma_start3A_164 = tpu.memref_slice %arg4[%dma_start3A_163, %multiple_of3A_157] : memref<32x1000000xf32, #tpu.memory_space<hbm>> -> memref<32x128xf32, #tpu.memory_space<hbm>>
      %dma_start3A_165 = arith.constant 0 : i32
      %dma_start3A_166 = arith.constant 0 : i32
      %dma_start3A_167 = tpu.memref_slice %arg8[%dma_start3A_158, %dma_start3A_165, %dma_start3A_166] : memref<8x32x128xf32, #tpu.memory_space<vmem>> -> memref<1x32x128xf32, #tpu.memory_space<vmem>>
      %dma_start3A_168 = tpu.memref_squeeze %dma_start3A_167 : memref<1x32x128xf32, #tpu.memory_space<vmem>> -> memref<32x128xf32, #tpu.memory_space<vmem>>
      %dma_start3A_169 = arith.constant 0 : i32
      %dma_start3A_170 = tpu.memref_slice %arg4[%dma_start3A_169, %multiple_of3A_157] : memref<32x1000000xf32, #tpu.memory_space<hbm>> -> memref<32x128xf32, #tpu.memory_space<hbm>>
      tpu.enqueue_dma source(%dma_start3A_170 : memref<32x128xf32, #tpu.memory_space<hbm>>) target(%dma_start3A_168 : memref<32x128xf32, #tpu.memory_space<vmem>>) target_semaphore(%arg11 : memref<!tpu.dma_semaphore, #tpu.memory_space<semaphore_mem>>)
      %slice3A_171 = vector.extract_strided_slice %get3A_13 {offsets = [4], sizes = [1], strides = [1]} : vector<16xi32> to vector<1xi32>
      %squeeze3A_172 = vector.extract %slice3A_171[0] : i32 from vector<1xi32>
      %jit3A_173 = arith.constant 128 : i32
      %div3A_174 = arith.divsi %squeeze3A_172, %jit3A_173 : i32
      %sign3A_175 = arith.constant 0 : i32
      %sign3A_176 = arith.cmpi sgt, %squeeze3A_172, %sign3A_175 : i32
      %sign3A_177 = arith.extui %sign3A_176 : i1 to i32
      %sign3A_178 = arith.constant 0 : i32
      %sign3A_179 = arith.cmpi slt, %squeeze3A_172, %sign3A_178 : i32
      %sign3A_180 = arith.extui %sign3A_179 : i1 to i32
      %sign3A_181 = arith.subi %sign3A_177, %sign3A_180 : i32
      %sign3A_182 = arith.constant 0 : i32
      %sign3A_183 = arith.cmpi sgt, %jit3A_173, %sign3A_182 : i32
      %sign3A_184 = arith.extui %sign3A_183 : i1 to i32
      %sign3A_185 = arith.constant 0 : i32
      %sign3A_186 = arith.cmpi slt, %jit3A_173, %sign3A_185 : i32
      %sign3A_187 = arith.extui %sign3A_186 : i1 to i32
      %sign3A_188 = arith.subi %sign3A_184, %sign3A_187 : i32
      %ne3A_189 = arith.cmpi ne, %sign3A_181, %sign3A_188 : i32
      %rem3A_190 = arith.remsi %squeeze3A_172, %jit3A_173 : i32
      %ne3A_191 = arith.constant 0 : i32
      %ne3A_192 = arith.cmpi ne, %rem3A_190, %ne3A_191 : i32
      %and3A_193 = arith.andi %ne3A_189, %ne3A_192 : i1
      %sub3A_194 = arith.constant 1 : i32
      %sub3A_195 = arith.subi %div3A_174, %sub3A_194 : i32
      %select_n3A_196 = arith.select %and3A_193, %sub3A_195, %div3A_174 : i32
      %mul3A_197 = arith.constant 128 : i32
      %mul3A_198 = arith.muli %select_n3A_196, %mul3A_197 : i32
      %multiple_of3A_199 = tpu.assume_multiple %mul3A_198, 128 : i32
      %dma_start3A_200 = arith.constant 4 : i32
      %dma_start3A_201 = arith.constant 0 : i32
      %dma_start3A_202 = arith.constant 0 : i32
      %dma_start3A_203 = tpu.memref_slice %arg8[%dma_start3A_200, %dma_start3A_201, %dma_start3A_202] : memref<8x32x128xf32, #tpu.memory_space<vmem>> -> memref<1x32x128xf32, #tpu.memory_space<vmem>>
      %dma_start3A_204 = tpu.memref_squeeze %dma_start3A_203 : memref<1x32x128xf32, #tpu.memory_space<vmem>> -> memref<32x128xf32, #tpu.memory_space<vmem>>
      %dma_start3A_205 = arith.constant 0 : i32
      %dma_start3A_206 = tpu.memref_slice %arg4[%dma_start3A_205, %multiple_of3A_199] : memref<32x1000000xf32, #tpu.memory_space<hbm>> -> memref<32x128xf32, #tpu.memory_space<hbm>>
      %dma_start3A_207 = arith.constant 0 : i32
      %dma_start3A_208 = arith.constant 0 : i32
      %dma_start3A_209 = tpu.memref_slice %arg8[%dma_start3A_200, %dma_start3A_207, %dma_start3A_208] : memref<8x32x128xf32, #tpu.memory_space<vmem>> -> memref<1x32x128xf32, #tpu.memory_space<vmem>>
      %dma_start3A_210 = tpu.memref_squeeze %dma_start3A_209 : memref<1x32x128xf32, #tpu.memory_space<vmem>> -> memref<32x128xf32, #tpu.memory_space<vmem>>
      %dma_start3A_211 = arith.constant 0 : i32
      %dma_start3A_212 = tpu.memref_slice %arg4[%dma_start3A_211, %multiple_of3A_199] : memref<32x1000000xf32, #tpu.memory_space<hbm>> -> memref<32x128xf32, #tpu.memory_space<hbm>>
      tpu.enqueue_dma source(%dma_start3A_212 : memref<32x128xf32, #tpu.memory_space<hbm>>) target(%dma_start3A_210 : memref<32x128xf32, #tpu.memory_space<vmem>>) target_semaphore(%arg11 : memref<!tpu.dma_semaphore, #tpu.memory_space<semaphore_mem>>)
      %slice3A_213 = vector.extract_strided_slice %get3A_13 {offsets = [5], sizes = [1], strides = [1]} : vector<16xi32> to vector<1xi32>
      %squeeze3A_214 = vector.extract %slice3A_213[0] : i32 from vector<1xi32>
      %jit3A_215 = arith.constant 128 : i32
      %div3A_216 = arith.divsi %squeeze3A_214, %jit3A_215 : i32
      %sign3A_217 = arith.constant 0 : i32
      %sign3A_218 = arith.cmpi sgt, %squeeze3A_214, %sign3A_217 : i32
      %sign3A_219 = arith.extui %sign3A_218 : i1 to i32
      %sign3A_220 = arith.constant 0 : i32
      %sign3A_221 = arith.cmpi slt, %squeeze3A_214, %sign3A_220 : i32
      %sign3A_222 = arith.extui %sign3A_221 : i1 to i32
      %sign3A_223 = arith.subi %sign3A_219, %sign3A_222 : i32
      %sign3A_224 = arith.constant 0 : i32
      %sign3A_225 = arith.cmpi sgt, %jit3A_215, %sign3A_224 : i32
      %sign3A_226 = arith.extui %sign3A_225 : i1 to i32
      %sign3A_227 = arith.constant 0 : i32
      %sign3A_228 = arith.cmpi slt, %jit3A_215, %sign3A_227 : i32
      %sign3A_229 = arith.extui %sign3A_228 : i1 to i32
      %sign3A_230 = arith.subi %sign3A_226, %sign3A_229 : i32
      %ne3A_231 = arith.cmpi ne, %sign3A_223, %sign3A_230 : i32
      %rem3A_232 = arith.remsi %squeeze3A_214, %jit3A_215 : i32
      %ne3A_233 = arith.constant 0 : i32
      %ne3A_234 = arith.cmpi ne, %rem3A_232, %ne3A_233 : i32
      %and3A_235 = arith.andi %ne3A_231, %ne3A_234 : i1
      %sub3A_236 = arith.constant 1 : i32
      %sub3A_237 = arith.subi %div3A_216, %sub3A_236 : i32
      %select_n3A_238 = arith.select %and3A_235, %sub3A_237, %div3A_216 : i32
      %mul3A_239 = arith.constant 128 : i32
      %mul3A_240 = arith.muli %select_n3A_238, %mul3A_239 : i32
      %multiple_of3A_241 = tpu.assume_multiple %mul3A_240, 128 : i32
      %dma_start3A_242 = arith.constant 5 : i32
      %dma_start3A_243 = arith.constant 0 : i32
      %dma_start3A_244 = arith.constant 0 : i32
      %dma_start3A_245 = tpu.memref_slice %arg8[%dma_start3A_242, %dma_start3A_243, %dma_start3A_244] : memref<8x32x128xf32, #tpu.memory_space<vmem>> -> memref<1x32x128xf32, #tpu.memory_space<vmem>>
      %dma_start3A_246 = tpu.memref_squeeze %dma_start3A_245 : memref<1x32x128xf32, #tpu.memory_space<vmem>> -> memref<32x128xf32, #tpu.memory_space<vmem>>
      %dma_start3A_247 = arith.constant 0 : i32
      %dma_start3A_248 = tpu.memref_slice %arg4[%dma_start3A_247, %multiple_of3A_241] : memref<32x1000000xf32, #tpu.memory_space<hbm>> -> memref<32x128xf32, #tpu.memory_space<hbm>>
      %dma_start3A_249 = arith.constant 0 : i32
      %dma_start3A_250 = arith.constant 0 : i32
      %dma_start3A_251 = tpu.memref_slice %arg8[%dma_start3A_242, %dma_start3A_249, %dma_start3A_250] : memref<8x32x128xf32, #tpu.memory_space<vmem>> -> memref<1x32x128xf32, #tpu.memory_space<vmem>>
      %dma_start3A_252 = tpu.memref_squeeze %dma_start3A_251 : memref<1x32x128xf32, #tpu.memory_space<vmem>> -> memref<32x128xf32, #tpu.memory_space<vmem>>
      %dma_start3A_253 = arith.constant 0 : i32
      %dma_start3A_254 = tpu.memref_slice %arg4[%dma_start3A_253, %multiple_of3A_241] : memref<32x1000000xf32, #tpu.memory_space<hbm>> -> memref<32x128xf32, #tpu.memory_space<hbm>>
      tpu.enqueue_dma source(%dma_start3A_254 : memref<32x128xf32, #tpu.memory_space<hbm>>) target(%dma_start3A_252 : memref<32x128xf32, #tpu.memory_space<vmem>>) target_semaphore(%arg11 : memref<!tpu.dma_semaphore, #tpu.memory_space<semaphore_mem>>)
      %slice3A_255 = vector.extract_strided_slice %get3A_13 {offsets = [6], sizes = [1], strides = [1]} : vector<16xi32> to vector<1xi32>
      %squeeze3A_256 = vector.extract %slice3A_255[0] : i32 from vector<1xi32>
      %jit3A_257 = arith.constant 128 : i32
      %div3A_258 = arith.divsi %squeeze3A_256, %jit3A_257 : i32
      %sign3A_259 = arith.constant 0 : i32
      %sign3A_260 = arith.cmpi sgt, %squeeze3A_256, %sign3A_259 : i32
      %sign3A_261 = arith.extui %sign3A_260 : i1 to i32
      %sign3A_262 = arith.constant 0 : i32
      %sign3A_263 = arith.cmpi slt, %squeeze3A_256, %sign3A_262 : i32
      %sign3A_264 = arith.extui %sign3A_263 : i1 to i32
      %sign3A_265 = arith.subi %sign3A_261, %sign3A_264 : i32
      %sign3A_266 = arith.constant 0 : i32
      %sign3A_267 = arith.cmpi sgt, %jit3A_257, %sign3A_266 : i32
      %sign3A_268 = arith.extui %sign3A_267 : i1 to i32
      %sign3A_269 = arith.constant 0 : i32
      %sign3A_270 = arith.cmpi slt, %jit3A_257, %sign3A_269 : i32
      %sign3A_271 = arith.extui %sign3A_270 : i1 to i32
      %sign3A_272 = arith.subi %sign3A_268, %sign3A_271 : i32
      %ne3A_273 = arith.cmpi ne, %sign3A_265, %sign3A_272 : i32
      %rem3A_274 = arith.remsi %squeeze3A_256, %jit3A_257 : i32
      %ne3A_275 = arith.constant 0 : i32
      %ne3A_276 = arith.cmpi ne, %rem3A_274, %ne3A_275 : i32
      %and3A_277 = arith.andi %ne3A_273, %ne3A_276 : i1
      %sub3A_278 = arith.constant 1 : i32
      %sub3A_279 = arith.subi %div3A_258, %sub3A_278 : i32
      %select_n3A_280 = arith.select %and3A_277, %sub3A_279, %div3A_258 : i32
      %mul3A_281 = arith.constant 128 : i32
      %mul3A_282 = arith.muli %select_n3A_280, %mul3A_281 : i32
      %multiple_of3A_283 = tpu.assume_multiple %mul3A_282, 128 : i32
      %dma_start3A_284 = arith.constant 6 : i32
      %dma_start3A_285 = arith.constant 0 : i32
      %dma_start3A_286 = arith.constant 0 : i32
      %dma_start3A_287 = tpu.memref_slice %arg8[%dma_start3A_284, %dma_start3A_285, %dma_start3A_286] : memref<8x32x128xf32, #tpu.memory_space<vmem>> -> memref<1x32x128xf32, #tpu.memory_space<vmem>>
      %dma_start3A_288 = tpu.memref_squeeze %dma_start3A_287 : memref<1x32x128xf32, #tpu.memory_space<vmem>> -> memref<32x128xf32, #tpu.memory_space<vmem>>
      %dma_start3A_289 = arith.constant 0 : i32
      %dma_start3A_290 = tpu.memref_slice %arg4[%dma_start3A_289, %multiple_of3A_283] : memref<32x1000000xf32, #tpu.memory_space<hbm>> -> memref<32x128xf32, #tpu.memory_space<hbm>>
      %dma_start3A_291 = arith.constant 0 : i32
      %dma_start3A_292 = arith.constant 0 : i32
      %dma_start3A_293 = tpu.memref_slice %arg8[%dma_start3A_284, %dma_start3A_291, %dma_start3A_292] : memref<8x32x128xf32, #tpu.memory_space<vmem>> -> memref<1x32x128xf32, #tpu.memory_space<vmem>>
      %dma_start3A_294 = tpu.memref_squeeze %dma_start3A_293 : memref<1x32x128xf32, #tpu.memory_space<vmem>> -> memref<32x128xf32, #tpu.memory_space<vmem>>
      %dma_start3A_295 = arith.constant 0 : i32
      %dma_start3A_296 = tpu.memref_slice %arg4[%dma_start3A_295, %multiple_of3A_283] : memref<32x1000000xf32, #tpu.memory_space<hbm>> -> memref<32x128xf32, #tpu.memory_space<hbm>>
      tpu.enqueue_dma source(%dma_start3A_296 : memref<32x128xf32, #tpu.memory_space<hbm>>) target(%dma_start3A_294 : memref<32x128xf32, #tpu.memory_space<vmem>>) target_semaphore(%arg11 : memref<!tpu.dma_semaphore, #tpu.memory_space<semaphore_mem>>)
      %slice3A_297 = vector.extract_strided_slice %get3A_13 {offsets = [7], sizes = [1], strides = [1]} : vector<16xi32> to vector<1xi32>
      %squeeze3A_298 = vector.extract %slice3A_297[0] : i32 from vector<1xi32>
      %jit3A_299 = arith.constant 128 : i32
      %div3A_300 = arith.divsi %squeeze3A_298, %jit3A_299 : i32
      %sign3A_301 = arith.constant 0 : i32
      %sign3A_302 = arith.cmpi sgt, %squeeze3A_298, %sign3A_301 : i32
      %sign3A_303 = arith.extui %sign3A_302 : i1 to i32
      %sign3A_304 = arith.constant 0 : i32
      %sign3A_305 = arith.cmpi slt, %squeeze3A_298, %sign3A_304 : i32
      %sign3A_306 = arith.extui %sign3A_305 : i1 to i32
      %sign3A_307 = arith.subi %sign3A_303, %sign3A_306 : i32
      %sign3A_308 = arith.constant 0 : i32
      %sign3A_309 = arith.cmpi sgt, %jit3A_299, %sign3A_308 : i32
      %sign3A_310 = arith.extui %sign3A_309 : i1 to i32
      %sign3A_311 = arith.constant 0 : i32
      %sign3A_312 = arith.cmpi slt, %jit3A_299, %sign3A_311 : i32
      %sign3A_313 = arith.extui %sign3A_312 : i1 to i32
      %sign3A_314 = arith.subi %sign3A_310, %sign3A_313 : i32
      %ne3A_315 = arith.cmpi ne, %sign3A_307, %sign3A_314 : i32
      %rem3A_316 = arith.remsi %squeeze3A_298, %jit3A_299 : i32
      %ne3A_317 = arith.constant 0 : i32
      %ne3A_318 = arith.cmpi ne, %rem3A_316, %ne3A_317 : i32
      %and3A_319 = arith.andi %ne3A_315, %ne3A_318 : i1
      %sub3A_320 = arith.constant 1 : i32
      %sub3A_321 = arith.subi %div3A_300, %sub3A_320 : i32
      %select_n3A_322 = arith.select %and3A_319, %sub3A_321, %div3A_300 : i32
      %mul3A_323 = arith.constant 128 : i32
      %mul3A_324 = arith.muli %select_n3A_322, %mul3A_323 : i32
      %multiple_of3A_325 = tpu.assume_multiple %mul3A_324, 128 : i32
      %dma_start3A_326 = arith.constant 7 : i32
      %dma_start3A_327 = arith.constant 0 : i32
      %dma_start3A_328 = arith.constant 0 : i32
      %dma_start3A_329 = tpu.memref_slice %arg8[%dma_start3A_326, %dma_start3A_327, %dma_start3A_328] : memref<8x32x128xf32, #tpu.memory_space<vmem>> -> memref<1x32x128xf32, #tpu.memory_space<vmem>>
      %dma_start3A_330 = tpu.memref_squeeze %dma_start3A_329 : memref<1x32x128xf32, #tpu.memory_space<vmem>> -> memref<32x128xf32, #tpu.memory_space<vmem>>
      %dma_start3A_331 = arith.constant 0 : i32
      %dma_start3A_332 = tpu.memref_slice %arg4[%dma_start3A_331, %multiple_of3A_325] : memref<32x1000000xf32, #tpu.memory_space<hbm>> -> memref<32x128xf32, #tpu.memory_space<hbm>>
      %dma_start3A_333 = arith.constant 0 : i32
      %dma_start3A_334 = arith.constant 0 : i32
      %dma_start3A_335 = tpu.memref_slice %arg8[%dma_start3A_326, %dma_start3A_333, %dma_start3A_334] : memref<8x32x128xf32, #tpu.memory_space<vmem>> -> memref<1x32x128xf32, #tpu.memory_space<vmem>>
      %dma_start3A_336 = tpu.memref_squeeze %dma_start3A_335 : memref<1x32x128xf32, #tpu.memory_space<vmem>> -> memref<32x128xf32, #tpu.memory_space<vmem>>
      %dma_start3A_337 = arith.constant 0 : i32
      %dma_start3A_338 = tpu.memref_slice %arg4[%dma_start3A_337, %multiple_of3A_325] : memref<32x1000000xf32, #tpu.memory_space<hbm>> -> memref<32x128xf32, #tpu.memory_space<hbm>>
      tpu.enqueue_dma source(%dma_start3A_338 : memref<32x128xf32, #tpu.memory_space<hbm>>) target(%dma_start3A_336 : memref<32x128xf32, #tpu.memory_space<vmem>>) target_semaphore(%arg11 : memref<!tpu.dma_semaphore, #tpu.memory_space<semaphore_mem>>)
      %scan3A = arith.constant 0 : i32
      %scan3A_339 = arith.constant 0 : i32
      %scan3A_340 = arith.constant 64 : i32
      %scan3A_341 = arith.addi %scan3A_339, %scan3A_340 : i32
      %scan3A_342 = arith.constant 1 : i32
      scf.for %scan3A_344 = %scan3A_339 to %scan3A_341 step %scan3A_342  : i32 {
        %mul3A_345 = arith.constant 16 : i32
        %mul3A_346 = arith.muli %scan3A_344, %mul3A_345 : i32
        %get3A_347 = arith.index_cast %mul3A_346 : i32 to index
        %get3A_348 = tpu.vector_load %arg7[%get3A_347] {strides = array<i32>} : memref<1024xi32, #tpu.memory_space<vmem>>, vector<16xi32>,
        %slice3A_349 = vector.extract_strided_slice %get3A_348 {offsets = [8], sizes = [1], strides = [1]} : vector<16xi32> to vector<1xi32>
        %squeeze3A_350 = vector.extract %slice3A_349[0] : i32 from vector<1xi32>
        %jit3A_351 = arith.constant 128 : i32
        %div3A_352 = arith.divsi %squeeze3A_350, %jit3A_351 : i32
        %sign3A_353 = arith.constant 0 : i32
        %sign3A_354 = arith.cmpi sgt, %squeeze3A_350, %sign3A_353 : i32
        %sign3A_355 = arith.extui %sign3A_354 : i1 to i32
        %sign3A_356 = arith.constant 0 : i32
        %sign3A_357 = arith.cmpi slt, %squeeze3A_350, %sign3A_356 : i32
        %sign3A_358 = arith.extui %sign3A_357 : i1 to i32
        %sign3A_359 = arith.subi %sign3A_355, %sign3A_358 : i32
        %sign3A_360 = arith.constant 0 : i32
        %sign3A_361 = arith.cmpi sgt, %jit3A_351, %sign3A_360 : i32
        %sign3A_362 = arith.extui %sign3A_361 : i1 to i32
        %sign3A_363 = arith.constant 0 : i32
        %sign3A_364 = arith.cmpi slt, %jit3A_351, %sign3A_363 : i32
        %sign3A_365 = arith.extui %sign3A_364 : i1 to i32
        %sign3A_366 = arith.subi %sign3A_362, %sign3A_365 : i32
        %ne3A_367 = arith.cmpi ne, %sign3A_359, %sign3A_366 : i32
        %rem3A_368 = arith.remsi %squeeze3A_350, %jit3A_351 : i32
        %ne3A_369 = arith.constant 0 : i32
        %ne3A_370 = arith.cmpi ne, %rem3A_368, %ne3A_369 : i32
        %and3A_371 = arith.andi %ne3A_367, %ne3A_370 : i1
        %sub3A_372 = arith.constant 1 : i32
        %sub3A_373 = arith.subi %div3A_352, %sub3A_372 : i32
        %select_n3A_374 = arith.select %and3A_371, %sub3A_373, %div3A_352 : i32
        %mul3A_375 = arith.constant 128 : i32
        %mul3A_376 = arith.muli %select_n3A_374, %mul3A_375 : i32
        %multiple_of3A_377 = tpu.assume_multiple %mul3A_376, 128 : i32
        %dma_start3A_378 = arith.constant 0 : i32
        %dma_start3A_379 = arith.constant 0 : i32
        %dma_start3A_380 = arith.constant 0 : i32
        %dma_start3A_381 = tpu.memref_slice %arg9[%dma_start3A_378, %dma_start3A_379, %dma_start3A_380] : memref<8x32x128xf32, #tpu.memory_space<vmem>> -> memref<1x32x128xf32, #tpu.memory_space<vmem>>
        %dma_start3A_382 = tpu.memref_squeeze %dma_start3A_381 : memref<1x32x128xf32, #tpu.memory_space<vmem>> -> memref<32x128xf32, #tpu.memory_space<vmem>>
        %dma_start3A_383 = arith.constant 0 : i32
        %dma_start3A_384 = tpu.memref_slice %arg4[%dma_start3A_383, %multiple_of3A_377] : memref<32x1000000xf32, #tpu.memory_space<hbm>> -> memref<32x128xf32, #tpu.memory_space<hbm>>
        %dma_start3A_385 = arith.constant 0 : i32
        %dma_start3A_386 = arith.constant 0 : i32
        %dma_start3A_387 = tpu.memref_slice %arg9[%dma_start3A_378, %dma_start3A_385, %dma_start3A_386] : memref<8x32x128xf32, #tpu.memory_space<vmem>> -> memref<1x32x128xf32, #tpu.memory_space<vmem>>
        %dma_start3A_388 = tpu.memref_squeeze %dma_start3A_387 : memref<1x32x128xf32, #tpu.memory_space<vmem>> -> memref<32x128xf32, #tpu.memory_space<vmem>>
        %dma_start3A_389 = arith.constant 0 : i32
        %dma_start3A_390 = tpu.memref_slice %arg4[%dma_start3A_389, %multiple_of3A_377] : memref<32x1000000xf32, #tpu.memory_space<hbm>> -> memref<32x128xf32, #tpu.memory_space<hbm>>
        tpu.enqueue_dma source(%dma_start3A_390 : memref<32x128xf32, #tpu.memory_space<hbm>>) target(%dma_start3A_388 : memref<32x128xf32, #tpu.memory_space<vmem>>) target_semaphore(%arg12 : memref<!tpu.dma_semaphore, #tpu.memory_space<semaphore_mem>>)
        %slice3A_391 = vector.extract_strided_slice %get3A_348 {offsets = [9], sizes = [1], strides = [1]} : vector<16xi32> to vector<1xi32>
        %squeeze3A_392 = vector.extract %slice3A_391[0] : i32 from vector<1xi32>
        %jit3A_393 = arith.constant 128 : i32
        %div3A_394 = arith.divsi %squeeze3A_392, %jit3A_393 : i32
        %sign3A_395 = arith.constant 0 : i32
        %sign3A_396 = arith.cmpi sgt, %squeeze3A_392, %sign3A_395 : i32
        %sign3A_397 = arith.extui %sign3A_396 : i1 to i32
        %sign3A_398 = arith.constant 0 : i32
        %sign3A_399 = arith.cmpi slt, %squeeze3A_392, %sign3A_398 : i32
        %sign3A_400 = arith.extui %sign3A_399 : i1 to i32
        %sign3A_401 = arith.subi %sign3A_397, %sign3A_400 : i32
        %sign3A_402 = arith.constant 0 : i32
        %sign3A_403 = arith.cmpi sgt, %jit3A_393, %sign3A_402 : i32
        %sign3A_404 = arith.extui %sign3A_403 : i1 to i32
        %sign3A_405 = arith.constant 0 : i32
        %sign3A_406 = arith.cmpi slt, %jit3A_393, %sign3A_405 : i32
        %sign3A_407 = arith.extui %sign3A_406 : i1 to i32
        %sign3A_408 = arith.subi %sign3A_404, %sign3A_407 : i32
        %ne3A_409 = arith.cmpi ne, %sign3A_401, %sign3A_408 : i32
        %rem3A_410 = arith.remsi %squeeze3A_392, %jit3A_393 : i32
        %ne3A_411 = arith.constant 0 : i32
        %ne3A_412 = arith.cmpi ne, %rem3A_410, %ne3A_411 : i32
        %and3A_413 = arith.andi %ne3A_409, %ne3A_412 : i1
        %sub3A_414 = arith.constant 1 : i32
        %sub3A_415 = arith.subi %div3A_394, %sub3A_414 : i32
        %select_n3A_416 = arith.select %and3A_413, %sub3A_415, %div3A_394 : i32
        %mul3A_417 = arith.constant 128 : i32
        %mul3A_418 = arith.muli %select_n3A_416, %mul3A_417 : i32
        %multiple_of3A_419 = tpu.assume_multiple %mul3A_418, 128 : i32
        %dma_start3A_420 = arith.constant 1 : i32
        %dma_start3A_421 = arith.constant 0 : i32
        %dma_start3A_422 = arith.constant 0 : i32
        %dma_start3A_423 = tpu.memref_slice %arg9[%dma_start3A_420, %dma_start3A_421, %dma_start3A_422] : memref<8x32x128xf32, #tpu.memory_space<vmem>> -> memref<1x32x128xf32, #tpu.memory_space<vmem>>
        %dma_start3A_424 = tpu.memref_squeeze %dma_start3A_423 : memref<1x32x128xf32, #tpu.memory_space<vmem>> -> memref<32x128xf32, #tpu.memory_space<vmem>>
        %dma_start3A_425 = arith.constant 0 : i32
        %dma_start3A_426 = tpu.memref_slice %arg4[%dma_start3A_425, %multiple_of3A_419] : memref<32x1000000xf32, #tpu.memory_space<hbm>> -> memref<32x128xf32, #tpu.memory_space<hbm>>
        %dma_start3A_427 = arith.constant 0 : i32
        %dma_start3A_428 = arith.constant 0 : i32
        %dma_start3A_429 = tpu.memref_slice %arg9[%dma_start3A_420, %dma_start3A_427, %dma_start3A_428] : memref<8x32x128xf32, #tpu.memory_space<vmem>> -> memref<1x32x128xf32, #tpu.memory_space<vmem>>
        %dma_start3A_430 = tpu.memref_squeeze %dma_start3A_429 : memref<1x32x128xf32, #tpu.memory_space<vmem>> -> memref<32x128xf32, #tpu.memory_space<vmem>>
        %dma_start3A_431 = arith.constant 0 : i32
        %dma_start3A_432 = tpu.memref_slice %arg4[%dma_start3A_431, %multiple_of3A_419] : memref<32x1000000xf32, #tpu.memory_space<hbm>> -> memref<32x128xf32, #tpu.memory_space<hbm>>
        tpu.enqueue_dma source(%dma_start3A_432 : memref<32x128xf32, #tpu.memory_space<hbm>>) target(%dma_start3A_430 : memref<32x128xf32, #tpu.memory_space<vmem>>) target_semaphore(%arg12 : memref<!tpu.dma_semaphore, #tpu.memory_space<semaphore_mem>>)
        %slice3A_433 = vector.extract_strided_slice %get3A_348 {offsets = [10], sizes = [1], strides = [1]} : vector<16xi32> to vector<1xi32>
        %squeeze3A_434 = vector.extract %slice3A_433[0] : i32 from vector<1xi32>
        %jit3A_435 = arith.constant 128 : i32
        %div3A_436 = arith.divsi %squeeze3A_434, %jit3A_435 : i32
        %sign3A_437 = arith.constant 0 : i32
        %sign3A_438 = arith.cmpi sgt, %squeeze3A_434, %sign3A_437 : i32
        %sign3A_439 = arith.extui %sign3A_438 : i1 to i32
        %sign3A_440 = arith.constant 0 : i32
        %sign3A_441 = arith.cmpi slt, %squeeze3A_434, %sign3A_440 : i32
        %sign3A_442 = arith.extui %sign3A_441 : i1 to i32
        %sign3A_443 = arith.subi %sign3A_439, %sign3A_442 : i32
        %sign3A_444 = arith.constant 0 : i32
        %sign3A_445 = arith.cmpi sgt, %jit3A_435, %sign3A_444 : i32
        %sign3A_446 = arith.extui %sign3A_445 : i1 to i32
        %sign3A_447 = arith.constant 0 : i32
        %sign3A_448 = arith.cmpi slt, %jit3A_435, %sign3A_447 : i32
        %sign3A_449 = arith.extui %sign3A_448 : i1 to i32
        %sign3A_450 = arith.subi %sign3A_446, %sign3A_449 : i32
        %ne3A_451 = arith.cmpi ne, %sign3A_443, %sign3A_450 : i32
        %rem3A_452 = arith.remsi %squeeze3A_434, %jit3A_435 : i32
        %ne3A_453 = arith.constant 0 : i32
        %ne3A_454 = arith.cmpi ne, %rem3A_452, %ne3A_453 : i32
        %and3A_455 = arith.andi %ne3A_451, %ne3A_454 : i1
        %sub3A_456 = arith.constant 1 : i32
        %sub3A_457 = arith.subi %div3A_436, %sub3A_456 : i32
        %select_n3A_458 = arith.select %and3A_455, %sub3A_457, %div3A_436 : i32
        %mul3A_459 = arith.constant 128 : i32
        %mul3A_460 = arith.muli %select_n3A_458, %mul3A_459 : i32
        %multiple_of3A_461 = tpu.assume_multiple %mul3A_460, 128 : i32
        %dma_start3A_462 = arith.constant 2 : i32
        %dma_start3A_463 = arith.constant 0 : i32
        %dma_start3A_464 = arith.constant 0 : i32
        %dma_start3A_465 = tpu.memref_slice %arg9[%dma_start3A_462, %dma_start3A_463, %dma_start3A_464] : memref<8x32x128xf32, #tpu.memory_space<vmem>> -> memref<1x32x128xf32, #tpu.memory_space<vmem>>
        %dma_start3A_466 = tpu.memref_squeeze %dma_start3A_465 : memref<1x32x128xf32, #tpu.memory_space<vmem>> -> memref<32x128xf32, #tpu.memory_space<vmem>>
        %dma_start3A_467 = arith.constant 0 : i32
        %dma_start3A_468 = tpu.memref_slice %arg4[%dma_start3A_467, %multiple_of3A_461] : memref<32x1000000xf32, #tpu.memory_space<hbm>> -> memref<32x128xf32, #tpu.memory_space<hbm>>
        %dma_start3A_469 = arith.constant 0 : i32
        %dma_start3A_470 = arith.constant 0 : i32
        %dma_start3A_471 = tpu.memref_slice %arg9[%dma_start3A_462, %dma_start3A_469, %dma_start3A_470] : memref<8x32x128xf32, #tpu.memory_space<vmem>> -> memref<1x32x128xf32, #tpu.memory_space<vmem>>
        %dma_start3A_472 = tpu.memref_squeeze %dma_start3A_471 : memref<1x32x128xf32, #tpu.memory_space<vmem>> -> memref<32x128xf32, #tpu.memory_space<vmem>>
        %dma_start3A_473 = arith.constant 0 : i32
        %dma_start3A_474 = tpu.memref_slice %arg4[%dma_start3A_473, %multiple_of3A_461] : memref<32x1000000xf32, #tpu.memory_space<hbm>> -> memref<32x128xf32, #tpu.memory_space<hbm>>
        tpu.enqueue_dma source(%dma_start3A_474 : memref<32x128xf32, #tpu.memory_space<hbm>>) target(%dma_start3A_472 : memref<32x128xf32, #tpu.memory_space<vmem>>) target_semaphore(%arg12 : memref<!tpu.dma_semaphore, #tpu.memory_space<semaphore_mem>>)
        %slice3A_475 = vector.extract_strided_slice %get3A_348 {offsets = [11], sizes = [1], strides = [1]} : vector<16xi32> to vector<1xi32>
        %squeeze3A_476 = vector.extract %slice3A_475[0] : i32 from vector<1xi32>
        %jit3A_477 = arith.constant 128 : i32
        %div3A_478 = arith.divsi %squeeze3A_476, %jit3A_477 : i32
        %sign3A_479 = arith.constant 0 : i32
        %sign3A_480 = arith.cmpi sgt, %squeeze3A_476, %sign3A_479 : i32
        %sign3A_481 = arith.extui %sign3A_480 : i1 to i32
        %sign3A_482 = arith.constant 0 : i32
        %sign3A_483 = arith.cmpi slt, %squeeze3A_476, %sign3A_482 : i32
        %sign3A_484 = arith.extui %sign3A_483 : i1 to i32
        %sign3A_485 = arith.subi %sign3A_481, %sign3A_484 : i32
        %sign3A_486 = arith.constant 0 : i32
        %sign3A_487 = arith.cmpi sgt, %jit3A_477, %sign3A_486 : i32
        %sign3A_488 = arith.extui %sign3A_487 : i1 to i32
        %sign3A_489 = arith.constant 0 : i32
        %sign3A_490 = arith.cmpi slt, %jit3A_477, %sign3A_489 : i32
        %sign3A_491 = arith.extui %sign3A_490 : i1 to i32
        %sign3A_492 = arith.subi %sign3A_488, %sign3A_491 : i32
        %ne3A_493 = arith.cmpi ne, %sign3A_485, %sign3A_492 : i32
        %rem3A_494 = arith.remsi %squeeze3A_476, %jit3A_477 : i32
        %ne3A_495 = arith.constant 0 : i32
        %ne3A_496 = arith.cmpi ne, %rem3A_494, %ne3A_495 : i32
        %and3A_497 = arith.andi %ne3A_493, %ne3A_496 : i1
        %sub3A_498 = arith.constant 1 : i32
        %sub3A_499 = arith.subi %div3A_478, %sub3A_498 : i32
        %select_n3A_500 = arith.select %and3A_497, %sub3A_499, %div3A_478 : i32
        %mul3A_501 = arith.constant 128 : i32
        %mul3A_502 = arith.muli %select_n3A_500, %mul3A_501 : i32
        %multiple_of3A_503 = tpu.assume_multiple %mul3A_502, 128 : i32
        %dma_start3A_504 = arith.constant 3 : i32
        %dma_start3A_505 = arith.constant 0 : i32
        %dma_start3A_506 = arith.constant 0 : i32
        %dma_start3A_507 = tpu.memref_slice %arg9[%dma_start3A_504, %dma_start3A_505, %dma_start3A_506] : memref<8x32x128xf32, #tpu.memory_space<vmem>> -> memref<1x32x128xf32, #tpu.memory_space<vmem>>
        %dma_start3A_508 = tpu.memref_squeeze %dma_start3A_507 : memref<1x32x128xf32, #tpu.memory_space<vmem>> -> memref<32x128xf32, #tpu.memory_space<vmem>>
        %dma_start3A_509 = arith.constant 0 : i32
        %dma_start3A_510 = tpu.memref_slice %arg4[%dma_start3A_509, %multiple_of3A_503] : memref<32x1000000xf32, #tpu.memory_space<hbm>> -> memref<32x128xf32, #tpu.memory_space<hbm>>
        %dma_start3A_511 = arith.constant 0 : i32
        %dma_start3A_512 = arith.constant 0 : i32
        %dma_start3A_513 = tpu.memref_slice %arg9[%dma_start3A_504, %dma_start3A_511, %dma_start3A_512] : memref<8x32x128xf32, #tpu.memory_space<vmem>> -> memref<1x32x128xf32, #tpu.memory_space<vmem>>
        %dma_start3A_514 = tpu.memref_squeeze %dma_start3A_513 : memref<1x32x128xf32, #tpu.memory_space<vmem>> -> memref<32x128xf32, #tpu.memory_space<vmem>>
        %dma_start3A_515 = arith.constant 0 : i32
        %dma_start3A_516 = tpu.memref_slice %arg4[%dma_start3A_515, %multiple_of3A_503] : memref<32x1000000xf32, #tpu.memory_space<hbm>> -> memref<32x128xf32, #tpu.memory_space<hbm>>
        tpu.enqueue_dma source(%dma_start3A_516 : memref<32x128xf32, #tpu.memory_space<hbm>>) target(%dma_start3A_514 : memref<32x128xf32, #tpu.memory_space<vmem>>) target_semaphore(%arg12 : memref<!tpu.dma_semaphore, #tpu.memory_space<semaphore_mem>>)
        %slice3A_517 = vector.extract_strided_slice %get3A_348 {offsets = [12], sizes = [1], strides = [1]} : vector<16xi32> to vector<1xi32>
        %squeeze3A_518 = vector.extract %slice3A_517[0] : i32 from vector<1xi32>
        %jit3A_519 = arith.constant 128 : i32
        %div3A_520 = arith.divsi %squeeze3A_518, %jit3A_519 : i32
        %sign3A_521 = arith.constant 0 : i32
        %sign3A_522 = arith.cmpi sgt, %squeeze3A_518, %sign3A_521 : i32
        %sign3A_523 = arith.extui %sign3A_522 : i1 to i32
        %sign3A_524 = arith.constant 0 : i32
        %sign3A_525 = arith.cmpi slt, %squeeze3A_518, %sign3A_524 : i32
        %sign3A_526 = arith.extui %sign3A_525 : i1 to i32
        %sign3A_527 = arith.subi %sign3A_523, %sign3A_526 : i32
        %sign3A_528 = arith.constant 0 : i32
        %sign3A_529 = arith.cmpi sgt, %jit3A_519, %sign3A_528 : i32
        %sign3A_530 = arith.extui %sign3A_529 : i1 to i32
        %sign3A_531 = arith.constant 0 : i32
        %sign3A_532 = arith.cmpi slt, %jit3A_519, %sign3A_531 : i32
        %sign3A_533 = arith.extui %sign3A_532 : i1 to i32
        %sign3A_534 = arith.subi %sign3A_530, %sign3A_533 : i32
        %ne3A_535 = arith.cmpi ne, %sign3A_527, %sign3A_534 : i32
        %rem3A_536 = arith.remsi %squeeze3A_518, %jit3A_519 : i32
        %ne3A_537 = arith.constant 0 : i32
        %ne3A_538 = arith.cmpi ne, %rem3A_536, %ne3A_537 : i32
        %and3A_539 = arith.andi %ne3A_535, %ne3A_538 : i1
        %sub3A_540 = arith.constant 1 : i32
        %sub3A_541 = arith.subi %div3A_520, %sub3A_540 : i32
        %select_n3A_542 = arith.select %and3A_539, %sub3A_541, %div3A_520 : i32
        %mul3A_543 = arith.constant 128 : i32
        %mul3A_544 = arith.muli %select_n3A_542, %mul3A_543 : i32
        %multiple_of3A_545 = tpu.assume_multiple %mul3A_544, 128 : i32
        %dma_start3A_546 = arith.constant 4 : i32
        %dma_start3A_547 = arith.constant 0 : i32
        %dma_start3A_548 = arith.constant 0 : i32
        %dma_start3A_549 = tpu.memref_slice %arg9[%dma_start3A_546, %dma_start3A_547, %dma_start3A_548] : memref<8x32x128xf32, #tpu.memory_space<vmem>> -> memref<1x32x128xf32, #tpu.memory_space<vmem>>
        %dma_start3A_550 = tpu.memref_squeeze %dma_start3A_549 : memref<1x32x128xf32, #tpu.memory_space<vmem>> -> memref<32x128xf32, #tpu.memory_space<vmem>>
        %dma_start3A_551 = arith.constant 0 : i32
        %dma_start3A_552 = tpu.memref_slice %arg4[%dma_start3A_551, %multiple_of3A_545] : memref<32x1000000xf32, #tpu.memory_space<hbm>> -> memref<32x128xf32, #tpu.memory_space<hbm>>
        %dma_start3A_553 = arith.constant 0 : i32
        %dma_start3A_554 = arith.constant 0 : i32
        %dma_start3A_555 = tpu.memref_slice %arg9[%dma_start3A_546, %dma_start3A_553, %dma_start3A_554] : memref<8x32x128xf32, #tpu.memory_space<vmem>> -> memref<1x32x128xf32, #tpu.memory_space<vmem>>
        %dma_start3A_556 = tpu.memref_squeeze %dma_start3A_555 : memref<1x32x128xf32, #tpu.memory_space<vmem>> -> memref<32x128xf32, #tpu.memory_space<vmem>>
        %dma_start3A_557 = arith.constant 0 : i32
        %dma_start3A_558 = tpu.memref_slice %arg4[%dma_start3A_557, %multiple_of3A_545] : memref<32x1000000xf32, #tpu.memory_space<hbm>> -> memref<32x128xf32, #tpu.memory_space<hbm>>
        tpu.enqueue_dma source(%dma_start3A_558 : memref<32x128xf32, #tpu.memory_space<hbm>>) target(%dma_start3A_556 : memref<32x128xf32, #tpu.memory_space<vmem>>) target_semaphore(%arg12 : memref<!tpu.dma_semaphore, #tpu.memory_space<semaphore_mem>>)
        %slice3A_559 = vector.extract_strided_slice %get3A_348 {offsets = [13], sizes = [1], strides = [1]} : vector<16xi32> to vector<1xi32>
        %squeeze3A_560 = vector.extract %slice3A_559[0] : i32 from vector<1xi32>
        %jit3A_561 = arith.constant 128 : i32
        %div3A_562 = arith.divsi %squeeze3A_560, %jit3A_561 : i32
        %sign3A_563 = arith.constant 0 : i32
        %sign3A_564 = arith.cmpi sgt, %squeeze3A_560, %sign3A_563 : i32
        %sign3A_565 = arith.extui %sign3A_564 : i1 to i32
        %sign3A_566 = arith.constant 0 : i32
        %sign3A_567 = arith.cmpi slt, %squeeze3A_560, %sign3A_566 : i32
        %sign3A_568 = arith.extui %sign3A_567 : i1 to i32
        %sign3A_569 = arith.subi %sign3A_565, %sign3A_568 : i32
        %sign3A_570 = arith.constant 0 : i32
        %sign3A_571 = arith.cmpi sgt, %jit3A_561, %sign3A_570 : i32
        %sign3A_572 = arith.extui %sign3A_571 : i1 to i32
        %sign3A_573 = arith.constant 0 : i32
        %sign3A_574 = arith.cmpi slt, %jit3A_561, %sign3A_573 : i32
        %sign3A_575 = arith.extui %sign3A_574 : i1 to i32
        %sign3A_576 = arith.subi %sign3A_572, %sign3A_575 : i32
        %ne3A_577 = arith.cmpi ne, %sign3A_569, %sign3A_576 : i32
        %rem3A_578 = arith.remsi %squeeze3A_560, %jit3A_561 : i32
        %ne3A_579 = arith.constant 0 : i32
        %ne3A_580 = arith.cmpi ne, %rem3A_578, %ne3A_579 : i32
        %and3A_581 = arith.andi %ne3A_577, %ne3A_580 : i1
        %sub3A_582 = arith.constant 1 : i32
        %sub3A_583 = arith.subi %div3A_562, %sub3A_582 : i32
        %select_n3A_584 = arith.select %and3A_581, %sub3A_583, %div3A_562 : i32
        %mul3A_585 = arith.constant 128 : i32
        %mul3A_586 = arith.muli %select_n3A_584, %mul3A_585 : i32
        %multiple_of3A_587 = tpu.assume_multiple %mul3A_586, 128 : i32
        %dma_start3A_588 = arith.constant 5 : i32
        %dma_start3A_589 = arith.constant 0 : i32
        %dma_start3A_590 = arith.constant 0 : i32
        %dma_start3A_591 = tpu.memref_slice %arg9[%dma_start3A_588, %dma_start3A_589, %dma_start3A_590] : memref<8x32x128xf32, #tpu.memory_space<vmem>> -> memref<1x32x128xf32, #tpu.memory_space<vmem>>
        %dma_start3A_592 = tpu.memref_squeeze %dma_start3A_591 : memref<1x32x128xf32, #tpu.memory_space<vmem>> -> memref<32x128xf32, #tpu.memory_space<vmem>>
        %dma_start3A_593 = arith.constant 0 : i32
        %dma_start3A_594 = tpu.memref_slice %arg4[%dma_start3A_593, %multiple_of3A_587] : memref<32x1000000xf32, #tpu.memory_space<hbm>> -> memref<32x128xf32, #tpu.memory_space<hbm>>
        %dma_start3A_595 = arith.constant 0 : i32
        %dma_start3A_596 = arith.constant 0 : i32
        %dma_start3A_597 = tpu.memref_slice %arg9[%dma_start3A_588, %dma_start3A_595, %dma_start3A_596] : memref<8x32x128xf32, #tpu.memory_space<vmem>> -> memref<1x32x128xf32, #tpu.memory_space<vmem>>
        %dma_start3A_598 = tpu.memref_squeeze %dma_start3A_597 : memref<1x32x128xf32, #tpu.memory_space<vmem>> -> memref<32x128xf32, #tpu.memory_space<vmem>>
        %dma_start3A_599 = arith.constant 0 : i32
        %dma_start3A_600 = tpu.memref_slice %arg4[%dma_start3A_599, %multiple_of3A_587] : memref<32x1000000xf32, #tpu.memory_space<hbm>> -> memref<32x128xf32, #tpu.memory_space<hbm>>
        tpu.enqueue_dma source(%dma_start3A_600 : memref<32x128xf32, #tpu.memory_space<hbm>>) target(%dma_start3A_598 : memref<32x128xf32, #tpu.memory_space<vmem>>) target_semaphore(%arg12 : memref<!tpu.dma_semaphore, #tpu.memory_space<semaphore_mem>>)
        %slice3A_601 = vector.extract_strided_slice %get3A_348 {offsets = [14], sizes = [1], strides = [1]} : vector<16xi32> to vector<1xi32>
        %squeeze3A_602 = vector.extract %slice3A_601[0] : i32 from vector<1xi32>
        %jit3A_603 = arith.constant 128 : i32
        %div3A_604 = arith.divsi %squeeze3A_602, %jit3A_603 : i32
        %sign3A_605 = arith.constant 0 : i32
        %sign3A_606 = arith.cmpi sgt, %squeeze3A_602, %sign3A_605 : i32
        %sign3A_607 = arith.extui %sign3A_606 : i1 to i32
        %sign3A_608 = arith.constant 0 : i32
        %sign3A_609 = arith.cmpi slt, %squeeze3A_602, %sign3A_608 : i32
        %sign3A_610 = arith.extui %sign3A_609 : i1 to i32
        %sign3A_611 = arith.subi %sign3A_607, %sign3A_610 : i32
        %sign3A_612 = arith.constant 0 : i32
        %sign3A_613 = arith.cmpi sgt, %jit3A_603, %sign3A_612 : i32
        %sign3A_614 = arith.extui %sign3A_613 : i1 to i32
        %sign3A_615 = arith.constant 0 : i32
        %sign3A_616 = arith.cmpi slt, %jit3A_603, %sign3A_615 : i32
        %sign3A_617 = arith.extui %sign3A_616 : i1 to i32
        %sign3A_618 = arith.subi %sign3A_614, %sign3A_617 : i32
        %ne3A_619 = arith.cmpi ne, %sign3A_611, %sign3A_618 : i32
        %rem3A_620 = arith.remsi %squeeze3A_602, %jit3A_603 : i32
        %ne3A_621 = arith.constant 0 : i32
        %ne3A_622 = arith.cmpi ne, %rem3A_620, %ne3A_621 : i32
        %and3A_623 = arith.andi %ne3A_619, %ne3A_622 : i1
        %sub3A_624 = arith.constant 1 : i32
        %sub3A_625 = arith.subi %div3A_604, %sub3A_624 : i32
        %select_n3A_626 = arith.select %and3A_623, %sub3A_625, %div3A_604 : i32
        %mul3A_627 = arith.constant 128 : i32
        %mul3A_628 = arith.muli %select_n3A_626, %mul3A_627 : i32
        %multiple_of3A_629 = tpu.assume_multiple %mul3A_628, 128 : i32
        %dma_start3A_630 = arith.constant 6 : i32
        %dma_start3A_631 = arith.constant 0 : i32
        %dma_start3A_632 = arith.constant 0 : i32
        %dma_start3A_633 = tpu.memref_slice %arg9[%dma_start3A_630, %dma_start3A_631, %dma_start3A_632] : memref<8x32x128xf32, #tpu.memory_space<vmem>> -> memref<1x32x128xf32, #tpu.memory_space<vmem>>
        %dma_start3A_634 = tpu.memref_squeeze %dma_start3A_633 : memref<1x32x128xf32, #tpu.memory_space<vmem>> -> memref<32x128xf32, #tpu.memory_space<vmem>>
        %dma_start3A_635 = arith.constant 0 : i32
        %dma_start3A_636 = tpu.memref_slice %arg4[%dma_start3A_635, %multiple_of3A_629] : memref<32x1000000xf32, #tpu.memory_space<hbm>> -> memref<32x128xf32, #tpu.memory_space<hbm>>
        %dma_start3A_637 = arith.constant 0 : i32
        %dma_start3A_638 = arith.constant 0 : i32
        %dma_start3A_639 = tpu.memref_slice %arg9[%dma_start3A_630, %dma_start3A_637, %dma_start3A_638] : memref<8x32x128xf32, #tpu.memory_space<vmem>> -> memref<1x32x128xf32, #tpu.memory_space<vmem>>
        %dma_start3A_640 = tpu.memref_squeeze %dma_start3A_639 : memref<1x32x128xf32, #tpu.memory_space<vmem>> -> memref<32x128xf32, #tpu.memory_space<vmem>>
        %dma_start3A_641 = arith.constant 0 : i32
        %dma_start3A_642 = tpu.memref_slice %arg4[%dma_start3A_641, %multiple_of3A_629] : memref<32x1000000xf32, #tpu.memory_space<hbm>> -> memref<32x128xf32, #tpu.memory_space<hbm>>
        tpu.enqueue_dma source(%dma_start3A_642 : memref<32x128xf32, #tpu.memory_space<hbm>>) target(%dma_start3A_640 : memref<32x128xf32, #tpu.memory_space<vmem>>) target_semaphore(%arg12 : memref<!tpu.dma_semaphore, #tpu.memory_space<semaphore_mem>>)
        %slice3A_643 = vector.extract_strided_slice %get3A_348 {offsets = [15], sizes = [1], strides = [1]} : vector<16xi32> to vector<1xi32>
        %squeeze3A_644 = vector.extract %slice3A_643[0] : i32 from vector<1xi32>
        %jit3A_645 = arith.constant 128 : i32
        %div3A_646 = arith.divsi %squeeze3A_644, %jit3A_645 : i32
        %sign3A_647 = arith.constant 0 : i32
        %sign3A_648 = arith.cmpi sgt, %squeeze3A_644, %sign3A_647 : i32
        %sign3A_649 = arith.extui %sign3A_648 : i1 to i32
        %sign3A_650 = arith.constant 0 : i32
        %sign3A_651 = arith.cmpi slt, %squeeze3A_644, %sign3A_650 : i32
        %sign3A_652 = arith.extui %sign3A_651 : i1 to i32
        %sign3A_653 = arith.subi %sign3A_649, %sign3A_652 : i32
        %sign3A_654 = arith.constant 0 : i32
        %sign3A_655 = arith.cmpi sgt, %jit3A_645, %sign3A_654 : i32
        %sign3A_656 = arith.extui %sign3A_655 : i1 to i32
        %sign3A_657 = arith.constant 0 : i32
        %sign3A_658 = arith.cmpi slt, %jit3A_645, %sign3A_657 : i32
        %sign3A_659 = arith.extui %sign3A_658 : i1 to i32
        %sign3A_660 = arith.subi %sign3A_656, %sign3A_659 : i32
        %ne3A_661 = arith.cmpi ne, %sign3A_653, %sign3A_660 : i32
        %rem3A_662 = arith.remsi %squeeze3A_644, %jit3A_645 : i32
        %ne3A_663 = arith.constant 0 : i32
        %ne3A_664 = arith.cmpi ne, %rem3A_662, %ne3A_663 : i32
        %and3A_665 = arith.andi %ne3A_661, %ne3A_664 : i1
        %sub3A_666 = arith.constant 1 : i32
        %sub3A_667 = arith.subi %div3A_646, %sub3A_666 : i32
        %select_n3A_668 = arith.select %and3A_665, %sub3A_667, %div3A_646 : i32
        %mul3A_669 = arith.constant 128 : i32
        %mul3A_670 = arith.muli %select_n3A_668, %mul3A_669 : i32
        %multiple_of3A_671 = tpu.assume_multiple %mul3A_670, 128 : i32
        %dma_start3A_672 = arith.constant 7 : i32
        %dma_start3A_673 = arith.constant 0 : i32
        %dma_start3A_674 = arith.constant 0 : i32
        %dma_start3A_675 = tpu.memref_slice %arg9[%dma_start3A_672, %dma_start3A_673, %dma_start3A_674] : memref<8x32x128xf32, #tpu.memory_space<vmem>> -> memref<1x32x128xf32, #tpu.memory_space<vmem>>
        %dma_start3A_676 = tpu.memref_squeeze %dma_start3A_675 : memref<1x32x128xf32, #tpu.memory_space<vmem>> -> memref<32x128xf32, #tpu.memory_space<vmem>>
        %dma_start3A_677 = arith.constant 0 : i32
        %dma_start3A_678 = tpu.memref_slice %arg4[%dma_start3A_677, %multiple_of3A_671] : memref<32x1000000xf32, #tpu.memory_space<hbm>> -> memref<32x128xf32, #tpu.memory_space<hbm>>
        %dma_start3A_679 = arith.constant 0 : i32
        %dma_start3A_680 = arith.constant 0 : i32
        %dma_start3A_681 = tpu.memref_slice %arg9[%dma_start3A_672, %dma_start3A_679, %dma_start3A_680] : memref<8x32x128xf32, #tpu.memory_space<vmem>> -> memref<1x32x128xf32, #tpu.memory_space<vmem>>
        %dma_start3A_682 = tpu.memref_squeeze %dma_start3A_681 : memref<1x32x128xf32, #tpu.memory_space<vmem>> -> memref<32x128xf32, #tpu.memory_space<vmem>>
        %dma_start3A_683 = arith.constant 0 : i32
        %dma_start3A_684 = tpu.memref_slice %arg4[%dma_start3A_683, %multiple_of3A_671] : memref<32x1000000xf32, #tpu.memory_space<hbm>> -> memref<32x128xf32, #tpu.memory_space<hbm>>
        tpu.enqueue_dma source(%dma_start3A_684 : memref<32x128xf32, #tpu.memory_space<hbm>>) target(%dma_start3A_682 : memref<32x128xf32, #tpu.memory_space<vmem>>) target_semaphore(%arg12 : memref<!tpu.dma_semaphore, #tpu.memory_space<semaphore_mem>>)
        %dma_wait3A = arith.constant 0 : i32
        %dma_wait3A_685 = arith.constant 0 : i32
        %dma_wait3A_686 = arith.constant 0 : i32
        %dma_wait3A_687 = tpu.memref_slice %arg8[%dma_wait3A, %dma_wait3A_685, %dma_wait3A_686] : memref<8x32x128xf32, #tpu.memory_space<vmem>> -> memref<1x32x128xf32, #tpu.memory_space<vmem>>
        %dma_wait3A_688 = tpu.memref_squeeze %dma_wait3A_687 : memref<1x32x128xf32, #tpu.memory_space<vmem>> -> memref<32x128xf32, #tpu.memory_space<vmem>>
        %dma_wait3A_689 = arith.constant 0 : i32
        %dma_wait3A_690 = arith.constant 0 : i32
        %dma_wait3A_691 = tpu.memref_slice %arg4[%dma_wait3A_689, %dma_wait3A_690] : memref<32x1000000xf32, #tpu.memory_space<hbm>> -> memref<32x128xf32, #tpu.memory_space<hbm>>
        %dma_wait3A_692 = arith.constant 0 : i32
        %dma_wait3A_693 = arith.constant 0 : i32
        %dma_wait3A_694 = tpu.memref_slice %arg8[%dma_wait3A, %dma_wait3A_692, %dma_wait3A_693] : memref<8x32x128xf32, #tpu.memory_space<vmem>> -> memref<1x32x128xf32, #tpu.memory_space<vmem>>
        %dma_wait3A_695 = tpu.memref_squeeze %dma_wait3A_694 : memref<1x32x128xf32, #tpu.memory_space<vmem>> -> memref<32x128xf32, #tpu.memory_space<vmem>>
        %dma_wait3A_696 = arith.constant 0 : i32
        %dma_wait3A_697 = arith.constant 0 : i32
        %dma_wait3A_698 = tpu.memref_slice %arg4[%dma_wait3A_696, %dma_wait3A_697] : memref<32x1000000xf32, #tpu.memory_space<hbm>> -> memref<32x128xf32, #tpu.memory_space<hbm>>
        tpu.wait_dma2 semaphore(%arg11 : memref<!tpu.dma_semaphore, #tpu.memory_space<semaphore_mem>>) src(%dma_wait3A_698 : memref<32x128xf32, #tpu.memory_space<hbm>>) dst(%dma_wait3A_695 : memref<32x128xf32, #tpu.memory_space<vmem>>)
        %dma_wait3A_699 = arith.constant 1 : i32
        %dma_wait3A_700 = arith.constant 0 : i32
        %dma_wait3A_701 = arith.constant 0 : i32
        %dma_wait3A_702 = tpu.memref_slice %arg8[%dma_wait3A_699, %dma_wait3A_700, %dma_wait3A_701] : memref<8x32x128xf32, #tpu.memory_space<vmem>> -> memref<1x32x128xf32, #tpu.memory_space<vmem>>
        %dma_wait3A_703 = tpu.memref_squeeze %dma_wait3A_702 : memref<1x32x128xf32, #tpu.memory_space<vmem>> -> memref<32x128xf32, #tpu.memory_space<vmem>>
        %dma_wait3A_704 = arith.constant 0 : i32
        %dma_wait3A_705 = arith.constant 0 : i32
        %dma_wait3A_706 = tpu.memref_slice %arg4[%dma_wait3A_704, %dma_wait3A_705] : memref<32x1000000xf32, #tpu.memory_space<hbm>> -> memref<32x128xf32, #tpu.memory_space<hbm>>
        %dma_wait3A_707 = arith.constant 0 : i32
        %dma_wait3A_708 = arith.constant 0 : i32
        %dma_wait3A_709 = tpu.memref_slice %arg8[%dma_wait3A_699, %dma_wait3A_707, %dma_wait3A_708] : memref<8x32x128xf32, #tpu.memory_space<vmem>> -> memref<1x32x128xf32, #tpu.memory_space<vmem>>
        %dma_wait3A_710 = tpu.memref_squeeze %dma_wait3A_709 : memref<1x32x128xf32, #tpu.memory_space<vmem>> -> memref<32x128xf32, #tpu.memory_space<vmem>>
        %dma_wait3A_711 = arith.constant 0 : i32
        %dma_wait3A_712 = arith.constant 0 : i32
        %dma_wait3A_713 = tpu.memref_slice %arg4[%dma_wait3A_711, %dma_wait3A_712] : memref<32x1000000xf32, #tpu.memory_space<hbm>> -> memref<32x128xf32, #tpu.memory_space<hbm>>
        tpu.wait_dma2 semaphore(%arg11 : memref<!tpu.dma_semaphore, #tpu.memory_space<semaphore_mem>>) src(%dma_wait3A_713 : memref<32x128xf32, #tpu.memory_space<hbm>>) dst(%dma_wait3A_710 : memref<32x128xf32, #tpu.memory_space<vmem>>)
        %dma_wait3A_714 = arith.constant 2 : i32
        %dma_wait3A_715 = arith.constant 0 : i32
        %dma_wait3A_716 = arith.constant 0 : i32
        %dma_wait3A_717 = tpu.memref_slice %arg8[%dma_wait3A_714, %dma_wait3A_715, %dma_wait3A_716] : memref<8x32x128xf32, #tpu.memory_space<vmem>> -> memref<1x32x128xf32, #tpu.memory_space<vmem>>
        %dma_wait3A_718 = tpu.memref_squeeze %dma_wait3A_717 : memref<1x32x128xf32, #tpu.memory_space<vmem>> -> memref<32x128xf32, #tpu.memory_space<vmem>>
        %dma_wait3A_719 = arith.constant 0 : i32
        %dma_wait3A_720 = arith.constant 0 : i32
        %dma_wait3A_721 = tpu.memref_slice %arg4[%dma_wait3A_719, %dma_wait3A_720] : memref<32x1000000xf32, #tpu.memory_space<hbm>> -> memref<32x128xf32, #tpu.memory_space<hbm>>
        %dma_wait3A_722 = arith.constant 0 : i32
        %dma_wait3A_723 = arith.constant 0 : i32
        %dma_wait3A_724 = tpu.memref_slice %arg8[%dma_wait3A_714, %dma_wait3A_722, %dma_wait3A_723] : memref<8x32x128xf32, #tpu.memory_space<vmem>> -> memref<1x32x128xf32, #tpu.memory_space<vmem>>
        %dma_wait3A_725 = tpu.memref_squeeze %dma_wait3A_724 : memref<1x32x128xf32, #tpu.memory_space<vmem>> -> memref<32x128xf32, #tpu.memory_space<vmem>>
        %dma_wait3A_726 = arith.constant 0 : i32
        %dma_wait3A_727 = arith.constant 0 : i32
        %dma_wait3A_728 = tpu.memref_slice %arg4[%dma_wait3A_726, %dma_wait3A_727] : memref<32x1000000xf32, #tpu.memory_space<hbm>> -> memref<32x128xf32, #tpu.memory_space<hbm>>
        tpu.wait_dma2 semaphore(%arg11 : memref<!tpu.dma_semaphore, #tpu.memory_space<semaphore_mem>>) src(%dma_wait3A_728 : memref<32x128xf32, #tpu.memory_space<hbm>>) dst(%dma_wait3A_725 : memref<32x128xf32, #tpu.memory_space<vmem>>)
        %dma_wait3A_729 = arith.constant 3 : i32
        %dma_wait3A_730 = arith.constant 0 : i32
        %dma_wait3A_731 = arith.constant 0 : i32
        %dma_wait3A_732 = tpu.memref_slice %arg8[%dma_wait3A_729, %dma_wait3A_730, %dma_wait3A_731] : memref<8x32x128xf32, #tpu.memory_space<vmem>> -> memref<1x32x128xf32, #tpu.memory_space<vmem>>
        %dma_wait3A_733 = tpu.memref_squeeze %dma_wait3A_732 : memref<1x32x128xf32, #tpu.memory_space<vmem>> -> memref<32x128xf32, #tpu.memory_space<vmem>>
        %dma_wait3A_734 = arith.constant 0 : i32
        %dma_wait3A_735 = arith.constant 0 : i32
        %dma_wait3A_736 = tpu.memref_slice %arg4[%dma_wait3A_734, %dma_wait3A_735] : memref<32x1000000xf32, #tpu.memory_space<hbm>> -> memref<32x128xf32, #tpu.memory_space<hbm>>
        %dma_wait3A_737 = arith.constant 0 : i32
        %dma_wait3A_738 = arith.constant 0 : i32
        %dma_wait3A_739 = tpu.memref_slice %arg8[%dma_wait3A_729, %dma_wait3A_737, %dma_wait3A_738] : memref<8x32x128xf32, #tpu.memory_space<vmem>> -> memref<1x32x128xf32, #tpu.memory_space<vmem>>
        %dma_wait3A_740 = tpu.memref_squeeze %dma_wait3A_739 : memref<1x32x128xf32, #tpu.memory_space<vmem>> -> memref<32x128xf32, #tpu.memory_space<vmem>>
        %dma_wait3A_741 = arith.constant 0 : i32
        %dma_wait3A_742 = arith.constant 0 : i32
        %dma_wait3A_743 = tpu.memref_slice %arg4[%dma_wait3A_741, %dma_wait3A_742] : memref<32x1000000xf32, #tpu.memory_space<hbm>> -> memref<32x128xf32, #tpu.memory_space<hbm>>
        tpu.wait_dma2 semaphore(%arg11 : memref<!tpu.dma_semaphore, #tpu.memory_space<semaphore_mem>>) src(%dma_wait3A_743 : memref<32x128xf32, #tpu.memory_space<hbm>>) dst(%dma_wait3A_740 : memref<32x128xf32, #tpu.memory_space<vmem>>)
        %dma_wait3A_744 = arith.constant 4 : i32
        %dma_wait3A_745 = arith.constant 0 : i32
        %dma_wait3A_746 = arith.constant 0 : i32
        %dma_wait3A_747 = tpu.memref_slice %arg8[%dma_wait3A_744, %dma_wait3A_745, %dma_wait3A_746] : memref<8x32x128xf32, #tpu.memory_space<vmem>> -> memref<1x32x128xf32, #tpu.memory_space<vmem>>
        %dma_wait3A_748 = tpu.memref_squeeze %dma_wait3A_747 : memref<1x32x128xf32, #tpu.memory_space<vmem>> -> memref<32x128xf32, #tpu.memory_space<vmem>>
        %dma_wait3A_749 = arith.constant 0 : i32
        %dma_wait3A_750 = arith.constant 0 : i32
        %dma_wait3A_751 = tpu.memref_slice %arg4[%dma_wait3A_749, %dma_wait3A_750] : memref<32x1000000xf32, #tpu.memory_space<hbm>> -> memref<32x128xf32, #tpu.memory_space<hbm>>
        %dma_wait3A_752 = arith.constant 0 : i32
        %dma_wait3A_753 = arith.constant 0 : i32
        %dma_wait3A_754 = tpu.memref_slice %arg8[%dma_wait3A_744, %dma_wait3A_752, %dma_wait3A_753] : memref<8x32x128xf32, #tpu.memory_space<vmem>> -> memref<1x32x128xf32, #tpu.memory_space<vmem>>
        %dma_wait3A_755 = tpu.memref_squeeze %dma_wait3A_754 : memref<1x32x128xf32, #tpu.memory_space<vmem>> -> memref<32x128xf32, #tpu.memory_space<vmem>>
        %dma_wait3A_756 = arith.constant 0 : i32
        %dma_wait3A_757 = arith.constant 0 : i32
        %dma_wait3A_758 = tpu.memref_slice %arg4[%dma_wait3A_756, %dma_wait3A_757] : memref<32x1000000xf32, #tpu.memory_space<hbm>> -> memref<32x128xf32, #tpu.memory_space<hbm>>
        tpu.wait_dma2 semaphore(%arg11 : memref<!tpu.dma_semaphore, #tpu.memory_space<semaphore_mem>>) src(%dma_wait3A_758 : memref<32x128xf32, #tpu.memory_space<hbm>>) dst(%dma_wait3A_755 : memref<32x128xf32, #tpu.memory_space<vmem>>)
        %dma_wait3A_759 = arith.constant 5 : i32
        %dma_wait3A_760 = arith.constant 0 : i32
        %dma_wait3A_761 = arith.constant 0 : i32
        %dma_wait3A_762 = tpu.memref_slice %arg8[%dma_wait3A_759, %dma_wait3A_760, %dma_wait3A_761] : memref<8x32x128xf32, #tpu.memory_space<vmem>> -> memref<1x32x128xf32, #tpu.memory_space<vmem>>
        %dma_wait3A_763 = tpu.memref_squeeze %dma_wait3A_762 : memref<1x32x128xf32, #tpu.memory_space<vmem>> -> memref<32x128xf32, #tpu.memory_space<vmem>>
        %dma_wait3A_764 = arith.constant 0 : i32
        %dma_wait3A_765 = arith.constant 0 : i32
        %dma_wait3A_766 = tpu.memref_slice %arg4[%dma_wait3A_764, %dma_wait3A_765] : memref<32x1000000xf32, #tpu.memory_space<hbm>> -> memref<32x128xf32, #tpu.memory_space<hbm>>
        %dma_wait3A_767 = arith.constant 0 : i32
        %dma_wait3A_768 = arith.constant 0 : i32
        %dma_wait3A_769 = tpu.memref_slice %arg8[%dma_wait3A_759, %dma_wait3A_767, %dma_wait3A_768] : memref<8x32x128xf32, #tpu.memory_space<vmem>> -> memref<1x32x128xf32, #tpu.memory_space<vmem>>
        %dma_wait3A_770 = tpu.memref_squeeze %dma_wait3A_769 : memref<1x32x128xf32, #tpu.memory_space<vmem>> -> memref<32x128xf32, #tpu.memory_space<vmem>>
        %dma_wait3A_771 = arith.constant 0 : i32
        %dma_wait3A_772 = arith.constant 0 : i32
        %dma_wait3A_773 = tpu.memref_slice %arg4[%dma_wait3A_771, %dma_wait3A_772] : memref<32x1000000xf32, #tpu.memory_space<hbm>> -> memref<32x128xf32, #tpu.memory_space<hbm>>
        tpu.wait_dma2 semaphore(%arg11 : memref<!tpu.dma_semaphore, #tpu.memory_space<semaphore_mem>>) src(%dma_wait3A_773 : memref<32x128xf32, #tpu.memory_space<hbm>>) dst(%dma_wait3A_770 : memref<32x128xf32, #tpu.memory_space<vmem>>)
        %dma_wait3A_774 = arith.constant 6 : i32
        %dma_wait3A_775 = arith.constant 0 : i32
        %dma_wait3A_776 = arith.constant 0 : i32
        %dma_wait3A_777 = tpu.memref_slice %arg8[%dma_wait3A_774, %dma_wait3A_775, %dma_wait3A_776] : memref<8x32x128xf32, #tpu.memory_space<vmem>> -> memref<1x32x128xf32, #tpu.memory_space<vmem>>
        %dma_wait3A_778 = tpu.memref_squeeze %dma_wait3A_777 : memref<1x32x128xf32, #tpu.memory_space<vmem>> -> memref<32x128xf32, #tpu.memory_space<vmem>>
        %dma_wait3A_779 = arith.constant 0 : i32
        %dma_wait3A_780 = arith.constant 0 : i32
        %dma_wait3A_781 = tpu.memref_slice %arg4[%dma_wait3A_779, %dma_wait3A_780] : memref<32x1000000xf32, #tpu.memory_space<hbm>> -> memref<32x128xf32, #tpu.memory_space<hbm>>
        %dma_wait3A_782 = arith.constant 0 : i32
        %dma_wait3A_783 = arith.constant 0 : i32
        %dma_wait3A_784 = tpu.memref_slice %arg8[%dma_wait3A_774, %dma_wait3A_782, %dma_wait3A_783] : memref<8x32x128xf32, #tpu.memory_space<vmem>> -> memref<1x32x128xf32, #tpu.memory_space<vmem>>
        %dma_wait3A_785 = tpu.memref_squeeze %dma_wait3A_784 : memref<1x32x128xf32, #tpu.memory_space<vmem>> -> memref<32x128xf32, #tpu.memory_space<vmem>>
        %dma_wait3A_786 = arith.constant 0 : i32
        %dma_wait3A_787 = arith.constant 0 : i32
        %dma_wait3A_788 = tpu.memref_slice %arg4[%dma_wait3A_786, %dma_wait3A_787] : memref<32x1000000xf32, #tpu.memory_space<hbm>> -> memref<32x128xf32, #tpu.memory_space<hbm>>
        tpu.wait_dma2 semaphore(%arg11 : memref<!tpu.dma_semaphore, #tpu.memory_space<semaphore_mem>>) src(%dma_wait3A_788 : memref<32x128xf32, #tpu.memory_space<hbm>>) dst(%dma_wait3A_785 : memref<32x128xf32, #tpu.memory_space<vmem>>)
        %dma_wait3A_789 = arith.constant 7 : i32
        %dma_wait3A_790 = arith.constant 0 : i32
        %dma_wait3A_791 = arith.constant 0 : i32
        %dma_wait3A_792 = tpu.memref_slice %arg8[%dma_wait3A_789, %dma_wait3A_790, %dma_wait3A_791] : memref<8x32x128xf32, #tpu.memory_space<vmem>> -> memref<1x32x128xf32, #tpu.memory_space<vmem>>
        %dma_wait3A_793 = tpu.memref_squeeze %dma_wait3A_792 : memref<1x32x128xf32, #tpu.memory_space<vmem>> -> memref<32x128xf32, #tpu.memory_space<vmem>>
        %dma_wait3A_794 = arith.constant 0 : i32
        %dma_wait3A_795 = arith.constant 0 : i32
        %dma_wait3A_796 = tpu.memref_slice %arg4[%dma_wait3A_794, %dma_wait3A_795] : memref<32x1000000xf32, #tpu.memory_space<hbm>> -> memref<32x128xf32, #tpu.memory_space<hbm>>
        %dma_wait3A_797 = arith.constant 0 : i32
        %dma_wait3A_798 = arith.constant 0 : i32
        %dma_wait3A_799 = tpu.memref_slice %arg8[%dma_wait3A_789, %dma_wait3A_797, %dma_wait3A_798] : memref<8x32x128xf32, #tpu.memory_space<vmem>> -> memref<1x32x128xf32, #tpu.memory_space<vmem>>
        %dma_wait3A_800 = tpu.memref_squeeze %dma_wait3A_799 : memref<1x32x128xf32, #tpu.memory_space<vmem>> -> memref<32x128xf32, #tpu.memory_space<vmem>>
        %dma_wait3A_801 = arith.constant 0 : i32
        %dma_wait3A_802 = arith.constant 0 : i32
        %dma_wait3A_803 = tpu.memref_slice %arg4[%dma_wait3A_801, %dma_wait3A_802] : memref<32x1000000xf32, #tpu.memory_space<hbm>> -> memref<32x128xf32, #tpu.memory_space<hbm>>
        tpu.wait_dma2 semaphore(%arg11 : memref<!tpu.dma_semaphore, #tpu.memory_space<semaphore_mem>>) src(%dma_wait3A_803 : memref<32x128xf32, #tpu.memory_space<hbm>>) dst(%dma_wait3A_800 : memref<32x128xf32, #tpu.memory_space<vmem>>)
        %mul3A_804 = arith.constant 16 : i32
        %mul3A_805 = arith.muli %scan3A_344, %mul3A_804 : i32
        %slice3A_806 = vector.extract_strided_slice %get3A_348 {offsets = [0], sizes = [1], strides = [1]} : vector<16xi32> to vector<1xi32>
        %squeeze3A_807 = vector.extract %slice3A_806[0] : i32 from vector<1xi32>
        %rem3A_808 = arith.constant 128 : i32
        %rem3A_809 = arith.remsi %squeeze3A_807, %rem3A_808 : i32
        %broadcast_in_dim3A = vector.broadcast %rem3A_809 : i32 to vector<16xi32>
        %add3A_810 = arith.constant 0 : i32
        %add3A_811 = arith.addi %mul3A_805, %add3A_810 : i32
        %broadcast_in_dim3A_812 = vector.broadcast %add3A_811 : i32 to vector<16xi32>
        %gather3A = arith.constant 0 : i32
        %gather3A_813 = arith.constant 0 : i32
        %gather3A_814 = arith.constant 0 : i32
        %gather3A_815 = tpu.memref_slice %arg8[%gather3A, %gather3A_813, %gather3A_814] : memref<8x32x128xf32, #tpu.memory_space<vmem>> -> memref<1x32x128xf32, #tpu.memory_space<vmem>>
        %gather3A_816 = tpu.memref_squeeze %gather3A_815 : memref<1x32x128xf32, #tpu.memory_space<vmem>> -> memref<32x128xf32, #tpu.memory_space<vmem>>
        %gather3A_817 = tpu.vector_load_idx %gather3A_816[%iota3A, %broadcast_in_dim3A] : memref<32x128xf32, #tpu.memory_space<vmem>>[vector<16xi32>, vector<16xi32>], vector<16xf32>,
        %gather3A_818 = arith.constant 0 : i32
        %gather3A_819 = arith.constant 0 : i32
        %gather3A_820 = arith.constant 0 : i32
        %gather3A_821 = tpu.memref_slice %arg8[%gather3A_818, %gather3A_819, %gather3A_820] : memref<8x32x128xf32, #tpu.memory_space<vmem>> -> memref<1x32x128xf32, #tpu.memory_space<vmem>>
        %gather3A_822 = tpu.memref_squeeze %gather3A_821 : memref<1x32x128xf32, #tpu.memory_space<vmem>> -> memref<32x128xf32, #tpu.memory_space<vmem>>
        %gather3A_823 = tpu.vector_load_idx %gather3A_822[%add3A_6, %broadcast_in_dim3A] : memref<32x128xf32, #tpu.memory_space<vmem>>[vector<16xi32>, vector<16xi32>], vector<16xf32>,
        tpu.vector_store_idx %arg10[%iota3A, %broadcast_in_dim3A_812], %gather3A_817 : memref<32x1024xf32, #tpu.memory_space<vmem>>[vector<16xi32>, vector<16xi32>], vector<16xf32>,
        tpu.vector_store_idx %arg10[%add3A_6, %broadcast_in_dim3A_812], %gather3A_823 : memref<32x1024xf32, #tpu.memory_space<vmem>>[vector<16xi32>, vector<16xi32>], vector<16xf32>,
        %slice3A_824 = vector.extract_strided_slice %get3A_348 {offsets = [1], sizes = [1], strides = [1]} : vector<16xi32> to vector<1xi32>
        %squeeze3A_825 = vector.extract %slice3A_824[0] : i32 from vector<1xi32>
        %rem3A_826 = arith.constant 128 : i32
        %rem3A_827 = arith.remsi %squeeze3A_825, %rem3A_826 : i32
        %broadcast_in_dim3A_828 = vector.broadcast %rem3A_827 : i32 to vector<16xi32>
        %add3A_829 = arith.constant 1 : i32
        %add3A_830 = arith.addi %mul3A_805, %add3A_829 : i32
        %broadcast_in_dim3A_831 = vector.broadcast %add3A_830 : i32 to vector<16xi32>
        %gather3A_832 = arith.constant 1 : i32
        %gather3A_833 = arith.constant 0 : i32
        %gather3A_834 = arith.constant 0 : i32
        %gather3A_835 = tpu.memref_slice %arg8[%gather3A_832, %gather3A_833, %gather3A_834] : memref<8x32x128xf32, #tpu.memory_space<vmem>> -> memref<1x32x128xf32, #tpu.memory_space<vmem>>
        %gather3A_836 = tpu.memref_squeeze %gather3A_835 : memref<1x32x128xf32, #tpu.memory_space<vmem>> -> memref<32x128xf32, #tpu.memory_space<vmem>>
        %gather3A_837 = tpu.vector_load_idx %gather3A_836[%iota3A, %broadcast_in_dim3A_828] : memref<32x128xf32, #tpu.memory_space<vmem>>[vector<16xi32>, vector<16xi32>], vector<16xf32>,
        %gather3A_838 = arith.constant 1 : i32
        %gather3A_839 = arith.constant 0 : i32
        %gather3A_840 = arith.constant 0 : i32
        %gather3A_841 = tpu.memref_slice %arg8[%gather3A_838, %gather3A_839, %gather3A_840] : memref<8x32x128xf32, #tpu.memory_space<vmem>> -> memref<1x32x128xf32, #tpu.memory_space<vmem>>
        %gather3A_842 = tpu.memref_squeeze %gather3A_841 : memref<1x32x128xf32, #tpu.memory_space<vmem>> -> memref<32x128xf32, #tpu.memory_space<vmem>>
        %gather3A_843 = tpu.vector_load_idx %gather3A_842[%add3A_6, %broadcast_in_dim3A_828] : memref<32x128xf32, #tpu.memory_space<vmem>>[vector<16xi32>, vector<16xi32>], vector<16xf32>,
        tpu.vector_store_idx %arg10[%iota3A, %broadcast_in_dim3A_831], %gather3A_837 : memref<32x1024xf32, #tpu.memory_space<vmem>>[vector<16xi32>, vector<16xi32>], vector<16xf32>,
        tpu.vector_store_idx %arg10[%add3A_6, %broadcast_in_dim3A_831], %gather3A_843 : memref<32x1024xf32, #tpu.memory_space<vmem>>[vector<16xi32>, vector<16xi32>], vector<16xf32>,
        %slice3A_844 = vector.extract_strided_slice %get3A_348 {offsets = [2], sizes = [1], strides = [1]} : vector<16xi32> to vector<1xi32>
        %squeeze3A_845 = vector.extract %slice3A_844[0] : i32 from vector<1xi32>
        %rem3A_846 = arith.constant 128 : i32
        %rem3A_847 = arith.remsi %squeeze3A_845, %rem3A_846 : i32
        %broadcast_in_dim3A_848 = vector.broadcast %rem3A_847 : i32 to vector<16xi32>
        %add3A_849 = arith.constant 2 : i32
        %add3A_850 = arith.addi %mul3A_805, %add3A_849 : i32
        %broadcast_in_dim3A_851 = vector.broadcast %add3A_850 : i32 to vector<16xi32>
        %gather3A_852 = arith.constant 2 : i32
        %gather3A_853 = arith.constant 0 : i32
        %gather3A_854 = arith.constant 0 : i32
        %gather3A_855 = tpu.memref_slice %arg8[%gather3A_852, %gather3A_853, %gather3A_854] : memref<8x32x128xf32, #tpu.memory_space<vmem>> -> memref<1x32x128xf32, #tpu.memory_space<vmem>>
        %gather3A_856 = tpu.memref_squeeze %gather3A_855 : memref<1x32x128xf32, #tpu.memory_space<vmem>> -> memref<32x128xf32, #tpu.memory_space<vmem>>
        %gather3A_857 = tpu.vector_load_idx %gather3A_856[%iota3A, %broadcast_in_dim3A_848] : memref<32x128xf32, #tpu.memory_space<vmem>>[vector<16xi32>, vector<16xi32>], vector<16xf32>,
        %gather3A_858 = arith.constant 2 : i32
        %gather3A_859 = arith.constant 0 : i32
        %gather3A_860 = arith.constant 0 : i32
        %gather3A_861 = tpu.memref_slice %arg8[%gather3A_858, %gather3A_859, %gather3A_860] : memref<8x32x128xf32, #tpu.memory_space<vmem>> -> memref<1x32x128xf32, #tpu.memory_space<vmem>>
        %gather3A_862 = tpu.memref_squeeze %gather3A_861 : memref<1x32x128xf32, #tpu.memory_space<vmem>> -> memref<32x128xf32, #tpu.memory_space<vmem>>
        %gather3A_863 = tpu.vector_load_idx %gather3A_862[%add3A_6, %broadcast_in_dim3A_848] : memref<32x128xf32, #tpu.memory_space<vmem>>[vector<16xi32>, vector<16xi32>], vector<16xf32>,
        tpu.vector_store_idx %arg10[%iota3A, %broadcast_in_dim3A_851], %gather3A_857 : memref<32x1024xf32, #tpu.memory_space<vmem>>[vector<16xi32>, vector<16xi32>], vector<16xf32>,
        tpu.vector_store_idx %arg10[%add3A_6, %broadcast_in_dim3A_851], %gather3A_863 : memref<32x1024xf32, #tpu.memory_space<vmem>>[vector<16xi32>, vector<16xi32>], vector<16xf32>,
        %slice3A_864 = vector.extract_strided_slice %get3A_348 {offsets = [3], sizes = [1], strides = [1]} : vector<16xi32> to vector<1xi32>
        %squeeze3A_865 = vector.extract %slice3A_864[0] : i32 from vector<1xi32>
        %rem3A_866 = arith.constant 128 : i32
        %rem3A_867 = arith.remsi %squeeze3A_865, %rem3A_866 : i32
        %broadcast_in_dim3A_868 = vector.broadcast %rem3A_867 : i32 to vector<16xi32>
        %add3A_869 = arith.constant 3 : i32
        %add3A_870 = arith.addi %mul3A_805, %add3A_869 : i32
        %broadcast_in_dim3A_871 = vector.broadcast %add3A_870 : i32 to vector<16xi32>
        %gather3A_872 = arith.constant 3 : i32
        %gather3A_873 = arith.constant 0 : i32
        %gather3A_874 = arith.constant 0 : i32
        %gather3A_875 = tpu.memref_slice %arg8[%gather3A_872, %gather3A_873, %gather3A_874] : memref<8x32x128xf32, #tpu.memory_space<vmem>> -> memref<1x32x128xf32, #tpu.memory_space<vmem>>
        %gather3A_876 = tpu.memref_squeeze %gather3A_875 : memref<1x32x128xf32, #tpu.memory_space<vmem>> -> memref<32x128xf32, #tpu.memory_space<vmem>>
        %gather3A_877 = tpu.vector_load_idx %gather3A_876[%iota3A, %broadcast_in_dim3A_868] : memref<32x128xf32, #tpu.memory_space<vmem>>[vector<16xi32>, vector<16xi32>], vector<16xf32>,
        %gather3A_878 = arith.constant 3 : i32
        %gather3A_879 = arith.constant 0 : i32
        %gather3A_880 = arith.constant 0 : i32
        %gather3A_881 = tpu.memref_slice %arg8[%gather3A_878, %gather3A_879, %gather3A_880] : memref<8x32x128xf32, #tpu.memory_space<vmem>> -> memref<1x32x128xf32, #tpu.memory_space<vmem>>
        %gather3A_882 = tpu.memref_squeeze %gather3A_881 : memref<1x32x128xf32, #tpu.memory_space<vmem>> -> memref<32x128xf32, #tpu.memory_space<vmem>>
        %gather3A_883 = tpu.vector_load_idx %gather3A_882[%add3A_6, %broadcast_in_dim3A_868] : memref<32x128xf32, #tpu.memory_space<vmem>>[vector<16xi32>, vector<16xi32>], vector<16xf32>,
        tpu.vector_store_idx %arg10[%iota3A, %broadcast_in_dim3A_871], %gather3A_877 : memref<32x1024xf32, #tpu.memory_space<vmem>>[vector<16xi32>, vector<16xi32>], vector<16xf32>,
        tpu.vector_store_idx %arg10[%add3A_6, %broadcast_in_dim3A_871], %gather3A_883 : memref<32x1024xf32, #tpu.memory_space<vmem>>[vector<16xi32>, vector<16xi32>], vector<16xf32>,
        %slice3A_884 = vector.extract_strided_slice %get3A_348 {offsets = [4], sizes = [1], strides = [1]} : vector<16xi32> to vector<1xi32>
        %squeeze3A_885 = vector.extract %slice3A_884[0] : i32 from vector<1xi32>
        %rem3A_886 = arith.constant 128 : i32
        %rem3A_887 = arith.remsi %squeeze3A_885, %rem3A_886 : i32
        %broadcast_in_dim3A_888 = vector.broadcast %rem3A_887 : i32 to vector<16xi32>
        %add3A_889 = arith.constant 4 : i32
        %add3A_890 = arith.addi %mul3A_805, %add3A_889 : i32
        %broadcast_in_dim3A_891 = vector.broadcast %add3A_890 : i32 to vector<16xi32>
        %gather3A_892 = arith.constant 4 : i32
        %gather3A_893 = arith.constant 0 : i32
        %gather3A_894 = arith.constant 0 : i32
        %gather3A_895 = tpu.memref_slice %arg8[%gather3A_892, %gather3A_893, %gather3A_894] : memref<8x32x128xf32, #tpu.memory_space<vmem>> -> memref<1x32x128xf32, #tpu.memory_space<vmem>>
        %gather3A_896 = tpu.memref_squeeze %gather3A_895 : memref<1x32x128xf32, #tpu.memory_space<vmem>> -> memref<32x128xf32, #tpu.memory_space<vmem>>
        %gather3A_897 = tpu.vector_load_idx %gather3A_896[%iota3A, %broadcast_in_dim3A_888] : memref<32x128xf32, #tpu.memory_space<vmem>>[vector<16xi32>, vector<16xi32>], vector<16xf32>,
        %gather3A_898 = arith.constant 4 : i32
        %gather3A_899 = arith.constant 0 : i32
        %gather3A_900 = arith.constant 0 : i32
        %gather3A_901 = tpu.memref_slice %arg8[%gather3A_898, %gather3A_899, %gather3A_900] : memref<8x32x128xf32, #tpu.memory_space<vmem>> -> memref<1x32x128xf32, #tpu.memory_space<vmem>>
        %gather3A_902 = tpu.memref_squeeze %gather3A_901 : memref<1x32x128xf32, #tpu.memory_space<vmem>> -> memref<32x128xf32, #tpu.memory_space<vmem>>
        %gather3A_903 = tpu.vector_load_idx %gather3A_902[%add3A_6, %broadcast_in_dim3A_888] : memref<32x128xf32, #tpu.memory_space<vmem>>[vector<16xi32>, vector<16xi32>], vector<16xf32>,
        tpu.vector_store_idx %arg10[%iota3A, %broadcast_in_dim3A_891], %gather3A_897 : memref<32x1024xf32, #tpu.memory_space<vmem>>[vector<16xi32>, vector<16xi32>], vector<16xf32>,
        tpu.vector_store_idx %arg10[%add3A_6, %broadcast_in_dim3A_891], %gather3A_903 : memref<32x1024xf32, #tpu.memory_space<vmem>>[vector<16xi32>, vector<16xi32>], vector<16xf32>,
        %slice3A_904 = vector.extract_strided_slice %get3A_348 {offsets = [5], sizes = [1], strides = [1]} : vector<16xi32> to vector<1xi32>
        %squeeze3A_905 = vector.extract %slice3A_904[0] : i32 from vector<1xi32>
        %rem3A_906 = arith.constant 128 : i32
        %rem3A_907 = arith.remsi %squeeze3A_905, %rem3A_906 : i32
        %broadcast_in_dim3A_908 = vector.broadcast %rem3A_907 : i32 to vector<16xi32>
        %add3A_909 = arith.constant 5 : i32
        %add3A_910 = arith.addi %mul3A_805, %add3A_909 : i32
        %broadcast_in_dim3A_911 = vector.broadcast %add3A_910 : i32 to vector<16xi32>
        %gather3A_912 = arith.constant 5 : i32
        %gather3A_913 = arith.constant 0 : i32
        %gather3A_914 = arith.constant 0 : i32
        %gather3A_915 = tpu.memref_slice %arg8[%gather3A_912, %gather3A_913, %gather3A_914] : memref<8x32x128xf32, #tpu.memory_space<vmem>> -> memref<1x32x128xf32, #tpu.memory_space<vmem>>
        %gather3A_916 = tpu.memref_squeeze %gather3A_915 : memref<1x32x128xf32, #tpu.memory_space<vmem>> -> memref<32x128xf32, #tpu.memory_space<vmem>>
        %gather3A_917 = tpu.vector_load_idx %gather3A_916[%iota3A, %broadcast_in_dim3A_908] : memref<32x128xf32, #tpu.memory_space<vmem>>[vector<16xi32>, vector<16xi32>], vector<16xf32>,
        %gather3A_918 = arith.constant 5 : i32
        %gather3A_919 = arith.constant 0 : i32
        %gather3A_920 = arith.constant 0 : i32
        %gather3A_921 = tpu.memref_slice %arg8[%gather3A_918, %gather3A_919, %gather3A_920] : memref<8x32x128xf32, #tpu.memory_space<vmem>> -> memref<1x32x128xf32, #tpu.memory_space<vmem>>
        %gather3A_922 = tpu.memref_squeeze %gather3A_921 : memref<1x32x128xf32, #tpu.memory_space<vmem>> -> memref<32x128xf32, #tpu.memory_space<vmem>>
        %gather3A_923 = tpu.vector_load_idx %gather3A_922[%add3A_6, %broadcast_in_dim3A_908] : memref<32x128xf32, #tpu.memory_space<vmem>>[vector<16xi32>, vector<16xi32>], vector<16xf32>,
        tpu.vector_store_idx %arg10[%iota3A, %broadcast_in_dim3A_911], %gather3A_917 : memref<32x1024xf32, #tpu.memory_space<vmem>>[vector<16xi32>, vector<16xi32>], vector<16xf32>,
        tpu.vector_store_idx %arg10[%add3A_6, %broadcast_in_dim3A_911], %gather3A_923 : memref<32x1024xf32, #tpu.memory_space<vmem>>[vector<16xi32>, vector<16xi32>], vector<16xf32>,
        %slice3A_924 = vector.extract_strided_slice %get3A_348 {offsets = [6], sizes = [1], strides = [1]} : vector<16xi32> to vector<1xi32>
        %squeeze3A_925 = vector.extract %slice3A_924[0] : i32 from vector<1xi32>
        %rem3A_926 = arith.constant 128 : i32
        %rem3A_927 = arith.remsi %squeeze3A_925, %rem3A_926 : i32
        %broadcast_in_dim3A_928 = vector.broadcast %rem3A_927 : i32 to vector<16xi32>
        %add3A_929 = arith.constant 6 : i32
        %add3A_930 = arith.addi %mul3A_805, %add3A_929 : i32
        %broadcast_in_dim3A_931 = vector.broadcast %add3A_930 : i32 to vector<16xi32>
        %gather3A_932 = arith.constant 6 : i32
        %gather3A_933 = arith.constant 0 : i32
        %gather3A_934 = arith.constant 0 : i32
        %gather3A_935 = tpu.memref_slice %arg8[%gather3A_932, %gather3A_933, %gather3A_934] : memref<8x32x128xf32, #tpu.memory_space<vmem>> -> memref<1x32x128xf32, #tpu.memory_space<vmem>>
        %gather3A_936 = tpu.memref_squeeze %gather3A_935 : memref<1x32x128xf32, #tpu.memory_space<vmem>> -> memref<32x128xf32, #tpu.memory_space<vmem>>
        %gather3A_937 = tpu.vector_load_idx %gather3A_936[%iota3A, %broadcast_in_dim3A_928] : memref<32x128xf32, #tpu.memory_space<vmem>>[vector<16xi32>, vector<16xi32>], vector<16xf32>,
        %gather3A_938 = arith.constant 6 : i32
        %gather3A_939 = arith.constant 0 : i32
        %gather3A_940 = arith.constant 0 : i32
        %gather3A_941 = tpu.memref_slice %arg8[%gather3A_938, %gather3A_939, %gather3A_940] : memref<8x32x128xf32, #tpu.memory_space<vmem>> -> memref<1x32x128xf32, #tpu.memory_space<vmem>>
        %gather3A_942 = tpu.memref_squeeze %gather3A_941 : memref<1x32x128xf32, #tpu.memory_space<vmem>> -> memref<32x128xf32, #tpu.memory_space<vmem>>
        %gather3A_943 = tpu.vector_load_idx %gather3A_942[%add3A_6, %broadcast_in_dim3A_928] : memref<32x128xf32, #tpu.memory_space<vmem>>[vector<16xi32>, vector<16xi32>], vector<16xf32>,
        tpu.vector_store_idx %arg10[%iota3A, %broadcast_in_dim3A_931], %gather3A_937 : memref<32x1024xf32, #tpu.memory_space<vmem>>[vector<16xi32>, vector<16xi32>], vector<16xf32>,
        tpu.vector_store_idx %arg10[%add3A_6, %broadcast_in_dim3A_931], %gather3A_943 : memref<32x1024xf32, #tpu.memory_space<vmem>>[vector<16xi32>, vector<16xi32>], vector<16xf32>,
        %slice3A_944 = vector.extract_strided_slice %get3A_348 {offsets = [7], sizes = [1], strides = [1]} : vector<16xi32> to vector<1xi32>
        %squeeze3A_945 = vector.extract %slice3A_944[0] : i32 from vector<1xi32>
        %rem3A_946 = arith.constant 128 : i32
        %rem3A_947 = arith.remsi %squeeze3A_945, %rem3A_946 : i32
        %broadcast_in_dim3A_948 = vector.broadcast %rem3A_947 : i32 to vector<16xi32>
        %add3A_949 = arith.constant 7 : i32
        %add3A_950 = arith.addi %mul3A_805, %add3A_949 : i32
        %broadcast_in_dim3A_951 = vector.broadcast %add3A_950 : i32 to vector<16xi32>
        %gather3A_952 = arith.constant 7 : i32
        %gather3A_953 = arith.constant 0 : i32
        %gather3A_954 = arith.constant 0 : i32
        %gather3A_955 = tpu.memref_slice %arg8[%gather3A_952, %gather3A_953, %gather3A_954] : memref<8x32x128xf32, #tpu.memory_space<vmem>> -> memref<1x32x128xf32, #tpu.memory_space<vmem>>
        %gather3A_956 = tpu.memref_squeeze %gather3A_955 : memref<1x32x128xf32, #tpu.memory_space<vmem>> -> memref<32x128xf32, #tpu.memory_space<vmem>>
        %gather3A_957 = tpu.vector_load_idx %gather3A_956[%iota3A, %broadcast_in_dim3A_948] : memref<32x128xf32, #tpu.memory_space<vmem>>[vector<16xi32>, vector<16xi32>], vector<16xf32>,
        %gather3A_958 = arith.constant 7 : i32
        %gather3A_959 = arith.constant 0 : i32
        %gather3A_960 = arith.constant 0 : i32
        %gather3A_961 = tpu.memref_slice %arg8[%gather3A_958, %gather3A_959, %gather3A_960] : memref<8x32x128xf32, #tpu.memory_space<vmem>> -> memref<1x32x128xf32, #tpu.memory_space<vmem>>
        %gather3A_962 = tpu.memref_squeeze %gather3A_961 : memref<1x32x128xf32, #tpu.memory_space<vmem>> -> memref<32x128xf32, #tpu.memory_space<vmem>>
        %gather3A_963 = tpu.vector_load_idx %gather3A_962[%add3A_6, %broadcast_in_dim3A_948] : memref<32x128xf32, #tpu.memory_space<vmem>>[vector<16xi32>, vector<16xi32>], vector<16xf32>,
        tpu.vector_store_idx %arg10[%iota3A, %broadcast_in_dim3A_951], %gather3A_957 : memref<32x1024xf32, #tpu.memory_space<vmem>>[vector<16xi32>, vector<16xi32>], vector<16xf32>,
        tpu.vector_store_idx %arg10[%add3A_6, %broadcast_in_dim3A_951], %gather3A_963 : memref<32x1024xf32, #tpu.memory_space<vmem>>[vector<16xi32>, vector<16xi32>], vector<16xf32>,
        %lt3A_964 = arith.constant 63 : i32
        %lt3A_965 = arith.cmpi slt, %scan3A_344, %lt3A_964 : i32
        %convert_element_type3A_966 = arith.extui %lt3A_965 : i1 to i32
        %cond3A_967 = arith.constant 0 : i32
        %cond3A_968 = arith.cmpi ne, %convert_element_type3A_966, %cond3A_967 : i32
        scf.if %cond3A_968 {
          %add3A_1253 = arith.constant 1 : i32
          %add3A_1254 = arith.addi %scan3A_344, %add3A_1253 : i32
          %mul3A_1255 = arith.constant 16 : i32
          %mul3A_1256 = arith.muli %add3A_1254, %mul3A_1255 : i32
          %get3A_1257 = arith.index_cast %mul3A_1256 : i32 to index
          %get3A_1258 = tpu.vector_load %arg7[%get3A_1257] {strides = array<i32>} : memref<1024xi32, #tpu.memory_space<vmem>>, vector<16xi32>,
          %slice3A_1259 = vector.extract_strided_slice %get3A_1258 {offsets = [0], sizes = [1], strides = [1]} : vector<16xi32> to vector<1xi32>
          %squeeze3A_1260 = vector.extract %slice3A_1259[0] : i32 from vector<1xi32>
          %jit3A_1261 = arith.constant 128 : i32
          %div3A_1262 = arith.divsi %squeeze3A_1260, %jit3A_1261 : i32
          %sign3A_1263 = arith.constant 0 : i32
          %sign3A_1264 = arith.cmpi sgt, %squeeze3A_1260, %sign3A_1263 : i32
          %sign3A_1265 = arith.extui %sign3A_1264 : i1 to i32
          %sign3A_1266 = arith.constant 0 : i32
          %sign3A_1267 = arith.cmpi slt, %squeeze3A_1260, %sign3A_1266 : i32
          %sign3A_1268 = arith.extui %sign3A_1267 : i1 to i32
          %sign3A_1269 = arith.subi %sign3A_1265, %sign3A_1268 : i32
          %sign3A_1270 = arith.constant 0 : i32
          %sign3A_1271 = arith.cmpi sgt, %jit3A_1261, %sign3A_1270 : i32
          %sign3A_1272 = arith.extui %sign3A_1271 : i1 to i32
          %sign3A_1273 = arith.constant 0 : i32
          %sign3A_1274 = arith.cmpi slt, %jit3A_1261, %sign3A_1273 : i32
          %sign3A_1275 = arith.extui %sign3A_1274 : i1 to i32
          %sign3A_1276 = arith.subi %sign3A_1272, %sign3A_1275 : i32
          %ne3A_1277 = arith.cmpi ne, %sign3A_1269, %sign3A_1276 : i32
          %rem3A_1278 = arith.remsi %squeeze3A_1260, %jit3A_1261 : i32
          %ne3A_1279 = arith.constant 0 : i32
          %ne3A_1280 = arith.cmpi ne, %rem3A_1278, %ne3A_1279 : i32
          %and3A_1281 = arith.andi %ne3A_1277, %ne3A_1280 : i1
          %sub3A_1282 = arith.constant 1 : i32
          %sub3A_1283 = arith.subi %div3A_1262, %sub3A_1282 : i32
          %select_n3A_1284 = arith.select %and3A_1281, %sub3A_1283, %div3A_1262 : i32
          %mul3A_1285 = arith.constant 128 : i32
          %mul3A_1286 = arith.muli %select_n3A_1284, %mul3A_1285 : i32
          %multiple_of3A_1287 = tpu.assume_multiple %mul3A_1286, 128 : i32
          %dma_start3A_1288 = arith.constant 0 : i32
          %dma_start3A_1289 = arith.constant 0 : i32
          %dma_start3A_1290 = arith.constant 0 : i32
          %dma_start3A_1291 = tpu.memref_slice %arg8[%dma_start3A_1288, %dma_start3A_1289, %dma_start3A_1290] : memref<8x32x128xf32, #tpu.memory_space<vmem>> -> memref<1x32x128xf32, #tpu.memory_space<vmem>>
          %dma_start3A_1292 = tpu.memref_squeeze %dma_start3A_1291 : memref<1x32x128xf32, #tpu.memory_space<vmem>> -> memref<32x128xf32, #tpu.memory_space<vmem>>
          %dma_start3A_1293 = arith.constant 0 : i32
          %dma_start3A_1294 = tpu.memref_slice %arg4[%dma_start3A_1293, %multiple_of3A_1287] : memref<32x1000000xf32, #tpu.memory_space<hbm>> -> memref<32x128xf32, #tpu.memory_space<hbm>>
          %dma_start3A_1295 = arith.constant 0 : i32
          %dma_start3A_1296 = arith.constant 0 : i32
          %dma_start3A_1297 = tpu.memref_slice %arg8[%dma_start3A_1288, %dma_start3A_1295, %dma_start3A_1296] : memref<8x32x128xf32, #tpu.memory_space<vmem>> -> memref<1x32x128xf32, #tpu.memory_space<vmem>>
          %dma_start3A_1298 = tpu.memref_squeeze %dma_start3A_1297 : memref<1x32x128xf32, #tpu.memory_space<vmem>> -> memref<32x128xf32, #tpu.memory_space<vmem>>
          %dma_start3A_1299 = arith.constant 0 : i32
          %dma_start3A_1300 = tpu.memref_slice %arg4[%dma_start3A_1299, %multiple_of3A_1287] : memref<32x1000000xf32, #tpu.memory_space<hbm>> -> memref<32x128xf32, #tpu.memory_space<hbm>>
          tpu.enqueue_dma source(%dma_start3A_1300 : memref<32x128xf32, #tpu.memory_space<hbm>>) target(%dma_start3A_1298 : memref<32x128xf32, #tpu.memory_space<vmem>>) target_semaphore(%arg11 : memref<!tpu.dma_semaphore, #tpu.memory_space<semaphore_mem>>)
          %slice3A_1301 = vector.extract_strided_slice %get3A_1258 {offsets = [1], sizes = [1], strides = [1]} : vector<16xi32> to vector<1xi32>
          %squeeze3A_1302 = vector.extract %slice3A_1301[0] : i32 from vector<1xi32>
          %jit3A_1303 = arith.constant 128 : i32
          %div3A_1304 = arith.divsi %squeeze3A_1302, %jit3A_1303 : i32
          %sign3A_1305 = arith.constant 0 : i32
          %sign3A_1306 = arith.cmpi sgt, %squeeze3A_1302, %sign3A_1305 : i32
          %sign3A_1307 = arith.extui %sign3A_1306 : i1 to i32
          %sign3A_1308 = arith.constant 0 : i32
          %sign3A_1309 = arith.cmpi slt, %squeeze3A_1302, %sign3A_1308 : i32
          %sign3A_1310 = arith.extui %sign3A_1309 : i1 to i32
          %sign3A_1311 = arith.subi %sign3A_1307, %sign3A_1310 : i32
          %sign3A_1312 = arith.constant 0 : i32
          %sign3A_1313 = arith.cmpi sgt, %jit3A_1303, %sign3A_1312 : i32
          %sign3A_1314 = arith.extui %sign3A_1313 : i1 to i32
          %sign3A_1315 = arith.constant 0 : i32
          %sign3A_1316 = arith.cmpi slt, %jit3A_1303, %sign3A_1315 : i32
          %sign3A_1317 = arith.extui %sign3A_1316 : i1 to i32
          %sign3A_1318 = arith.subi %sign3A_1314, %sign3A_1317 : i32
          %ne3A_1319 = arith.cmpi ne, %sign3A_1311, %sign3A_1318 : i32
          %rem3A_1320 = arith.remsi %squeeze3A_1302, %jit3A_1303 : i32
          %ne3A_1321 = arith.constant 0 : i32
          %ne3A_1322 = arith.cmpi ne, %rem3A_1320, %ne3A_1321 : i32
          %and3A_1323 = arith.andi %ne3A_1319, %ne3A_1322 : i1
          %sub3A_1324 = arith.constant 1 : i32
          %sub3A_1325 = arith.subi %div3A_1304, %sub3A_1324 : i32
          %select_n3A_1326 = arith.select %and3A_1323, %sub3A_1325, %div3A_1304 : i32
          %mul3A_1327 = arith.constant 128 : i32
          %mul3A_1328 = arith.muli %select_n3A_1326, %mul3A_1327 : i32
          %multiple_of3A_1329 = tpu.assume_multiple %mul3A_1328, 128 : i32
          %dma_start3A_1330 = arith.constant 1 : i32
          %dma_start3A_1331 = arith.constant 0 : i32
          %dma_start3A_1332 = arith.constant 0 : i32
          %dma_start3A_1333 = tpu.memref_slice %arg8[%dma_start3A_1330, %dma_start3A_1331, %dma_start3A_1332] : memref<8x32x128xf32, #tpu.memory_space<vmem>> -> memref<1x32x128xf32, #tpu.memory_space<vmem>>
          %dma_start3A_1334 = tpu.memref_squeeze %dma_start3A_1333 : memref<1x32x128xf32, #tpu.memory_space<vmem>> -> memref<32x128xf32, #tpu.memory_space<vmem>>
          %dma_start3A_1335 = arith.constant 0 : i32
          %dma_start3A_1336 = tpu.memref_slice %arg4[%dma_start3A_1335, %multiple_of3A_1329] : memref<32x1000000xf32, #tpu.memory_space<hbm>> -> memref<32x128xf32, #tpu.memory_space<hbm>>
          %dma_start3A_1337 = arith.constant 0 : i32
          %dma_start3A_1338 = arith.constant 0 : i32
          %dma_start3A_1339 = tpu.memref_slice %arg8[%dma_start3A_1330, %dma_start3A_1337, %dma_start3A_1338] : memref<8x32x128xf32, #tpu.memory_space<vmem>> -> memref<1x32x128xf32, #tpu.memory_space<vmem>>
          %dma_start3A_1340 = tpu.memref_squeeze %dma_start3A_1339 : memref<1x32x128xf32, #tpu.memory_space<vmem>> -> memref<32x128xf32, #tpu.memory_space<vmem>>
          %dma_start3A_1341 = arith.constant 0 : i32
          %dma_start3A_1342 = tpu.memref_slice %arg4[%dma_start3A_1341, %multiple_of3A_1329] : memref<32x1000000xf32, #tpu.memory_space<hbm>> -> memref<32x128xf32, #tpu.memory_space<hbm>>
          tpu.enqueue_dma source(%dma_start3A_1342 : memref<32x128xf32, #tpu.memory_space<hbm>>) target(%dma_start3A_1340 : memref<32x128xf32, #tpu.memory_space<vmem>>) target_semaphore(%arg11 : memref<!tpu.dma_semaphore, #tpu.memory_space<semaphore_mem>>)
          %slice3A_1343 = vector.extract_strided_slice %get3A_1258 {offsets = [2], sizes = [1], strides = [1]} : vector<16xi32> to vector<1xi32>
          %squeeze3A_1344 = vector.extract %slice3A_1343[0] : i32 from vector<1xi32>
          %jit3A_1345 = arith.constant 128 : i32
          %div3A_1346 = arith.divsi %squeeze3A_1344, %jit3A_1345 : i32
          %sign3A_1347 = arith.constant 0 : i32
          %sign3A_1348 = arith.cmpi sgt, %squeeze3A_1344, %sign3A_1347 : i32
          %sign3A_1349 = arith.extui %sign3A_1348 : i1 to i32
          %sign3A_1350 = arith.constant 0 : i32
          %sign3A_1351 = arith.cmpi slt, %squeeze3A_1344, %sign3A_1350 : i32
          %sign3A_1352 = arith.extui %sign3A_1351 : i1 to i32
          %sign3A_1353 = arith.subi %sign3A_1349, %sign3A_1352 : i32
          %sign3A_1354 = arith.constant 0 : i32
          %sign3A_1355 = arith.cmpi sgt, %jit3A_1345, %sign3A_1354 : i32
          %sign3A_1356 = arith.extui %sign3A_1355 : i1 to i32
          %sign3A_1357 = arith.constant 0 : i32
          %sign3A_1358 = arith.cmpi slt, %jit3A_1345, %sign3A_1357 : i32
          %sign3A_1359 = arith.extui %sign3A_1358 : i1 to i32
          %sign3A_1360 = arith.subi %sign3A_1356, %sign3A_1359 : i32
          %ne3A_1361 = arith.cmpi ne, %sign3A_1353, %sign3A_1360 : i32
          %rem3A_1362 = arith.remsi %squeeze3A_1344, %jit3A_1345 : i32
          %ne3A_1363 = arith.constant 0 : i32
          %ne3A_1364 = arith.cmpi ne, %rem3A_1362, %ne3A_1363 : i32
          %and3A_1365 = arith.andi %ne3A_1361, %ne3A_1364 : i1
          %sub3A_1366 = arith.constant 1 : i32
          %sub3A_1367 = arith.subi %div3A_1346, %sub3A_1366 : i32
          %select_n3A_1368 = arith.select %and3A_1365, %sub3A_1367, %div3A_1346 : i32
          %mul3A_1369 = arith.constant 128 : i32
          %mul3A_1370 = arith.muli %select_n3A_1368, %mul3A_1369 : i32
          %multiple_of3A_1371 = tpu.assume_multiple %mul3A_1370, 128 : i32
          %dma_start3A_1372 = arith.constant 2 : i32
          %dma_start3A_1373 = arith.constant 0 : i32
          %dma_start3A_1374 = arith.constant 0 : i32
          %dma_start3A_1375 = tpu.memref_slice %arg8[%dma_start3A_1372, %dma_start3A_1373, %dma_start3A_1374] : memref<8x32x128xf32, #tpu.memory_space<vmem>> -> memref<1x32x128xf32, #tpu.memory_space<vmem>>
          %dma_start3A_1376 = tpu.memref_squeeze %dma_start3A_1375 : memref<1x32x128xf32, #tpu.memory_space<vmem>> -> memref<32x128xf32, #tpu.memory_space<vmem>>
          %dma_start3A_1377 = arith.constant 0 : i32
          %dma_start3A_1378 = tpu.memref_slice %arg4[%dma_start3A_1377, %multiple_of3A_1371] : memref<32x1000000xf32, #tpu.memory_space<hbm>> -> memref<32x128xf32, #tpu.memory_space<hbm>>
          %dma_start3A_1379 = arith.constant 0 : i32
          %dma_start3A_1380 = arith.constant 0 : i32
          %dma_start3A_1381 = tpu.memref_slice %arg8[%dma_start3A_1372, %dma_start3A_1379, %dma_start3A_1380] : memref<8x32x128xf32, #tpu.memory_space<vmem>> -> memref<1x32x128xf32, #tpu.memory_space<vmem>>
          %dma_start3A_1382 = tpu.memref_squeeze %dma_start3A_1381 : memref<1x32x128xf32, #tpu.memory_space<vmem>> -> memref<32x128xf32, #tpu.memory_space<vmem>>
          %dma_start3A_1383 = arith.constant 0 : i32
          %dma_start3A_1384 = tpu.memref_slice %arg4[%dma_start3A_1383, %multiple_of3A_1371] : memref<32x1000000xf32, #tpu.memory_space<hbm>> -> memref<32x128xf32, #tpu.memory_space<hbm>>
          tpu.enqueue_dma source(%dma_start3A_1384 : memref<32x128xf32, #tpu.memory_space<hbm>>) target(%dma_start3A_1382 : memref<32x128xf32, #tpu.memory_space<vmem>>) target_semaphore(%arg11 : memref<!tpu.dma_semaphore, #tpu.memory_space<semaphore_mem>>)
          %slice3A_1385 = vector.extract_strided_slice %get3A_1258 {offsets = [3], sizes = [1], strides = [1]} : vector<16xi32> to vector<1xi32>
          %squeeze3A_1386 = vector.extract %slice3A_1385[0] : i32 from vector<1xi32>
          %jit3A_1387 = arith.constant 128 : i32
          %div3A_1388 = arith.divsi %squeeze3A_1386, %jit3A_1387 : i32
          %sign3A_1389 = arith.constant 0 : i32
          %sign3A_1390 = arith.cmpi sgt, %squeeze3A_1386, %sign3A_1389 : i32
          %sign3A_1391 = arith.extui %sign3A_1390 : i1 to i32
          %sign3A_1392 = arith.constant 0 : i32
          %sign3A_1393 = arith.cmpi slt, %squeeze3A_1386, %sign3A_1392 : i32
          %sign3A_1394 = arith.extui %sign3A_1393 : i1 to i32
          %sign3A_1395 = arith.subi %sign3A_1391, %sign3A_1394 : i32
          %sign3A_1396 = arith.constant 0 : i32
          %sign3A_1397 = arith.cmpi sgt, %jit3A_1387, %sign3A_1396 : i32
          %sign3A_1398 = arith.extui %sign3A_1397 : i1 to i32
          %sign3A_1399 = arith.constant 0 : i32
          %sign3A_1400 = arith.cmpi slt, %jit3A_1387, %sign3A_1399 : i32
          %sign3A_1401 = arith.extui %sign3A_1400 : i1 to i32
          %sign3A_1402 = arith.subi %sign3A_1398, %sign3A_1401 : i32
          %ne3A_1403 = arith.cmpi ne, %sign3A_1395, %sign3A_1402 : i32
          %rem3A_1404 = arith.remsi %squeeze3A_1386, %jit3A_1387 : i32
          %ne3A_1405 = arith.constant 0 : i32
          %ne3A_1406 = arith.cmpi ne, %rem3A_1404, %ne3A_1405 : i32
          %and3A_1407 = arith.andi %ne3A_1403, %ne3A_1406 : i1
          %sub3A_1408 = arith.constant 1 : i32
          %sub3A_1409 = arith.subi %div3A_1388, %sub3A_1408 : i32
          %select_n3A_1410 = arith.select %and3A_1407, %sub3A_1409, %div3A_1388 : i32
          %mul3A_1411 = arith.constant 128 : i32
          %mul3A_1412 = arith.muli %select_n3A_1410, %mul3A_1411 : i32
          %multiple_of3A_1413 = tpu.assume_multiple %mul3A_1412, 128 : i32
          %dma_start3A_1414 = arith.constant 3 : i32
          %dma_start3A_1415 = arith.constant 0 : i32
          %dma_start3A_1416 = arith.constant 0 : i32
          %dma_start3A_1417 = tpu.memref_slice %arg8[%dma_start3A_1414, %dma_start3A_1415, %dma_start3A_1416] : memref<8x32x128xf32, #tpu.memory_space<vmem>> -> memref<1x32x128xf32, #tpu.memory_space<vmem>>
          %dma_start3A_1418 = tpu.memref_squeeze %dma_start3A_1417 : memref<1x32x128xf32, #tpu.memory_space<vmem>> -> memref<32x128xf32, #tpu.memory_space<vmem>>
          %dma_start3A_1419 = arith.constant 0 : i32
          %dma_start3A_1420 = tpu.memref_slice %arg4[%dma_start3A_1419, %multiple_of3A_1413] : memref<32x1000000xf32, #tpu.memory_space<hbm>> -> memref<32x128xf32, #tpu.memory_space<hbm>>
          %dma_start3A_1421 = arith.constant 0 : i32
          %dma_start3A_1422 = arith.constant 0 : i32
          %dma_start3A_1423 = tpu.memref_slice %arg8[%dma_start3A_1414, %dma_start3A_1421, %dma_start3A_1422] : memref<8x32x128xf32, #tpu.memory_space<vmem>> -> memref<1x32x128xf32, #tpu.memory_space<vmem>>
          %dma_start3A_1424 = tpu.memref_squeeze %dma_start3A_1423 : memref<1x32x128xf32, #tpu.memory_space<vmem>> -> memref<32x128xf32, #tpu.memory_space<vmem>>
          %dma_start3A_1425 = arith.constant 0 : i32
          %dma_start3A_1426 = tpu.memref_slice %arg4[%dma_start3A_1425, %multiple_of3A_1413] : memref<32x1000000xf32, #tpu.memory_space<hbm>> -> memref<32x128xf32, #tpu.memory_space<hbm>>
          tpu.enqueue_dma source(%dma_start3A_1426 : memref<32x128xf32, #tpu.memory_space<hbm>>) target(%dma_start3A_1424 : memref<32x128xf32, #tpu.memory_space<vmem>>) target_semaphore(%arg11 : memref<!tpu.dma_semaphore, #tpu.memory_space<semaphore_mem>>)
          %slice3A_1427 = vector.extract_strided_slice %get3A_1258 {offsets = [4], sizes = [1], strides = [1]} : vector<16xi32> to vector<1xi32>
          %squeeze3A_1428 = vector.extract %slice3A_1427[0] : i32 from vector<1xi32>
          %jit3A_1429 = arith.constant 128 : i32
          %div3A_1430 = arith.divsi %squeeze3A_1428, %jit3A_1429 : i32
          %sign3A_1431 = arith.constant 0 : i32
          %sign3A_1432 = arith.cmpi sgt, %squeeze3A_1428, %sign3A_1431 : i32
          %sign3A_1433 = arith.extui %sign3A_1432 : i1 to i32
          %sign3A_1434 = arith.constant 0 : i32
          %sign3A_1435 = arith.cmpi slt, %squeeze3A_1428, %sign3A_1434 : i32
          %sign3A_1436 = arith.extui %sign3A_1435 : i1 to i32
          %sign3A_1437 = arith.subi %sign3A_1433, %sign3A_1436 : i32
          %sign3A_1438 = arith.constant 0 : i32
          %sign3A_1439 = arith.cmpi sgt, %jit3A_1429, %sign3A_1438 : i32
          %sign3A_1440 = arith.extui %sign3A_1439 : i1 to i32
          %sign3A_1441 = arith.constant 0 : i32
          %sign3A_1442 = arith.cmpi slt, %jit3A_1429, %sign3A_1441 : i32
          %sign3A_1443 = arith.extui %sign3A_1442 : i1 to i32
          %sign3A_1444 = arith.subi %sign3A_1440, %sign3A_1443 : i32
          %ne3A_1445 = arith.cmpi ne, %sign3A_1437, %sign3A_1444 : i32
          %rem3A_1446 = arith.remsi %squeeze3A_1428, %jit3A_1429 : i32
          %ne3A_1447 = arith.constant 0 : i32
          %ne3A_1448 = arith.cmpi ne, %rem3A_1446, %ne3A_1447 : i32
          %and3A_1449 = arith.andi %ne3A_1445, %ne3A_1448 : i1
          %sub3A_1450 = arith.constant 1 : i32
          %sub3A_1451 = arith.subi %div3A_1430, %sub3A_1450 : i32
          %select_n3A_1452 = arith.select %and3A_1449, %sub3A_1451, %div3A_1430 : i32
          %mul3A_1453 = arith.constant 128 : i32
          %mul3A_1454 = arith.muli %select_n3A_1452, %mul3A_1453 : i32
          %multiple_of3A_1455 = tpu.assume_multiple %mul3A_1454, 128 : i32
          %dma_start3A_1456 = arith.constant 4 : i32
          %dma_start3A_1457 = arith.constant 0 : i32
          %dma_start3A_1458 = arith.constant 0 : i32
          %dma_start3A_1459 = tpu.memref_slice %arg8[%dma_start3A_1456, %dma_start3A_1457, %dma_start3A_1458] : memref<8x32x128xf32, #tpu.memory_space<vmem>> -> memref<1x32x128xf32, #tpu.memory_space<vmem>>
          %dma_start3A_1460 = tpu.memref_squeeze %dma_start3A_1459 : memref<1x32x128xf32, #tpu.memory_space<vmem>> -> memref<32x128xf32, #tpu.memory_space<vmem>>
          %dma_start3A_1461 = arith.constant 0 : i32
          %dma_start3A_1462 = tpu.memref_slice %arg4[%dma_start3A_1461, %multiple_of3A_1455] : memref<32x1000000xf32, #tpu.memory_space<hbm>> -> memref<32x128xf32, #tpu.memory_space<hbm>>
          %dma_start3A_1463 = arith.constant 0 : i32
          %dma_start3A_1464 = arith.constant 0 : i32
          %dma_start3A_1465 = tpu.memref_slice %arg8[%dma_start3A_1456, %dma_start3A_1463, %dma_start3A_1464] : memref<8x32x128xf32, #tpu.memory_space<vmem>> -> memref<1x32x128xf32, #tpu.memory_space<vmem>>
          %dma_start3A_1466 = tpu.memref_squeeze %dma_start3A_1465 : memref<1x32x128xf32, #tpu.memory_space<vmem>> -> memref<32x128xf32, #tpu.memory_space<vmem>>
          %dma_start3A_1467 = arith.constant 0 : i32
          %dma_start3A_1468 = tpu.memref_slice %arg4[%dma_start3A_1467, %multiple_of3A_1455] : memref<32x1000000xf32, #tpu.memory_space<hbm>> -> memref<32x128xf32, #tpu.memory_space<hbm>>
          tpu.enqueue_dma source(%dma_start3A_1468 : memref<32x128xf32, #tpu.memory_space<hbm>>) target(%dma_start3A_1466 : memref<32x128xf32, #tpu.memory_space<vmem>>) target_semaphore(%arg11 : memref<!tpu.dma_semaphore, #tpu.memory_space<semaphore_mem>>)
          %slice3A_1469 = vector.extract_strided_slice %get3A_1258 {offsets = [5], sizes = [1], strides = [1]} : vector<16xi32> to vector<1xi32>
          %squeeze3A_1470 = vector.extract %slice3A_1469[0] : i32 from vector<1xi32>
          %jit3A_1471 = arith.constant 128 : i32
          %div3A_1472 = arith.divsi %squeeze3A_1470, %jit3A_1471 : i32
          %sign3A_1473 = arith.constant 0 : i32
          %sign3A_1474 = arith.cmpi sgt, %squeeze3A_1470, %sign3A_1473 : i32
          %sign3A_1475 = arith.extui %sign3A_1474 : i1 to i32
          %sign3A_1476 = arith.constant 0 : i32
          %sign3A_1477 = arith.cmpi slt, %squeeze3A_1470, %sign3A_1476 : i32
          %sign3A_1478 = arith.extui %sign3A_1477 : i1 to i32
          %sign3A_1479 = arith.subi %sign3A_1475, %sign3A_1478 : i32
          %sign3A_1480 = arith.constant 0 : i32
          %sign3A_1481 = arith.cmpi sgt, %jit3A_1471, %sign3A_1480 : i32
          %sign3A_1482 = arith.extui %sign3A_1481 : i1 to i32
          %sign3A_1483 = arith.constant 0 : i32
          %sign3A_1484 = arith.cmpi slt, %jit3A_1471, %sign3A_1483 : i32
          %sign3A_1485 = arith.extui %sign3A_1484 : i1 to i32
          %sign3A_1486 = arith.subi %sign3A_1482, %sign3A_1485 : i32
          %ne3A_1487 = arith.cmpi ne, %sign3A_1479, %sign3A_1486 : i32
          %rem3A_1488 = arith.remsi %squeeze3A_1470, %jit3A_1471 : i32
          %ne3A_1489 = arith.constant 0 : i32
          %ne3A_1490 = arith.cmpi ne, %rem3A_1488, %ne3A_1489 : i32
          %and3A_1491 = arith.andi %ne3A_1487, %ne3A_1490 : i1
          %sub3A_1492 = arith.constant 1 : i32
          %sub3A_1493 = arith.subi %div3A_1472, %sub3A_1492 : i32
          %select_n3A_1494 = arith.select %and3A_1491, %sub3A_1493, %div3A_1472 : i32
          %mul3A_1495 = arith.constant 128 : i32
          %mul3A_1496 = arith.muli %select_n3A_1494, %mul3A_1495 : i32
          %multiple_of3A_1497 = tpu.assume_multiple %mul3A_1496, 128 : i32
          %dma_start3A_1498 = arith.constant 5 : i32
          %dma_start3A_1499 = arith.constant 0 : i32
          %dma_start3A_1500 = arith.constant 0 : i32
          %dma_start3A_1501 = tpu.memref_slice %arg8[%dma_start3A_1498, %dma_start3A_1499, %dma_start3A_1500] : memref<8x32x128xf32, #tpu.memory_space<vmem>> -> memref<1x32x128xf32, #tpu.memory_space<vmem>>
          %dma_start3A_1502 = tpu.memref_squeeze %dma_start3A_1501 : memref<1x32x128xf32, #tpu.memory_space<vmem>> -> memref<32x128xf32, #tpu.memory_space<vmem>>
          %dma_start3A_1503 = arith.constant 0 : i32
          %dma_start3A_1504 = tpu.memref_slice %arg4[%dma_start3A_1503, %multiple_of3A_1497] : memref<32x1000000xf32, #tpu.memory_space<hbm>> -> memref<32x128xf32, #tpu.memory_space<hbm>>
          %dma_start3A_1505 = arith.constant 0 : i32
          %dma_start3A_1506 = arith.constant 0 : i32
          %dma_start3A_1507 = tpu.memref_slice %arg8[%dma_start3A_1498, %dma_start3A_1505, %dma_start3A_1506] : memref<8x32x128xf32, #tpu.memory_space<vmem>> -> memref<1x32x128xf32, #tpu.memory_space<vmem>>
          %dma_start3A_1508 = tpu.memref_squeeze %dma_start3A_1507 : memref<1x32x128xf32, #tpu.memory_space<vmem>> -> memref<32x128xf32, #tpu.memory_space<vmem>>
          %dma_start3A_1509 = arith.constant 0 : i32
          %dma_start3A_1510 = tpu.memref_slice %arg4[%dma_start3A_1509, %multiple_of3A_1497] : memref<32x1000000xf32, #tpu.memory_space<hbm>> -> memref<32x128xf32, #tpu.memory_space<hbm>>
          tpu.enqueue_dma source(%dma_start3A_1510 : memref<32x128xf32, #tpu.memory_space<hbm>>) target(%dma_start3A_1508 : memref<32x128xf32, #tpu.memory_space<vmem>>) target_semaphore(%arg11 : memref<!tpu.dma_semaphore, #tpu.memory_space<semaphore_mem>>)
          %slice3A_1511 = vector.extract_strided_slice %get3A_1258 {offsets = [6], sizes = [1], strides = [1]} : vector<16xi32> to vector<1xi32>
          %squeeze3A_1512 = vector.extract %slice3A_1511[0] : i32 from vector<1xi32>
          %jit3A_1513 = arith.constant 128 : i32
          %div3A_1514 = arith.divsi %squeeze3A_1512, %jit3A_1513 : i32
          %sign3A_1515 = arith.constant 0 : i32
          %sign3A_1516 = arith.cmpi sgt, %squeeze3A_1512, %sign3A_1515 : i32
          %sign3A_1517 = arith.extui %sign3A_1516 : i1 to i32
          %sign3A_1518 = arith.constant 0 : i32
          %sign3A_1519 = arith.cmpi slt, %squeeze3A_1512, %sign3A_1518 : i32
          %sign3A_1520 = arith.extui %sign3A_1519 : i1 to i32
          %sign3A_1521 = arith.subi %sign3A_1517, %sign3A_1520 : i32
          %sign3A_1522 = arith.constant 0 : i32
          %sign3A_1523 = arith.cmpi sgt, %jit3A_1513, %sign3A_1522 : i32
          %sign3A_1524 = arith.extui %sign3A_1523 : i1 to i32
          %sign3A_1525 = arith.constant 0 : i32
          %sign3A_1526 = arith.cmpi slt, %jit3A_1513, %sign3A_1525 : i32
          %sign3A_1527 = arith.extui %sign3A_1526 : i1 to i32
          %sign3A_1528 = arith.subi %sign3A_1524, %sign3A_1527 : i32
          %ne3A_1529 = arith.cmpi ne, %sign3A_1521, %sign3A_1528 : i32
          %rem3A_1530 = arith.remsi %squeeze3A_1512, %jit3A_1513 : i32
          %ne3A_1531 = arith.constant 0 : i32
          %ne3A_1532 = arith.cmpi ne, %rem3A_1530, %ne3A_1531 : i32
          %and3A_1533 = arith.andi %ne3A_1529, %ne3A_1532 : i1
          %sub3A_1534 = arith.constant 1 : i32
          %sub3A_1535 = arith.subi %div3A_1514, %sub3A_1534 : i32
          %select_n3A_1536 = arith.select %and3A_1533, %sub3A_1535, %div3A_1514 : i32
          %mul3A_1537 = arith.constant 128 : i32
          %mul3A_1538 = arith.muli %select_n3A_1536, %mul3A_1537 : i32
          %multiple_of3A_1539 = tpu.assume_multiple %mul3A_1538, 128 : i32
          %dma_start3A_1540 = arith.constant 6 : i32
          %dma_start3A_1541 = arith.constant 0 : i32
          %dma_start3A_1542 = arith.constant 0 : i32
          %dma_start3A_1543 = tpu.memref_slice %arg8[%dma_start3A_1540, %dma_start3A_1541, %dma_start3A_1542] : memref<8x32x128xf32, #tpu.memory_space<vmem>> -> memref<1x32x128xf32, #tpu.memory_space<vmem>>
          %dma_start3A_1544 = tpu.memref_squeeze %dma_start3A_1543 : memref<1x32x128xf32, #tpu.memory_space<vmem>> -> memref<32x128xf32, #tpu.memory_space<vmem>>
          %dma_start3A_1545 = arith.constant 0 : i32
          %dma_start3A_1546 = tpu.memref_slice %arg4[%dma_start3A_1545, %multiple_of3A_1539] : memref<32x1000000xf32, #tpu.memory_space<hbm>> -> memref<32x128xf32, #tpu.memory_space<hbm>>
          %dma_start3A_1547 = arith.constant 0 : i32
          %dma_start3A_1548 = arith.constant 0 : i32
          %dma_start3A_1549 = tpu.memref_slice %arg8[%dma_start3A_1540, %dma_start3A_1547, %dma_start3A_1548] : memref<8x32x128xf32, #tpu.memory_space<vmem>> -> memref<1x32x128xf32, #tpu.memory_space<vmem>>
          %dma_start3A_1550 = tpu.memref_squeeze %dma_start3A_1549 : memref<1x32x128xf32, #tpu.memory_space<vmem>> -> memref<32x128xf32, #tpu.memory_space<vmem>>
          %dma_start3A_1551 = arith.constant 0 : i32
          %dma_start3A_1552 = tpu.memref_slice %arg4[%dma_start3A_1551, %multiple_of3A_1539] : memref<32x1000000xf32, #tpu.memory_space<hbm>> -> memref<32x128xf32, #tpu.memory_space<hbm>>
          tpu.enqueue_dma source(%dma_start3A_1552 : memref<32x128xf32, #tpu.memory_space<hbm>>) target(%dma_start3A_1550 : memref<32x128xf32, #tpu.memory_space<vmem>>) target_semaphore(%arg11 : memref<!tpu.dma_semaphore, #tpu.memory_space<semaphore_mem>>)
          %slice3A_1553 = vector.extract_strided_slice %get3A_1258 {offsets = [7], sizes = [1], strides = [1]} : vector<16xi32> to vector<1xi32>
          %squeeze3A_1554 = vector.extract %slice3A_1553[0] : i32 from vector<1xi32>
          %jit3A_1555 = arith.constant 128 : i32
          %div3A_1556 = arith.divsi %squeeze3A_1554, %jit3A_1555 : i32
          %sign3A_1557 = arith.constant 0 : i32
          %sign3A_1558 = arith.cmpi sgt, %squeeze3A_1554, %sign3A_1557 : i32
          %sign3A_1559 = arith.extui %sign3A_1558 : i1 to i32
          %sign3A_1560 = arith.constant 0 : i32
          %sign3A_1561 = arith.cmpi slt, %squeeze3A_1554, %sign3A_1560 : i32
          %sign3A_1562 = arith.extui %sign3A_1561 : i1 to i32
          %sign3A_1563 = arith.subi %sign3A_1559, %sign3A_1562 : i32
          %sign3A_1564 = arith.constant 0 : i32
          %sign3A_1565 = arith.cmpi sgt, %jit3A_1555, %sign3A_1564 : i32
          %sign3A_1566 = arith.extui %sign3A_1565 : i1 to i32
          %sign3A_1567 = arith.constant 0 : i32
          %sign3A_1568 = arith.cmpi slt, %jit3A_1555, %sign3A_1567 : i32
          %sign3A_1569 = arith.extui %sign3A_1568 : i1 to i32
          %sign3A_1570 = arith.subi %sign3A_1566, %sign3A_1569 : i32
          %ne3A_1571 = arith.cmpi ne, %sign3A_1563, %sign3A_1570 : i32
          %rem3A_1572 = arith.remsi %squeeze3A_1554, %jit3A_1555 : i32
          %ne3A_1573 = arith.constant 0 : i32
          %ne3A_1574 = arith.cmpi ne, %rem3A_1572, %ne3A_1573 : i32
          %and3A_1575 = arith.andi %ne3A_1571, %ne3A_1574 : i1
          %sub3A_1576 = arith.constant 1 : i32
          %sub3A_1577 = arith.subi %div3A_1556, %sub3A_1576 : i32
          %select_n3A_1578 = arith.select %and3A_1575, %sub3A_1577, %div3A_1556 : i32
          %mul3A_1579 = arith.constant 128 : i32
          %mul3A_1580 = arith.muli %select_n3A_1578, %mul3A_1579 : i32
          %multiple_of3A_1581 = tpu.assume_multiple %mul3A_1580, 128 : i32
          %dma_start3A_1582 = arith.constant 7 : i32
          %dma_start3A_1583 = arith.constant 0 : i32
          %dma_start3A_1584 = arith.constant 0 : i32
          %dma_start3A_1585 = tpu.memref_slice %arg8[%dma_start3A_1582, %dma_start3A_1583, %dma_start3A_1584] : memref<8x32x128xf32, #tpu.memory_space<vmem>> -> memref<1x32x128xf32, #tpu.memory_space<vmem>>
          %dma_start3A_1586 = tpu.memref_squeeze %dma_start3A_1585 : memref<1x32x128xf32, #tpu.memory_space<vmem>> -> memref<32x128xf32, #tpu.memory_space<vmem>>
          %dma_start3A_1587 = arith.constant 0 : i32
          %dma_start3A_1588 = tpu.memref_slice %arg4[%dma_start3A_1587, %multiple_of3A_1581] : memref<32x1000000xf32, #tpu.memory_space<hbm>> -> memref<32x128xf32, #tpu.memory_space<hbm>>
          %dma_start3A_1589 = arith.constant 0 : i32
          %dma_start3A_1590 = arith.constant 0 : i32
          %dma_start3A_1591 = tpu.memref_slice %arg8[%dma_start3A_1582, %dma_start3A_1589, %dma_start3A_1590] : memref<8x32x128xf32, #tpu.memory_space<vmem>> -> memref<1x32x128xf32, #tpu.memory_space<vmem>>
          %dma_start3A_1592 = tpu.memref_squeeze %dma_start3A_1591 : memref<1x32x128xf32, #tpu.memory_space<vmem>> -> memref<32x128xf32, #tpu.memory_space<vmem>>
          %dma_start3A_1593 = arith.constant 0 : i32
          %dma_start3A_1594 = tpu.memref_slice %arg4[%dma_start3A_1593, %multiple_of3A_1581] : memref<32x1000000xf32, #tpu.memory_space<hbm>> -> memref<32x128xf32, #tpu.memory_space<hbm>>
          tpu.enqueue_dma source(%dma_start3A_1594 : memref<32x128xf32, #tpu.memory_space<hbm>>) target(%dma_start3A_1592 : memref<32x128xf32, #tpu.memory_space<vmem>>) target_semaphore(%arg11 : memref<!tpu.dma_semaphore, #tpu.memory_space<semaphore_mem>>)
        } else {
        }
        %dma_wait3A_969 = arith.constant 0 : i32
        %dma_wait3A_970 = arith.constant 0 : i32
        %dma_wait3A_971 = arith.constant 0 : i32
        %dma_wait3A_972 = tpu.memref_slice %arg9[%dma_wait3A_969, %dma_wait3A_970, %dma_wait3A_971] : memref<8x32x128xf32, #tpu.memory_space<vmem>> -> memref<1x32x128xf32, #tpu.memory_space<vmem>>
        %dma_wait3A_973 = tpu.memref_squeeze %dma_wait3A_972 : memref<1x32x128xf32, #tpu.memory_space<vmem>> -> memref<32x128xf32, #tpu.memory_space<vmem>>
        %dma_wait3A_974 = arith.constant 0 : i32
        %dma_wait3A_975 = arith.constant 0 : i32
        %dma_wait3A_976 = tpu.memref_slice %arg4[%dma_wait3A_974, %dma_wait3A_975] : memref<32x1000000xf32, #tpu.memory_space<hbm>> -> memref<32x128xf32, #tpu.memory_space<hbm>>
        %dma_wait3A_977 = arith.constant 0 : i32
        %dma_wait3A_978 = arith.constant 0 : i32
        %dma_wait3A_979 = tpu.memref_slice %arg9[%dma_wait3A_969, %dma_wait3A_977, %dma_wait3A_978] : memref<8x32x128xf32, #tpu.memory_space<vmem>> -> memref<1x32x128xf32, #tpu.memory_space<vmem>>
        %dma_wait3A_980 = tpu.memref_squeeze %dma_wait3A_979 : memref<1x32x128xf32, #tpu.memory_space<vmem>> -> memref<32x128xf32, #tpu.memory_space<vmem>>
        %dma_wait3A_981 = arith.constant 0 : i32
        %dma_wait3A_982 = arith.constant 0 : i32
        %dma_wait3A_983 = tpu.memref_slice %arg4[%dma_wait3A_981, %dma_wait3A_982] : memref<32x1000000xf32, #tpu.memory_space<hbm>> -> memref<32x128xf32, #tpu.memory_space<hbm>>
        tpu.wait_dma2 semaphore(%arg12 : memref<!tpu.dma_semaphore, #tpu.memory_space<semaphore_mem>>) src(%dma_wait3A_983 : memref<32x128xf32, #tpu.memory_space<hbm>>) dst(%dma_wait3A_980 : memref<32x128xf32, #tpu.memory_space<vmem>>)
        %dma_wait3A_984 = arith.constant 1 : i32
        %dma_wait3A_985 = arith.constant 0 : i32
        %dma_wait3A_986 = arith.constant 0 : i32
        %dma_wait3A_987 = tpu.memref_slice %arg9[%dma_wait3A_984, %dma_wait3A_985, %dma_wait3A_986] : memref<8x32x128xf32, #tpu.memory_space<vmem>> -> memref<1x32x128xf32, #tpu.memory_space<vmem>>
        %dma_wait3A_988 = tpu.memref_squeeze %dma_wait3A_987 : memref<1x32x128xf32, #tpu.memory_space<vmem>> -> memref<32x128xf32, #tpu.memory_space<vmem>>
        %dma_wait3A_989 = arith.constant 0 : i32
        %dma_wait3A_990 = arith.constant 0 : i32
        %dma_wait3A_991 = tpu.memref_slice %arg4[%dma_wait3A_989, %dma_wait3A_990] : memref<32x1000000xf32, #tpu.memory_space<hbm>> -> memref<32x128xf32, #tpu.memory_space<hbm>>
        %dma_wait3A_992 = arith.constant 0 : i32
        %dma_wait3A_993 = arith.constant 0 : i32
        %dma_wait3A_994 = tpu.memref_slice %arg9[%dma_wait3A_984, %dma_wait3A_992, %dma_wait3A_993] : memref<8x32x128xf32, #tpu.memory_space<vmem>> -> memref<1x32x128xf32, #tpu.memory_space<vmem>>
        %dma_wait3A_995 = tpu.memref_squeeze %dma_wait3A_994 : memref<1x32x128xf32, #tpu.memory_space<vmem>> -> memref<32x128xf32, #tpu.memory_space<vmem>>
        %dma_wait3A_996 = arith.constant 0 : i32
        %dma_wait3A_997 = arith.constant 0 : i32
        %dma_wait3A_998 = tpu.memref_slice %arg4[%dma_wait3A_996, %dma_wait3A_997] : memref<32x1000000xf32, #tpu.memory_space<hbm>> -> memref<32x128xf32, #tpu.memory_space<hbm>>
        tpu.wait_dma2 semaphore(%arg12 : memref<!tpu.dma_semaphore, #tpu.memory_space<semaphore_mem>>) src(%dma_wait3A_998 : memref<32x128xf32, #tpu.memory_space<hbm>>) dst(%dma_wait3A_995 : memref<32x128xf32, #tpu.memory_space<vmem>>)
        %dma_wait3A_999 = arith.constant 2 : i32
        %dma_wait3A_1000 = arith.constant 0 : i32
        %dma_wait3A_1001 = arith.constant 0 : i32
        %dma_wait3A_1002 = tpu.memref_slice %arg9[%dma_wait3A_999, %dma_wait3A_1000, %dma_wait3A_1001] : memref<8x32x128xf32, #tpu.memory_space<vmem>> -> memref<1x32x128xf32, #tpu.memory_space<vmem>>
        %dma_wait3A_1003 = tpu.memref_squeeze %dma_wait3A_1002 : memref<1x32x128xf32, #tpu.memory_space<vmem>> -> memref<32x128xf32, #tpu.memory_space<vmem>>
        %dma_wait3A_1004 = arith.constant 0 : i32
        %dma_wait3A_1005 = arith.constant 0 : i32
        %dma_wait3A_1006 = tpu.memref_slice %arg4[%dma_wait3A_1004, %dma_wait3A_1005] : memref<32x1000000xf32, #tpu.memory_space<hbm>> -> memref<32x128xf32, #tpu.memory_space<hbm>>
        %dma_wait3A_1007 = arith.constant 0 : i32
        %dma_wait3A_1008 = arith.constant 0 : i32
        %dma_wait3A_1009 = tpu.memref_slice %arg9[%dma_wait3A_999, %dma_wait3A_1007, %dma_wait3A_1008] : memref<8x32x128xf32, #tpu.memory_space<vmem>> -> memref<1x32x128xf32, #tpu.memory_space<vmem>>
        %dma_wait3A_1010 = tpu.memref_squeeze %dma_wait3A_1009 : memref<1x32x128xf32, #tpu.memory_space<vmem>> -> memref<32x128xf32, #tpu.memory_space<vmem>>
        %dma_wait3A_1011 = arith.constant 0 : i32
        %dma_wait3A_1012 = arith.constant 0 : i32
        %dma_wait3A_1013 = tpu.memref_slice %arg4[%dma_wait3A_1011, %dma_wait3A_1012] : memref<32x1000000xf32, #tpu.memory_space<hbm>> -> memref<32x128xf32, #tpu.memory_space<hbm>>
        tpu.wait_dma2 semaphore(%arg12 : memref<!tpu.dma_semaphore, #tpu.memory_space<semaphore_mem>>) src(%dma_wait3A_1013 : memref<32x128xf32, #tpu.memory_space<hbm>>) dst(%dma_wait3A_1010 : memref<32x128xf32, #tpu.memory_space<vmem>>)
        %dma_wait3A_1014 = arith.constant 3 : i32
        %dma_wait3A_1015 = arith.constant 0 : i32
        %dma_wait3A_1016 = arith.constant 0 : i32
        %dma_wait3A_1017 = tpu.memref_slice %arg9[%dma_wait3A_1014, %dma_wait3A_1015, %dma_wait3A_1016] : memref<8x32x128xf32, #tpu.memory_space<vmem>> -> memref<1x32x128xf32, #tpu.memory_space<vmem>>
        %dma_wait3A_1018 = tpu.memref_squeeze %dma_wait3A_1017 : memref<1x32x128xf32, #tpu.memory_space<vmem>> -> memref<32x128xf32, #tpu.memory_space<vmem>>
        %dma_wait3A_1019 = arith.constant 0 : i32
        %dma_wait3A_1020 = arith.constant 0 : i32
        %dma_wait3A_1021 = tpu.memref_slice %arg4[%dma_wait3A_1019, %dma_wait3A_1020] : memref<32x1000000xf32, #tpu.memory_space<hbm>> -> memref<32x128xf32, #tpu.memory_space<hbm>>
        %dma_wait3A_1022 = arith.constant 0 : i32
        %dma_wait3A_1023 = arith.constant 0 : i32
        %dma_wait3A_1024 = tpu.memref_slice %arg9[%dma_wait3A_1014, %dma_wait3A_1022, %dma_wait3A_1023] : memref<8x32x128xf32, #tpu.memory_space<vmem>> -> memref<1x32x128xf32, #tpu.memory_space<vmem>>
        %dma_wait3A_1025 = tpu.memref_squeeze %dma_wait3A_1024 : memref<1x32x128xf32, #tpu.memory_space<vmem>> -> memref<32x128xf32, #tpu.memory_space<vmem>>
        %dma_wait3A_1026 = arith.constant 0 : i32
        %dma_wait3A_1027 = arith.constant 0 : i32
        %dma_wait3A_1028 = tpu.memref_slice %arg4[%dma_wait3A_1026, %dma_wait3A_1027] : memref<32x1000000xf32, #tpu.memory_space<hbm>> -> memref<32x128xf32, #tpu.memory_space<hbm>>
        tpu.wait_dma2 semaphore(%arg12 : memref<!tpu.dma_semaphore, #tpu.memory_space<semaphore_mem>>) src(%dma_wait3A_1028 : memref<32x128xf32, #tpu.memory_space<hbm>>) dst(%dma_wait3A_1025 : memref<32x128xf32, #tpu.memory_space<vmem>>)
        %dma_wait3A_1029 = arith.constant 4 : i32
        %dma_wait3A_1030 = arith.constant 0 : i32
        %dma_wait3A_1031 = arith.constant 0 : i32
        %dma_wait3A_1032 = tpu.memref_slice %arg9[%dma_wait3A_1029, %dma_wait3A_1030, %dma_wait3A_1031] : memref<8x32x128xf32, #tpu.memory_space<vmem>> -> memref<1x32x128xf32, #tpu.memory_space<vmem>>
        %dma_wait3A_1033 = tpu.memref_squeeze %dma_wait3A_1032 : memref<1x32x128xf32, #tpu.memory_space<vmem>> -> memref<32x128xf32, #tpu.memory_space<vmem>>
        %dma_wait3A_1034 = arith.constant 0 : i32
        %dma_wait3A_1035 = arith.constant 0 : i32
        %dma_wait3A_1036 = tpu.memref_slice %arg4[%dma_wait3A_1034, %dma_wait3A_1035] : memref<32x1000000xf32, #tpu.memory_space<hbm>> -> memref<32x128xf32, #tpu.memory_space<hbm>>
        %dma_wait3A_1037 = arith.constant 0 : i32
        %dma_wait3A_1038 = arith.constant 0 : i32
        %dma_wait3A_1039 = tpu.memref_slice %arg9[%dma_wait3A_1029, %dma_wait3A_1037, %dma_wait3A_1038] : memref<8x32x128xf32, #tpu.memory_space<vmem>> -> memref<1x32x128xf32, #tpu.memory_space<vmem>>
        %dma_wait3A_1040 = tpu.memref_squeeze %dma_wait3A_1039 : memref<1x32x128xf32, #tpu.memory_space<vmem>> -> memref<32x128xf32, #tpu.memory_space<vmem>>
        %dma_wait3A_1041 = arith.constant 0 : i32
        %dma_wait3A_1042 = arith.constant 0 : i32
        %dma_wait3A_1043 = tpu.memref_slice %arg4[%dma_wait3A_1041, %dma_wait3A_1042] : memref<32x1000000xf32, #tpu.memory_space<hbm>> -> memref<32x128xf32, #tpu.memory_space<hbm>>
        tpu.wait_dma2 semaphore(%arg12 : memref<!tpu.dma_semaphore, #tpu.memory_space<semaphore_mem>>) src(%dma_wait3A_1043 : memref<32x128xf32, #tpu.memory_space<hbm>>) dst(%dma_wait3A_1040 : memref<32x128xf32, #tpu.memory_space<vmem>>)
        %dma_wait3A_1044 = arith.constant 5 : i32
        %dma_wait3A_1045 = arith.constant 0 : i32
        %dma_wait3A_1046 = arith.constant 0 : i32
        %dma_wait3A_1047 = tpu.memref_slice %arg9[%dma_wait3A_1044, %dma_wait3A_1045, %dma_wait3A_1046] : memref<8x32x128xf32, #tpu.memory_space<vmem>> -> memref<1x32x128xf32, #tpu.memory_space<vmem>>
        %dma_wait3A_1048 = tpu.memref_squeeze %dma_wait3A_1047 : memref<1x32x128xf32, #tpu.memory_space<vmem>> -> memref<32x128xf32, #tpu.memory_space<vmem>>
        %dma_wait3A_1049 = arith.constant 0 : i32
        %dma_wait3A_1050 = arith.constant 0 : i32
        %dma_wait3A_1051 = tpu.memref_slice %arg4[%dma_wait3A_1049, %dma_wait3A_1050] : memref<32x1000000xf32, #tpu.memory_space<hbm>> -> memref<32x128xf32, #tpu.memory_space<hbm>>
        %dma_wait3A_1052 = arith.constant 0 : i32
        %dma_wait3A_1053 = arith.constant 0 : i32
        %dma_wait3A_1054 = tpu.memref_slice %arg9[%dma_wait3A_1044, %dma_wait3A_1052, %dma_wait3A_1053] : memref<8x32x128xf32, #tpu.memory_space<vmem>> -> memref<1x32x128xf32, #tpu.memory_space<vmem>>
        %dma_wait3A_1055 = tpu.memref_squeeze %dma_wait3A_1054 : memref<1x32x128xf32, #tpu.memory_space<vmem>> -> memref<32x128xf32, #tpu.memory_space<vmem>>
        %dma_wait3A_1056 = arith.constant 0 : i32
        %dma_wait3A_1057 = arith.constant 0 : i32
        %dma_wait3A_1058 = tpu.memref_slice %arg4[%dma_wait3A_1056, %dma_wait3A_1057] : memref<32x1000000xf32, #tpu.memory_space<hbm>> -> memref<32x128xf32, #tpu.memory_space<hbm>>
        tpu.wait_dma2 semaphore(%arg12 : memref<!tpu.dma_semaphore, #tpu.memory_space<semaphore_mem>>) src(%dma_wait3A_1058 : memref<32x128xf32, #tpu.memory_space<hbm>>) dst(%dma_wait3A_1055 : memref<32x128xf32, #tpu.memory_space<vmem>>)
        %dma_wait3A_1059 = arith.constant 6 : i32
        %dma_wait3A_1060 = arith.constant 0 : i32
        %dma_wait3A_1061 = arith.constant 0 : i32
        %dma_wait3A_1062 = tpu.memref_slice %arg9[%dma_wait3A_1059, %dma_wait3A_1060, %dma_wait3A_1061] : memref<8x32x128xf32, #tpu.memory_space<vmem>> -> memref<1x32x128xf32, #tpu.memory_space<vmem>>
        %dma_wait3A_1063 = tpu.memref_squeeze %dma_wait3A_1062 : memref<1x32x128xf32, #tpu.memory_space<vmem>> -> memref<32x128xf32, #tpu.memory_space<vmem>>
        %dma_wait3A_1064 = arith.constant 0 : i32
        %dma_wait3A_1065 = arith.constant 0 : i32
        %dma_wait3A_1066 = tpu.memref_slice %arg4[%dma_wait3A_1064, %dma_wait3A_1065] : memref<32x1000000xf32, #tpu.memory_space<hbm>> -> memref<32x128xf32, #tpu.memory_space<hbm>>
        %dma_wait3A_1067 = arith.constant 0 : i32
        %dma_wait3A_1068 = arith.constant 0 : i32
        %dma_wait3A_1069 = tpu.memref_slice %arg9[%dma_wait3A_1059, %dma_wait3A_1067, %dma_wait3A_1068] : memref<8x32x128xf32, #tpu.memory_space<vmem>> -> memref<1x32x128xf32, #tpu.memory_space<vmem>>
        %dma_wait3A_1070 = tpu.memref_squeeze %dma_wait3A_1069 : memref<1x32x128xf32, #tpu.memory_space<vmem>> -> memref<32x128xf32, #tpu.memory_space<vmem>>
        %dma_wait3A_1071 = arith.constant 0 : i32
        %dma_wait3A_1072 = arith.constant 0 : i32
        %dma_wait3A_1073 = tpu.memref_slice %arg4[%dma_wait3A_1071, %dma_wait3A_1072] : memref<32x1000000xf32, #tpu.memory_space<hbm>> -> memref<32x128xf32, #tpu.memory_space<hbm>>
        tpu.wait_dma2 semaphore(%arg12 : memref<!tpu.dma_semaphore, #tpu.memory_space<semaphore_mem>>) src(%dma_wait3A_1073 : memref<32x128xf32, #tpu.memory_space<hbm>>) dst(%dma_wait3A_1070 : memref<32x128xf32, #tpu.memory_space<vmem>>)
        %dma_wait3A_1074 = arith.constant 7 : i32
        %dma_wait3A_1075 = arith.constant 0 : i32
        %dma_wait3A_1076 = arith.constant 0 : i32
        %dma_wait3A_1077 = tpu.memref_slice %arg9[%dma_wait3A_1074, %dma_wait3A_1075, %dma_wait3A_1076] : memref<8x32x128xf32, #tpu.memory_space<vmem>> -> memref<1x32x128xf32, #tpu.memory_space<vmem>>
        %dma_wait3A_1078 = tpu.memref_squeeze %dma_wait3A_1077 : memref<1x32x128xf32, #tpu.memory_space<vmem>> -> memref<32x128xf32, #tpu.memory_space<vmem>>
        %dma_wait3A_1079 = arith.constant 0 : i32
        %dma_wait3A_1080 = arith.constant 0 : i32
        %dma_wait3A_1081 = tpu.memref_slice %arg4[%dma_wait3A_1079, %dma_wait3A_1080] : memref<32x1000000xf32, #tpu.memory_space<hbm>> -> memref<32x128xf32, #tpu.memory_space<hbm>>
        %dma_wait3A_1082 = arith.constant 0 : i32
        %dma_wait3A_1083 = arith.constant 0 : i32
        %dma_wait3A_1084 = tpu.memref_slice %arg9[%dma_wait3A_1074, %dma_wait3A_1082, %dma_wait3A_1083] : memref<8x32x128xf32, #tpu.memory_space<vmem>> -> memref<1x32x128xf32, #tpu.memory_space<vmem>>
        %dma_wait3A_1085 = tpu.memref_squeeze %dma_wait3A_1084 : memref<1x32x128xf32, #tpu.memory_space<vmem>> -> memref<32x128xf32, #tpu.memory_space<vmem>>
        %dma_wait3A_1086 = arith.constant 0 : i32
        %dma_wait3A_1087 = arith.constant 0 : i32
        %dma_wait3A_1088 = tpu.memref_slice %arg4[%dma_wait3A_1086, %dma_wait3A_1087] : memref<32x1000000xf32, #tpu.memory_space<hbm>> -> memref<32x128xf32, #tpu.memory_space<hbm>>
        tpu.wait_dma2 semaphore(%arg12 : memref<!tpu.dma_semaphore, #tpu.memory_space<semaphore_mem>>) src(%dma_wait3A_1088 : memref<32x128xf32, #tpu.memory_space<hbm>>) dst(%dma_wait3A_1085 : memref<32x128xf32, #tpu.memory_space<vmem>>)
        %mul3A_1089 = arith.constant 16 : i32
        %mul3A_1090 = arith.muli %scan3A_344, %mul3A_1089 : i32
        %add3A_1091 = arith.constant 8 : i32
        %add3A_1092 = arith.addi %mul3A_1090, %add3A_1091 : i32
        %slice3A_1093 = vector.extract_strided_slice %get3A_348 {offsets = [8], sizes = [1], strides = [1]} : vector<16xi32> to vector<1xi32>
        %squeeze3A_1094 = vector.extract %slice3A_1093[0] : i32 from vector<1xi32>
        %rem3A_1095 = arith.constant 128 : i32
        %rem3A_1096 = arith.remsi %squeeze3A_1094, %rem3A_1095 : i32
        %broadcast_in_dim3A_1097 = vector.broadcast %rem3A_1096 : i32 to vector<16xi32>
        %add3A_1098 = arith.constant 0 : i32
        %add3A_1099 = arith.addi %add3A_1092, %add3A_1098 : i32
        %broadcast_in_dim3A_1100 = vector.broadcast %add3A_1099 : i32 to vector<16xi32>
        %gather3A_1101 = arith.constant 0 : i32
        %gather3A_1102 = arith.constant 0 : i32
        %gather3A_1103 = arith.constant 0 : i32
        %gather3A_1104 = tpu.memref_slice %arg9[%gather3A_1101, %gather3A_1102, %gather3A_1103] : memref<8x32x128xf32, #tpu.memory_space<vmem>> -> memref<1x32x128xf32, #tpu.memory_space<vmem>>
        %gather3A_1105 = tpu.memref_squeeze %gather3A_1104 : memref<1x32x128xf32, #tpu.memory_space<vmem>> -> memref<32x128xf32, #tpu.memory_space<vmem>>
        %gather3A_1106 = tpu.vector_load_idx %gather3A_1105[%iota3A, %broadcast_in_dim3A_1097] : memref<32x128xf32, #tpu.memory_space<vmem>>[vector<16xi32>, vector<16xi32>], vector<16xf32>,
        %gather3A_1107 = arith.constant 0 : i32
        %gather3A_1108 = arith.constant 0 : i32
        %gather3A_1109 = arith.constant 0 : i32
        %gather3A_1110 = tpu.memref_slice %arg9[%gather3A_1107, %gather3A_1108, %gather3A_1109] : memref<8x32x128xf32, #tpu.memory_space<vmem>> -> memref<1x32x128xf32, #tpu.memory_space<vmem>>
        %gather3A_1111 = tpu.memref_squeeze %gather3A_1110 : memref<1x32x128xf32, #tpu.memory_space<vmem>> -> memref<32x128xf32, #tpu.memory_space<vmem>>
        %gather3A_1112 = tpu.vector_load_idx %gather3A_1111[%add3A_6, %broadcast_in_dim3A_1097] : memref<32x128xf32, #tpu.memory_space<vmem>>[vector<16xi32>, vector<16xi32>], vector<16xf32>,
        tpu.vector_store_idx %arg10[%iota3A, %broadcast_in_dim3A_1100], %gather3A_1106 : memref<32x1024xf32, #tpu.memory_space<vmem>>[vector<16xi32>, vector<16xi32>], vector<16xf32>,
        tpu.vector_store_idx %arg10[%add3A_6, %broadcast_in_dim3A_1100], %gather3A_1112 : memref<32x1024xf32, #tpu.memory_space<vmem>>[vector<16xi32>, vector<16xi32>], vector<16xf32>,
        %slice3A_1113 = vector.extract_strided_slice %get3A_348 {offsets = [9], sizes = [1], strides = [1]} : vector<16xi32> to vector<1xi32>
        %squeeze3A_1114 = vector.extract %slice3A_1113[0] : i32 from vector<1xi32>
        %rem3A_1115 = arith.constant 128 : i32
        %rem3A_1116 = arith.remsi %squeeze3A_1114, %rem3A_1115 : i32
        %broadcast_in_dim3A_1117 = vector.broadcast %rem3A_1116 : i32 to vector<16xi32>
        %add3A_1118 = arith.constant 1 : i32
        %add3A_1119 = arith.addi %add3A_1092, %add3A_1118 : i32
        %broadcast_in_dim3A_1120 = vector.broadcast %add3A_1119 : i32 to vector<16xi32>
        %gather3A_1121 = arith.constant 1 : i32
        %gather3A_1122 = arith.constant 0 : i32
        %gather3A_1123 = arith.constant 0 : i32
        %gather3A_1124 = tpu.memref_slice %arg9[%gather3A_1121, %gather3A_1122, %gather3A_1123] : memref<8x32x128xf32, #tpu.memory_space<vmem>> -> memref<1x32x128xf32, #tpu.memory_space<vmem>>
        %gather3A_1125 = tpu.memref_squeeze %gather3A_1124 : memref<1x32x128xf32, #tpu.memory_space<vmem>> -> memref<32x128xf32, #tpu.memory_space<vmem>>
        %gather3A_1126 = tpu.vector_load_idx %gather3A_1125[%iota3A, %broadcast_in_dim3A_1117] : memref<32x128xf32, #tpu.memory_space<vmem>>[vector<16xi32>, vector<16xi32>], vector<16xf32>,
        %gather3A_1127 = arith.constant 1 : i32
        %gather3A_1128 = arith.constant 0 : i32
        %gather3A_1129 = arith.constant 0 : i32
        %gather3A_1130 = tpu.memref_slice %arg9[%gather3A_1127, %gather3A_1128, %gather3A_1129] : memref<8x32x128xf32, #tpu.memory_space<vmem>> -> memref<1x32x128xf32, #tpu.memory_space<vmem>>
        %gather3A_1131 = tpu.memref_squeeze %gather3A_1130 : memref<1x32x128xf32, #tpu.memory_space<vmem>> -> memref<32x128xf32, #tpu.memory_space<vmem>>
        %gather3A_1132 = tpu.vector_load_idx %gather3A_1131[%add3A_6, %broadcast_in_dim3A_1117] : memref<32x128xf32, #tpu.memory_space<vmem>>[vector<16xi32>, vector<16xi32>], vector<16xf32>,
        tpu.vector_store_idx %arg10[%iota3A, %broadcast_in_dim3A_1120], %gather3A_1126 : memref<32x1024xf32, #tpu.memory_space<vmem>>[vector<16xi32>, vector<16xi32>], vector<16xf32>,
        tpu.vector_store_idx %arg10[%add3A_6, %broadcast_in_dim3A_1120], %gather3A_1132 : memref<32x1024xf32, #tpu.memory_space<vmem>>[vector<16xi32>, vector<16xi32>], vector<16xf32>,
        %slice3A_1133 = vector.extract_strided_slice %get3A_348 {offsets = [10], sizes = [1], strides = [1]} : vector<16xi32> to vector<1xi32>
        %squeeze3A_1134 = vector.extract %slice3A_1133[0] : i32 from vector<1xi32>
        %rem3A_1135 = arith.constant 128 : i32
        %rem3A_1136 = arith.remsi %squeeze3A_1134, %rem3A_1135 : i32
        %broadcast_in_dim3A_1137 = vector.broadcast %rem3A_1136 : i32 to vector<16xi32>
        %add3A_1138 = arith.constant 2 : i32
        %add3A_1139 = arith.addi %add3A_1092, %add3A_1138 : i32
        %broadcast_in_dim3A_1140 = vector.broadcast %add3A_1139 : i32 to vector<16xi32>
        %gather3A_1141 = arith.constant 2 : i32
        %gather3A_1142 = arith.constant 0 : i32
        %gather3A_1143 = arith.constant 0 : i32
        %gather3A_1144 = tpu.memref_slice %arg9[%gather3A_1141, %gather3A_1142, %gather3A_1143] : memref<8x32x128xf32, #tpu.memory_space<vmem>> -> memref<1x32x128xf32, #tpu.memory_space<vmem>>
        %gather3A_1145 = tpu.memref_squeeze %gather3A_1144 : memref<1x32x128xf32, #tpu.memory_space<vmem>> -> memref<32x128xf32, #tpu.memory_space<vmem>>
        %gather3A_1146 = tpu.vector_load_idx %gather3A_1145[%iota3A, %broadcast_in_dim3A_1137] : memref<32x128xf32, #tpu.memory_space<vmem>>[vector<16xi32>, vector<16xi32>], vector<16xf32>,
        %gather3A_1147 = arith.constant 2 : i32
        %gather3A_1148 = arith.constant 0 : i32
        %gather3A_1149 = arith.constant 0 : i32
        %gather3A_1150 = tpu.memref_slice %arg9[%gather3A_1147, %gather3A_1148, %gather3A_1149] : memref<8x32x128xf32, #tpu.memory_space<vmem>> -> memref<1x32x128xf32, #tpu.memory_space<vmem>>
        %gather3A_1151 = tpu.memref_squeeze %gather3A_1150 : memref<1x32x128xf32, #tpu.memory_space<vmem>> -> memref<32x128xf32, #tpu.memory_space<vmem>>
        %gather3A_1152 = tpu.vector_load_idx %gather3A_1151[%add3A_6, %broadcast_in_dim3A_1137] : memref<32x128xf32, #tpu.memory_space<vmem>>[vector<16xi32>, vector<16xi32>], vector<16xf32>,
        tpu.vector_store_idx %arg10[%iota3A, %broadcast_in_dim3A_1140], %gather3A_1146 : memref<32x1024xf32, #tpu.memory_space<vmem>>[vector<16xi32>, vector<16xi32>], vector<16xf32>,
        tpu.vector_store_idx %arg10[%add3A_6, %broadcast_in_dim3A_1140], %gather3A_1152 : memref<32x1024xf32, #tpu.memory_space<vmem>>[vector<16xi32>, vector<16xi32>], vector<16xf32>,
        %slice3A_1153 = vector.extract_strided_slice %get3A_348 {offsets = [11], sizes = [1], strides = [1]} : vector<16xi32> to vector<1xi32>
        %squeeze3A_1154 = vector.extract %slice3A_1153[0] : i32 from vector<1xi32>
        %rem3A_1155 = arith.constant 128 : i32
        %rem3A_1156 = arith.remsi %squeeze3A_1154, %rem3A_1155 : i32
        %broadcast_in_dim3A_1157 = vector.broadcast %rem3A_1156 : i32 to vector<16xi32>
        %add3A_1158 = arith.constant 3 : i32
        %add3A_1159 = arith.addi %add3A_1092, %add3A_1158 : i32
        %broadcast_in_dim3A_1160 = vector.broadcast %add3A_1159 : i32 to vector<16xi32>
        %gather3A_1161 = arith.constant 3 : i32
        %gather3A_1162 = arith.constant 0 : i32
        %gather3A_1163 = arith.constant 0 : i32
        %gather3A_1164 = tpu.memref_slice %arg9[%gather3A_1161, %gather3A_1162, %gather3A_1163] : memref<8x32x128xf32, #tpu.memory_space<vmem>> -> memref<1x32x128xf32, #tpu.memory_space<vmem>>
        %gather3A_1165 = tpu.memref_squeeze %gather3A_1164 : memref<1x32x128xf32, #tpu.memory_space<vmem>> -> memref<32x128xf32, #tpu.memory_space<vmem>>
        %gather3A_1166 = tpu.vector_load_idx %gather3A_1165[%iota3A, %broadcast_in_dim3A_1157] : memref<32x128xf32, #tpu.memory_space<vmem>>[vector<16xi32>, vector<16xi32>], vector<16xf32>,
        %gather3A_1167 = arith.constant 3 : i32
        %gather3A_1168 = arith.constant 0 : i32
        %gather3A_1169 = arith.constant 0 : i32
        %gather3A_1170 = tpu.memref_slice %arg9[%gather3A_1167, %gather3A_1168, %gather3A_1169] : memref<8x32x128xf32, #tpu.memory_space<vmem>> -> memref<1x32x128xf32, #tpu.memory_space<vmem>>
        %gather3A_1171 = tpu.memref_squeeze %gather3A_1170 : memref<1x32x128xf32, #tpu.memory_space<vmem>> -> memref<32x128xf32, #tpu.memory_space<vmem>>
        %gather3A_1172 = tpu.vector_load_idx %gather3A_1171[%add3A_6, %broadcast_in_dim3A_1157] : memref<32x128xf32, #tpu.memory_space<vmem>>[vector<16xi32>, vector<16xi32>], vector<16xf32>,
        tpu.vector_store_idx %arg10[%iota3A, %broadcast_in_dim3A_1160], %gather3A_1166 : memref<32x1024xf32, #tpu.memory_space<vmem>>[vector<16xi32>, vector<16xi32>], vector<16xf32>,
        tpu.vector_store_idx %arg10[%add3A_6, %broadcast_in_dim3A_1160], %gather3A_1172 : memref<32x1024xf32, #tpu.memory_space<vmem>>[vector<16xi32>, vector<16xi32>], vector<16xf32>,
        %slice3A_1173 = vector.extract_strided_slice %get3A_348 {offsets = [12], sizes = [1], strides = [1]} : vector<16xi32> to vector<1xi32>
        %squeeze3A_1174 = vector.extract %slice3A_1173[0] : i32 from vector<1xi32>
        %rem3A_1175 = arith.constant 128 : i32
        %rem3A_1176 = arith.remsi %squeeze3A_1174, %rem3A_1175 : i32
        %broadcast_in_dim3A_1177 = vector.broadcast %rem3A_1176 : i32 to vector<16xi32>
        %add3A_1178 = arith.constant 4 : i32
        %add3A_1179 = arith.addi %add3A_1092, %add3A_1178 : i32
        %broadcast_in_dim3A_1180 = vector.broadcast %add3A_1179 : i32 to vector<16xi32>
        %gather3A_1181 = arith.constant 4 : i32
        %gather3A_1182 = arith.constant 0 : i32
        %gather3A_1183 = arith.constant 0 : i32
        %gather3A_1184 = tpu.memref_slice %arg9[%gather3A_1181, %gather3A_1182, %gather3A_1183] : memref<8x32x128xf32, #tpu.memory_space<vmem>> -> memref<1x32x128xf32, #tpu.memory_space<vmem>>
        %gather3A_1185 = tpu.memref_squeeze %gather3A_1184 : memref<1x32x128xf32, #tpu.memory_space<vmem>> -> memref<32x128xf32, #tpu.memory_space<vmem>>
        %gather3A_1186 = tpu.vector_load_idx %gather3A_1185[%iota3A, %broadcast_in_dim3A_1177] : memref<32x128xf32, #tpu.memory_space<vmem>>[vector<16xi32>, vector<16xi32>], vector<16xf32>,
        %gather3A_1187 = arith.constant 4 : i32
        %gather3A_1188 = arith.constant 0 : i32
        %gather3A_1189 = arith.constant 0 : i32
        %gather3A_1190 = tpu.memref_slice %arg9[%gather3A_1187, %gather3A_1188, %gather3A_1189] : memref<8x32x128xf32, #tpu.memory_space<vmem>> -> memref<1x32x128xf32, #tpu.memory_space<vmem>>
        %gather3A_1191 = tpu.memref_squeeze %gather3A_1190 : memref<1x32x128xf32, #tpu.memory_space<vmem>> -> memref<32x128xf32, #tpu.memory_space<vmem>>
        %gather3A_1192 = tpu.vector_load_idx %gather3A_1191[%add3A_6, %broadcast_in_dim3A_1177] : memref<32x128xf32, #tpu.memory_space<vmem>>[vector<16xi32>, vector<16xi32>], vector<16xf32>,
        tpu.vector_store_idx %arg10[%iota3A, %broadcast_in_dim3A_1180], %gather3A_1186 : memref<32x1024xf32, #tpu.memory_space<vmem>>[vector<16xi32>, vector<16xi32>], vector<16xf32>,
        tpu.vector_store_idx %arg10[%add3A_6, %broadcast_in_dim3A_1180], %gather3A_1192 : memref<32x1024xf32, #tpu.memory_space<vmem>>[vector<16xi32>, vector<16xi32>], vector<16xf32>,
        %slice3A_1193 = vector.extract_strided_slice %get3A_348 {offsets = [13], sizes = [1], strides = [1]} : vector<16xi32> to vector<1xi32>
        %squeeze3A_1194 = vector.extract %slice3A_1193[0] : i32 from vector<1xi32>
        %rem3A_1195 = arith.constant 128 : i32
        %rem3A_1196 = arith.remsi %squeeze3A_1194, %rem3A_1195 : i32
        %broadcast_in_dim3A_1197 = vector.broadcast %rem3A_1196 : i32 to vector<16xi32>
        %add3A_1198 = arith.constant 5 : i32
        %add3A_1199 = arith.addi %add3A_1092, %add3A_1198 : i32
        %broadcast_in_dim3A_1200 = vector.broadcast %add3A_1199 : i32 to vector<16xi32>
        %gather3A_1201 = arith.constant 5 : i32
        %gather3A_1202 = arith.constant 0 : i32
        %gather3A_1203 = arith.constant 0 : i32
        %gather3A_1204 = tpu.memref_slice %arg9[%gather3A_1201, %gather3A_1202, %gather3A_1203] : memref<8x32x128xf32, #tpu.memory_space<vmem>> -> memref<1x32x128xf32, #tpu.memory_space<vmem>>
        %gather3A_1205 = tpu.memref_squeeze %gather3A_1204 : memref<1x32x128xf32, #tpu.memory_space<vmem>> -> memref<32x128xf32, #tpu.memory_space<vmem>>
        %gather3A_1206 = tpu.vector_load_idx %gather3A_1205[%iota3A, %broadcast_in_dim3A_1197] : memref<32x128xf32, #tpu.memory_space<vmem>>[vector<16xi32>, vector<16xi32>], vector<16xf32>,
        %gather3A_1207 = arith.constant 5 : i32
        %gather3A_1208 = arith.constant 0 : i32
        %gather3A_1209 = arith.constant 0 : i32
        %gather3A_1210 = tpu.memref_slice %arg9[%gather3A_1207, %gather3A_1208, %gather3A_1209] : memref<8x32x128xf32, #tpu.memory_space<vmem>> -> memref<1x32x128xf32, #tpu.memory_space<vmem>>
        %gather3A_1211 = tpu.memref_squeeze %gather3A_1210 : memref<1x32x128xf32, #tpu.memory_space<vmem>> -> memref<32x128xf32, #tpu.memory_space<vmem>>
        %gather3A_1212 = tpu.vector_load_idx %gather3A_1211[%add3A_6, %broadcast_in_dim3A_1197] : memref<32x128xf32, #tpu.memory_space<vmem>>[vector<16xi32>, vector<16xi32>], vector<16xf32>,
        tpu.vector_store_idx %arg10[%iota3A, %broadcast_in_dim3A_1200], %gather3A_1206 : memref<32x1024xf32, #tpu.memory_space<vmem>>[vector<16xi32>, vector<16xi32>], vector<16xf32>,
        tpu.vector_store_idx %arg10[%add3A_6, %broadcast_in_dim3A_1200], %gather3A_1212 : memref<32x1024xf32, #tpu.memory_space<vmem>>[vector<16xi32>, vector<16xi32>], vector<16xf32>,
        %slice3A_1213 = vector.extract_strided_slice %get3A_348 {offsets = [14], sizes = [1], strides = [1]} : vector<16xi32> to vector<1xi32>
        %squeeze3A_1214 = vector.extract %slice3A_1213[0] : i32 from vector<1xi32>
        %rem3A_1215 = arith.constant 128 : i32
        %rem3A_1216 = arith.remsi %squeeze3A_1214, %rem3A_1215 : i32
        %broadcast_in_dim3A_1217 = vector.broadcast %rem3A_1216 : i32 to vector<16xi32>
        %add3A_1218 = arith.constant 6 : i32
        %add3A_1219 = arith.addi %add3A_1092, %add3A_1218 : i32
        %broadcast_in_dim3A_1220 = vector.broadcast %add3A_1219 : i32 to vector<16xi32>
        %gather3A_1221 = arith.constant 6 : i32
        %gather3A_1222 = arith.constant 0 : i32
        %gather3A_1223 = arith.constant 0 : i32
        %gather3A_1224 = tpu.memref_slice %arg9[%gather3A_1221, %gather3A_1222, %gather3A_1223] : memref<8x32x128xf32, #tpu.memory_space<vmem>> -> memref<1x32x128xf32, #tpu.memory_space<vmem>>
        %gather3A_1225 = tpu.memref_squeeze %gather3A_1224 : memref<1x32x128xf32, #tpu.memory_space<vmem>> -> memref<32x128xf32, #tpu.memory_space<vmem>>
        %gather3A_1226 = tpu.vector_load_idx %gather3A_1225[%iota3A, %broadcast_in_dim3A_1217] : memref<32x128xf32, #tpu.memory_space<vmem>>[vector<16xi32>, vector<16xi32>], vector<16xf32>,
        %gather3A_1227 = arith.constant 6 : i32
        %gather3A_1228 = arith.constant 0 : i32
        %gather3A_1229 = arith.constant 0 : i32
        %gather3A_1230 = tpu.memref_slice %arg9[%gather3A_1227, %gather3A_1228, %gather3A_1229] : memref<8x32x128xf32, #tpu.memory_space<vmem>> -> memref<1x32x128xf32, #tpu.memory_space<vmem>>
        %gather3A_1231 = tpu.memref_squeeze %gather3A_1230 : memref<1x32x128xf32, #tpu.memory_space<vmem>> -> memref<32x128xf32, #tpu.memory_space<vmem>>
        %gather3A_1232 = tpu.vector_load_idx %gather3A_1231[%add3A_6, %broadcast_in_dim3A_1217] : memref<32x128xf32, #tpu.memory_space<vmem>>[vector<16xi32>, vector<16xi32>], vector<16xf32>,
        tpu.vector_store_idx %arg10[%iota3A, %broadcast_in_dim3A_1220], %gather3A_1226 : memref<32x1024xf32, #tpu.memory_space<vmem>>[vector<16xi32>, vector<16xi32>], vector<16xf32>,
        tpu.vector_store_idx %arg10[%add3A_6, %broadcast_in_dim3A_1220], %gather3A_1232 : memref<32x1024xf32, #tpu.memory_space<vmem>>[vector<16xi32>, vector<16xi32>], vector<16xf32>,
        %slice3A_1233 = vector.extract_strided_slice %get3A_348 {offsets = [15], sizes = [1], strides = [1]} : vector<16xi32> to vector<1xi32>
        %squeeze3A_1234 = vector.extract %slice3A_1233[0] : i32 from vector<1xi32>
        %rem3A_1235 = arith.constant 128 : i32
        %rem3A_1236 = arith.remsi %squeeze3A_1234, %rem3A_1235 : i32
        %broadcast_in_dim3A_1237 = vector.broadcast %rem3A_1236 : i32 to vector<16xi32>
        %add3A_1238 = arith.constant 7 : i32
        %add3A_1239 = arith.addi %add3A_1092, %add3A_1238 : i32
        %broadcast_in_dim3A_1240 = vector.broadcast %add3A_1239 : i32 to vector<16xi32>
        %gather3A_1241 = arith.constant 7 : i32
        %gather3A_1242 = arith.constant 0 : i32
        %gather3A_1243 = arith.constant 0 : i32
        %gather3A_1244 = tpu.memref_slice %arg9[%gather3A_1241, %gather3A_1242, %gather3A_1243] : memref<8x32x128xf32, #tpu.memory_space<vmem>> -> memref<1x32x128xf32, #tpu.memory_space<vmem>>
        %gather3A_1245 = tpu.memref_squeeze %gather3A_1244 : memref<1x32x128xf32, #tpu.memory_space<vmem>> -> memref<32x128xf32, #tpu.memory_space<vmem>>
        %gather3A_1246 = tpu.vector_load_idx %gather3A_1245[%iota3A, %broadcast_in_dim3A_1237] : memref<32x128xf32, #tpu.memory_space<vmem>>[vector<16xi32>, vector<16xi32>], vector<16xf32>,
        %gather3A_1247 = arith.constant 7 : i32
        %gather3A_1248 = arith.constant 0 : i32
        %gather3A_1249 = arith.constant 0 : i32
        %gather3A_1250 = tpu.memref_slice %arg9[%gather3A_1247, %gather3A_1248, %gather3A_1249] : memref<8x32x128xf32, #tpu.memory_space<vmem>> -> memref<1x32x128xf32, #tpu.memory_space<vmem>>
        %gather3A_1251 = tpu.memref_squeeze %gather3A_1250 : memref<1x32x128xf32, #tpu.memory_space<vmem>> -> memref<32x128xf32, #tpu.memory_space<vmem>>
        %gather3A_1252 = tpu.vector_load_idx %gather3A_1251[%add3A_6, %broadcast_in_dim3A_1237] : memref<32x128xf32, #tpu.memory_space<vmem>>[vector<16xi32>, vector<16xi32>], vector<16xf32>,
        tpu.vector_store_idx %arg10[%iota3A, %broadcast_in_dim3A_1240], %gather3A_1246 : memref<32x1024xf32, #tpu.memory_space<vmem>>[vector<16xi32>, vector<16xi32>], vector<16xf32>,
        tpu.vector_store_idx %arg10[%add3A_6, %broadcast_in_dim3A_1240], %gather3A_1252 : memref<32x1024xf32, #tpu.memory_space<vmem>>[vector<16xi32>, vector<16xi32>], vector<16xf32>,
      }
      %scan3A_343 = arith.constant 64 : i32
      "tpu.region"() ({
        %run_scoped3A = tpu.sem_alloc : memref<!tpu.dma_semaphore, #tpu.memory_space<semaphore_mem>>
        %dma_start3A_344 = arith.constant 0 : i32
        %dma_start3A_345 = tpu.memref_slice %arg6[%dma_start3A_344, %mul3A_3] : memref<64x16384xf32, #tpu.memory_space<hbm>> -> memref<32x1024xf32, #tpu.memory_space<hbm>>
        %dma_start3A_346 = arith.constant 0 : i32
        %dma_start3A_347 = tpu.memref_slice %arg6[%dma_start3A_346, %mul3A_3] : memref<64x16384xf32, #tpu.memory_space<hbm>> -> memref<32x1024xf32, #tpu.memory_space<hbm>>
        tpu.enqueue_dma source(%arg10 : memref<32x1024xf32, #tpu.memory_space<vmem>>) target(%dma_start3A_347 : memref<32x1024xf32, #tpu.memory_space<hbm>>) target_semaphore(%run_scoped3A : memref<!tpu.dma_semaphore, #tpu.memory_space<semaphore_mem>>)
        %dma_wait3A = arith.constant 0 : i32
        %dma_wait3A_348 = tpu.memref_slice %arg6[%dma_wait3A, %mul3A_3] : memref<64x16384xf32, #tpu.memory_space<hbm>> -> memref<32x1024xf32, #tpu.memory_space<hbm>>
        %dma_wait3A_349 = arith.constant 0 : i32
        %dma_wait3A_350 = tpu.memref_slice %arg6[%dma_wait3A_349, %mul3A_3] : memref<64x16384xf32, #tpu.memory_space<hbm>> -> memref<32x1024xf32, #tpu.memory_space<hbm>>
        tpu.wait_dma2 semaphore(%run_scoped3A : memref<!tpu.dma_semaphore, #tpu.memory_space<semaphore_mem>>) src(%arg10 : memref<32x1024xf32, #tpu.memory_space<vmem>>) dst(%dma_wait3A_350 : memref<32x1024xf32, #tpu.memory_space<hbm>>)
        tpu.yield
      }) : () -> ()
    } else {
    }
    %ge3A = arith.constant 16 : i32
    %ge3A_9 = arith.cmpi sge, %add3A, %ge3A : i32
    %convert_element_type3A_10 = arith.extui %ge3A_9 : i1 to i32
    %cond3A_11 = arith.constant 0 : i32
    %cond3A_12 = arith.cmpi ne, %convert_element_type3A_10, %cond3A_11 : i32
    scf.if %cond3A_12 {
      "tpu.region"() ({
        %run_scoped3A = tpu.sem_alloc : memref<!tpu.dma_semaphore, #tpu.memory_space<semaphore_mem>>
        %dma_start3A_344 = tpu.memref_slice %arg3[%mul3A_3] : memref<16384xi32, #tpu.memory_space<hbm>> -> memref<1024xi32, #tpu.memory_space<hbm>>
        %dma_start3A_345 = tpu.memref_slice %arg3[%mul3A_3] : memref<16384xi32, #tpu.memory_space<hbm>> -> memref<1024xi32, #tpu.memory_space<hbm>>
        tpu.enqueue_dma source(%dma_start3A_345 : memref<1024xi32, #tpu.memory_space<hbm>>) target(%arg7 : memref<1024xi32, #tpu.memory_space<vmem>>) target_semaphore(%run_scoped3A : memref<!tpu.dma_semaphore, #tpu.memory_space<semaphore_mem>>)
        %dma_wait3A = tpu.memref_slice %arg3[%mul3A_3] : memref<16384xi32, #tpu.memory_space<hbm>> -> memref<1024xi32, #tpu.memory_space<hbm>>
        %dma_wait3A_346 = tpu.memref_slice %arg3[%mul3A_3] : memref<16384xi32, #tpu.memory_space<hbm>> -> memref<1024xi32, #tpu.memory_space<hbm>>
        tpu.wait_dma2 semaphore(%run_scoped3A : memref<!tpu.dma_semaphore, #tpu.memory_space<semaphore_mem>>) src(%dma_wait3A_346 : memref<1024xi32, #tpu.memory_space<hbm>>) dst(%arg7 : memref<1024xi32, #tpu.memory_space<vmem>>)
        tpu.yield
      }) : () -> ()
      %get3A = arith.constant 0 : index
      %get3A_13 = tpu.vector_load %arg7[%get3A] {strides = array<i32>} : memref<1024xi32, #tpu.memory_space<vmem>>, vector<16xi32>,
      %slice3A = vector.extract_strided_slice %get3A_13 {offsets = [0], sizes = [1], strides = [1]} : vector<16xi32> to vector<1xi32>
      %squeeze3A = vector.extract %slice3A[0] : i32 from vector<1xi32>
      %jit3A = arith.constant 128 : i32
      %div3A = arith.divsi %squeeze3A, %jit3A : i32
      %sign3A = arith.constant 0 : i32
      %sign3A_14 = arith.cmpi sgt, %squeeze3A, %sign3A : i32
      %sign3A_15 = arith.extui %sign3A_14 : i1 to i32
      %sign3A_16 = arith.constant 0 : i32
      %sign3A_17 = arith.cmpi slt, %squeeze3A, %sign3A_16 : i32
      %sign3A_18 = arith.extui %sign3A_17 : i1 to i32
      %sign3A_19 = arith.subi %sign3A_15, %sign3A_18 : i32
      %sign3A_20 = arith.constant 0 : i32
      %sign3A_21 = arith.cmpi sgt, %jit3A, %sign3A_20 : i32
      %sign3A_22 = arith.extui %sign3A_21 : i1 to i32
      %sign3A_23 = arith.constant 0 : i32
      %sign3A_24 = arith.cmpi slt, %jit3A, %sign3A_23 : i32
      %sign3A_25 = arith.extui %sign3A_24 : i1 to i32
      %sign3A_26 = arith.subi %sign3A_22, %sign3A_25 : i32
      %ne3A = arith.cmpi ne, %sign3A_19, %sign3A_26 : i32
      %rem3A_27 = arith.remsi %squeeze3A, %jit3A : i32
      %ne3A_28 = arith.constant 0 : i32
      %ne3A_29 = arith.cmpi ne, %rem3A_27, %ne3A_28 : i32
      %and3A = arith.andi %ne3A, %ne3A_29 : i1
      %sub3A = arith.constant 1 : i32
      %sub3A_30 = arith.subi %div3A, %sub3A : i32
      %select_n3A = arith.select %and3A, %sub3A_30, %div3A : i32
      %mul3A_31 = arith.constant 128 : i32
      %mul3A_32 = arith.muli %select_n3A, %mul3A_31 : i32
      %multiple_of3A = tpu.assume_multiple %mul3A_32, 128 : i32
      %dma_start3A = arith.constant 0 : i32
      %dma_start3A_33 = arith.constant 0 : i32
      %dma_start3A_34 = arith.constant 0 : i32
      %dma_start3A_35 = tpu.memref_slice %arg8[%dma_start3A, %dma_start3A_33, %dma_start3A_34] : memref<8x32x128xf32, #tpu.memory_space<vmem>> -> memref<1x32x128xf32, #tpu.memory_space<vmem>>
      %dma_start3A_36 = tpu.memref_squeeze %dma_start3A_35 : memref<1x32x128xf32, #tpu.memory_space<vmem>> -> memref<32x128xf32, #tpu.memory_space<vmem>>
      %dma_start3A_37 = arith.constant 0 : i32
      %dma_start3A_38 = tpu.memref_slice %arg5[%dma_start3A_37, %multiple_of3A] : memref<32x1000000xf32, #tpu.memory_space<hbm>> -> memref<32x128xf32, #tpu.memory_space<hbm>>
      %dma_start3A_39 = arith.constant 0 : i32
      %dma_start3A_40 = arith.constant 0 : i32
      %dma_start3A_41 = tpu.memref_slice %arg8[%dma_start3A, %dma_start3A_39, %dma_start3A_40] : memref<8x32x128xf32, #tpu.memory_space<vmem>> -> memref<1x32x128xf32, #tpu.memory_space<vmem>>
      %dma_start3A_42 = tpu.memref_squeeze %dma_start3A_41 : memref<1x32x128xf32, #tpu.memory_space<vmem>> -> memref<32x128xf32, #tpu.memory_space<vmem>>
      %dma_start3A_43 = arith.constant 0 : i32
      %dma_start3A_44 = tpu.memref_slice %arg5[%dma_start3A_43, %multiple_of3A] : memref<32x1000000xf32, #tpu.memory_space<hbm>> -> memref<32x128xf32, #tpu.memory_space<hbm>>
      tpu.enqueue_dma source(%dma_start3A_44 : memref<32x128xf32, #tpu.memory_space<hbm>>) target(%dma_start3A_42 : memref<32x128xf32, #tpu.memory_space<vmem>>) target_semaphore(%arg11 : memref<!tpu.dma_semaphore, #tpu.memory_space<semaphore_mem>>)
      %slice3A_45 = vector.extract_strided_slice %get3A_13 {offsets = [1], sizes = [1], strides = [1]} : vector<16xi32> to vector<1xi32>
      %squeeze3A_46 = vector.extract %slice3A_45[0] : i32 from vector<1xi32>
      %jit3A_47 = arith.constant 128 : i32
      %div3A_48 = arith.divsi %squeeze3A_46, %jit3A_47 : i32
      %sign3A_49 = arith.constant 0 : i32
      %sign3A_50 = arith.cmpi sgt, %squeeze3A_46, %sign3A_49 : i32
      %sign3A_51 = arith.extui %sign3A_50 : i1 to i32
      %sign3A_52 = arith.constant 0 : i32
      %sign3A_53 = arith.cmpi slt, %squeeze3A_46, %sign3A_52 : i32
      %sign3A_54 = arith.extui %sign3A_53 : i1 to i32
      %sign3A_55 = arith.subi %sign3A_51, %sign3A_54 : i32
      %sign3A_56 = arith.constant 0 : i32
      %sign3A_57 = arith.cmpi sgt, %jit3A_47, %sign3A_56 : i32
      %sign3A_58 = arith.extui %sign3A_57 : i1 to i32
      %sign3A_59 = arith.constant 0 : i32
      %sign3A_60 = arith.cmpi slt, %jit3A_47, %sign3A_59 : i32
      %sign3A_61 = arith.extui %sign3A_60 : i1 to i32
      %sign3A_62 = arith.subi %sign3A_58, %sign3A_61 : i32
      %ne3A_63 = arith.cmpi ne, %sign3A_55, %sign3A_62 : i32
      %rem3A_64 = arith.remsi %squeeze3A_46, %jit3A_47 : i32
      %ne3A_65 = arith.constant 0 : i32
      %ne3A_66 = arith.cmpi ne, %rem3A_64, %ne3A_65 : i32
      %and3A_67 = arith.andi %ne3A_63, %ne3A_66 : i1
      %sub3A_68 = arith.constant 1 : i32
      %sub3A_69 = arith.subi %div3A_48, %sub3A_68 : i32
      %select_n3A_70 = arith.select %and3A_67, %sub3A_69, %div3A_48 : i32
      %mul3A_71 = arith.constant 128 : i32
      %mul3A_72 = arith.muli %select_n3A_70, %mul3A_71 : i32
      %multiple_of3A_73 = tpu.assume_multiple %mul3A_72, 128 : i32
      %dma_start3A_74 = arith.constant 1 : i32
      %dma_start3A_75 = arith.constant 0 : i32
      %dma_start3A_76 = arith.constant 0 : i32
      %dma_start3A_77 = tpu.memref_slice %arg8[%dma_start3A_74, %dma_start3A_75, %dma_start3A_76] : memref<8x32x128xf32, #tpu.memory_space<vmem>> -> memref<1x32x128xf32, #tpu.memory_space<vmem>>
      %dma_start3A_78 = tpu.memref_squeeze %dma_start3A_77 : memref<1x32x128xf32, #tpu.memory_space<vmem>> -> memref<32x128xf32, #tpu.memory_space<vmem>>
      %dma_start3A_79 = arith.constant 0 : i32
      %dma_start3A_80 = tpu.memref_slice %arg5[%dma_start3A_79, %multiple_of3A_73] : memref<32x1000000xf32, #tpu.memory_space<hbm>> -> memref<32x128xf32, #tpu.memory_space<hbm>>
      %dma_start3A_81 = arith.constant 0 : i32
      %dma_start3A_82 = arith.constant 0 : i32
      %dma_start3A_83 = tpu.memref_slice %arg8[%dma_start3A_74, %dma_start3A_81, %dma_start3A_82] : memref<8x32x128xf32, #tpu.memory_space<vmem>> -> memref<1x32x128xf32, #tpu.memory_space<vmem>>
      %dma_start3A_84 = tpu.memref_squeeze %dma_start3A_83 : memref<1x32x128xf32, #tpu.memory_space<vmem>> -> memref<32x128xf32, #tpu.memory_space<vmem>>
      %dma_start3A_85 = arith.constant 0 : i32
      %dma_start3A_86 = tpu.memref_slice %arg5[%dma_start3A_85, %multiple_of3A_73] : memref<32x1000000xf32, #tpu.memory_space<hbm>> -> memref<32x128xf32, #tpu.memory_space<hbm>>
      tpu.enqueue_dma source(%dma_start3A_86 : memref<32x128xf32, #tpu.memory_space<hbm>>) target(%dma_start3A_84 : memref<32x128xf32, #tpu.memory_space<vmem>>) target_semaphore(%arg11 : memref<!tpu.dma_semaphore, #tpu.memory_space<semaphore_mem>>)
      %slice3A_87 = vector.extract_strided_slice %get3A_13 {offsets = [2], sizes = [1], strides = [1]} : vector<16xi32> to vector<1xi32>
      %squeeze3A_88 = vector.extract %slice3A_87[0] : i32 from vector<1xi32>
      %jit3A_89 = arith.constant 128 : i32
      %div3A_90 = arith.divsi %squeeze3A_88, %jit3A_89 : i32
      %sign3A_91 = arith.constant 0 : i32
      %sign3A_92 = arith.cmpi sgt, %squeeze3A_88, %sign3A_91 : i32
      %sign3A_93 = arith.extui %sign3A_92 : i1 to i32
      %sign3A_94 = arith.constant 0 : i32
      %sign3A_95 = arith.cmpi slt, %squeeze3A_88, %sign3A_94 : i32
      %sign3A_96 = arith.extui %sign3A_95 : i1 to i32
      %sign3A_97 = arith.subi %sign3A_93, %sign3A_96 : i32
      %sign3A_98 = arith.constant 0 : i32
      %sign3A_99 = arith.cmpi sgt, %jit3A_89, %sign3A_98 : i32
      %sign3A_100 = arith.extui %sign3A_99 : i1 to i32
      %sign3A_101 = arith.constant 0 : i32
      %sign3A_102 = arith.cmpi slt, %jit3A_89, %sign3A_101 : i32
      %sign3A_103 = arith.extui %sign3A_102 : i1 to i32
      %sign3A_104 = arith.subi %sign3A_100, %sign3A_103 : i32
      %ne3A_105 = arith.cmpi ne, %sign3A_97, %sign3A_104 : i32
      %rem3A_106 = arith.remsi %squeeze3A_88, %jit3A_89 : i32
      %ne3A_107 = arith.constant 0 : i32
      %ne3A_108 = arith.cmpi ne, %rem3A_106, %ne3A_107 : i32
      %and3A_109 = arith.andi %ne3A_105, %ne3A_108 : i1
      %sub3A_110 = arith.constant 1 : i32
      %sub3A_111 = arith.subi %div3A_90, %sub3A_110 : i32
      %select_n3A_112 = arith.select %and3A_109, %sub3A_111, %div3A_90 : i32
      %mul3A_113 = arith.constant 128 : i32
      %mul3A_114 = arith.muli %select_n3A_112, %mul3A_113 : i32
      %multiple_of3A_115 = tpu.assume_multiple %mul3A_114, 128 : i32
      %dma_start3A_116 = arith.constant 2 : i32
      %dma_start3A_117 = arith.constant 0 : i32
      %dma_start3A_118 = arith.constant 0 : i32
      %dma_start3A_119 = tpu.memref_slice %arg8[%dma_start3A_116, %dma_start3A_117, %dma_start3A_118] : memref<8x32x128xf32, #tpu.memory_space<vmem>> -> memref<1x32x128xf32, #tpu.memory_space<vmem>>
      %dma_start3A_120 = tpu.memref_squeeze %dma_start3A_119 : memref<1x32x128xf32, #tpu.memory_space<vmem>> -> memref<32x128xf32, #tpu.memory_space<vmem>>
      %dma_start3A_121 = arith.constant 0 : i32
      %dma_start3A_122 = tpu.memref_slice %arg5[%dma_start3A_121, %multiple_of3A_115] : memref<32x1000000xf32, #tpu.memory_space<hbm>> -> memref<32x128xf32, #tpu.memory_space<hbm>>
      %dma_start3A_123 = arith.constant 0 : i32
      %dma_start3A_124 = arith.constant 0 : i32
      %dma_start3A_125 = tpu.memref_slice %arg8[%dma_start3A_116, %dma_start3A_123, %dma_start3A_124] : memref<8x32x128xf32, #tpu.memory_space<vmem>> -> memref<1x32x128xf32, #tpu.memory_space<vmem>>
      %dma_start3A_126 = tpu.memref_squeeze %dma_start3A_125 : memref<1x32x128xf32, #tpu.memory_space<vmem>> -> memref<32x128xf32, #tpu.memory_space<vmem>>
      %dma_start3A_127 = arith.constant 0 : i32
      %dma_start3A_128 = tpu.memref_slice %arg5[%dma_start3A_127, %multiple_of3A_115] : memref<32x1000000xf32, #tpu.memory_space<hbm>> -> memref<32x128xf32, #tpu.memory_space<hbm>>
      tpu.enqueue_dma source(%dma_start3A_128 : memref<32x128xf32, #tpu.memory_space<hbm>>) target(%dma_start3A_126 : memref<32x128xf32, #tpu.memory_space<vmem>>) target_semaphore(%arg11 : memref<!tpu.dma_semaphore, #tpu.memory_space<semaphore_mem>>)
      %slice3A_129 = vector.extract_strided_slice %get3A_13 {offsets = [3], sizes = [1], strides = [1]} : vector<16xi32> to vector<1xi32>
      %squeeze3A_130 = vector.extract %slice3A_129[0] : i32 from vector<1xi32>
      %jit3A_131 = arith.constant 128 : i32
      %div3A_132 = arith.divsi %squeeze3A_130, %jit3A_131 : i32
      %sign3A_133 = arith.constant 0 : i32
      %sign3A_134 = arith.cmpi sgt, %squeeze3A_130, %sign3A_133 : i32
      %sign3A_135 = arith.extui %sign3A_134 : i1 to i32
      %sign3A_136 = arith.constant 0 : i32
      %sign3A_137 = arith.cmpi slt, %squeeze3A_130, %sign3A_136 : i32
      %sign3A_138 = arith.extui %sign3A_137 : i1 to i32
      %sign3A_139 = arith.subi %sign3A_135, %sign3A_138 : i32
      %sign3A_140 = arith.constant 0 : i32
      %sign3A_141 = arith.cmpi sgt, %jit3A_131, %sign3A_140 : i32
      %sign3A_142 = arith.extui %sign3A_141 : i1 to i32
      %sign3A_143 = arith.constant 0 : i32
      %sign3A_144 = arith.cmpi slt, %jit3A_131, %sign3A_143 : i32
      %sign3A_145 = arith.extui %sign3A_144 : i1 to i32
      %sign3A_146 = arith.subi %sign3A_142, %sign3A_145 : i32
      %ne3A_147 = arith.cmpi ne, %sign3A_139, %sign3A_146 : i32
      %rem3A_148 = arith.remsi %squeeze3A_130, %jit3A_131 : i32
      %ne3A_149 = arith.constant 0 : i32
      %ne3A_150 = arith.cmpi ne, %rem3A_148, %ne3A_149 : i32
      %and3A_151 = arith.andi %ne3A_147, %ne3A_150 : i1
      %sub3A_152 = arith.constant 1 : i32
      %sub3A_153 = arith.subi %div3A_132, %sub3A_152 : i32
      %select_n3A_154 = arith.select %and3A_151, %sub3A_153, %div3A_132 : i32
      %mul3A_155 = arith.constant 128 : i32
      %mul3A_156 = arith.muli %select_n3A_154, %mul3A_155 : i32
      %multiple_of3A_157 = tpu.assume_multiple %mul3A_156, 128 : i32
      %dma_start3A_158 = arith.constant 3 : i32
      %dma_start3A_159 = arith.constant 0 : i32
      %dma_start3A_160 = arith.constant 0 : i32
      %dma_start3A_161 = tpu.memref_slice %arg8[%dma_start3A_158, %dma_start3A_159, %dma_start3A_160] : memref<8x32x128xf32, #tpu.memory_space<vmem>> -> memref<1x32x128xf32, #tpu.memory_space<vmem>>
      %dma_start3A_162 = tpu.memref_squeeze %dma_start3A_161 : memref<1x32x128xf32, #tpu.memory_space<vmem>> -> memref<32x128xf32, #tpu.memory_space<vmem>>
      %dma_start3A_163 = arith.constant 0 : i32
      %dma_start3A_164 = tpu.memref_slice %arg5[%dma_start3A_163, %multiple_of3A_157] : memref<32x1000000xf32, #tpu.memory_space<hbm>> -> memref<32x128xf32, #tpu.memory_space<hbm>>
      %dma_start3A_165 = arith.constant 0 : i32
      %dma_start3A_166 = arith.constant 0 : i32
      %dma_start3A_167 = tpu.memref_slice %arg8[%dma_start3A_158, %dma_start3A_165, %dma_start3A_166] : memref<8x32x128xf32, #tpu.memory_space<vmem>> -> memref<1x32x128xf32, #tpu.memory_space<vmem>>
      %dma_start3A_168 = tpu.memref_squeeze %dma_start3A_167 : memref<1x32x128xf32, #tpu.memory_space<vmem>> -> memref<32x128xf32, #tpu.memory_space<vmem>>
      %dma_start3A_169 = arith.constant 0 : i32
      %dma_start3A_170 = tpu.memref_slice %arg5[%dma_start3A_169, %multiple_of3A_157] : memref<32x1000000xf32, #tpu.memory_space<hbm>> -> memref<32x128xf32, #tpu.memory_space<hbm>>
      tpu.enqueue_dma source(%dma_start3A_170 : memref<32x128xf32, #tpu.memory_space<hbm>>) target(%dma_start3A_168 : memref<32x128xf32, #tpu.memory_space<vmem>>) target_semaphore(%arg11 : memref<!tpu.dma_semaphore, #tpu.memory_space<semaphore_mem>>)
      %slice3A_171 = vector.extract_strided_slice %get3A_13 {offsets = [4], sizes = [1], strides = [1]} : vector<16xi32> to vector<1xi32>
      %squeeze3A_172 = vector.extract %slice3A_171[0] : i32 from vector<1xi32>
      %jit3A_173 = arith.constant 128 : i32
      %div3A_174 = arith.divsi %squeeze3A_172, %jit3A_173 : i32
      %sign3A_175 = arith.constant 0 : i32
      %sign3A_176 = arith.cmpi sgt, %squeeze3A_172, %sign3A_175 : i32
      %sign3A_177 = arith.extui %sign3A_176 : i1 to i32
      %sign3A_178 = arith.constant 0 : i32
      %sign3A_179 = arith.cmpi slt, %squeeze3A_172, %sign3A_178 : i32
      %sign3A_180 = arith.extui %sign3A_179 : i1 to i32
      %sign3A_181 = arith.subi %sign3A_177, %sign3A_180 : i32
      %sign3A_182 = arith.constant 0 : i32
      %sign3A_183 = arith.cmpi sgt, %jit3A_173, %sign3A_182 : i32
      %sign3A_184 = arith.extui %sign3A_183 : i1 to i32
      %sign3A_185 = arith.constant 0 : i32
      %sign3A_186 = arith.cmpi slt, %jit3A_173, %sign3A_185 : i32
      %sign3A_187 = arith.extui %sign3A_186 : i1 to i32
      %sign3A_188 = arith.subi %sign3A_184, %sign3A_187 : i32
      %ne3A_189 = arith.cmpi ne, %sign3A_181, %sign3A_188 : i32
      %rem3A_190 = arith.remsi %squeeze3A_172, %jit3A_173 : i32
      %ne3A_191 = arith.constant 0 : i32
      %ne3A_192 = arith.cmpi ne, %rem3A_190, %ne3A_191 : i32
      %and3A_193 = arith.andi %ne3A_189, %ne3A_192 : i1
      %sub3A_194 = arith.constant 1 : i32
      %sub3A_195 = arith.subi %div3A_174, %sub3A_194 : i32
      %select_n3A_196 = arith.select %and3A_193, %sub3A_195, %div3A_174 : i32
      %mul3A_197 = arith.constant 128 : i32
      %mul3A_198 = arith.muli %select_n3A_196, %mul3A_197 : i32
      %multiple_of3A_199 = tpu.assume_multiple %mul3A_198, 128 : i32
      %dma_start3A_200 = arith.constant 4 : i32
      %dma_start3A_201 = arith.constant 0 : i32
      %dma_start3A_202 = arith.constant 0 : i32
      %dma_start3A_203 = tpu.memref_slice %arg8[%dma_start3A_200, %dma_start3A_201, %dma_start3A_202] : memref<8x32x128xf32, #tpu.memory_space<vmem>> -> memref<1x32x128xf32, #tpu.memory_space<vmem>>
      %dma_start3A_204 = tpu.memref_squeeze %dma_start3A_203 : memref<1x32x128xf32, #tpu.memory_space<vmem>> -> memref<32x128xf32, #tpu.memory_space<vmem>>
      %dma_start3A_205 = arith.constant 0 : i32
      %dma_start3A_206 = tpu.memref_slice %arg5[%dma_start3A_205, %multiple_of3A_199] : memref<32x1000000xf32, #tpu.memory_space<hbm>> -> memref<32x128xf32, #tpu.memory_space<hbm>>
      %dma_start3A_207 = arith.constant 0 : i32
      %dma_start3A_208 = arith.constant 0 : i32
      %dma_start3A_209 = tpu.memref_slice %arg8[%dma_start3A_200, %dma_start3A_207, %dma_start3A_208] : memref<8x32x128xf32, #tpu.memory_space<vmem>> -> memref<1x32x128xf32, #tpu.memory_space<vmem>>
      %dma_start3A_210 = tpu.memref_squeeze %dma_start3A_209 : memref<1x32x128xf32, #tpu.memory_space<vmem>> -> memref<32x128xf32, #tpu.memory_space<vmem>>
      %dma_start3A_211 = arith.constant 0 : i32
      %dma_start3A_212 = tpu.memref_slice %arg5[%dma_start3A_211, %multiple_of3A_199] : memref<32x1000000xf32, #tpu.memory_space<hbm>> -> memref<32x128xf32, #tpu.memory_space<hbm>>
      tpu.enqueue_dma source(%dma_start3A_212 : memref<32x128xf32, #tpu.memory_space<hbm>>) target(%dma_start3A_210 : memref<32x128xf32, #tpu.memory_space<vmem>>) target_semaphore(%arg11 : memref<!tpu.dma_semaphore, #tpu.memory_space<semaphore_mem>>)
      %slice3A_213 = vector.extract_strided_slice %get3A_13 {offsets = [5], sizes = [1], strides = [1]} : vector<16xi32> to vector<1xi32>
      %squeeze3A_214 = vector.extract %slice3A_213[0] : i32 from vector<1xi32>
      %jit3A_215 = arith.constant 128 : i32
      %div3A_216 = arith.divsi %squeeze3A_214, %jit3A_215 : i32
      %sign3A_217 = arith.constant 0 : i32
      %sign3A_218 = arith.cmpi sgt, %squeeze3A_214, %sign3A_217 : i32
      %sign3A_219 = arith.extui %sign3A_218 : i1 to i32
      %sign3A_220 = arith.constant 0 : i32
      %sign3A_221 = arith.cmpi slt, %squeeze3A_214, %sign3A_220 : i32
      %sign3A_222 = arith.extui %sign3A_221 : i1 to i32
      %sign3A_223 = arith.subi %sign3A_219, %sign3A_222 : i32
      %sign3A_224 = arith.constant 0 : i32
      %sign3A_225 = arith.cmpi sgt, %jit3A_215, %sign3A_224 : i32
      %sign3A_226 = arith.extui %sign3A_225 : i1 to i32
      %sign3A_227 = arith.constant 0 : i32
      %sign3A_228 = arith.cmpi slt, %jit3A_215, %sign3A_227 : i32
      %sign3A_229 = arith.extui %sign3A_228 : i1 to i32
      %sign3A_230 = arith.subi %sign3A_226, %sign3A_229 : i32
      %ne3A_231 = arith.cmpi ne, %sign3A_223, %sign3A_230 : i32
      %rem3A_232 = arith.remsi %squeeze3A_214, %jit3A_215 : i32
      %ne3A_233 = arith.constant 0 : i32
      %ne3A_234 = arith.cmpi ne, %rem3A_232, %ne3A_233 : i32
      %and3A_235 = arith.andi %ne3A_231, %ne3A_234 : i1
      %sub3A_236 = arith.constant 1 : i32
      %sub3A_237 = arith.subi %div3A_216, %sub3A_236 : i32
      %select_n3A_238 = arith.select %and3A_235, %sub3A_237, %div3A_216 : i32
      %mul3A_239 = arith.constant 128 : i32
      %mul3A_240 = arith.muli %select_n3A_238, %mul3A_239 : i32
      %multiple_of3A_241 = tpu.assume_multiple %mul3A_240, 128 : i32
      %dma_start3A_242 = arith.constant 5 : i32
      %dma_start3A_243 = arith.constant 0 : i32
      %dma_start3A_244 = arith.constant 0 : i32
      %dma_start3A_245 = tpu.memref_slice %arg8[%dma_start3A_242, %dma_start3A_243, %dma_start3A_244] : memref<8x32x128xf32, #tpu.memory_space<vmem>> -> memref<1x32x128xf32, #tpu.memory_space<vmem>>
      %dma_start3A_246 = tpu.memref_squeeze %dma_start3A_245 : memref<1x32x128xf32, #tpu.memory_space<vmem>> -> memref<32x128xf32, #tpu.memory_space<vmem>>
      %dma_start3A_247 = arith.constant 0 : i32
      %dma_start3A_248 = tpu.memref_slice %arg5[%dma_start3A_247, %multiple_of3A_241] : memref<32x1000000xf32, #tpu.memory_space<hbm>> -> memref<32x128xf32, #tpu.memory_space<hbm>>
      %dma_start3A_249 = arith.constant 0 : i32
      %dma_start3A_250 = arith.constant 0 : i32
      %dma_start3A_251 = tpu.memref_slice %arg8[%dma_start3A_242, %dma_start3A_249, %dma_start3A_250] : memref<8x32x128xf32, #tpu.memory_space<vmem>> -> memref<1x32x128xf32, #tpu.memory_space<vmem>>
      %dma_start3A_252 = tpu.memref_squeeze %dma_start3A_251 : memref<1x32x128xf32, #tpu.memory_space<vmem>> -> memref<32x128xf32, #tpu.memory_space<vmem>>
      %dma_start3A_253 = arith.constant 0 : i32
      %dma_start3A_254 = tpu.memref_slice %arg5[%dma_start3A_253, %multiple_of3A_241] : memref<32x1000000xf32, #tpu.memory_space<hbm>> -> memref<32x128xf32, #tpu.memory_space<hbm>>
      tpu.enqueue_dma source(%dma_start3A_254 : memref<32x128xf32, #tpu.memory_space<hbm>>) target(%dma_start3A_252 : memref<32x128xf32, #tpu.memory_space<vmem>>) target_semaphore(%arg11 : memref<!tpu.dma_semaphore, #tpu.memory_space<semaphore_mem>>)
      %slice3A_255 = vector.extract_strided_slice %get3A_13 {offsets = [6], sizes = [1], strides = [1]} : vector<16xi32> to vector<1xi32>
      %squeeze3A_256 = vector.extract %slice3A_255[0] : i32 from vector<1xi32>
      %jit3A_257 = arith.constant 128 : i32
      %div3A_258 = arith.divsi %squeeze3A_256, %jit3A_257 : i32
      %sign3A_259 = arith.constant 0 : i32
      %sign3A_260 = arith.cmpi sgt, %squeeze3A_256, %sign3A_259 : i32
      %sign3A_261 = arith.extui %sign3A_260 : i1 to i32
      %sign3A_262 = arith.constant 0 : i32
      %sign3A_263 = arith.cmpi slt, %squeeze3A_256, %sign3A_262 : i32
      %sign3A_264 = arith.extui %sign3A_263 : i1 to i32
      %sign3A_265 = arith.subi %sign3A_261, %sign3A_264 : i32
      %sign3A_266 = arith.constant 0 : i32
      %sign3A_267 = arith.cmpi sgt, %jit3A_257, %sign3A_266 : i32
      %sign3A_268 = arith.extui %sign3A_267 : i1 to i32
      %sign3A_269 = arith.constant 0 : i32
      %sign3A_270 = arith.cmpi slt, %jit3A_257, %sign3A_269 : i32
      %sign3A_271 = arith.extui %sign3A_270 : i1 to i32
      %sign3A_272 = arith.subi %sign3A_268, %sign3A_271 : i32
      %ne3A_273 = arith.cmpi ne, %sign3A_265, %sign3A_272 : i32
      %rem3A_274 = arith.remsi %squeeze3A_256, %jit3A_257 : i32
      %ne3A_275 = arith.constant 0 : i32
      %ne3A_276 = arith.cmpi ne, %rem3A_274, %ne3A_275 : i32
      %and3A_277 = arith.andi %ne3A_273, %ne3A_276 : i1
      %sub3A_278 = arith.constant 1 : i32
      %sub3A_279 = arith.subi %div3A_258, %sub3A_278 : i32
      %select_n3A_280 = arith.select %and3A_277, %sub3A_279, %div3A_258 : i32
      %mul3A_281 = arith.constant 128 : i32
      %mul3A_282 = arith.muli %select_n3A_280, %mul3A_281 : i32
      %multiple_of3A_283 = tpu.assume_multiple %mul3A_282, 128 : i32
      %dma_start3A_284 = arith.constant 6 : i32
      %dma_start3A_285 = arith.constant 0 : i32
      %dma_start3A_286 = arith.constant 0 : i32
      %dma_start3A_287 = tpu.memref_slice %arg8[%dma_start3A_284, %dma_start3A_285, %dma_start3A_286] : memref<8x32x128xf32, #tpu.memory_space<vmem>> -> memref<1x32x128xf32, #tpu.memory_space<vmem>>
      %dma_start3A_288 = tpu.memref_squeeze %dma_start3A_287 : memref<1x32x128xf32, #tpu.memory_space<vmem>> -> memref<32x128xf32, #tpu.memory_space<vmem>>
      %dma_start3A_289 = arith.constant 0 : i32
      %dma_start3A_290 = tpu.memref_slice %arg5[%dma_start3A_289, %multiple_of3A_283] : memref<32x1000000xf32, #tpu.memory_space<hbm>> -> memref<32x128xf32, #tpu.memory_space<hbm>>
      %dma_start3A_291 = arith.constant 0 : i32
      %dma_start3A_292 = arith.constant 0 : i32
      %dma_start3A_293 = tpu.memref_slice %arg8[%dma_start3A_284, %dma_start3A_291, %dma_start3A_292] : memref<8x32x128xf32, #tpu.memory_space<vmem>> -> memref<1x32x128xf32, #tpu.memory_space<vmem>>
      %dma_start3A_294 = tpu.memref_squeeze %dma_start3A_293 : memref<1x32x128xf32, #tpu.memory_space<vmem>> -> memref<32x128xf32, #tpu.memory_space<vmem>>
      %dma_start3A_295 = arith.constant 0 : i32
      %dma_start3A_296 = tpu.memref_slice %arg5[%dma_start3A_295, %multiple_of3A_283] : memref<32x1000000xf32, #tpu.memory_space<hbm>> -> memref<32x128xf32, #tpu.memory_space<hbm>>
      tpu.enqueue_dma source(%dma_start3A_296 : memref<32x128xf32, #tpu.memory_space<hbm>>) target(%dma_start3A_294 : memref<32x128xf32, #tpu.memory_space<vmem>>) target_semaphore(%arg11 : memref<!tpu.dma_semaphore, #tpu.memory_space<semaphore_mem>>)
      %slice3A_297 = vector.extract_strided_slice %get3A_13 {offsets = [7], sizes = [1], strides = [1]} : vector<16xi32> to vector<1xi32>
      %squeeze3A_298 = vector.extract %slice3A_297[0] : i32 from vector<1xi32>
      %jit3A_299 = arith.constant 128 : i32
      %div3A_300 = arith.divsi %squeeze3A_298, %jit3A_299 : i32
      %sign3A_301 = arith.constant 0 : i32
      %sign3A_302 = arith.cmpi sgt, %squeeze3A_298, %sign3A_301 : i32
      %sign3A_303 = arith.extui %sign3A_302 : i1 to i32
      %sign3A_304 = arith.constant 0 : i32
      %sign3A_305 = arith.cmpi slt, %squeeze3A_298, %sign3A_304 : i32
      %sign3A_306 = arith.extui %sign3A_305 : i1 to i32
      %sign3A_307 = arith.subi %sign3A_303, %sign3A_306 : i32
      %sign3A_308 = arith.constant 0 : i32
      %sign3A_309 = arith.cmpi sgt, %jit3A_299, %sign3A_308 : i32
      %sign3A_310 = arith.extui %sign3A_309 : i1 to i32
      %sign3A_311 = arith.constant 0 : i32
      %sign3A_312 = arith.cmpi slt, %jit3A_299, %sign3A_311 : i32
      %sign3A_313 = arith.extui %sign3A_312 : i1 to i32
      %sign3A_314 = arith.subi %sign3A_310, %sign3A_313 : i32
      %ne3A_315 = arith.cmpi ne, %sign3A_307, %sign3A_314 : i32
      %rem3A_316 = arith.remsi %squeeze3A_298, %jit3A_299 : i32
      %ne3A_317 = arith.constant 0 : i32
      %ne3A_318 = arith.cmpi ne, %rem3A_316, %ne3A_317 : i32
      %and3A_319 = arith.andi %ne3A_315, %ne3A_318 : i1
      %sub3A_320 = arith.constant 1 : i32
      %sub3A_321 = arith.subi %div3A_300, %sub3A_320 : i32
      %select_n3A_322 = arith.select %and3A_319, %sub3A_321, %div3A_300 : i32
      %mul3A_323 = arith.constant 128 : i32
      %mul3A_324 = arith.muli %select_n3A_322, %mul3A_323 : i32
      %multiple_of3A_325 = tpu.assume_multiple %mul3A_324, 128 : i32
      %dma_start3A_326 = arith.constant 7 : i32
      %dma_start3A_327 = arith.constant 0 : i32
      %dma_start3A_328 = arith.constant 0 : i32
      %dma_start3A_329 = tpu.memref_slice %arg8[%dma_start3A_326, %dma_start3A_327, %dma_start3A_328] : memref<8x32x128xf32, #tpu.memory_space<vmem>> -> memref<1x32x128xf32, #tpu.memory_space<vmem>>
      %dma_start3A_330 = tpu.memref_squeeze %dma_start3A_329 : memref<1x32x128xf32, #tpu.memory_space<vmem>> -> memref<32x128xf32, #tpu.memory_space<vmem>>
      %dma_start3A_331 = arith.constant 0 : i32
      %dma_start3A_332 = tpu.memref_slice %arg5[%dma_start3A_331, %multiple_of3A_325] : memref<32x1000000xf32, #tpu.memory_space<hbm>> -> memref<32x128xf32, #tpu.memory_space<hbm>>
      %dma_start3A_333 = arith.constant 0 : i32
      %dma_start3A_334 = arith.constant 0 : i32
      %dma_start3A_335 = tpu.memref_slice %arg8[%dma_start3A_326, %dma_start3A_333, %dma_start3A_334] : memref<8x32x128xf32, #tpu.memory_space<vmem>> -> memref<1x32x128xf32, #tpu.memory_space<vmem>>
      %dma_start3A_336 = tpu.memref_squeeze %dma_start3A_335 : memref<1x32x128xf32, #tpu.memory_space<vmem>> -> memref<32x128xf32, #tpu.memory_space<vmem>>
      %dma_start3A_337 = arith.constant 0 : i32
      %dma_start3A_338 = tpu.memref_slice %arg5[%dma_start3A_337, %multiple_of3A_325] : memref<32x1000000xf32, #tpu.memory_space<hbm>> -> memref<32x128xf32, #tpu.memory_space<hbm>>
      tpu.enqueue_dma source(%dma_start3A_338 : memref<32x128xf32, #tpu.memory_space<hbm>>) target(%dma_start3A_336 : memref<32x128xf32, #tpu.memory_space<vmem>>) target_semaphore(%arg11 : memref<!tpu.dma_semaphore, #tpu.memory_space<semaphore_mem>>)
      %scan3A = arith.constant 0 : i32
      %scan3A_339 = arith.constant 0 : i32
      %scan3A_340 = arith.constant 64 : i32
      %scan3A_341 = arith.addi %scan3A_339, %scan3A_340 : i32
      %scan3A_342 = arith.constant 1 : i32
      scf.for %scan3A_344 = %scan3A_339 to %scan3A_341 step %scan3A_342  : i32 {
        %mul3A_345 = arith.constant 16 : i32
        %mul3A_346 = arith.muli %scan3A_344, %mul3A_345 : i32
        %get3A_347 = arith.index_cast %mul3A_346 : i32 to index
        %get3A_348 = tpu.vector_load %arg7[%get3A_347] {strides = array<i32>} : memref<1024xi32, #tpu.memory_space<vmem>>, vector<16xi32>,
        %slice3A_349 = vector.extract_strided_slice %get3A_348 {offsets = [8], sizes = [1], strides = [1]} : vector<16xi32> to vector<1xi32>
        %squeeze3A_350 = vector.extract %slice3A_349[0] : i32 from vector<1xi32>
        %jit3A_351 = arith.constant 128 : i32
        %div3A_352 = arith.divsi %squeeze3A_350, %jit3A_351 : i32
        %sign3A_353 = arith.constant 0 : i32
        %sign3A_354 = arith.cmpi sgt, %squeeze3A_350, %sign3A_353 : i32
        %sign3A_355 = arith.extui %sign3A_354 : i1 to i32
        %sign3A_356 = arith.constant 0 : i32
        %sign3A_357 = arith.cmpi slt, %squeeze3A_350, %sign3A_356 : i32
        %sign3A_358 = arith.extui %sign3A_357 : i1 to i32
        %sign3A_359 = arith.subi %sign3A_355, %sign3A_358 : i32
        %sign3A_360 = arith.constant 0 : i32
        %sign3A_361 = arith.cmpi sgt, %jit3A_351, %sign3A_360 : i32
        %sign3A_362 = arith.extui %sign3A_361 : i1 to i32
        %sign3A_363 = arith.constant 0 : i32
        %sign3A_364 = arith.cmpi slt, %jit3A_351, %sign3A_363 : i32
        %sign3A_365 = arith.extui %sign3A_364 : i1 to i32
        %sign3A_366 = arith.subi %sign3A_362, %sign3A_365 : i32
        %ne3A_367 = arith.cmpi ne, %sign3A_359, %sign3A_366 : i32
        %rem3A_368 = arith.remsi %squeeze3A_350, %jit3A_351 : i32
        %ne3A_369 = arith.constant 0 : i32
        %ne3A_370 = arith.cmpi ne, %rem3A_368, %ne3A_369 : i32
        %and3A_371 = arith.andi %ne3A_367, %ne3A_370 : i1
        %sub3A_372 = arith.constant 1 : i32
        %sub3A_373 = arith.subi %div3A_352, %sub3A_372 : i32
        %select_n3A_374 = arith.select %and3A_371, %sub3A_373, %div3A_352 : i32
        %mul3A_375 = arith.constant 128 : i32
        %mul3A_376 = arith.muli %select_n3A_374, %mul3A_375 : i32
        %multiple_of3A_377 = tpu.assume_multiple %mul3A_376, 128 : i32
        %dma_start3A_378 = arith.constant 0 : i32
        %dma_start3A_379 = arith.constant 0 : i32
        %dma_start3A_380 = arith.constant 0 : i32
        %dma_start3A_381 = tpu.memref_slice %arg9[%dma_start3A_378, %dma_start3A_379, %dma_start3A_380] : memref<8x32x128xf32, #tpu.memory_space<vmem>> -> memref<1x32x128xf32, #tpu.memory_space<vmem>>
        %dma_start3A_382 = tpu.memref_squeeze %dma_start3A_381 : memref<1x32x128xf32, #tpu.memory_space<vmem>> -> memref<32x128xf32, #tpu.memory_space<vmem>>
        %dma_start3A_383 = arith.constant 0 : i32
        %dma_start3A_384 = tpu.memref_slice %arg5[%dma_start3A_383, %multiple_of3A_377] : memref<32x1000000xf32, #tpu.memory_space<hbm>> -> memref<32x128xf32, #tpu.memory_space<hbm>>
        %dma_start3A_385 = arith.constant 0 : i32
        %dma_start3A_386 = arith.constant 0 : i32
        %dma_start3A_387 = tpu.memref_slice %arg9[%dma_start3A_378, %dma_start3A_385, %dma_start3A_386] : memref<8x32x128xf32, #tpu.memory_space<vmem>> -> memref<1x32x128xf32, #tpu.memory_space<vmem>>
        %dma_start3A_388 = tpu.memref_squeeze %dma_start3A_387 : memref<1x32x128xf32, #tpu.memory_space<vmem>> -> memref<32x128xf32, #tpu.memory_space<vmem>>
        %dma_start3A_389 = arith.constant 0 : i32
        %dma_start3A_390 = tpu.memref_slice %arg5[%dma_start3A_389, %multiple_of3A_377] : memref<32x1000000xf32, #tpu.memory_space<hbm>> -> memref<32x128xf32, #tpu.memory_space<hbm>>
        tpu.enqueue_dma source(%dma_start3A_390 : memref<32x128xf32, #tpu.memory_space<hbm>>) target(%dma_start3A_388 : memref<32x128xf32, #tpu.memory_space<vmem>>) target_semaphore(%arg12 : memref<!tpu.dma_semaphore, #tpu.memory_space<semaphore_mem>>)
        %slice3A_391 = vector.extract_strided_slice %get3A_348 {offsets = [9], sizes = [1], strides = [1]} : vector<16xi32> to vector<1xi32>
        %squeeze3A_392 = vector.extract %slice3A_391[0] : i32 from vector<1xi32>
        %jit3A_393 = arith.constant 128 : i32
        %div3A_394 = arith.divsi %squeeze3A_392, %jit3A_393 : i32
        %sign3A_395 = arith.constant 0 : i32
        %sign3A_396 = arith.cmpi sgt, %squeeze3A_392, %sign3A_395 : i32
        %sign3A_397 = arith.extui %sign3A_396 : i1 to i32
        %sign3A_398 = arith.constant 0 : i32
        %sign3A_399 = arith.cmpi slt, %squeeze3A_392, %sign3A_398 : i32
        %sign3A_400 = arith.extui %sign3A_399 : i1 to i32
        %sign3A_401 = arith.subi %sign3A_397, %sign3A_400 : i32
        %sign3A_402 = arith.constant 0 : i32
        %sign3A_403 = arith.cmpi sgt, %jit3A_393, %sign3A_402 : i32
        %sign3A_404 = arith.extui %sign3A_403 : i1 to i32
        %sign3A_405 = arith.constant 0 : i32
        %sign3A_406 = arith.cmpi slt, %jit3A_393, %sign3A_405 : i32
        %sign3A_407 = arith.extui %sign3A_406 : i1 to i32
        %sign3A_408 = arith.subi %sign3A_404, %sign3A_407 : i32
        %ne3A_409 = arith.cmpi ne, %sign3A_401, %sign3A_408 : i32
        %rem3A_410 = arith.remsi %squeeze3A_392, %jit3A_393 : i32
        %ne3A_411 = arith.constant 0 : i32
        %ne3A_412 = arith.cmpi ne, %rem3A_410, %ne3A_411 : i32
        %and3A_413 = arith.andi %ne3A_409, %ne3A_412 : i1
        %sub3A_414 = arith.constant 1 : i32
        %sub3A_415 = arith.subi %div3A_394, %sub3A_414 : i32
        %select_n3A_416 = arith.select %and3A_413, %sub3A_415, %div3A_394 : i32
        %mul3A_417 = arith.constant 128 : i32
        %mul3A_418 = arith.muli %select_n3A_416, %mul3A_417 : i32
        %multiple_of3A_419 = tpu.assume_multiple %mul3A_418, 128 : i32
        %dma_start3A_420 = arith.constant 1 : i32
        %dma_start3A_421 = arith.constant 0 : i32
        %dma_start3A_422 = arith.constant 0 : i32
        %dma_start3A_423 = tpu.memref_slice %arg9[%dma_start3A_420, %dma_start3A_421, %dma_start3A_422] : memref<8x32x128xf32, #tpu.memory_space<vmem>> -> memref<1x32x128xf32, #tpu.memory_space<vmem>>
        %dma_start3A_424 = tpu.memref_squeeze %dma_start3A_423 : memref<1x32x128xf32, #tpu.memory_space<vmem>> -> memref<32x128xf32, #tpu.memory_space<vmem>>
        %dma_start3A_425 = arith.constant 0 : i32
        %dma_start3A_426 = tpu.memref_slice %arg5[%dma_start3A_425, %multiple_of3A_419] : memref<32x1000000xf32, #tpu.memory_space<hbm>> -> memref<32x128xf32, #tpu.memory_space<hbm>>
        %dma_start3A_427 = arith.constant 0 : i32
        %dma_start3A_428 = arith.constant 0 : i32
        %dma_start3A_429 = tpu.memref_slice %arg9[%dma_start3A_420, %dma_start3A_427, %dma_start3A_428] : memref<8x32x128xf32, #tpu.memory_space<vmem>> -> memref<1x32x128xf32, #tpu.memory_space<vmem>>
        %dma_start3A_430 = tpu.memref_squeeze %dma_start3A_429 : memref<1x32x128xf32, #tpu.memory_space<vmem>> -> memref<32x128xf32, #tpu.memory_space<vmem>>
        %dma_start3A_431 = arith.constant 0 : i32
        %dma_start3A_432 = tpu.memref_slice %arg5[%dma_start3A_431, %multiple_of3A_419] : memref<32x1000000xf32, #tpu.memory_space<hbm>> -> memref<32x128xf32, #tpu.memory_space<hbm>>
        tpu.enqueue_dma source(%dma_start3A_432 : memref<32x128xf32, #tpu.memory_space<hbm>>) target(%dma_start3A_430 : memref<32x128xf32, #tpu.memory_space<vmem>>) target_semaphore(%arg12 : memref<!tpu.dma_semaphore, #tpu.memory_space<semaphore_mem>>)
        %slice3A_433 = vector.extract_strided_slice %get3A_348 {offsets = [10], sizes = [1], strides = [1]} : vector<16xi32> to vector<1xi32>
        %squeeze3A_434 = vector.extract %slice3A_433[0] : i32 from vector<1xi32>
        %jit3A_435 = arith.constant 128 : i32
        %div3A_436 = arith.divsi %squeeze3A_434, %jit3A_435 : i32
        %sign3A_437 = arith.constant 0 : i32
        %sign3A_438 = arith.cmpi sgt, %squeeze3A_434, %sign3A_437 : i32
        %sign3A_439 = arith.extui %sign3A_438 : i1 to i32
        %sign3A_440 = arith.constant 0 : i32
        %sign3A_441 = arith.cmpi slt, %squeeze3A_434, %sign3A_440 : i32
        %sign3A_442 = arith.extui %sign3A_441 : i1 to i32
        %sign3A_443 = arith.subi %sign3A_439, %sign3A_442 : i32
        %sign3A_444 = arith.constant 0 : i32
        %sign3A_445 = arith.cmpi sgt, %jit3A_435, %sign3A_444 : i32
        %sign3A_446 = arith.extui %sign3A_445 : i1 to i32
        %sign3A_447 = arith.constant 0 : i32
        %sign3A_448 = arith.cmpi slt, %jit3A_435, %sign3A_447 : i32
        %sign3A_449 = arith.extui %sign3A_448 : i1 to i32
        %sign3A_450 = arith.subi %sign3A_446, %sign3A_449 : i32
        %ne3A_451 = arith.cmpi ne, %sign3A_443, %sign3A_450 : i32
        %rem3A_452 = arith.remsi %squeeze3A_434, %jit3A_435 : i32
        %ne3A_453 = arith.constant 0 : i32
        %ne3A_454 = arith.cmpi ne, %rem3A_452, %ne3A_453 : i32
        %and3A_455 = arith.andi %ne3A_451, %ne3A_454 : i1
        %sub3A_456 = arith.constant 1 : i32
        %sub3A_457 = arith.subi %div3A_436, %sub3A_456 : i32
        %select_n3A_458 = arith.select %and3A_455, %sub3A_457, %div3A_436 : i32
        %mul3A_459 = arith.constant 128 : i32
        %mul3A_460 = arith.muli %select_n3A_458, %mul3A_459 : i32
        %multiple_of3A_461 = tpu.assume_multiple %mul3A_460, 128 : i32
        %dma_start3A_462 = arith.constant 2 : i32
        %dma_start3A_463 = arith.constant 0 : i32
        %dma_start3A_464 = arith.constant 0 : i32
        %dma_start3A_465 = tpu.memref_slice %arg9[%dma_start3A_462, %dma_start3A_463, %dma_start3A_464] : memref<8x32x128xf32, #tpu.memory_space<vmem>> -> memref<1x32x128xf32, #tpu.memory_space<vmem>>
        %dma_start3A_466 = tpu.memref_squeeze %dma_start3A_465 : memref<1x32x128xf32, #tpu.memory_space<vmem>> -> memref<32x128xf32, #tpu.memory_space<vmem>>
        %dma_start3A_467 = arith.constant 0 : i32
        %dma_start3A_468 = tpu.memref_slice %arg5[%dma_start3A_467, %multiple_of3A_461] : memref<32x1000000xf32, #tpu.memory_space<hbm>> -> memref<32x128xf32, #tpu.memory_space<hbm>>
        %dma_start3A_469 = arith.constant 0 : i32
        %dma_start3A_470 = arith.constant 0 : i32
        %dma_start3A_471 = tpu.memref_slice %arg9[%dma_start3A_462, %dma_start3A_469, %dma_start3A_470] : memref<8x32x128xf32, #tpu.memory_space<vmem>> -> memref<1x32x128xf32, #tpu.memory_space<vmem>>
        %dma_start3A_472 = tpu.memref_squeeze %dma_start3A_471 : memref<1x32x128xf32, #tpu.memory_space<vmem>> -> memref<32x128xf32, #tpu.memory_space<vmem>>
        %dma_start3A_473 = arith.constant 0 : i32
        %dma_start3A_474 = tpu.memref_slice %arg5[%dma_start3A_473, %multiple_of3A_461] : memref<32x1000000xf32, #tpu.memory_space<hbm>> -> memref<32x128xf32, #tpu.memory_space<hbm>>
        tpu.enqueue_dma source(%dma_start3A_474 : memref<32x128xf32, #tpu.memory_space<hbm>>) target(%dma_start3A_472 : memref<32x128xf32, #tpu.memory_space<vmem>>) target_semaphore(%arg12 : memref<!tpu.dma_semaphore, #tpu.memory_space<semaphore_mem>>)
        %slice3A_475 = vector.extract_strided_slice %get3A_348 {offsets = [11], sizes = [1], strides = [1]} : vector<16xi32> to vector<1xi32>
        %squeeze3A_476 = vector.extract %slice3A_475[0] : i32 from vector<1xi32>
        %jit3A_477 = arith.constant 128 : i32
        %div3A_478 = arith.divsi %squeeze3A_476, %jit3A_477 : i32
        %sign3A_479 = arith.constant 0 : i32
        %sign3A_480 = arith.cmpi sgt, %squeeze3A_476, %sign3A_479 : i32
        %sign3A_481 = arith.extui %sign3A_480 : i1 to i32
        %sign3A_482 = arith.constant 0 : i32
        %sign3A_483 = arith.cmpi slt, %squeeze3A_476, %sign3A_482 : i32
        %sign3A_484 = arith.extui %sign3A_483 : i1 to i32
        %sign3A_485 = arith.subi %sign3A_481, %sign3A_484 : i32
        %sign3A_486 = arith.constant 0 : i32
        %sign3A_487 = arith.cmpi sgt, %jit3A_477, %sign3A_486 : i32
        %sign3A_488 = arith.extui %sign3A_487 : i1 to i32
        %sign3A_489 = arith.constant 0 : i32
        %sign3A_490 = arith.cmpi slt, %jit3A_477, %sign3A_489 : i32
        %sign3A_491 = arith.extui %sign3A_490 : i1 to i32
        %sign3A_492 = arith.subi %sign3A_488, %sign3A_491 : i32
        %ne3A_493 = arith.cmpi ne, %sign3A_485, %sign3A_492 : i32
        %rem3A_494 = arith.remsi %squeeze3A_476, %jit3A_477 : i32
        %ne3A_495 = arith.constant 0 : i32
        %ne3A_496 = arith.cmpi ne, %rem3A_494, %ne3A_495 : i32
        %and3A_497 = arith.andi %ne3A_493, %ne3A_496 : i1
        %sub3A_498 = arith.constant 1 : i32
        %sub3A_499 = arith.subi %div3A_478, %sub3A_498 : i32
        %select_n3A_500 = arith.select %and3A_497, %sub3A_499, %div3A_478 : i32
        %mul3A_501 = arith.constant 128 : i32
        %mul3A_502 = arith.muli %select_n3A_500, %mul3A_501 : i32
        %multiple_of3A_503 = tpu.assume_multiple %mul3A_502, 128 : i32
        %dma_start3A_504 = arith.constant 3 : i32
        %dma_start3A_505 = arith.constant 0 : i32
        %dma_start3A_506 = arith.constant 0 : i32
        %dma_start3A_507 = tpu.memref_slice %arg9[%dma_start3A_504, %dma_start3A_505, %dma_start3A_506] : memref<8x32x128xf32, #tpu.memory_space<vmem>> -> memref<1x32x128xf32, #tpu.memory_space<vmem>>
        %dma_start3A_508 = tpu.memref_squeeze %dma_start3A_507 : memref<1x32x128xf32, #tpu.memory_space<vmem>> -> memref<32x128xf32, #tpu.memory_space<vmem>>
        %dma_start3A_509 = arith.constant 0 : i32
        %dma_start3A_510 = tpu.memref_slice %arg5[%dma_start3A_509, %multiple_of3A_503] : memref<32x1000000xf32, #tpu.memory_space<hbm>> -> memref<32x128xf32, #tpu.memory_space<hbm>>
        %dma_start3A_511 = arith.constant 0 : i32
        %dma_start3A_512 = arith.constant 0 : i32
        %dma_start3A_513 = tpu.memref_slice %arg9[%dma_start3A_504, %dma_start3A_511, %dma_start3A_512] : memref<8x32x128xf32, #tpu.memory_space<vmem>> -> memref<1x32x128xf32, #tpu.memory_space<vmem>>
        %dma_start3A_514 = tpu.memref_squeeze %dma_start3A_513 : memref<1x32x128xf32, #tpu.memory_space<vmem>> -> memref<32x128xf32, #tpu.memory_space<vmem>>
        %dma_start3A_515 = arith.constant 0 : i32
        %dma_start3A_516 = tpu.memref_slice %arg5[%dma_start3A_515, %multiple_of3A_503] : memref<32x1000000xf32, #tpu.memory_space<hbm>> -> memref<32x128xf32, #tpu.memory_space<hbm>>
        tpu.enqueue_dma source(%dma_start3A_516 : memref<32x128xf32, #tpu.memory_space<hbm>>) target(%dma_start3A_514 : memref<32x128xf32, #tpu.memory_space<vmem>>) target_semaphore(%arg12 : memref<!tpu.dma_semaphore, #tpu.memory_space<semaphore_mem>>)
        %slice3A_517 = vector.extract_strided_slice %get3A_348 {offsets = [12], sizes = [1], strides = [1]} : vector<16xi32> to vector<1xi32>
        %squeeze3A_518 = vector.extract %slice3A_517[0] : i32 from vector<1xi32>
        %jit3A_519 = arith.constant 128 : i32
        %div3A_520 = arith.divsi %squeeze3A_518, %jit3A_519 : i32
        %sign3A_521 = arith.constant 0 : i32
        %sign3A_522 = arith.cmpi sgt, %squeeze3A_518, %sign3A_521 : i32
        %sign3A_523 = arith.extui %sign3A_522 : i1 to i32
        %sign3A_524 = arith.constant 0 : i32
        %sign3A_525 = arith.cmpi slt, %squeeze3A_518, %sign3A_524 : i32
        %sign3A_526 = arith.extui %sign3A_525 : i1 to i32
        %sign3A_527 = arith.subi %sign3A_523, %sign3A_526 : i32
        %sign3A_528 = arith.constant 0 : i32
        %sign3A_529 = arith.cmpi sgt, %jit3A_519, %sign3A_528 : i32
        %sign3A_530 = arith.extui %sign3A_529 : i1 to i32
        %sign3A_531 = arith.constant 0 : i32
        %sign3A_532 = arith.cmpi slt, %jit3A_519, %sign3A_531 : i32
        %sign3A_533 = arith.extui %sign3A_532 : i1 to i32
        %sign3A_534 = arith.subi %sign3A_530, %sign3A_533 : i32
        %ne3A_535 = arith.cmpi ne, %sign3A_527, %sign3A_534 : i32
        %rem3A_536 = arith.remsi %squeeze3A_518, %jit3A_519 : i32
        %ne3A_537 = arith.constant 0 : i32
        %ne3A_538 = arith.cmpi ne, %rem3A_536, %ne3A_537 : i32
        %and3A_539 = arith.andi %ne3A_535, %ne3A_538 : i1
        %sub3A_540 = arith.constant 1 : i32
        %sub3A_541 = arith.subi %div3A_520, %sub3A_540 : i32
        %select_n3A_542 = arith.select %and3A_539, %sub3A_541, %div3A_520 : i32
        %mul3A_543 = arith.constant 128 : i32
        %mul3A_544 = arith.muli %select_n3A_542, %mul3A_543 : i32
        %multiple_of3A_545 = tpu.assume_multiple %mul3A_544, 128 : i32
        %dma_start3A_546 = arith.constant 4 : i32
        %dma_start3A_547 = arith.constant 0 : i32
        %dma_start3A_548 = arith.constant 0 : i32
        %dma_start3A_549 = tpu.memref_slice %arg9[%dma_start3A_546, %dma_start3A_547, %dma_start3A_548] : memref<8x32x128xf32, #tpu.memory_space<vmem>> -> memref<1x32x128xf32, #tpu.memory_space<vmem>>
        %dma_start3A_550 = tpu.memref_squeeze %dma_start3A_549 : memref<1x32x128xf32, #tpu.memory_space<vmem>> -> memref<32x128xf32, #tpu.memory_space<vmem>>
        %dma_start3A_551 = arith.constant 0 : i32
        %dma_start3A_552 = tpu.memref_slice %arg5[%dma_start3A_551, %multiple_of3A_545] : memref<32x1000000xf32, #tpu.memory_space<hbm>> -> memref<32x128xf32, #tpu.memory_space<hbm>>
        %dma_start3A_553 = arith.constant 0 : i32
        %dma_start3A_554 = arith.constant 0 : i32
        %dma_start3A_555 = tpu.memref_slice %arg9[%dma_start3A_546, %dma_start3A_553, %dma_start3A_554] : memref<8x32x128xf32, #tpu.memory_space<vmem>> -> memref<1x32x128xf32, #tpu.memory_space<vmem>>
        %dma_start3A_556 = tpu.memref_squeeze %dma_start3A_555 : memref<1x32x128xf32, #tpu.memory_space<vmem>> -> memref<32x128xf32, #tpu.memory_space<vmem>>
        %dma_start3A_557 = arith.constant 0 : i32
        %dma_start3A_558 = tpu.memref_slice %arg5[%dma_start3A_557, %multiple_of3A_545] : memref<32x1000000xf32, #tpu.memory_space<hbm>> -> memref<32x128xf32, #tpu.memory_space<hbm>>
        tpu.enqueue_dma source(%dma_start3A_558 : memref<32x128xf32, #tpu.memory_space<hbm>>) target(%dma_start3A_556 : memref<32x128xf32, #tpu.memory_space<vmem>>) target_semaphore(%arg12 : memref<!tpu.dma_semaphore, #tpu.memory_space<semaphore_mem>>)
        %slice3A_559 = vector.extract_strided_slice %get3A_348 {offsets = [13], sizes = [1], strides = [1]} : vector<16xi32> to vector<1xi32>
        %squeeze3A_560 = vector.extract %slice3A_559[0] : i32 from vector<1xi32>
        %jit3A_561 = arith.constant 128 : i32
        %div3A_562 = arith.divsi %squeeze3A_560, %jit3A_561 : i32
        %sign3A_563 = arith.constant 0 : i32
        %sign3A_564 = arith.cmpi sgt, %squeeze3A_560, %sign3A_563 : i32
        %sign3A_565 = arith.extui %sign3A_564 : i1 to i32
        %sign3A_566 = arith.constant 0 : i32
        %sign3A_567 = arith.cmpi slt, %squeeze3A_560, %sign3A_566 : i32
        %sign3A_568 = arith.extui %sign3A_567 : i1 to i32
        %sign3A_569 = arith.subi %sign3A_565, %sign3A_568 : i32
        %sign3A_570 = arith.constant 0 : i32
        %sign3A_571 = arith.cmpi sgt, %jit3A_561, %sign3A_570 : i32
        %sign3A_572 = arith.extui %sign3A_571 : i1 to i32
        %sign3A_573 = arith.constant 0 : i32
        %sign3A_574 = arith.cmpi slt, %jit3A_561, %sign3A_573 : i32
        %sign3A_575 = arith.extui %sign3A_574 : i1 to i32
        %sign3A_576 = arith.subi %sign3A_572, %sign3A_575 : i32
        %ne3A_577 = arith.cmpi ne, %sign3A_569, %sign3A_576 : i32
        %rem3A_578 = arith.remsi %squeeze3A_560, %jit3A_561 : i32
        %ne3A_579 = arith.constant 0 : i32
        %ne3A_580 = arith.cmpi ne, %rem3A_578, %ne3A_579 : i32
        %and3A_581 = arith.andi %ne3A_577, %ne3A_580 : i1
        %sub3A_582 = arith.constant 1 : i32
        %sub3A_583 = arith.subi %div3A_562, %sub3A_582 : i32
        %select_n3A_584 = arith.select %and3A_581, %sub3A_583, %div3A_562 : i32
        %mul3A_585 = arith.constant 128 : i32
        %mul3A_586 = arith.muli %select_n3A_584, %mul3A_585 : i32
        %multiple_of3A_587 = tpu.assume_multiple %mul3A_586, 128 : i32
        %dma_start3A_588 = arith.constant 5 : i32
        %dma_start3A_589 = arith.constant 0 : i32
        %dma_start3A_590 = arith.constant 0 : i32
        %dma_start3A_591 = tpu.memref_slice %arg9[%dma_start3A_588, %dma_start3A_589, %dma_start3A_590] : memref<8x32x128xf32, #tpu.memory_space<vmem>> -> memref<1x32x128xf32, #tpu.memory_space<vmem>>
        %dma_start3A_592 = tpu.memref_squeeze %dma_start3A_591 : memref<1x32x128xf32, #tpu.memory_space<vmem>> -> memref<32x128xf32, #tpu.memory_space<vmem>>
        %dma_start3A_593 = arith.constant 0 : i32
        %dma_start3A_594 = tpu.memref_slice %arg5[%dma_start3A_593, %multiple_of3A_587] : memref<32x1000000xf32, #tpu.memory_space<hbm>> -> memref<32x128xf32, #tpu.memory_space<hbm>>
        %dma_start3A_595 = arith.constant 0 : i32
        %dma_start3A_596 = arith.constant 0 : i32
        %dma_start3A_597 = tpu.memref_slice %arg9[%dma_start3A_588, %dma_start3A_595, %dma_start3A_596] : memref<8x32x128xf32, #tpu.memory_space<vmem>> -> memref<1x32x128xf32, #tpu.memory_space<vmem>>
        %dma_start3A_598 = tpu.memref_squeeze %dma_start3A_597 : memref<1x32x128xf32, #tpu.memory_space<vmem>> -> memref<32x128xf32, #tpu.memory_space<vmem>>
        %dma_start3A_599 = arith.constant 0 : i32
        %dma_start3A_600 = tpu.memref_slice %arg5[%dma_start3A_599, %multiple_of3A_587] : memref<32x1000000xf32, #tpu.memory_space<hbm>> -> memref<32x128xf32, #tpu.memory_space<hbm>>
        tpu.enqueue_dma source(%dma_start3A_600 : memref<32x128xf32, #tpu.memory_space<hbm>>) target(%dma_start3A_598 : memref<32x128xf32, #tpu.memory_space<vmem>>) target_semaphore(%arg12 : memref<!tpu.dma_semaphore, #tpu.memory_space<semaphore_mem>>)
        %slice3A_601 = vector.extract_strided_slice %get3A_348 {offsets = [14], sizes = [1], strides = [1]} : vector<16xi32> to vector<1xi32>
        %squeeze3A_602 = vector.extract %slice3A_601[0] : i32 from vector<1xi32>
        %jit3A_603 = arith.constant 128 : i32
        %div3A_604 = arith.divsi %squeeze3A_602, %jit3A_603 : i32
        %sign3A_605 = arith.constant 0 : i32
        %sign3A_606 = arith.cmpi sgt, %squeeze3A_602, %sign3A_605 : i32
        %sign3A_607 = arith.extui %sign3A_606 : i1 to i32
        %sign3A_608 = arith.constant 0 : i32
        %sign3A_609 = arith.cmpi slt, %squeeze3A_602, %sign3A_608 : i32
        %sign3A_610 = arith.extui %sign3A_609 : i1 to i32
        %sign3A_611 = arith.subi %sign3A_607, %sign3A_610 : i32
        %sign3A_612 = arith.constant 0 : i32
        %sign3A_613 = arith.cmpi sgt, %jit3A_603, %sign3A_612 : i32
        %sign3A_614 = arith.extui %sign3A_613 : i1 to i32
        %sign3A_615 = arith.constant 0 : i32
        %sign3A_616 = arith.cmpi slt, %jit3A_603, %sign3A_615 : i32
        %sign3A_617 = arith.extui %sign3A_616 : i1 to i32
        %sign3A_618 = arith.subi %sign3A_614, %sign3A_617 : i32
        %ne3A_619 = arith.cmpi ne, %sign3A_611, %sign3A_618 : i32
        %rem3A_620 = arith.remsi %squeeze3A_602, %jit3A_603 : i32
        %ne3A_621 = arith.constant 0 : i32
        %ne3A_622 = arith.cmpi ne, %rem3A_620, %ne3A_621 : i32
        %and3A_623 = arith.andi %ne3A_619, %ne3A_622 : i1
        %sub3A_624 = arith.constant 1 : i32
        %sub3A_625 = arith.subi %div3A_604, %sub3A_624 : i32
        %select_n3A_626 = arith.select %and3A_623, %sub3A_625, %div3A_604 : i32
        %mul3A_627 = arith.constant 128 : i32
        %mul3A_628 = arith.muli %select_n3A_626, %mul3A_627 : i32
        %multiple_of3A_629 = tpu.assume_multiple %mul3A_628, 128 : i32
        %dma_start3A_630 = arith.constant 6 : i32
        %dma_start3A_631 = arith.constant 0 : i32
        %dma_start3A_632 = arith.constant 0 : i32
        %dma_start3A_633 = tpu.memref_slice %arg9[%dma_start3A_630, %dma_start3A_631, %dma_start3A_632] : memref<8x32x128xf32, #tpu.memory_space<vmem>> -> memref<1x32x128xf32, #tpu.memory_space<vmem>>
        %dma_start3A_634 = tpu.memref_squeeze %dma_start3A_633 : memref<1x32x128xf32, #tpu.memory_space<vmem>> -> memref<32x128xf32, #tpu.memory_space<vmem>>
        %dma_start3A_635 = arith.constant 0 : i32
        %dma_start3A_636 = tpu.memref_slice %arg5[%dma_start3A_635, %multiple_of3A_629] : memref<32x1000000xf32, #tpu.memory_space<hbm>> -> memref<32x128xf32, #tpu.memory_space<hbm>>
        %dma_start3A_637 = arith.constant 0 : i32
        %dma_start3A_638 = arith.constant 0 : i32
        %dma_start3A_639 = tpu.memref_slice %arg9[%dma_start3A_630, %dma_start3A_637, %dma_start3A_638] : memref<8x32x128xf32, #tpu.memory_space<vmem>> -> memref<1x32x128xf32, #tpu.memory_space<vmem>>
        %dma_start3A_640 = tpu.memref_squeeze %dma_start3A_639 : memref<1x32x128xf32, #tpu.memory_space<vmem>> -> memref<32x128xf32, #tpu.memory_space<vmem>>
        %dma_start3A_641 = arith.constant 0 : i32
        %dma_start3A_642 = tpu.memref_slice %arg5[%dma_start3A_641, %multiple_of3A_629] : memref<32x1000000xf32, #tpu.memory_space<hbm>> -> memref<32x128xf32, #tpu.memory_space<hbm>>
        tpu.enqueue_dma source(%dma_start3A_642 : memref<32x128xf32, #tpu.memory_space<hbm>>) target(%dma_start3A_640 : memref<32x128xf32, #tpu.memory_space<vmem>>) target_semaphore(%arg12 : memref<!tpu.dma_semaphore, #tpu.memory_space<semaphore_mem>>)
        %slice3A_643 = vector.extract_strided_slice %get3A_348 {offsets = [15], sizes = [1], strides = [1]} : vector<16xi32> to vector<1xi32>
        %squeeze3A_644 = vector.extract %slice3A_643[0] : i32 from vector<1xi32>
        %jit3A_645 = arith.constant 128 : i32
        %div3A_646 = arith.divsi %squeeze3A_644, %jit3A_645 : i32
        %sign3A_647 = arith.constant 0 : i32
        %sign3A_648 = arith.cmpi sgt, %squeeze3A_644, %sign3A_647 : i32
        %sign3A_649 = arith.extui %sign3A_648 : i1 to i32
        %sign3A_650 = arith.constant 0 : i32
        %sign3A_651 = arith.cmpi slt, %squeeze3A_644, %sign3A_650 : i32
        %sign3A_652 = arith.extui %sign3A_651 : i1 to i32
        %sign3A_653 = arith.subi %sign3A_649, %sign3A_652 : i32
        %sign3A_654 = arith.constant 0 : i32
        %sign3A_655 = arith.cmpi sgt, %jit3A_645, %sign3A_654 : i32
        %sign3A_656 = arith.extui %sign3A_655 : i1 to i32
        %sign3A_657 = arith.constant 0 : i32
        %sign3A_658 = arith.cmpi slt, %jit3A_645, %sign3A_657 : i32
        %sign3A_659 = arith.extui %sign3A_658 : i1 to i32
        %sign3A_660 = arith.subi %sign3A_656, %sign3A_659 : i32
        %ne3A_661 = arith.cmpi ne, %sign3A_653, %sign3A_660 : i32
        %rem3A_662 = arith.remsi %squeeze3A_644, %jit3A_645 : i32
        %ne3A_663 = arith.constant 0 : i32
        %ne3A_664 = arith.cmpi ne, %rem3A_662, %ne3A_663 : i32
        %and3A_665 = arith.andi %ne3A_661, %ne3A_664 : i1
        %sub3A_666 = arith.constant 1 : i32
        %sub3A_667 = arith.subi %div3A_646, %sub3A_666 : i32
        %select_n3A_668 = arith.select %and3A_665, %sub3A_667, %div3A_646 : i32
        %mul3A_669 = arith.constant 128 : i32
        %mul3A_670 = arith.muli %select_n3A_668, %mul3A_669 : i32
        %multiple_of3A_671 = tpu.assume_multiple %mul3A_670, 128 : i32
        %dma_start3A_672 = arith.constant 7 : i32
        %dma_start3A_673 = arith.constant 0 : i32
        %dma_start3A_674 = arith.constant 0 : i32
        %dma_start3A_675 = tpu.memref_slice %arg9[%dma_start3A_672, %dma_start3A_673, %dma_start3A_674] : memref<8x32x128xf32, #tpu.memory_space<vmem>> -> memref<1x32x128xf32, #tpu.memory_space<vmem>>
        %dma_start3A_676 = tpu.memref_squeeze %dma_start3A_675 : memref<1x32x128xf32, #tpu.memory_space<vmem>> -> memref<32x128xf32, #tpu.memory_space<vmem>>
        %dma_start3A_677 = arith.constant 0 : i32
        %dma_start3A_678 = tpu.memref_slice %arg5[%dma_start3A_677, %multiple_of3A_671] : memref<32x1000000xf32, #tpu.memory_space<hbm>> -> memref<32x128xf32, #tpu.memory_space<hbm>>
        %dma_start3A_679 = arith.constant 0 : i32
        %dma_start3A_680 = arith.constant 0 : i32
        %dma_start3A_681 = tpu.memref_slice %arg9[%dma_start3A_672, %dma_start3A_679, %dma_start3A_680] : memref<8x32x128xf32, #tpu.memory_space<vmem>> -> memref<1x32x128xf32, #tpu.memory_space<vmem>>
        %dma_start3A_682 = tpu.memref_squeeze %dma_start3A_681 : memref<1x32x128xf32, #tpu.memory_space<vmem>> -> memref<32x128xf32, #tpu.memory_space<vmem>>
        %dma_start3A_683 = arith.constant 0 : i32
        %dma_start3A_684 = tpu.memref_slice %arg5[%dma_start3A_683, %multiple_of3A_671] : memref<32x1000000xf32, #tpu.memory_space<hbm>> -> memref<32x128xf32, #tpu.memory_space<hbm>>
        tpu.enqueue_dma source(%dma_start3A_684 : memref<32x128xf32, #tpu.memory_space<hbm>>) target(%dma_start3A_682 : memref<32x128xf32, #tpu.memory_space<vmem>>) target_semaphore(%arg12 : memref<!tpu.dma_semaphore, #tpu.memory_space<semaphore_mem>>)
        %dma_wait3A = arith.constant 0 : i32
        %dma_wait3A_685 = arith.constant 0 : i32
        %dma_wait3A_686 = arith.constant 0 : i32
        %dma_wait3A_687 = tpu.memref_slice %arg8[%dma_wait3A, %dma_wait3A_685, %dma_wait3A_686] : memref<8x32x128xf32, #tpu.memory_space<vmem>> -> memref<1x32x128xf32, #tpu.memory_space<vmem>>
        %dma_wait3A_688 = tpu.memref_squeeze %dma_wait3A_687 : memref<1x32x128xf32, #tpu.memory_space<vmem>> -> memref<32x128xf32, #tpu.memory_space<vmem>>
        %dma_wait3A_689 = arith.constant 0 : i32
        %dma_wait3A_690 = arith.constant 0 : i32
        %dma_wait3A_691 = tpu.memref_slice %arg5[%dma_wait3A_689, %dma_wait3A_690] : memref<32x1000000xf32, #tpu.memory_space<hbm>> -> memref<32x128xf32, #tpu.memory_space<hbm>>
        %dma_wait3A_692 = arith.constant 0 : i32
        %dma_wait3A_693 = arith.constant 0 : i32
        %dma_wait3A_694 = tpu.memref_slice %arg8[%dma_wait3A, %dma_wait3A_692, %dma_wait3A_693] : memref<8x32x128xf32, #tpu.memory_space<vmem>> -> memref<1x32x128xf32, #tpu.memory_space<vmem>>
        %dma_wait3A_695 = tpu.memref_squeeze %dma_wait3A_694 : memref<1x32x128xf32, #tpu.memory_space<vmem>> -> memref<32x128xf32, #tpu.memory_space<vmem>>
        %dma_wait3A_696 = arith.constant 0 : i32
        %dma_wait3A_697 = arith.constant 0 : i32
        %dma_wait3A_698 = tpu.memref_slice %arg5[%dma_wait3A_696, %dma_wait3A_697] : memref<32x1000000xf32, #tpu.memory_space<hbm>> -> memref<32x128xf32, #tpu.memory_space<hbm>>
        tpu.wait_dma2 semaphore(%arg11 : memref<!tpu.dma_semaphore, #tpu.memory_space<semaphore_mem>>) src(%dma_wait3A_698 : memref<32x128xf32, #tpu.memory_space<hbm>>) dst(%dma_wait3A_695 : memref<32x128xf32, #tpu.memory_space<vmem>>)
        %dma_wait3A_699 = arith.constant 1 : i32
        %dma_wait3A_700 = arith.constant 0 : i32
        %dma_wait3A_701 = arith.constant 0 : i32
        %dma_wait3A_702 = tpu.memref_slice %arg8[%dma_wait3A_699, %dma_wait3A_700, %dma_wait3A_701] : memref<8x32x128xf32, #tpu.memory_space<vmem>> -> memref<1x32x128xf32, #tpu.memory_space<vmem>>
        %dma_wait3A_703 = tpu.memref_squeeze %dma_wait3A_702 : memref<1x32x128xf32, #tpu.memory_space<vmem>> -> memref<32x128xf32, #tpu.memory_space<vmem>>
        %dma_wait3A_704 = arith.constant 0 : i32
        %dma_wait3A_705 = arith.constant 0 : i32
        %dma_wait3A_706 = tpu.memref_slice %arg5[%dma_wait3A_704, %dma_wait3A_705] : memref<32x1000000xf32, #tpu.memory_space<hbm>> -> memref<32x128xf32, #tpu.memory_space<hbm>>
        %dma_wait3A_707 = arith.constant 0 : i32
        %dma_wait3A_708 = arith.constant 0 : i32
        %dma_wait3A_709 = tpu.memref_slice %arg8[%dma_wait3A_699, %dma_wait3A_707, %dma_wait3A_708] : memref<8x32x128xf32, #tpu.memory_space<vmem>> -> memref<1x32x128xf32, #tpu.memory_space<vmem>>
        %dma_wait3A_710 = tpu.memref_squeeze %dma_wait3A_709 : memref<1x32x128xf32, #tpu.memory_space<vmem>> -> memref<32x128xf32, #tpu.memory_space<vmem>>
        %dma_wait3A_711 = arith.constant 0 : i32
        %dma_wait3A_712 = arith.constant 0 : i32
        %dma_wait3A_713 = tpu.memref_slice %arg5[%dma_wait3A_711, %dma_wait3A_712] : memref<32x1000000xf32, #tpu.memory_space<hbm>> -> memref<32x128xf32, #tpu.memory_space<hbm>>
        tpu.wait_dma2 semaphore(%arg11 : memref<!tpu.dma_semaphore, #tpu.memory_space<semaphore_mem>>) src(%dma_wait3A_713 : memref<32x128xf32, #tpu.memory_space<hbm>>) dst(%dma_wait3A_710 : memref<32x128xf32, #tpu.memory_space<vmem>>)
        %dma_wait3A_714 = arith.constant 2 : i32
        %dma_wait3A_715 = arith.constant 0 : i32
        %dma_wait3A_716 = arith.constant 0 : i32
        %dma_wait3A_717 = tpu.memref_slice %arg8[%dma_wait3A_714, %dma_wait3A_715, %dma_wait3A_716] : memref<8x32x128xf32, #tpu.memory_space<vmem>> -> memref<1x32x128xf32, #tpu.memory_space<vmem>>
        %dma_wait3A_718 = tpu.memref_squeeze %dma_wait3A_717 : memref<1x32x128xf32, #tpu.memory_space<vmem>> -> memref<32x128xf32, #tpu.memory_space<vmem>>
        %dma_wait3A_719 = arith.constant 0 : i32
        %dma_wait3A_720 = arith.constant 0 : i32
        %dma_wait3A_721 = tpu.memref_slice %arg5[%dma_wait3A_719, %dma_wait3A_720] : memref<32x1000000xf32, #tpu.memory_space<hbm>> -> memref<32x128xf32, #tpu.memory_space<hbm>>
        %dma_wait3A_722 = arith.constant 0 : i32
        %dma_wait3A_723 = arith.constant 0 : i32
        %dma_wait3A_724 = tpu.memref_slice %arg8[%dma_wait3A_714, %dma_wait3A_722, %dma_wait3A_723] : memref<8x32x128xf32, #tpu.memory_space<vmem>> -> memref<1x32x128xf32, #tpu.memory_space<vmem>>
        %dma_wait3A_725 = tpu.memref_squeeze %dma_wait3A_724 : memref<1x32x128xf32, #tpu.memory_space<vmem>> -> memref<32x128xf32, #tpu.memory_space<vmem>>
        %dma_wait3A_726 = arith.constant 0 : i32
        %dma_wait3A_727 = arith.constant 0 : i32
        %dma_wait3A_728 = tpu.memref_slice %arg5[%dma_wait3A_726, %dma_wait3A_727] : memref<32x1000000xf32, #tpu.memory_space<hbm>> -> memref<32x128xf32, #tpu.memory_space<hbm>>
        tpu.wait_dma2 semaphore(%arg11 : memref<!tpu.dma_semaphore, #tpu.memory_space<semaphore_mem>>) src(%dma_wait3A_728 : memref<32x128xf32, #tpu.memory_space<hbm>>) dst(%dma_wait3A_725 : memref<32x128xf32, #tpu.memory_space<vmem>>)
        %dma_wait3A_729 = arith.constant 3 : i32
        %dma_wait3A_730 = arith.constant 0 : i32
        %dma_wait3A_731 = arith.constant 0 : i32
        %dma_wait3A_732 = tpu.memref_slice %arg8[%dma_wait3A_729, %dma_wait3A_730, %dma_wait3A_731] : memref<8x32x128xf32, #tpu.memory_space<vmem>> -> memref<1x32x128xf32, #tpu.memory_space<vmem>>
        %dma_wait3A_733 = tpu.memref_squeeze %dma_wait3A_732 : memref<1x32x128xf32, #tpu.memory_space<vmem>> -> memref<32x128xf32, #tpu.memory_space<vmem>>
        %dma_wait3A_734 = arith.constant 0 : i32
        %dma_wait3A_735 = arith.constant 0 : i32
        %dma_wait3A_736 = tpu.memref_slice %arg5[%dma_wait3A_734, %dma_wait3A_735] : memref<32x1000000xf32, #tpu.memory_space<hbm>> -> memref<32x128xf32, #tpu.memory_space<hbm>>
        %dma_wait3A_737 = arith.constant 0 : i32
        %dma_wait3A_738 = arith.constant 0 : i32
        %dma_wait3A_739 = tpu.memref_slice %arg8[%dma_wait3A_729, %dma_wait3A_737, %dma_wait3A_738] : memref<8x32x128xf32, #tpu.memory_space<vmem>> -> memref<1x32x128xf32, #tpu.memory_space<vmem>>
        %dma_wait3A_740 = tpu.memref_squeeze %dma_wait3A_739 : memref<1x32x128xf32, #tpu.memory_space<vmem>> -> memref<32x128xf32, #tpu.memory_space<vmem>>
        %dma_wait3A_741 = arith.constant 0 : i32
        %dma_wait3A_742 = arith.constant 0 : i32
        %dma_wait3A_743 = tpu.memref_slice %arg5[%dma_wait3A_741, %dma_wait3A_742] : memref<32x1000000xf32, #tpu.memory_space<hbm>> -> memref<32x128xf32, #tpu.memory_space<hbm>>
        tpu.wait_dma2 semaphore(%arg11 : memref<!tpu.dma_semaphore, #tpu.memory_space<semaphore_mem>>) src(%dma_wait3A_743 : memref<32x128xf32, #tpu.memory_space<hbm>>) dst(%dma_wait3A_740 : memref<32x128xf32, #tpu.memory_space<vmem>>)
        %dma_wait3A_744 = arith.constant 4 : i32
        %dma_wait3A_745 = arith.constant 0 : i32
        %dma_wait3A_746 = arith.constant 0 : i32
        %dma_wait3A_747 = tpu.memref_slice %arg8[%dma_wait3A_744, %dma_wait3A_745, %dma_wait3A_746] : memref<8x32x128xf32, #tpu.memory_space<vmem>> -> memref<1x32x128xf32, #tpu.memory_space<vmem>>
        %dma_wait3A_748 = tpu.memref_squeeze %dma_wait3A_747 : memref<1x32x128xf32, #tpu.memory_space<vmem>> -> memref<32x128xf32, #tpu.memory_space<vmem>>
        %dma_wait3A_749 = arith.constant 0 : i32
        %dma_wait3A_750 = arith.constant 0 : i32
        %dma_wait3A_751 = tpu.memref_slice %arg5[%dma_wait3A_749, %dma_wait3A_750] : memref<32x1000000xf32, #tpu.memory_space<hbm>> -> memref<32x128xf32, #tpu.memory_space<hbm>>
        %dma_wait3A_752 = arith.constant 0 : i32
        %dma_wait3A_753 = arith.constant 0 : i32
        %dma_wait3A_754 = tpu.memref_slice %arg8[%dma_wait3A_744, %dma_wait3A_752, %dma_wait3A_753] : memref<8x32x128xf32, #tpu.memory_space<vmem>> -> memref<1x32x128xf32, #tpu.memory_space<vmem>>
        %dma_wait3A_755 = tpu.memref_squeeze %dma_wait3A_754 : memref<1x32x128xf32, #tpu.memory_space<vmem>> -> memref<32x128xf32, #tpu.memory_space<vmem>>
        %dma_wait3A_756 = arith.constant 0 : i32
        %dma_wait3A_757 = arith.constant 0 : i32
        %dma_wait3A_758 = tpu.memref_slice %arg5[%dma_wait3A_756, %dma_wait3A_757] : memref<32x1000000xf32, #tpu.memory_space<hbm>> -> memref<32x128xf32, #tpu.memory_space<hbm>>
        tpu.wait_dma2 semaphore(%arg11 : memref<!tpu.dma_semaphore, #tpu.memory_space<semaphore_mem>>) src(%dma_wait3A_758 : memref<32x128xf32, #tpu.memory_space<hbm>>) dst(%dma_wait3A_755 : memref<32x128xf32, #tpu.memory_space<vmem>>)
        %dma_wait3A_759 = arith.constant 5 : i32
        %dma_wait3A_760 = arith.constant 0 : i32
        %dma_wait3A_761 = arith.constant 0 : i32
        %dma_wait3A_762 = tpu.memref_slice %arg8[%dma_wait3A_759, %dma_wait3A_760, %dma_wait3A_761] : memref<8x32x128xf32, #tpu.memory_space<vmem>> -> memref<1x32x128xf32, #tpu.memory_space<vmem>>
        %dma_wait3A_763 = tpu.memref_squeeze %dma_wait3A_762 : memref<1x32x128xf32, #tpu.memory_space<vmem>> -> memref<32x128xf32, #tpu.memory_space<vmem>>
        %dma_wait3A_764 = arith.constant 0 : i32
        %dma_wait3A_765 = arith.constant 0 : i32
        %dma_wait3A_766 = tpu.memref_slice %arg5[%dma_wait3A_764, %dma_wait3A_765] : memref<32x1000000xf32, #tpu.memory_space<hbm>> -> memref<32x128xf32, #tpu.memory_space<hbm>>
        %dma_wait3A_767 = arith.constant 0 : i32
        %dma_wait3A_768 = arith.constant 0 : i32
        %dma_wait3A_769 = tpu.memref_slice %arg8[%dma_wait3A_759, %dma_wait3A_767, %dma_wait3A_768] : memref<8x32x128xf32, #tpu.memory_space<vmem>> -> memref<1x32x128xf32, #tpu.memory_space<vmem>>
        %dma_wait3A_770 = tpu.memref_squeeze %dma_wait3A_769 : memref<1x32x128xf32, #tpu.memory_space<vmem>> -> memref<32x128xf32, #tpu.memory_space<vmem>>
        %dma_wait3A_771 = arith.constant 0 : i32
        %dma_wait3A_772 = arith.constant 0 : i32
        %dma_wait3A_773 = tpu.memref_slice %arg5[%dma_wait3A_771, %dma_wait3A_772] : memref<32x1000000xf32, #tpu.memory_space<hbm>> -> memref<32x128xf32, #tpu.memory_space<hbm>>
        tpu.wait_dma2 semaphore(%arg11 : memref<!tpu.dma_semaphore, #tpu.memory_space<semaphore_mem>>) src(%dma_wait3A_773 : memref<32x128xf32, #tpu.memory_space<hbm>>) dst(%dma_wait3A_770 : memref<32x128xf32, #tpu.memory_space<vmem>>)
        %dma_wait3A_774 = arith.constant 6 : i32
        %dma_wait3A_775 = arith.constant 0 : i32
        %dma_wait3A_776 = arith.constant 0 : i32
        %dma_wait3A_777 = tpu.memref_slice %arg8[%dma_wait3A_774, %dma_wait3A_775, %dma_wait3A_776] : memref<8x32x128xf32, #tpu.memory_space<vmem>> -> memref<1x32x128xf32, #tpu.memory_space<vmem>>
        %dma_wait3A_778 = tpu.memref_squeeze %dma_wait3A_777 : memref<1x32x128xf32, #tpu.memory_space<vmem>> -> memref<32x128xf32, #tpu.memory_space<vmem>>
        %dma_wait3A_779 = arith.constant 0 : i32
        %dma_wait3A_780 = arith.constant 0 : i32
        %dma_wait3A_781 = tpu.memref_slice %arg5[%dma_wait3A_779, %dma_wait3A_780] : memref<32x1000000xf32, #tpu.memory_space<hbm>> -> memref<32x128xf32, #tpu.memory_space<hbm>>
        %dma_wait3A_782 = arith.constant 0 : i32
        %dma_wait3A_783 = arith.constant 0 : i32
        %dma_wait3A_784 = tpu.memref_slice %arg8[%dma_wait3A_774, %dma_wait3A_782, %dma_wait3A_783] : memref<8x32x128xf32, #tpu.memory_space<vmem>> -> memref<1x32x128xf32, #tpu.memory_space<vmem>>
        %dma_wait3A_785 = tpu.memref_squeeze %dma_wait3A_784 : memref<1x32x128xf32, #tpu.memory_space<vmem>> -> memref<32x128xf32, #tpu.memory_space<vmem>>
        %dma_wait3A_786 = arith.constant 0 : i32
        %dma_wait3A_787 = arith.constant 0 : i32
        %dma_wait3A_788 = tpu.memref_slice %arg5[%dma_wait3A_786, %dma_wait3A_787] : memref<32x1000000xf32, #tpu.memory_space<hbm>> -> memref<32x128xf32, #tpu.memory_space<hbm>>
        tpu.wait_dma2 semaphore(%arg11 : memref<!tpu.dma_semaphore, #tpu.memory_space<semaphore_mem>>) src(%dma_wait3A_788 : memref<32x128xf32, #tpu.memory_space<hbm>>) dst(%dma_wait3A_785 : memref<32x128xf32, #tpu.memory_space<vmem>>)
        %dma_wait3A_789 = arith.constant 7 : i32
        %dma_wait3A_790 = arith.constant 0 : i32
        %dma_wait3A_791 = arith.constant 0 : i32
        %dma_wait3A_792 = tpu.memref_slice %arg8[%dma_wait3A_789, %dma_wait3A_790, %dma_wait3A_791] : memref<8x32x128xf32, #tpu.memory_space<vmem>> -> memref<1x32x128xf32, #tpu.memory_space<vmem>>
        %dma_wait3A_793 = tpu.memref_squeeze %dma_wait3A_792 : memref<1x32x128xf32, #tpu.memory_space<vmem>> -> memref<32x128xf32, #tpu.memory_space<vmem>>
        %dma_wait3A_794 = arith.constant 0 : i32
        %dma_wait3A_795 = arith.constant 0 : i32
        %dma_wait3A_796 = tpu.memref_slice %arg5[%dma_wait3A_794, %dma_wait3A_795] : memref<32x1000000xf32, #tpu.memory_space<hbm>> -> memref<32x128xf32, #tpu.memory_space<hbm>>
        %dma_wait3A_797 = arith.constant 0 : i32
        %dma_wait3A_798 = arith.constant 0 : i32
        %dma_wait3A_799 = tpu.memref_slice %arg8[%dma_wait3A_789, %dma_wait3A_797, %dma_wait3A_798] : memref<8x32x128xf32, #tpu.memory_space<vmem>> -> memref<1x32x128xf32, #tpu.memory_space<vmem>>
        %dma_wait3A_800 = tpu.memref_squeeze %dma_wait3A_799 : memref<1x32x128xf32, #tpu.memory_space<vmem>> -> memref<32x128xf32, #tpu.memory_space<vmem>>
        %dma_wait3A_801 = arith.constant 0 : i32
        %dma_wait3A_802 = arith.constant 0 : i32
        %dma_wait3A_803 = tpu.memref_slice %arg5[%dma_wait3A_801, %dma_wait3A_802] : memref<32x1000000xf32, #tpu.memory_space<hbm>> -> memref<32x128xf32, #tpu.memory_space<hbm>>
        tpu.wait_dma2 semaphore(%arg11 : memref<!tpu.dma_semaphore, #tpu.memory_space<semaphore_mem>>) src(%dma_wait3A_803 : memref<32x128xf32, #tpu.memory_space<hbm>>) dst(%dma_wait3A_800 : memref<32x128xf32, #tpu.memory_space<vmem>>)
        %mul3A_804 = arith.constant 16 : i32
        %mul3A_805 = arith.muli %scan3A_344, %mul3A_804 : i32
        %slice3A_806 = vector.extract_strided_slice %get3A_348 {offsets = [0], sizes = [1], strides = [1]} : vector<16xi32> to vector<1xi32>
        %squeeze3A_807 = vector.extract %slice3A_806[0] : i32 from vector<1xi32>
        %rem3A_808 = arith.constant 128 : i32
        %rem3A_809 = arith.remsi %squeeze3A_807, %rem3A_808 : i32
        %broadcast_in_dim3A = vector.broadcast %rem3A_809 : i32 to vector<16xi32>
        %add3A_810 = arith.constant 0 : i32
        %add3A_811 = arith.addi %mul3A_805, %add3A_810 : i32
        %broadcast_in_dim3A_812 = vector.broadcast %add3A_811 : i32 to vector<16xi32>
        %gather3A = arith.constant 0 : i32
        %gather3A_813 = arith.constant 0 : i32
        %gather3A_814 = arith.constant 0 : i32
        %gather3A_815 = tpu.memref_slice %arg8[%gather3A, %gather3A_813, %gather3A_814] : memref<8x32x128xf32, #tpu.memory_space<vmem>> -> memref<1x32x128xf32, #tpu.memory_space<vmem>>
        %gather3A_816 = tpu.memref_squeeze %gather3A_815 : memref<1x32x128xf32, #tpu.memory_space<vmem>> -> memref<32x128xf32, #tpu.memory_space<vmem>>
        %gather3A_817 = tpu.vector_load_idx %gather3A_816[%iota3A, %broadcast_in_dim3A] : memref<32x128xf32, #tpu.memory_space<vmem>>[vector<16xi32>, vector<16xi32>], vector<16xf32>,
        %gather3A_818 = arith.constant 0 : i32
        %gather3A_819 = arith.constant 0 : i32
        %gather3A_820 = arith.constant 0 : i32
        %gather3A_821 = tpu.memref_slice %arg8[%gather3A_818, %gather3A_819, %gather3A_820] : memref<8x32x128xf32, #tpu.memory_space<vmem>> -> memref<1x32x128xf32, #tpu.memory_space<vmem>>
        %gather3A_822 = tpu.memref_squeeze %gather3A_821 : memref<1x32x128xf32, #tpu.memory_space<vmem>> -> memref<32x128xf32, #tpu.memory_space<vmem>>
        %gather3A_823 = tpu.vector_load_idx %gather3A_822[%add3A_6, %broadcast_in_dim3A] : memref<32x128xf32, #tpu.memory_space<vmem>>[vector<16xi32>, vector<16xi32>], vector<16xf32>,
        tpu.vector_store_idx %arg10[%iota3A, %broadcast_in_dim3A_812], %gather3A_817 : memref<32x1024xf32, #tpu.memory_space<vmem>>[vector<16xi32>, vector<16xi32>], vector<16xf32>,
        tpu.vector_store_idx %arg10[%add3A_6, %broadcast_in_dim3A_812], %gather3A_823 : memref<32x1024xf32, #tpu.memory_space<vmem>>[vector<16xi32>, vector<16xi32>], vector<16xf32>,
        %slice3A_824 = vector.extract_strided_slice %get3A_348 {offsets = [1], sizes = [1], strides = [1]} : vector<16xi32> to vector<1xi32>
        %squeeze3A_825 = vector.extract %slice3A_824[0] : i32 from vector<1xi32>
        %rem3A_826 = arith.constant 128 : i32
        %rem3A_827 = arith.remsi %squeeze3A_825, %rem3A_826 : i32
        %broadcast_in_dim3A_828 = vector.broadcast %rem3A_827 : i32 to vector<16xi32>
        %add3A_829 = arith.constant 1 : i32
        %add3A_830 = arith.addi %mul3A_805, %add3A_829 : i32
        %broadcast_in_dim3A_831 = vector.broadcast %add3A_830 : i32 to vector<16xi32>
        %gather3A_832 = arith.constant 1 : i32
        %gather3A_833 = arith.constant 0 : i32
        %gather3A_834 = arith.constant 0 : i32
        %gather3A_835 = tpu.memref_slice %arg8[%gather3A_832, %gather3A_833, %gather3A_834] : memref<8x32x128xf32, #tpu.memory_space<vmem>> -> memref<1x32x128xf32, #tpu.memory_space<vmem>>
        %gather3A_836 = tpu.memref_squeeze %gather3A_835 : memref<1x32x128xf32, #tpu.memory_space<vmem>> -> memref<32x128xf32, #tpu.memory_space<vmem>>
        %gather3A_837 = tpu.vector_load_idx %gather3A_836[%iota3A, %broadcast_in_dim3A_828] : memref<32x128xf32, #tpu.memory_space<vmem>>[vector<16xi32>, vector<16xi32>], vector<16xf32>,
        %gather3A_838 = arith.constant 1 : i32
        %gather3A_839 = arith.constant 0 : i32
        %gather3A_840 = arith.constant 0 : i32
        %gather3A_841 = tpu.memref_slice %arg8[%gather3A_838, %gather3A_839, %gather3A_840] : memref<8x32x128xf32, #tpu.memory_space<vmem>> -> memref<1x32x128xf32, #tpu.memory_space<vmem>>
        %gather3A_842 = tpu.memref_squeeze %gather3A_841 : memref<1x32x128xf32, #tpu.memory_space<vmem>> -> memref<32x128xf32, #tpu.memory_space<vmem>>
        %gather3A_843 = tpu.vector_load_idx %gather3A_842[%add3A_6, %broadcast_in_dim3A_828] : memref<32x128xf32, #tpu.memory_space<vmem>>[vector<16xi32>, vector<16xi32>], vector<16xf32>,
        tpu.vector_store_idx %arg10[%iota3A, %broadcast_in_dim3A_831], %gather3A_837 : memref<32x1024xf32, #tpu.memory_space<vmem>>[vector<16xi32>, vector<16xi32>], vector<16xf32>,
        tpu.vector_store_idx %arg10[%add3A_6, %broadcast_in_dim3A_831], %gather3A_843 : memref<32x1024xf32, #tpu.memory_space<vmem>>[vector<16xi32>, vector<16xi32>], vector<16xf32>,
        %slice3A_844 = vector.extract_strided_slice %get3A_348 {offsets = [2], sizes = [1], strides = [1]} : vector<16xi32> to vector<1xi32>
        %squeeze3A_845 = vector.extract %slice3A_844[0] : i32 from vector<1xi32>
        %rem3A_846 = arith.constant 128 : i32
        %rem3A_847 = arith.remsi %squeeze3A_845, %rem3A_846 : i32
        %broadcast_in_dim3A_848 = vector.broadcast %rem3A_847 : i32 to vector<16xi32>
        %add3A_849 = arith.constant 2 : i32
        %add3A_850 = arith.addi %mul3A_805, %add3A_849 : i32
        %broadcast_in_dim3A_851 = vector.broadcast %add3A_850 : i32 to vector<16xi32>
        %gather3A_852 = arith.constant 2 : i32
        %gather3A_853 = arith.constant 0 : i32
        %gather3A_854 = arith.constant 0 : i32
        %gather3A_855 = tpu.memref_slice %arg8[%gather3A_852, %gather3A_853, %gather3A_854] : memref<8x32x128xf32, #tpu.memory_space<vmem>> -> memref<1x32x128xf32, #tpu.memory_space<vmem>>
        %gather3A_856 = tpu.memref_squeeze %gather3A_855 : memref<1x32x128xf32, #tpu.memory_space<vmem>> -> memref<32x128xf32, #tpu.memory_space<vmem>>
        %gather3A_857 = tpu.vector_load_idx %gather3A_856[%iota3A, %broadcast_in_dim3A_848] : memref<32x128xf32, #tpu.memory_space<vmem>>[vector<16xi32>, vector<16xi32>], vector<16xf32>,
        %gather3A_858 = arith.constant 2 : i32
        %gather3A_859 = arith.constant 0 : i32
        %gather3A_860 = arith.constant 0 : i32
        %gather3A_861 = tpu.memref_slice %arg8[%gather3A_858, %gather3A_859, %gather3A_860] : memref<8x32x128xf32, #tpu.memory_space<vmem>> -> memref<1x32x128xf32, #tpu.memory_space<vmem>>
        %gather3A_862 = tpu.memref_squeeze %gather3A_861 : memref<1x32x128xf32, #tpu.memory_space<vmem>> -> memref<32x128xf32, #tpu.memory_space<vmem>>
        %gather3A_863 = tpu.vector_load_idx %gather3A_862[%add3A_6, %broadcast_in_dim3A_848] : memref<32x128xf32, #tpu.memory_space<vmem>>[vector<16xi32>, vector<16xi32>], vector<16xf32>,
        tpu.vector_store_idx %arg10[%iota3A, %broadcast_in_dim3A_851], %gather3A_857 : memref<32x1024xf32, #tpu.memory_space<vmem>>[vector<16xi32>, vector<16xi32>], vector<16xf32>,
        tpu.vector_store_idx %arg10[%add3A_6, %broadcast_in_dim3A_851], %gather3A_863 : memref<32x1024xf32, #tpu.memory_space<vmem>>[vector<16xi32>, vector<16xi32>], vector<16xf32>,
        %slice3A_864 = vector.extract_strided_slice %get3A_348 {offsets = [3], sizes = [1], strides = [1]} : vector<16xi32> to vector<1xi32>
        %squeeze3A_865 = vector.extract %slice3A_864[0] : i32 from vector<1xi32>
        %rem3A_866 = arith.constant 128 : i32
        %rem3A_867 = arith.remsi %squeeze3A_865, %rem3A_866 : i32
        %broadcast_in_dim3A_868 = vector.broadcast %rem3A_867 : i32 to vector<16xi32>
        %add3A_869 = arith.constant 3 : i32
        %add3A_870 = arith.addi %mul3A_805, %add3A_869 : i32
        %broadcast_in_dim3A_871 = vector.broadcast %add3A_870 : i32 to vector<16xi32>
        %gather3A_872 = arith.constant 3 : i32
        %gather3A_873 = arith.constant 0 : i32
        %gather3A_874 = arith.constant 0 : i32
        %gather3A_875 = tpu.memref_slice %arg8[%gather3A_872, %gather3A_873, %gather3A_874] : memref<8x32x128xf32, #tpu.memory_space<vmem>> -> memref<1x32x128xf32, #tpu.memory_space<vmem>>
        %gather3A_876 = tpu.memref_squeeze %gather3A_875 : memref<1x32x128xf32, #tpu.memory_space<vmem>> -> memref<32x128xf32, #tpu.memory_space<vmem>>
        %gather3A_877 = tpu.vector_load_idx %gather3A_876[%iota3A, %broadcast_in_dim3A_868] : memref<32x128xf32, #tpu.memory_space<vmem>>[vector<16xi32>, vector<16xi32>], vector<16xf32>,
        %gather3A_878 = arith.constant 3 : i32
        %gather3A_879 = arith.constant 0 : i32
        %gather3A_880 = arith.constant 0 : i32
        %gather3A_881 = tpu.memref_slice %arg8[%gather3A_878, %gather3A_879, %gather3A_880] : memref<8x32x128xf32, #tpu.memory_space<vmem>> -> memref<1x32x128xf32, #tpu.memory_space<vmem>>
        %gather3A_882 = tpu.memref_squeeze %gather3A_881 : memref<1x32x128xf32, #tpu.memory_space<vmem>> -> memref<32x128xf32, #tpu.memory_space<vmem>>
        %gather3A_883 = tpu.vector_load_idx %gather3A_882[%add3A_6, %broadcast_in_dim3A_868] : memref<32x128xf32, #tpu.memory_space<vmem>>[vector<16xi32>, vector<16xi32>], vector<16xf32>,
        tpu.vector_store_idx %arg10[%iota3A, %broadcast_in_dim3A_871], %gather3A_877 : memref<32x1024xf32, #tpu.memory_space<vmem>>[vector<16xi32>, vector<16xi32>], vector<16xf32>,
        tpu.vector_store_idx %arg10[%add3A_6, %broadcast_in_dim3A_871], %gather3A_883 : memref<32x1024xf32, #tpu.memory_space<vmem>>[vector<16xi32>, vector<16xi32>], vector<16xf32>,
        %slice3A_884 = vector.extract_strided_slice %get3A_348 {offsets = [4], sizes = [1], strides = [1]} : vector<16xi32> to vector<1xi32>
        %squeeze3A_885 = vector.extract %slice3A_884[0] : i32 from vector<1xi32>
        %rem3A_886 = arith.constant 128 : i32
        %rem3A_887 = arith.remsi %squeeze3A_885, %rem3A_886 : i32
        %broadcast_in_dim3A_888 = vector.broadcast %rem3A_887 : i32 to vector<16xi32>
        %add3A_889 = arith.constant 4 : i32
        %add3A_890 = arith.addi %mul3A_805, %add3A_889 : i32
        %broadcast_in_dim3A_891 = vector.broadcast %add3A_890 : i32 to vector<16xi32>
        %gather3A_892 = arith.constant 4 : i32
        %gather3A_893 = arith.constant 0 : i32
        %gather3A_894 = arith.constant 0 : i32
        %gather3A_895 = tpu.memref_slice %arg8[%gather3A_892, %gather3A_893, %gather3A_894] : memref<8x32x128xf32, #tpu.memory_space<vmem>> -> memref<1x32x128xf32, #tpu.memory_space<vmem>>
        %gather3A_896 = tpu.memref_squeeze %gather3A_895 : memref<1x32x128xf32, #tpu.memory_space<vmem>> -> memref<32x128xf32, #tpu.memory_space<vmem>>
        %gather3A_897 = tpu.vector_load_idx %gather3A_896[%iota3A, %broadcast_in_dim3A_888] : memref<32x128xf32, #tpu.memory_space<vmem>>[vector<16xi32>, vector<16xi32>], vector<16xf32>,
        %gather3A_898 = arith.constant 4 : i32
        %gather3A_899 = arith.constant 0 : i32
        %gather3A_900 = arith.constant 0 : i32
        %gather3A_901 = tpu.memref_slice %arg8[%gather3A_898, %gather3A_899, %gather3A_900] : memref<8x32x128xf32, #tpu.memory_space<vmem>> -> memref<1x32x128xf32, #tpu.memory_space<vmem>>
        %gather3A_902 = tpu.memref_squeeze %gather3A_901 : memref<1x32x128xf32, #tpu.memory_space<vmem>> -> memref<32x128xf32, #tpu.memory_space<vmem>>
        %gather3A_903 = tpu.vector_load_idx %gather3A_902[%add3A_6, %broadcast_in_dim3A_888] : memref<32x128xf32, #tpu.memory_space<vmem>>[vector<16xi32>, vector<16xi32>], vector<16xf32>,
        tpu.vector_store_idx %arg10[%iota3A, %broadcast_in_dim3A_891], %gather3A_897 : memref<32x1024xf32, #tpu.memory_space<vmem>>[vector<16xi32>, vector<16xi32>], vector<16xf32>,
        tpu.vector_store_idx %arg10[%add3A_6, %broadcast_in_dim3A_891], %gather3A_903 : memref<32x1024xf32, #tpu.memory_space<vmem>>[vector<16xi32>, vector<16xi32>], vector<16xf32>,
        %slice3A_904 = vector.extract_strided_slice %get3A_348 {offsets = [5], sizes = [1], strides = [1]} : vector<16xi32> to vector<1xi32>
        %squeeze3A_905 = vector.extract %slice3A_904[0] : i32 from vector<1xi32>
        %rem3A_906 = arith.constant 128 : i32
        %rem3A_907 = arith.remsi %squeeze3A_905, %rem3A_906 : i32
        %broadcast_in_dim3A_908 = vector.broadcast %rem3A_907 : i32 to vector<16xi32>
        %add3A_909 = arith.constant 5 : i32
        %add3A_910 = arith.addi %mul3A_805, %add3A_909 : i32
        %broadcast_in_dim3A_911 = vector.broadcast %add3A_910 : i32 to vector<16xi32>
        %gather3A_912 = arith.constant 5 : i32
        %gather3A_913 = arith.constant 0 : i32
        %gather3A_914 = arith.constant 0 : i32
        %gather3A_915 = tpu.memref_slice %arg8[%gather3A_912, %gather3A_913, %gather3A_914] : memref<8x32x128xf32, #tpu.memory_space<vmem>> -> memref<1x32x128xf32, #tpu.memory_space<vmem>>
        %gather3A_916 = tpu.memref_squeeze %gather3A_915 : memref<1x32x128xf32, #tpu.memory_space<vmem>> -> memref<32x128xf32, #tpu.memory_space<vmem>>
        %gather3A_917 = tpu.vector_load_idx %gather3A_916[%iota3A, %broadcast_in_dim3A_908] : memref<32x128xf32, #tpu.memory_space<vmem>>[vector<16xi32>, vector<16xi32>], vector<16xf32>,
        %gather3A_918 = arith.constant 5 : i32
        %gather3A_919 = arith.constant 0 : i32
        %gather3A_920 = arith.constant 0 : i32
        %gather3A_921 = tpu.memref_slice %arg8[%gather3A_918, %gather3A_919, %gather3A_920] : memref<8x32x128xf32, #tpu.memory_space<vmem>> -> memref<1x32x128xf32, #tpu.memory_space<vmem>>
        %gather3A_922 = tpu.memref_squeeze %gather3A_921 : memref<1x32x128xf32, #tpu.memory_space<vmem>> -> memref<32x128xf32, #tpu.memory_space<vmem>>
        %gather3A_923 = tpu.vector_load_idx %gather3A_922[%add3A_6, %broadcast_in_dim3A_908] : memref<32x128xf32, #tpu.memory_space<vmem>>[vector<16xi32>, vector<16xi32>], vector<16xf32>,
        tpu.vector_store_idx %arg10[%iota3A, %broadcast_in_dim3A_911], %gather3A_917 : memref<32x1024xf32, #tpu.memory_space<vmem>>[vector<16xi32>, vector<16xi32>], vector<16xf32>,
        tpu.vector_store_idx %arg10[%add3A_6, %broadcast_in_dim3A_911], %gather3A_923 : memref<32x1024xf32, #tpu.memory_space<vmem>>[vector<16xi32>, vector<16xi32>], vector<16xf32>,
        %slice3A_924 = vector.extract_strided_slice %get3A_348 {offsets = [6], sizes = [1], strides = [1]} : vector<16xi32> to vector<1xi32>
        %squeeze3A_925 = vector.extract %slice3A_924[0] : i32 from vector<1xi32>
        %rem3A_926 = arith.constant 128 : i32
        %rem3A_927 = arith.remsi %squeeze3A_925, %rem3A_926 : i32
        %broadcast_in_dim3A_928 = vector.broadcast %rem3A_927 : i32 to vector<16xi32>
        %add3A_929 = arith.constant 6 : i32
        %add3A_930 = arith.addi %mul3A_805, %add3A_929 : i32
        %broadcast_in_dim3A_931 = vector.broadcast %add3A_930 : i32 to vector<16xi32>
        %gather3A_932 = arith.constant 6 : i32
        %gather3A_933 = arith.constant 0 : i32
        %gather3A_934 = arith.constant 0 : i32
        %gather3A_935 = tpu.memref_slice %arg8[%gather3A_932, %gather3A_933, %gather3A_934] : memref<8x32x128xf32, #tpu.memory_space<vmem>> -> memref<1x32x128xf32, #tpu.memory_space<vmem>>
        %gather3A_936 = tpu.memref_squeeze %gather3A_935 : memref<1x32x128xf32, #tpu.memory_space<vmem>> -> memref<32x128xf32, #tpu.memory_space<vmem>>
        %gather3A_937 = tpu.vector_load_idx %gather3A_936[%iota3A, %broadcast_in_dim3A_928] : memref<32x128xf32, #tpu.memory_space<vmem>>[vector<16xi32>, vector<16xi32>], vector<16xf32>,
        %gather3A_938 = arith.constant 6 : i32
        %gather3A_939 = arith.constant 0 : i32
        %gather3A_940 = arith.constant 0 : i32
        %gather3A_941 = tpu.memref_slice %arg8[%gather3A_938, %gather3A_939, %gather3A_940] : memref<8x32x128xf32, #tpu.memory_space<vmem>> -> memref<1x32x128xf32, #tpu.memory_space<vmem>>
        %gather3A_942 = tpu.memref_squeeze %gather3A_941 : memref<1x32x128xf32, #tpu.memory_space<vmem>> -> memref<32x128xf32, #tpu.memory_space<vmem>>
        %gather3A_943 = tpu.vector_load_idx %gather3A_942[%add3A_6, %broadcast_in_dim3A_928] : memref<32x128xf32, #tpu.memory_space<vmem>>[vector<16xi32>, vector<16xi32>], vector<16xf32>,
        tpu.vector_store_idx %arg10[%iota3A, %broadcast_in_dim3A_931], %gather3A_937 : memref<32x1024xf32, #tpu.memory_space<vmem>>[vector<16xi32>, vector<16xi32>], vector<16xf32>,
        tpu.vector_store_idx %arg10[%add3A_6, %broadcast_in_dim3A_931], %gather3A_943 : memref<32x1024xf32, #tpu.memory_space<vmem>>[vector<16xi32>, vector<16xi32>], vector<16xf32>,
        %slice3A_944 = vector.extract_strided_slice %get3A_348 {offsets = [7], sizes = [1], strides = [1]} : vector<16xi32> to vector<1xi32>
        %squeeze3A_945 = vector.extract %slice3A_944[0] : i32 from vector<1xi32>
        %rem3A_946 = arith.constant 128 : i32
        %rem3A_947 = arith.remsi %squeeze3A_945, %rem3A_946 : i32
        %broadcast_in_dim3A_948 = vector.broadcast %rem3A_947 : i32 to vector<16xi32>
        %add3A_949 = arith.constant 7 : i32
        %add3A_950 = arith.addi %mul3A_805, %add3A_949 : i32
        %broadcast_in_dim3A_951 = vector.broadcast %add3A_950 : i32 to vector<16xi32>
        %gather3A_952 = arith.constant 7 : i32
        %gather3A_953 = arith.constant 0 : i32
        %gather3A_954 = arith.constant 0 : i32
        %gather3A_955 = tpu.memref_slice %arg8[%gather3A_952, %gather3A_953, %gather3A_954] : memref<8x32x128xf32, #tpu.memory_space<vmem>> -> memref<1x32x128xf32, #tpu.memory_space<vmem>>
        %gather3A_956 = tpu.memref_squeeze %gather3A_955 : memref<1x32x128xf32, #tpu.memory_space<vmem>> -> memref<32x128xf32, #tpu.memory_space<vmem>>
        %gather3A_957 = tpu.vector_load_idx %gather3A_956[%iota3A, %broadcast_in_dim3A_948] : memref<32x128xf32, #tpu.memory_space<vmem>>[vector<16xi32>, vector<16xi32>], vector<16xf32>,
        %gather3A_958 = arith.constant 7 : i32
        %gather3A_959 = arith.constant 0 : i32
        %gather3A_960 = arith.constant 0 : i32
        %gather3A_961 = tpu.memref_slice %arg8[%gather3A_958, %gather3A_959, %gather3A_960] : memref<8x32x128xf32, #tpu.memory_space<vmem>> -> memref<1x32x128xf32, #tpu.memory_space<vmem>>
        %gather3A_962 = tpu.memref_squeeze %gather3A_961 : memref<1x32x128xf32, #tpu.memory_space<vmem>> -> memref<32x128xf32, #tpu.memory_space<vmem>>
        %gather3A_963 = tpu.vector_load_idx %gather3A_962[%add3A_6, %broadcast_in_dim3A_948] : memref<32x128xf32, #tpu.memory_space<vmem>>[vector<16xi32>, vector<16xi32>], vector<16xf32>,
        tpu.vector_store_idx %arg10[%iota3A, %broadcast_in_dim3A_951], %gather3A_957 : memref<32x1024xf32, #tpu.memory_space<vmem>>[vector<16xi32>, vector<16xi32>], vector<16xf32>,
        tpu.vector_store_idx %arg10[%add3A_6, %broadcast_in_dim3A_951], %gather3A_963 : memref<32x1024xf32, #tpu.memory_space<vmem>>[vector<16xi32>, vector<16xi32>], vector<16xf32>,
        %lt3A_964 = arith.constant 63 : i32
        %lt3A_965 = arith.cmpi slt, %scan3A_344, %lt3A_964 : i32
        %convert_element_type3A_966 = arith.extui %lt3A_965 : i1 to i32
        %cond3A_967 = arith.constant 0 : i32
        %cond3A_968 = arith.cmpi ne, %convert_element_type3A_966, %cond3A_967 : i32
        scf.if %cond3A_968 {
          %add3A_1253 = arith.constant 1 : i32
          %add3A_1254 = arith.addi %scan3A_344, %add3A_1253 : i32
          %mul3A_1255 = arith.constant 16 : i32
          %mul3A_1256 = arith.muli %add3A_1254, %mul3A_1255 : i32
          %get3A_1257 = arith.index_cast %mul3A_1256 : i32 to index
          %get3A_1258 = tpu.vector_load %arg7[%get3A_1257] {strides = array<i32>} : memref<1024xi32, #tpu.memory_space<vmem>>, vector<16xi32>,
          %slice3A_1259 = vector.extract_strided_slice %get3A_1258 {offsets = [0], sizes = [1], strides = [1]} : vector<16xi32> to vector<1xi32>
          %squeeze3A_1260 = vector.extract %slice3A_1259[0] : i32 from vector<1xi32>
          %jit3A_1261 = arith.constant 128 : i32
          %div3A_1262 = arith.divsi %squeeze3A_1260, %jit3A_1261 : i32
          %sign3A_1263 = arith.constant 0 : i32
          %sign3A_1264 = arith.cmpi sgt, %squeeze3A_1260, %sign3A_1263 : i32
          %sign3A_1265 = arith.extui %sign3A_1264 : i1 to i32
          %sign3A_1266 = arith.constant 0 : i32
          %sign3A_1267 = arith.cmpi slt, %squeeze3A_1260, %sign3A_1266 : i32
          %sign3A_1268 = arith.extui %sign3A_1267 : i1 to i32
          %sign3A_1269 = arith.subi %sign3A_1265, %sign3A_1268 : i32
          %sign3A_1270 = arith.constant 0 : i32
          %sign3A_1271 = arith.cmpi sgt, %jit3A_1261, %sign3A_1270 : i32
          %sign3A_1272 = arith.extui %sign3A_1271 : i1 to i32
          %sign3A_1273 = arith.constant 0 : i32
          %sign3A_1274 = arith.cmpi slt, %jit3A_1261, %sign3A_1273 : i32
          %sign3A_1275 = arith.extui %sign3A_1274 : i1 to i32
          %sign3A_1276 = arith.subi %sign3A_1272, %sign3A_1275 : i32
          %ne3A_1277 = arith.cmpi ne, %sign3A_1269, %sign3A_1276 : i32
          %rem3A_1278 = arith.remsi %squeeze3A_1260, %jit3A_1261 : i32
          %ne3A_1279 = arith.constant 0 : i32
          %ne3A_1280 = arith.cmpi ne, %rem3A_1278, %ne3A_1279 : i32
          %and3A_1281 = arith.andi %ne3A_1277, %ne3A_1280 : i1
          %sub3A_1282 = arith.constant 1 : i32
          %sub3A_1283 = arith.subi %div3A_1262, %sub3A_1282 : i32
          %select_n3A_1284 = arith.select %and3A_1281, %sub3A_1283, %div3A_1262 : i32
          %mul3A_1285 = arith.constant 128 : i32
          %mul3A_1286 = arith.muli %select_n3A_1284, %mul3A_1285 : i32
          %multiple_of3A_1287 = tpu.assume_multiple %mul3A_1286, 128 : i32
          %dma_start3A_1288 = arith.constant 0 : i32
          %dma_start3A_1289 = arith.constant 0 : i32
          %dma_start3A_1290 = arith.constant 0 : i32
          %dma_start3A_1291 = tpu.memref_slice %arg8[%dma_start3A_1288, %dma_start3A_1289, %dma_start3A_1290] : memref<8x32x128xf32, #tpu.memory_space<vmem>> -> memref<1x32x128xf32, #tpu.memory_space<vmem>>
          %dma_start3A_1292 = tpu.memref_squeeze %dma_start3A_1291 : memref<1x32x128xf32, #tpu.memory_space<vmem>> -> memref<32x128xf32, #tpu.memory_space<vmem>>
          %dma_start3A_1293 = arith.constant 0 : i32
          %dma_start3A_1294 = tpu.memref_slice %arg5[%dma_start3A_1293, %multiple_of3A_1287] : memref<32x1000000xf32, #tpu.memory_space<hbm>> -> memref<32x128xf32, #tpu.memory_space<hbm>>
          %dma_start3A_1295 = arith.constant 0 : i32
          %dma_start3A_1296 = arith.constant 0 : i32
          %dma_start3A_1297 = tpu.memref_slice %arg8[%dma_start3A_1288, %dma_start3A_1295, %dma_start3A_1296] : memref<8x32x128xf32, #tpu.memory_space<vmem>> -> memref<1x32x128xf32, #tpu.memory_space<vmem>>
          %dma_start3A_1298 = tpu.memref_squeeze %dma_start3A_1297 : memref<1x32x128xf32, #tpu.memory_space<vmem>> -> memref<32x128xf32, #tpu.memory_space<vmem>>
          %dma_start3A_1299 = arith.constant 0 : i32
          %dma_start3A_1300 = tpu.memref_slice %arg5[%dma_start3A_1299, %multiple_of3A_1287] : memref<32x1000000xf32, #tpu.memory_space<hbm>> -> memref<32x128xf32, #tpu.memory_space<hbm>>
          tpu.enqueue_dma source(%dma_start3A_1300 : memref<32x128xf32, #tpu.memory_space<hbm>>) target(%dma_start3A_1298 : memref<32x128xf32, #tpu.memory_space<vmem>>) target_semaphore(%arg11 : memref<!tpu.dma_semaphore, #tpu.memory_space<semaphore_mem>>)
          %slice3A_1301 = vector.extract_strided_slice %get3A_1258 {offsets = [1], sizes = [1], strides = [1]} : vector<16xi32> to vector<1xi32>
          %squeeze3A_1302 = vector.extract %slice3A_1301[0] : i32 from vector<1xi32>
          %jit3A_1303 = arith.constant 128 : i32
          %div3A_1304 = arith.divsi %squeeze3A_1302, %jit3A_1303 : i32
          %sign3A_1305 = arith.constant 0 : i32
          %sign3A_1306 = arith.cmpi sgt, %squeeze3A_1302, %sign3A_1305 : i32
          %sign3A_1307 = arith.extui %sign3A_1306 : i1 to i32
          %sign3A_1308 = arith.constant 0 : i32
          %sign3A_1309 = arith.cmpi slt, %squeeze3A_1302, %sign3A_1308 : i32
          %sign3A_1310 = arith.extui %sign3A_1309 : i1 to i32
          %sign3A_1311 = arith.subi %sign3A_1307, %sign3A_1310 : i32
          %sign3A_1312 = arith.constant 0 : i32
          %sign3A_1313 = arith.cmpi sgt, %jit3A_1303, %sign3A_1312 : i32
          %sign3A_1314 = arith.extui %sign3A_1313 : i1 to i32
          %sign3A_1315 = arith.constant 0 : i32
          %sign3A_1316 = arith.cmpi slt, %jit3A_1303, %sign3A_1315 : i32
          %sign3A_1317 = arith.extui %sign3A_1316 : i1 to i32
          %sign3A_1318 = arith.subi %sign3A_1314, %sign3A_1317 : i32
          %ne3A_1319 = arith.cmpi ne, %sign3A_1311, %sign3A_1318 : i32
          %rem3A_1320 = arith.remsi %squeeze3A_1302, %jit3A_1303 : i32
          %ne3A_1321 = arith.constant 0 : i32
          %ne3A_1322 = arith.cmpi ne, %rem3A_1320, %ne3A_1321 : i32
          %and3A_1323 = arith.andi %ne3A_1319, %ne3A_1322 : i1
          %sub3A_1324 = arith.constant 1 : i32
          %sub3A_1325 = arith.subi %div3A_1304, %sub3A_1324 : i32
          %select_n3A_1326 = arith.select %and3A_1323, %sub3A_1325, %div3A_1304 : i32
          %mul3A_1327 = arith.constant 128 : i32
          %mul3A_1328 = arith.muli %select_n3A_1326, %mul3A_1327 : i32
          %multiple_of3A_1329 = tpu.assume_multiple %mul3A_1328, 128 : i32
          %dma_start3A_1330 = arith.constant 1 : i32
          %dma_start3A_1331 = arith.constant 0 : i32
          %dma_start3A_1332 = arith.constant 0 : i32
          %dma_start3A_1333 = tpu.memref_slice %arg8[%dma_start3A_1330, %dma_start3A_1331, %dma_start3A_1332] : memref<8x32x128xf32, #tpu.memory_space<vmem>> -> memref<1x32x128xf32, #tpu.memory_space<vmem>>
          %dma_start3A_1334 = tpu.memref_squeeze %dma_start3A_1333 : memref<1x32x128xf32, #tpu.memory_space<vmem>> -> memref<32x128xf32, #tpu.memory_space<vmem>>
          %dma_start3A_1335 = arith.constant 0 : i32
          %dma_start3A_1336 = tpu.memref_slice %arg5[%dma_start3A_1335, %multiple_of3A_1329] : memref<32x1000000xf32, #tpu.memory_space<hbm>> -> memref<32x128xf32, #tpu.memory_space<hbm>>
          %dma_start3A_1337 = arith.constant 0 : i32
          %dma_start3A_1338 = arith.constant 0 : i32
          %dma_start3A_1339 = tpu.memref_slice %arg8[%dma_start3A_1330, %dma_start3A_1337, %dma_start3A_1338] : memref<8x32x128xf32, #tpu.memory_space<vmem>> -> memref<1x32x128xf32, #tpu.memory_space<vmem>>
          %dma_start3A_1340 = tpu.memref_squeeze %dma_start3A_1339 : memref<1x32x128xf32, #tpu.memory_space<vmem>> -> memref<32x128xf32, #tpu.memory_space<vmem>>
          %dma_start3A_1341 = arith.constant 0 : i32
          %dma_start3A_1342 = tpu.memref_slice %arg5[%dma_start3A_1341, %multiple_of3A_1329] : memref<32x1000000xf32, #tpu.memory_space<hbm>> -> memref<32x128xf32, #tpu.memory_space<hbm>>
          tpu.enqueue_dma source(%dma_start3A_1342 : memref<32x128xf32, #tpu.memory_space<hbm>>) target(%dma_start3A_1340 : memref<32x128xf32, #tpu.memory_space<vmem>>) target_semaphore(%arg11 : memref<!tpu.dma_semaphore, #tpu.memory_space<semaphore_mem>>)
          %slice3A_1343 = vector.extract_strided_slice %get3A_1258 {offsets = [2], sizes = [1], strides = [1]} : vector<16xi32> to vector<1xi32>
          %squeeze3A_1344 = vector.extract %slice3A_1343[0] : i32 from vector<1xi32>
          %jit3A_1345 = arith.constant 128 : i32
          %div3A_1346 = arith.divsi %squeeze3A_1344, %jit3A_1345 : i32
          %sign3A_1347 = arith.constant 0 : i32
          %sign3A_1348 = arith.cmpi sgt, %squeeze3A_1344, %sign3A_1347 : i32
          %sign3A_1349 = arith.extui %sign3A_1348 : i1 to i32
          %sign3A_1350 = arith.constant 0 : i32
          %sign3A_1351 = arith.cmpi slt, %squeeze3A_1344, %sign3A_1350 : i32
          %sign3A_1352 = arith.extui %sign3A_1351 : i1 to i32
          %sign3A_1353 = arith.subi %sign3A_1349, %sign3A_1352 : i32
          %sign3A_1354 = arith.constant 0 : i32
          %sign3A_1355 = arith.cmpi sgt, %jit3A_1345, %sign3A_1354 : i32
          %sign3A_1356 = arith.extui %sign3A_1355 : i1 to i32
          %sign3A_1357 = arith.constant 0 : i32
          %sign3A_1358 = arith.cmpi slt, %jit3A_1345, %sign3A_1357 : i32
          %sign3A_1359 = arith.extui %sign3A_1358 : i1 to i32
          %sign3A_1360 = arith.subi %sign3A_1356, %sign3A_1359 : i32
          %ne3A_1361 = arith.cmpi ne, %sign3A_1353, %sign3A_1360 : i32
          %rem3A_1362 = arith.remsi %squeeze3A_1344, %jit3A_1345 : i32
          %ne3A_1363 = arith.constant 0 : i32
          %ne3A_1364 = arith.cmpi ne, %rem3A_1362, %ne3A_1363 : i32
          %and3A_1365 = arith.andi %ne3A_1361, %ne3A_1364 : i1
          %sub3A_1366 = arith.constant 1 : i32
          %sub3A_1367 = arith.subi %div3A_1346, %sub3A_1366 : i32
          %select_n3A_1368 = arith.select %and3A_1365, %sub3A_1367, %div3A_1346 : i32
          %mul3A_1369 = arith.constant 128 : i32
          %mul3A_1370 = arith.muli %select_n3A_1368, %mul3A_1369 : i32
          %multiple_of3A_1371 = tpu.assume_multiple %mul3A_1370, 128 : i32
          %dma_start3A_1372 = arith.constant 2 : i32
          %dma_start3A_1373 = arith.constant 0 : i32
          %dma_start3A_1374 = arith.constant 0 : i32
          %dma_start3A_1375 = tpu.memref_slice %arg8[%dma_start3A_1372, %dma_start3A_1373, %dma_start3A_1374] : memref<8x32x128xf32, #tpu.memory_space<vmem>> -> memref<1x32x128xf32, #tpu.memory_space<vmem>>
          %dma_start3A_1376 = tpu.memref_squeeze %dma_start3A_1375 : memref<1x32x128xf32, #tpu.memory_space<vmem>> -> memref<32x128xf32, #tpu.memory_space<vmem>>
          %dma_start3A_1377 = arith.constant 0 : i32
          %dma_start3A_1378 = tpu.memref_slice %arg5[%dma_start3A_1377, %multiple_of3A_1371] : memref<32x1000000xf32, #tpu.memory_space<hbm>> -> memref<32x128xf32, #tpu.memory_space<hbm>>
          %dma_start3A_1379 = arith.constant 0 : i32
          %dma_start3A_1380 = arith.constant 0 : i32
          %dma_start3A_1381 = tpu.memref_slice %arg8[%dma_start3A_1372, %dma_start3A_1379, %dma_start3A_1380] : memref<8x32x128xf32, #tpu.memory_space<vmem>> -> memref<1x32x128xf32, #tpu.memory_space<vmem>>
          %dma_start3A_1382 = tpu.memref_squeeze %dma_start3A_1381 : memref<1x32x128xf32, #tpu.memory_space<vmem>> -> memref<32x128xf32, #tpu.memory_space<vmem>>
          %dma_start3A_1383 = arith.constant 0 : i32
          %dma_start3A_1384 = tpu.memref_slice %arg5[%dma_start3A_1383, %multiple_of3A_1371] : memref<32x1000000xf32, #tpu.memory_space<hbm>> -> memref<32x128xf32, #tpu.memory_space<hbm>>
          tpu.enqueue_dma source(%dma_start3A_1384 : memref<32x128xf32, #tpu.memory_space<hbm>>) target(%dma_start3A_1382 : memref<32x128xf32, #tpu.memory_space<vmem>>) target_semaphore(%arg11 : memref<!tpu.dma_semaphore, #tpu.memory_space<semaphore_mem>>)
          %slice3A_1385 = vector.extract_strided_slice %get3A_1258 {offsets = [3], sizes = [1], strides = [1]} : vector<16xi32> to vector<1xi32>
          %squeeze3A_1386 = vector.extract %slice3A_1385[0] : i32 from vector<1xi32>
          %jit3A_1387 = arith.constant 128 : i32
          %div3A_1388 = arith.divsi %squeeze3A_1386, %jit3A_1387 : i32
          %sign3A_1389 = arith.constant 0 : i32
          %sign3A_1390 = arith.cmpi sgt, %squeeze3A_1386, %sign3A_1389 : i32
          %sign3A_1391 = arith.extui %sign3A_1390 : i1 to i32
          %sign3A_1392 = arith.constant 0 : i32
          %sign3A_1393 = arith.cmpi slt, %squeeze3A_1386, %sign3A_1392 : i32
          %sign3A_1394 = arith.extui %sign3A_1393 : i1 to i32
          %sign3A_1395 = arith.subi %sign3A_1391, %sign3A_1394 : i32
          %sign3A_1396 = arith.constant 0 : i32
          %sign3A_1397 = arith.cmpi sgt, %jit3A_1387, %sign3A_1396 : i32
          %sign3A_1398 = arith.extui %sign3A_1397 : i1 to i32
          %sign3A_1399 = arith.constant 0 : i32
          %sign3A_1400 = arith.cmpi slt, %jit3A_1387, %sign3A_1399 : i32
          %sign3A_1401 = arith.extui %sign3A_1400 : i1 to i32
          %sign3A_1402 = arith.subi %sign3A_1398, %sign3A_1401 : i32
          %ne3A_1403 = arith.cmpi ne, %sign3A_1395, %sign3A_1402 : i32
          %rem3A_1404 = arith.remsi %squeeze3A_1386, %jit3A_1387 : i32
          %ne3A_1405 = arith.constant 0 : i32
          %ne3A_1406 = arith.cmpi ne, %rem3A_1404, %ne3A_1405 : i32
          %and3A_1407 = arith.andi %ne3A_1403, %ne3A_1406 : i1
          %sub3A_1408 = arith.constant 1 : i32
          %sub3A_1409 = arith.subi %div3A_1388, %sub3A_1408 : i32
          %select_n3A_1410 = arith.select %and3A_1407, %sub3A_1409, %div3A_1388 : i32
          %mul3A_1411 = arith.constant 128 : i32
          %mul3A_1412 = arith.muli %select_n3A_1410, %mul3A_1411 : i32
          %multiple_of3A_1413 = tpu.assume_multiple %mul3A_1412, 128 : i32
          %dma_start3A_1414 = arith.constant 3 : i32
          %dma_start3A_1415 = arith.constant 0 : i32
          %dma_start3A_1416 = arith.constant 0 : i32
          %dma_start3A_1417 = tpu.memref_slice %arg8[%dma_start3A_1414, %dma_start3A_1415, %dma_start3A_1416] : memref<8x32x128xf32, #tpu.memory_space<vmem>> -> memref<1x32x128xf32, #tpu.memory_space<vmem>>
          %dma_start3A_1418 = tpu.memref_squeeze %dma_start3A_1417 : memref<1x32x128xf32, #tpu.memory_space<vmem>> -> memref<32x128xf32, #tpu.memory_space<vmem>>
          %dma_start3A_1419 = arith.constant 0 : i32
          %dma_start3A_1420 = tpu.memref_slice %arg5[%dma_start3A_1419, %multiple_of3A_1413] : memref<32x1000000xf32, #tpu.memory_space<hbm>> -> memref<32x128xf32, #tpu.memory_space<hbm>>
          %dma_start3A_1421 = arith.constant 0 : i32
          %dma_start3A_1422 = arith.constant 0 : i32
          %dma_start3A_1423 = tpu.memref_slice %arg8[%dma_start3A_1414, %dma_start3A_1421, %dma_start3A_1422] : memref<8x32x128xf32, #tpu.memory_space<vmem>> -> memref<1x32x128xf32, #tpu.memory_space<vmem>>
          %dma_start3A_1424 = tpu.memref_squeeze %dma_start3A_1423 : memref<1x32x128xf32, #tpu.memory_space<vmem>> -> memref<32x128xf32, #tpu.memory_space<vmem>>
          %dma_start3A_1425 = arith.constant 0 : i32
          %dma_start3A_1426 = tpu.memref_slice %arg5[%dma_start3A_1425, %multiple_of3A_1413] : memref<32x1000000xf32, #tpu.memory_space<hbm>> -> memref<32x128xf32, #tpu.memory_space<hbm>>
          tpu.enqueue_dma source(%dma_start3A_1426 : memref<32x128xf32, #tpu.memory_space<hbm>>) target(%dma_start3A_1424 : memref<32x128xf32, #tpu.memory_space<vmem>>) target_semaphore(%arg11 : memref<!tpu.dma_semaphore, #tpu.memory_space<semaphore_mem>>)
          %slice3A_1427 = vector.extract_strided_slice %get3A_1258 {offsets = [4], sizes = [1], strides = [1]} : vector<16xi32> to vector<1xi32>
          %squeeze3A_1428 = vector.extract %slice3A_1427[0] : i32 from vector<1xi32>
          %jit3A_1429 = arith.constant 128 : i32
          %div3A_1430 = arith.divsi %squeeze3A_1428, %jit3A_1429 : i32
          %sign3A_1431 = arith.constant 0 : i32
          %sign3A_1432 = arith.cmpi sgt, %squeeze3A_1428, %sign3A_1431 : i32
          %sign3A_1433 = arith.extui %sign3A_1432 : i1 to i32
          %sign3A_1434 = arith.constant 0 : i32
          %sign3A_1435 = arith.cmpi slt, %squeeze3A_1428, %sign3A_1434 : i32
          %sign3A_1436 = arith.extui %sign3A_1435 : i1 to i32
          %sign3A_1437 = arith.subi %sign3A_1433, %sign3A_1436 : i32
          %sign3A_1438 = arith.constant 0 : i32
          %sign3A_1439 = arith.cmpi sgt, %jit3A_1429, %sign3A_1438 : i32
          %sign3A_1440 = arith.extui %sign3A_1439 : i1 to i32
          %sign3A_1441 = arith.constant 0 : i32
          %sign3A_1442 = arith.cmpi slt, %jit3A_1429, %sign3A_1441 : i32
          %sign3A_1443 = arith.extui %sign3A_1442 : i1 to i32
          %sign3A_1444 = arith.subi %sign3A_1440, %sign3A_1443 : i32
          %ne3A_1445 = arith.cmpi ne, %sign3A_1437, %sign3A_1444 : i32
          %rem3A_1446 = arith.remsi %squeeze3A_1428, %jit3A_1429 : i32
          %ne3A_1447 = arith.constant 0 : i32
          %ne3A_1448 = arith.cmpi ne, %rem3A_1446, %ne3A_1447 : i32
          %and3A_1449 = arith.andi %ne3A_1445, %ne3A_1448 : i1
          %sub3A_1450 = arith.constant 1 : i32
          %sub3A_1451 = arith.subi %div3A_1430, %sub3A_1450 : i32
          %select_n3A_1452 = arith.select %and3A_1449, %sub3A_1451, %div3A_1430 : i32
          %mul3A_1453 = arith.constant 128 : i32
          %mul3A_1454 = arith.muli %select_n3A_1452, %mul3A_1453 : i32
          %multiple_of3A_1455 = tpu.assume_multiple %mul3A_1454, 128 : i32
          %dma_start3A_1456 = arith.constant 4 : i32
          %dma_start3A_1457 = arith.constant 0 : i32
          %dma_start3A_1458 = arith.constant 0 : i32
          %dma_start3A_1459 = tpu.memref_slice %arg8[%dma_start3A_1456, %dma_start3A_1457, %dma_start3A_1458] : memref<8x32x128xf32, #tpu.memory_space<vmem>> -> memref<1x32x128xf32, #tpu.memory_space<vmem>>
          %dma_start3A_1460 = tpu.memref_squeeze %dma_start3A_1459 : memref<1x32x128xf32, #tpu.memory_space<vmem>> -> memref<32x128xf32, #tpu.memory_space<vmem>>
          %dma_start3A_1461 = arith.constant 0 : i32
          %dma_start3A_1462 = tpu.memref_slice %arg5[%dma_start3A_1461, %multiple_of3A_1455] : memref<32x1000000xf32, #tpu.memory_space<hbm>> -> memref<32x128xf32, #tpu.memory_space<hbm>>
          %dma_start3A_1463 = arith.constant 0 : i32
          %dma_start3A_1464 = arith.constant 0 : i32
          %dma_start3A_1465 = tpu.memref_slice %arg8[%dma_start3A_1456, %dma_start3A_1463, %dma_start3A_1464] : memref<8x32x128xf32, #tpu.memory_space<vmem>> -> memref<1x32x128xf32, #tpu.memory_space<vmem>>
          %dma_start3A_1466 = tpu.memref_squeeze %dma_start3A_1465 : memref<1x32x128xf32, #tpu.memory_space<vmem>> -> memref<32x128xf32, #tpu.memory_space<vmem>>
          %dma_start3A_1467 = arith.constant 0 : i32
          %dma_start3A_1468 = tpu.memref_slice %arg5[%dma_start3A_1467, %multiple_of3A_1455] : memref<32x1000000xf32, #tpu.memory_space<hbm>> -> memref<32x128xf32, #tpu.memory_space<hbm>>
          tpu.enqueue_dma source(%dma_start3A_1468 : memref<32x128xf32, #tpu.memory_space<hbm>>) target(%dma_start3A_1466 : memref<32x128xf32, #tpu.memory_space<vmem>>) target_semaphore(%arg11 : memref<!tpu.dma_semaphore, #tpu.memory_space<semaphore_mem>>)
          %slice3A_1469 = vector.extract_strided_slice %get3A_1258 {offsets = [5], sizes = [1], strides = [1]} : vector<16xi32> to vector<1xi32>
          %squeeze3A_1470 = vector.extract %slice3A_1469[0] : i32 from vector<1xi32>
          %jit3A_1471 = arith.constant 128 : i32
          %div3A_1472 = arith.divsi %squeeze3A_1470, %jit3A_1471 : i32
          %sign3A_1473 = arith.constant 0 : i32
          %sign3A_1474 = arith.cmpi sgt, %squeeze3A_1470, %sign3A_1473 : i32
          %sign3A_1475 = arith.extui %sign3A_1474 : i1 to i32
          %sign3A_1476 = arith.constant 0 : i32
          %sign3A_1477 = arith.cmpi slt, %squeeze3A_1470, %sign3A_1476 : i32
          %sign3A_1478 = arith.extui %sign3A_1477 : i1 to i32
          %sign3A_1479 = arith.subi %sign3A_1475, %sign3A_1478 : i32
          %sign3A_1480 = arith.constant 0 : i32
          %sign3A_1481 = arith.cmpi sgt, %jit3A_1471, %sign3A_1480 : i32
          %sign3A_1482 = arith.extui %sign3A_1481 : i1 to i32
          %sign3A_1483 = arith.constant 0 : i32
          %sign3A_1484 = arith.cmpi slt, %jit3A_1471, %sign3A_1483 : i32
          %sign3A_1485 = arith.extui %sign3A_1484 : i1 to i32
          %sign3A_1486 = arith.subi %sign3A_1482, %sign3A_1485 : i32
          %ne3A_1487 = arith.cmpi ne, %sign3A_1479, %sign3A_1486 : i32
          %rem3A_1488 = arith.remsi %squeeze3A_1470, %jit3A_1471 : i32
          %ne3A_1489 = arith.constant 0 : i32
          %ne3A_1490 = arith.cmpi ne, %rem3A_1488, %ne3A_1489 : i32
          %and3A_1491 = arith.andi %ne3A_1487, %ne3A_1490 : i1
          %sub3A_1492 = arith.constant 1 : i32
          %sub3A_1493 = arith.subi %div3A_1472, %sub3A_1492 : i32
          %select_n3A_1494 = arith.select %and3A_1491, %sub3A_1493, %div3A_1472 : i32
          %mul3A_1495 = arith.constant 128 : i32
          %mul3A_1496 = arith.muli %select_n3A_1494, %mul3A_1495 : i32
          %multiple_of3A_1497 = tpu.assume_multiple %mul3A_1496, 128 : i32
          %dma_start3A_1498 = arith.constant 5 : i32
          %dma_start3A_1499 = arith.constant 0 : i32
          %dma_start3A_1500 = arith.constant 0 : i32
          %dma_start3A_1501 = tpu.memref_slice %arg8[%dma_start3A_1498, %dma_start3A_1499, %dma_start3A_1500] : memref<8x32x128xf32, #tpu.memory_space<vmem>> -> memref<1x32x128xf32, #tpu.memory_space<vmem>>
          %dma_start3A_1502 = tpu.memref_squeeze %dma_start3A_1501 : memref<1x32x128xf32, #tpu.memory_space<vmem>> -> memref<32x128xf32, #tpu.memory_space<vmem>>
          %dma_start3A_1503 = arith.constant 0 : i32
          %dma_start3A_1504 = tpu.memref_slice %arg5[%dma_start3A_1503, %multiple_of3A_1497] : memref<32x1000000xf32, #tpu.memory_space<hbm>> -> memref<32x128xf32, #tpu.memory_space<hbm>>
          %dma_start3A_1505 = arith.constant 0 : i32
          %dma_start3A_1506 = arith.constant 0 : i32
          %dma_start3A_1507 = tpu.memref_slice %arg8[%dma_start3A_1498, %dma_start3A_1505, %dma_start3A_1506] : memref<8x32x128xf32, #tpu.memory_space<vmem>> -> memref<1x32x128xf32, #tpu.memory_space<vmem>>
          %dma_start3A_1508 = tpu.memref_squeeze %dma_start3A_1507 : memref<1x32x128xf32, #tpu.memory_space<vmem>> -> memref<32x128xf32, #tpu.memory_space<vmem>>
          %dma_start3A_1509 = arith.constant 0 : i32
          %dma_start3A_1510 = tpu.memref_slice %arg5[%dma_start3A_1509, %multiple_of3A_1497] : memref<32x1000000xf32, #tpu.memory_space<hbm>> -> memref<32x128xf32, #tpu.memory_space<hbm>>
          tpu.enqueue_dma source(%dma_start3A_1510 : memref<32x128xf32, #tpu.memory_space<hbm>>) target(%dma_start3A_1508 : memref<32x128xf32, #tpu.memory_space<vmem>>) target_semaphore(%arg11 : memref<!tpu.dma_semaphore, #tpu.memory_space<semaphore_mem>>)
          %slice3A_1511 = vector.extract_strided_slice %get3A_1258 {offsets = [6], sizes = [1], strides = [1]} : vector<16xi32> to vector<1xi32>
          %squeeze3A_1512 = vector.extract %slice3A_1511[0] : i32 from vector<1xi32>
          %jit3A_1513 = arith.constant 128 : i32
          %div3A_1514 = arith.divsi %squeeze3A_1512, %jit3A_1513 : i32
          %sign3A_1515 = arith.constant 0 : i32
          %sign3A_1516 = arith.cmpi sgt, %squeeze3A_1512, %sign3A_1515 : i32
          %sign3A_1517 = arith.extui %sign3A_1516 : i1 to i32
          %sign3A_1518 = arith.constant 0 : i32
          %sign3A_1519 = arith.cmpi slt, %squeeze3A_1512, %sign3A_1518 : i32
          %sign3A_1520 = arith.extui %sign3A_1519 : i1 to i32
          %sign3A_1521 = arith.subi %sign3A_1517, %sign3A_1520 : i32
          %sign3A_1522 = arith.constant 0 : i32
          %sign3A_1523 = arith.cmpi sgt, %jit3A_1513, %sign3A_1522 : i32
          %sign3A_1524 = arith.extui %sign3A_1523 : i1 to i32
          %sign3A_1525 = arith.constant 0 : i32
          %sign3A_1526 = arith.cmpi slt, %jit3A_1513, %sign3A_1525 : i32
          %sign3A_1527 = arith.extui %sign3A_1526 : i1 to i32
          %sign3A_1528 = arith.subi %sign3A_1524, %sign3A_1527 : i32
          %ne3A_1529 = arith.cmpi ne, %sign3A_1521, %sign3A_1528 : i32
          %rem3A_1530 = arith.remsi %squeeze3A_1512, %jit3A_1513 : i32
          %ne3A_1531 = arith.constant 0 : i32
          %ne3A_1532 = arith.cmpi ne, %rem3A_1530, %ne3A_1531 : i32
          %and3A_1533 = arith.andi %ne3A_1529, %ne3A_1532 : i1
          %sub3A_1534 = arith.constant 1 : i32
          %sub3A_1535 = arith.subi %div3A_1514, %sub3A_1534 : i32
          %select_n3A_1536 = arith.select %and3A_1533, %sub3A_1535, %div3A_1514 : i32
          %mul3A_1537 = arith.constant 128 : i32
          %mul3A_1538 = arith.muli %select_n3A_1536, %mul3A_1537 : i32
          %multiple_of3A_1539 = tpu.assume_multiple %mul3A_1538, 128 : i32
          %dma_start3A_1540 = arith.constant 6 : i32
          %dma_start3A_1541 = arith.constant 0 : i32
          %dma_start3A_1542 = arith.constant 0 : i32
          %dma_start3A_1543 = tpu.memref_slice %arg8[%dma_start3A_1540, %dma_start3A_1541, %dma_start3A_1542] : memref<8x32x128xf32, #tpu.memory_space<vmem>> -> memref<1x32x128xf32, #tpu.memory_space<vmem>>
          %dma_start3A_1544 = tpu.memref_squeeze %dma_start3A_1543 : memref<1x32x128xf32, #tpu.memory_space<vmem>> -> memref<32x128xf32, #tpu.memory_space<vmem>>
          %dma_start3A_1545 = arith.constant 0 : i32
          %dma_start3A_1546 = tpu.memref_slice %arg5[%dma_start3A_1545, %multiple_of3A_1539] : memref<32x1000000xf32, #tpu.memory_space<hbm>> -> memref<32x128xf32, #tpu.memory_space<hbm>>
          %dma_start3A_1547 = arith.constant 0 : i32
          %dma_start3A_1548 = arith.constant 0 : i32
          %dma_start3A_1549 = tpu.memref_slice %arg8[%dma_start3A_1540, %dma_start3A_1547, %dma_start3A_1548] : memref<8x32x128xf32, #tpu.memory_space<vmem>> -> memref<1x32x128xf32, #tpu.memory_space<vmem>>
          %dma_start3A_1550 = tpu.memref_squeeze %dma_start3A_1549 : memref<1x32x128xf32, #tpu.memory_space<vmem>> -> memref<32x128xf32, #tpu.memory_space<vmem>>
          %dma_start3A_1551 = arith.constant 0 : i32
          %dma_start3A_1552 = tpu.memref_slice %arg5[%dma_start3A_1551, %multiple_of3A_1539] : memref<32x1000000xf32, #tpu.memory_space<hbm>> -> memref<32x128xf32, #tpu.memory_space<hbm>>
          tpu.enqueue_dma source(%dma_start3A_1552 : memref<32x128xf32, #tpu.memory_space<hbm>>) target(%dma_start3A_1550 : memref<32x128xf32, #tpu.memory_space<vmem>>) target_semaphore(%arg11 : memref<!tpu.dma_semaphore, #tpu.memory_space<semaphore_mem>>)
          %slice3A_1553 = vector.extract_strided_slice %get3A_1258 {offsets = [7], sizes = [1], strides = [1]} : vector<16xi32> to vector<1xi32>
          %squeeze3A_1554 = vector.extract %slice3A_1553[0] : i32 from vector<1xi32>
          %jit3A_1555 = arith.constant 128 : i32
          %div3A_1556 = arith.divsi %squeeze3A_1554, %jit3A_1555 : i32
          %sign3A_1557 = arith.constant 0 : i32
          %sign3A_1558 = arith.cmpi sgt, %squeeze3A_1554, %sign3A_1557 : i32
          %sign3A_1559 = arith.extui %sign3A_1558 : i1 to i32
          %sign3A_1560 = arith.constant 0 : i32
          %sign3A_1561 = arith.cmpi slt, %squeeze3A_1554, %sign3A_1560 : i32
          %sign3A_1562 = arith.extui %sign3A_1561 : i1 to i32
          %sign3A_1563 = arith.subi %sign3A_1559, %sign3A_1562 : i32
          %sign3A_1564 = arith.constant 0 : i32
          %sign3A_1565 = arith.cmpi sgt, %jit3A_1555, %sign3A_1564 : i32
          %sign3A_1566 = arith.extui %sign3A_1565 : i1 to i32
          %sign3A_1567 = arith.constant 0 : i32
          %sign3A_1568 = arith.cmpi slt, %jit3A_1555, %sign3A_1567 : i32
          %sign3A_1569 = arith.extui %sign3A_1568 : i1 to i32
          %sign3A_1570 = arith.subi %sign3A_1566, %sign3A_1569 : i32
          %ne3A_1571 = arith.cmpi ne, %sign3A_1563, %sign3A_1570 : i32
          %rem3A_1572 = arith.remsi %squeeze3A_1554, %jit3A_1555 : i32
          %ne3A_1573 = arith.constant 0 : i32
          %ne3A_1574 = arith.cmpi ne, %rem3A_1572, %ne3A_1573 : i32
          %and3A_1575 = arith.andi %ne3A_1571, %ne3A_1574 : i1
          %sub3A_1576 = arith.constant 1 : i32
          %sub3A_1577 = arith.subi %div3A_1556, %sub3A_1576 : i32
          %select_n3A_1578 = arith.select %and3A_1575, %sub3A_1577, %div3A_1556 : i32
          %mul3A_1579 = arith.constant 128 : i32
          %mul3A_1580 = arith.muli %select_n3A_1578, %mul3A_1579 : i32
          %multiple_of3A_1581 = tpu.assume_multiple %mul3A_1580, 128 : i32
          %dma_start3A_1582 = arith.constant 7 : i32
          %dma_start3A_1583 = arith.constant 0 : i32
          %dma_start3A_1584 = arith.constant 0 : i32
          %dma_start3A_1585 = tpu.memref_slice %arg8[%dma_start3A_1582, %dma_start3A_1583, %dma_start3A_1584] : memref<8x32x128xf32, #tpu.memory_space<vmem>> -> memref<1x32x128xf32, #tpu.memory_space<vmem>>
          %dma_start3A_1586 = tpu.memref_squeeze %dma_start3A_1585 : memref<1x32x128xf32, #tpu.memory_space<vmem>> -> memref<32x128xf32, #tpu.memory_space<vmem>>
          %dma_start3A_1587 = arith.constant 0 : i32
          %dma_start3A_1588 = tpu.memref_slice %arg5[%dma_start3A_1587, %multiple_of3A_1581] : memref<32x1000000xf32, #tpu.memory_space<hbm>> -> memref<32x128xf32, #tpu.memory_space<hbm>>
          %dma_start3A_1589 = arith.constant 0 : i32
          %dma_start3A_1590 = arith.constant 0 : i32
          %dma_start3A_1591 = tpu.memref_slice %arg8[%dma_start3A_1582, %dma_start3A_1589, %dma_start3A_1590] : memref<8x32x128xf32, #tpu.memory_space<vmem>> -> memref<1x32x128xf32, #tpu.memory_space<vmem>>
          %dma_start3A_1592 = tpu.memref_squeeze %dma_start3A_1591 : memref<1x32x128xf32, #tpu.memory_space<vmem>> -> memref<32x128xf32, #tpu.memory_space<vmem>>
          %dma_start3A_1593 = arith.constant 0 : i32
          %dma_start3A_1594 = tpu.memref_slice %arg5[%dma_start3A_1593, %multiple_of3A_1581] : memref<32x1000000xf32, #tpu.memory_space<hbm>> -> memref<32x128xf32, #tpu.memory_space<hbm>>
          tpu.enqueue_dma source(%dma_start3A_1594 : memref<32x128xf32, #tpu.memory_space<hbm>>) target(%dma_start3A_1592 : memref<32x128xf32, #tpu.memory_space<vmem>>) target_semaphore(%arg11 : memref<!tpu.dma_semaphore, #tpu.memory_space<semaphore_mem>>)
        } else {
        }
        %dma_wait3A_969 = arith.constant 0 : i32
        %dma_wait3A_970 = arith.constant 0 : i32
        %dma_wait3A_971 = arith.constant 0 : i32
        %dma_wait3A_972 = tpu.memref_slice %arg9[%dma_wait3A_969, %dma_wait3A_970, %dma_wait3A_971] : memref<8x32x128xf32, #tpu.memory_space<vmem>> -> memref<1x32x128xf32, #tpu.memory_space<vmem>>
        %dma_wait3A_973 = tpu.memref_squeeze %dma_wait3A_972 : memref<1x32x128xf32, #tpu.memory_space<vmem>> -> memref<32x128xf32, #tpu.memory_space<vmem>>
        %dma_wait3A_974 = arith.constant 0 : i32
        %dma_wait3A_975 = arith.constant 0 : i32
        %dma_wait3A_976 = tpu.memref_slice %arg5[%dma_wait3A_974, %dma_wait3A_975] : memref<32x1000000xf32, #tpu.memory_space<hbm>> -> memref<32x128xf32, #tpu.memory_space<hbm>>
        %dma_wait3A_977 = arith.constant 0 : i32
        %dma_wait3A_978 = arith.constant 0 : i32
        %dma_wait3A_979 = tpu.memref_slice %arg9[%dma_wait3A_969, %dma_wait3A_977, %dma_wait3A_978] : memref<8x32x128xf32, #tpu.memory_space<vmem>> -> memref<1x32x128xf32, #tpu.memory_space<vmem>>
        %dma_wait3A_980 = tpu.memref_squeeze %dma_wait3A_979 : memref<1x32x128xf32, #tpu.memory_space<vmem>> -> memref<32x128xf32, #tpu.memory_space<vmem>>
        %dma_wait3A_981 = arith.constant 0 : i32
        %dma_wait3A_982 = arith.constant 0 : i32
        %dma_wait3A_983 = tpu.memref_slice %arg5[%dma_wait3A_981, %dma_wait3A_982] : memref<32x1000000xf32, #tpu.memory_space<hbm>> -> memref<32x128xf32, #tpu.memory_space<hbm>>
        tpu.wait_dma2 semaphore(%arg12 : memref<!tpu.dma_semaphore, #tpu.memory_space<semaphore_mem>>) src(%dma_wait3A_983 : memref<32x128xf32, #tpu.memory_space<hbm>>) dst(%dma_wait3A_980 : memref<32x128xf32, #tpu.memory_space<vmem>>)
        %dma_wait3A_984 = arith.constant 1 : i32
        %dma_wait3A_985 = arith.constant 0 : i32
        %dma_wait3A_986 = arith.constant 0 : i32
        %dma_wait3A_987 = tpu.memref_slice %arg9[%dma_wait3A_984, %dma_wait3A_985, %dma_wait3A_986] : memref<8x32x128xf32, #tpu.memory_space<vmem>> -> memref<1x32x128xf32, #tpu.memory_space<vmem>>
        %dma_wait3A_988 = tpu.memref_squeeze %dma_wait3A_987 : memref<1x32x128xf32, #tpu.memory_space<vmem>> -> memref<32x128xf32, #tpu.memory_space<vmem>>
        %dma_wait3A_989 = arith.constant 0 : i32
        %dma_wait3A_990 = arith.constant 0 : i32
        %dma_wait3A_991 = tpu.memref_slice %arg5[%dma_wait3A_989, %dma_wait3A_990] : memref<32x1000000xf32, #tpu.memory_space<hbm>> -> memref<32x128xf32, #tpu.memory_space<hbm>>
        %dma_wait3A_992 = arith.constant 0 : i32
        %dma_wait3A_993 = arith.constant 0 : i32
        %dma_wait3A_994 = tpu.memref_slice %arg9[%dma_wait3A_984, %dma_wait3A_992, %dma_wait3A_993] : memref<8x32x128xf32, #tpu.memory_space<vmem>> -> memref<1x32x128xf32, #tpu.memory_space<vmem>>
        %dma_wait3A_995 = tpu.memref_squeeze %dma_wait3A_994 : memref<1x32x128xf32, #tpu.memory_space<vmem>> -> memref<32x128xf32, #tpu.memory_space<vmem>>
        %dma_wait3A_996 = arith.constant 0 : i32
        %dma_wait3A_997 = arith.constant 0 : i32
        %dma_wait3A_998 = tpu.memref_slice %arg5[%dma_wait3A_996, %dma_wait3A_997] : memref<32x1000000xf32, #tpu.memory_space<hbm>> -> memref<32x128xf32, #tpu.memory_space<hbm>>
        tpu.wait_dma2 semaphore(%arg12 : memref<!tpu.dma_semaphore, #tpu.memory_space<semaphore_mem>>) src(%dma_wait3A_998 : memref<32x128xf32, #tpu.memory_space<hbm>>) dst(%dma_wait3A_995 : memref<32x128xf32, #tpu.memory_space<vmem>>)
        %dma_wait3A_999 = arith.constant 2 : i32
        %dma_wait3A_1000 = arith.constant 0 : i32
        %dma_wait3A_1001 = arith.constant 0 : i32
        %dma_wait3A_1002 = tpu.memref_slice %arg9[%dma_wait3A_999, %dma_wait3A_1000, %dma_wait3A_1001] : memref<8x32x128xf32, #tpu.memory_space<vmem>> -> memref<1x32x128xf32, #tpu.memory_space<vmem>>
        %dma_wait3A_1003 = tpu.memref_squeeze %dma_wait3A_1002 : memref<1x32x128xf32, #tpu.memory_space<vmem>> -> memref<32x128xf32, #tpu.memory_space<vmem>>
        %dma_wait3A_1004 = arith.constant 0 : i32
        %dma_wait3A_1005 = arith.constant 0 : i32
        %dma_wait3A_1006 = tpu.memref_slice %arg5[%dma_wait3A_1004, %dma_wait3A_1005] : memref<32x1000000xf32, #tpu.memory_space<hbm>> -> memref<32x128xf32, #tpu.memory_space<hbm>>
        %dma_wait3A_1007 = arith.constant 0 : i32
        %dma_wait3A_1008 = arith.constant 0 : i32
        %dma_wait3A_1009 = tpu.memref_slice %arg9[%dma_wait3A_999, %dma_wait3A_1007, %dma_wait3A_1008] : memref<8x32x128xf32, #tpu.memory_space<vmem>> -> memref<1x32x128xf32, #tpu.memory_space<vmem>>
        %dma_wait3A_1010 = tpu.memref_squeeze %dma_wait3A_1009 : memref<1x32x128xf32, #tpu.memory_space<vmem>> -> memref<32x128xf32, #tpu.memory_space<vmem>>
        %dma_wait3A_1011 = arith.constant 0 : i32
        %dma_wait3A_1012 = arith.constant 0 : i32
        %dma_wait3A_1013 = tpu.memref_slice %arg5[%dma_wait3A_1011, %dma_wait3A_1012] : memref<32x1000000xf32, #tpu.memory_space<hbm>> -> memref<32x128xf32, #tpu.memory_space<hbm>>
        tpu.wait_dma2 semaphore(%arg12 : memref<!tpu.dma_semaphore, #tpu.memory_space<semaphore_mem>>) src(%dma_wait3A_1013 : memref<32x128xf32, #tpu.memory_space<hbm>>) dst(%dma_wait3A_1010 : memref<32x128xf32, #tpu.memory_space<vmem>>)
        %dma_wait3A_1014 = arith.constant 3 : i32
        %dma_wait3A_1015 = arith.constant 0 : i32
        %dma_wait3A_1016 = arith.constant 0 : i32
        %dma_wait3A_1017 = tpu.memref_slice %arg9[%dma_wait3A_1014, %dma_wait3A_1015, %dma_wait3A_1016] : memref<8x32x128xf32, #tpu.memory_space<vmem>> -> memref<1x32x128xf32, #tpu.memory_space<vmem>>
        %dma_wait3A_1018 = tpu.memref_squeeze %dma_wait3A_1017 : memref<1x32x128xf32, #tpu.memory_space<vmem>> -> memref<32x128xf32, #tpu.memory_space<vmem>>
        %dma_wait3A_1019 = arith.constant 0 : i32
        %dma_wait3A_1020 = arith.constant 0 : i32
        %dma_wait3A_1021 = tpu.memref_slice %arg5[%dma_wait3A_1019, %dma_wait3A_1020] : memref<32x1000000xf32, #tpu.memory_space<hbm>> -> memref<32x128xf32, #tpu.memory_space<hbm>>
        %dma_wait3A_1022 = arith.constant 0 : i32
        %dma_wait3A_1023 = arith.constant 0 : i32
        %dma_wait3A_1024 = tpu.memref_slice %arg9[%dma_wait3A_1014, %dma_wait3A_1022, %dma_wait3A_1023] : memref<8x32x128xf32, #tpu.memory_space<vmem>> -> memref<1x32x128xf32, #tpu.memory_space<vmem>>
        %dma_wait3A_1025 = tpu.memref_squeeze %dma_wait3A_1024 : memref<1x32x128xf32, #tpu.memory_space<vmem>> -> memref<32x128xf32, #tpu.memory_space<vmem>>
        %dma_wait3A_1026 = arith.constant 0 : i32
        %dma_wait3A_1027 = arith.constant 0 : i32
        %dma_wait3A_1028 = tpu.memref_slice %arg5[%dma_wait3A_1026, %dma_wait3A_1027] : memref<32x1000000xf32, #tpu.memory_space<hbm>> -> memref<32x128xf32, #tpu.memory_space<hbm>>
        tpu.wait_dma2 semaphore(%arg12 : memref<!tpu.dma_semaphore, #tpu.memory_space<semaphore_mem>>) src(%dma_wait3A_1028 : memref<32x128xf32, #tpu.memory_space<hbm>>) dst(%dma_wait3A_1025 : memref<32x128xf32, #tpu.memory_space<vmem>>)
        %dma_wait3A_1029 = arith.constant 4 : i32
        %dma_wait3A_1030 = arith.constant 0 : i32
        %dma_wait3A_1031 = arith.constant 0 : i32
        %dma_wait3A_1032 = tpu.memref_slice %arg9[%dma_wait3A_1029, %dma_wait3A_1030, %dma_wait3A_1031] : memref<8x32x128xf32, #tpu.memory_space<vmem>> -> memref<1x32x128xf32, #tpu.memory_space<vmem>>
        %dma_wait3A_1033 = tpu.memref_squeeze %dma_wait3A_1032 : memref<1x32x128xf32, #tpu.memory_space<vmem>> -> memref<32x128xf32, #tpu.memory_space<vmem>>
        %dma_wait3A_1034 = arith.constant 0 : i32
        %dma_wait3A_1035 = arith.constant 0 : i32
        %dma_wait3A_1036 = tpu.memref_slice %arg5[%dma_wait3A_1034, %dma_wait3A_1035] : memref<32x1000000xf32, #tpu.memory_space<hbm>> -> memref<32x128xf32, #tpu.memory_space<hbm>>
        %dma_wait3A_1037 = arith.constant 0 : i32
        %dma_wait3A_1038 = arith.constant 0 : i32
        %dma_wait3A_1039 = tpu.memref_slice %arg9[%dma_wait3A_1029, %dma_wait3A_1037, %dma_wait3A_1038] : memref<8x32x128xf32, #tpu.memory_space<vmem>> -> memref<1x32x128xf32, #tpu.memory_space<vmem>>
        %dma_wait3A_1040 = tpu.memref_squeeze %dma_wait3A_1039 : memref<1x32x128xf32, #tpu.memory_space<vmem>> -> memref<32x128xf32, #tpu.memory_space<vmem>>
        %dma_wait3A_1041 = arith.constant 0 : i32
        %dma_wait3A_1042 = arith.constant 0 : i32
        %dma_wait3A_1043 = tpu.memref_slice %arg5[%dma_wait3A_1041, %dma_wait3A_1042] : memref<32x1000000xf32, #tpu.memory_space<hbm>> -> memref<32x128xf32, #tpu.memory_space<hbm>>
        tpu.wait_dma2 semaphore(%arg12 : memref<!tpu.dma_semaphore, #tpu.memory_space<semaphore_mem>>) src(%dma_wait3A_1043 : memref<32x128xf32, #tpu.memory_space<hbm>>) dst(%dma_wait3A_1040 : memref<32x128xf32, #tpu.memory_space<vmem>>)
        %dma_wait3A_1044 = arith.constant 5 : i32
        %dma_wait3A_1045 = arith.constant 0 : i32
        %dma_wait3A_1046 = arith.constant 0 : i32
        %dma_wait3A_1047 = tpu.memref_slice %arg9[%dma_wait3A_1044, %dma_wait3A_1045, %dma_wait3A_1046] : memref<8x32x128xf32, #tpu.memory_space<vmem>> -> memref<1x32x128xf32, #tpu.memory_space<vmem>>
        %dma_wait3A_1048 = tpu.memref_squeeze %dma_wait3A_1047 : memref<1x32x128xf32, #tpu.memory_space<vmem>> -> memref<32x128xf32, #tpu.memory_space<vmem>>
        %dma_wait3A_1049 = arith.constant 0 : i32
        %dma_wait3A_1050 = arith.constant 0 : i32
        %dma_wait3A_1051 = tpu.memref_slice %arg5[%dma_wait3A_1049, %dma_wait3A_1050] : memref<32x1000000xf32, #tpu.memory_space<hbm>> -> memref<32x128xf32, #tpu.memory_space<hbm>>
        %dma_wait3A_1052 = arith.constant 0 : i32
        %dma_wait3A_1053 = arith.constant 0 : i32
        %dma_wait3A_1054 = tpu.memref_slice %arg9[%dma_wait3A_1044, %dma_wait3A_1052, %dma_wait3A_1053] : memref<8x32x128xf32, #tpu.memory_space<vmem>> -> memref<1x32x128xf32, #tpu.memory_space<vmem>>
        %dma_wait3A_1055 = tpu.memref_squeeze %dma_wait3A_1054 : memref<1x32x128xf32, #tpu.memory_space<vmem>> -> memref<32x128xf32, #tpu.memory_space<vmem>>
        %dma_wait3A_1056 = arith.constant 0 : i32
        %dma_wait3A_1057 = arith.constant 0 : i32
        %dma_wait3A_1058 = tpu.memref_slice %arg5[%dma_wait3A_1056, %dma_wait3A_1057] : memref<32x1000000xf32, #tpu.memory_space<hbm>> -> memref<32x128xf32, #tpu.memory_space<hbm>>
        tpu.wait_dma2 semaphore(%arg12 : memref<!tpu.dma_semaphore, #tpu.memory_space<semaphore_mem>>) src(%dma_wait3A_1058 : memref<32x128xf32, #tpu.memory_space<hbm>>) dst(%dma_wait3A_1055 : memref<32x128xf32, #tpu.memory_space<vmem>>)
        %dma_wait3A_1059 = arith.constant 6 : i32
        %dma_wait3A_1060 = arith.constant 0 : i32
        %dma_wait3A_1061 = arith.constant 0 : i32
        %dma_wait3A_1062 = tpu.memref_slice %arg9[%dma_wait3A_1059, %dma_wait3A_1060, %dma_wait3A_1061] : memref<8x32x128xf32, #tpu.memory_space<vmem>> -> memref<1x32x128xf32, #tpu.memory_space<vmem>>
        %dma_wait3A_1063 = tpu.memref_squeeze %dma_wait3A_1062 : memref<1x32x128xf32, #tpu.memory_space<vmem>> -> memref<32x128xf32, #tpu.memory_space<vmem>>
        %dma_wait3A_1064 = arith.constant 0 : i32
        %dma_wait3A_1065 = arith.constant 0 : i32
        %dma_wait3A_1066 = tpu.memref_slice %arg5[%dma_wait3A_1064, %dma_wait3A_1065] : memref<32x1000000xf32, #tpu.memory_space<hbm>> -> memref<32x128xf32, #tpu.memory_space<hbm>>
        %dma_wait3A_1067 = arith.constant 0 : i32
        %dma_wait3A_1068 = arith.constant 0 : i32
        %dma_wait3A_1069 = tpu.memref_slice %arg9[%dma_wait3A_1059, %dma_wait3A_1067, %dma_wait3A_1068] : memref<8x32x128xf32, #tpu.memory_space<vmem>> -> memref<1x32x128xf32, #tpu.memory_space<vmem>>
        %dma_wait3A_1070 = tpu.memref_squeeze %dma_wait3A_1069 : memref<1x32x128xf32, #tpu.memory_space<vmem>> -> memref<32x128xf32, #tpu.memory_space<vmem>>
        %dma_wait3A_1071 = arith.constant 0 : i32
        %dma_wait3A_1072 = arith.constant 0 : i32
        %dma_wait3A_1073 = tpu.memref_slice %arg5[%dma_wait3A_1071, %dma_wait3A_1072] : memref<32x1000000xf32, #tpu.memory_space<hbm>> -> memref<32x128xf32, #tpu.memory_space<hbm>>
        tpu.wait_dma2 semaphore(%arg12 : memref<!tpu.dma_semaphore, #tpu.memory_space<semaphore_mem>>) src(%dma_wait3A_1073 : memref<32x128xf32, #tpu.memory_space<hbm>>) dst(%dma_wait3A_1070 : memref<32x128xf32, #tpu.memory_space<vmem>>)
        %dma_wait3A_1074 = arith.constant 7 : i32
        %dma_wait3A_1075 = arith.constant 0 : i32
        %dma_wait3A_1076 = arith.constant 0 : i32
        %dma_wait3A_1077 = tpu.memref_slice %arg9[%dma_wait3A_1074, %dma_wait3A_1075, %dma_wait3A_1076] : memref<8x32x128xf32, #tpu.memory_space<vmem>> -> memref<1x32x128xf32, #tpu.memory_space<vmem>>
        %dma_wait3A_1078 = tpu.memref_squeeze %dma_wait3A_1077 : memref<1x32x128xf32, #tpu.memory_space<vmem>> -> memref<32x128xf32, #tpu.memory_space<vmem>>
        %dma_wait3A_1079 = arith.constant 0 : i32
        %dma_wait3A_1080 = arith.constant 0 : i32
        %dma_wait3A_1081 = tpu.memref_slice %arg5[%dma_wait3A_1079, %dma_wait3A_1080] : memref<32x1000000xf32, #tpu.memory_space<hbm>> -> memref<32x128xf32, #tpu.memory_space<hbm>>
        %dma_wait3A_1082 = arith.constant 0 : i32
        %dma_wait3A_1083 = arith.constant 0 : i32
        %dma_wait3A_1084 = tpu.memref_slice %arg9[%dma_wait3A_1074, %dma_wait3A_1082, %dma_wait3A_1083] : memref<8x32x128xf32, #tpu.memory_space<vmem>> -> memref<1x32x128xf32, #tpu.memory_space<vmem>>
        %dma_wait3A_1085 = tpu.memref_squeeze %dma_wait3A_1084 : memref<1x32x128xf32, #tpu.memory_space<vmem>> -> memref<32x128xf32, #tpu.memory_space<vmem>>
        %dma_wait3A_1086 = arith.constant 0 : i32
        %dma_wait3A_1087 = arith.constant 0 : i32
        %dma_wait3A_1088 = tpu.memref_slice %arg5[%dma_wait3A_1086, %dma_wait3A_1087] : memref<32x1000000xf32, #tpu.memory_space<hbm>> -> memref<32x128xf32, #tpu.memory_space<hbm>>
        tpu.wait_dma2 semaphore(%arg12 : memref<!tpu.dma_semaphore, #tpu.memory_space<semaphore_mem>>) src(%dma_wait3A_1088 : memref<32x128xf32, #tpu.memory_space<hbm>>) dst(%dma_wait3A_1085 : memref<32x128xf32, #tpu.memory_space<vmem>>)
        %mul3A_1089 = arith.constant 16 : i32
        %mul3A_1090 = arith.muli %scan3A_344, %mul3A_1089 : i32
        %add3A_1091 = arith.constant 8 : i32
        %add3A_1092 = arith.addi %mul3A_1090, %add3A_1091 : i32
        %slice3A_1093 = vector.extract_strided_slice %get3A_348 {offsets = [8], sizes = [1], strides = [1]} : vector<16xi32> to vector<1xi32>
        %squeeze3A_1094 = vector.extract %slice3A_1093[0] : i32 from vector<1xi32>
        %rem3A_1095 = arith.constant 128 : i32
        %rem3A_1096 = arith.remsi %squeeze3A_1094, %rem3A_1095 : i32
        %broadcast_in_dim3A_1097 = vector.broadcast %rem3A_1096 : i32 to vector<16xi32>
        %add3A_1098 = arith.constant 0 : i32
        %add3A_1099 = arith.addi %add3A_1092, %add3A_1098 : i32
        %broadcast_in_dim3A_1100 = vector.broadcast %add3A_1099 : i32 to vector<16xi32>
        %gather3A_1101 = arith.constant 0 : i32
        %gather3A_1102 = arith.constant 0 : i32
        %gather3A_1103 = arith.constant 0 : i32
        %gather3A_1104 = tpu.memref_slice %arg9[%gather3A_1101, %gather3A_1102, %gather3A_1103] : memref<8x32x128xf32, #tpu.memory_space<vmem>> -> memref<1x32x128xf32, #tpu.memory_space<vmem>>
        %gather3A_1105 = tpu.memref_squeeze %gather3A_1104 : memref<1x32x128xf32, #tpu.memory_space<vmem>> -> memref<32x128xf32, #tpu.memory_space<vmem>>
        %gather3A_1106 = tpu.vector_load_idx %gather3A_1105[%iota3A, %broadcast_in_dim3A_1097] : memref<32x128xf32, #tpu.memory_space<vmem>>[vector<16xi32>, vector<16xi32>], vector<16xf32>,
        %gather3A_1107 = arith.constant 0 : i32
        %gather3A_1108 = arith.constant 0 : i32
        %gather3A_1109 = arith.constant 0 : i32
        %gather3A_1110 = tpu.memref_slice %arg9[%gather3A_1107, %gather3A_1108, %gather3A_1109] : memref<8x32x128xf32, #tpu.memory_space<vmem>> -> memref<1x32x128xf32, #tpu.memory_space<vmem>>
        %gather3A_1111 = tpu.memref_squeeze %gather3A_1110 : memref<1x32x128xf32, #tpu.memory_space<vmem>> -> memref<32x128xf32, #tpu.memory_space<vmem>>
        %gather3A_1112 = tpu.vector_load_idx %gather3A_1111[%add3A_6, %broadcast_in_dim3A_1097] : memref<32x128xf32, #tpu.memory_space<vmem>>[vector<16xi32>, vector<16xi32>], vector<16xf32>,
        tpu.vector_store_idx %arg10[%iota3A, %broadcast_in_dim3A_1100], %gather3A_1106 : memref<32x1024xf32, #tpu.memory_space<vmem>>[vector<16xi32>, vector<16xi32>], vector<16xf32>,
        tpu.vector_store_idx %arg10[%add3A_6, %broadcast_in_dim3A_1100], %gather3A_1112 : memref<32x1024xf32, #tpu.memory_space<vmem>>[vector<16xi32>, vector<16xi32>], vector<16xf32>,
        %slice3A_1113 = vector.extract_strided_slice %get3A_348 {offsets = [9], sizes = [1], strides = [1]} : vector<16xi32> to vector<1xi32>
        %squeeze3A_1114 = vector.extract %slice3A_1113[0] : i32 from vector<1xi32>
        %rem3A_1115 = arith.constant 128 : i32
        %rem3A_1116 = arith.remsi %squeeze3A_1114, %rem3A_1115 : i32
        %broadcast_in_dim3A_1117 = vector.broadcast %rem3A_1116 : i32 to vector<16xi32>
        %add3A_1118 = arith.constant 1 : i32
        %add3A_1119 = arith.addi %add3A_1092, %add3A_1118 : i32
        %broadcast_in_dim3A_1120 = vector.broadcast %add3A_1119 : i32 to vector<16xi32>
        %gather3A_1121 = arith.constant 1 : i32
        %gather3A_1122 = arith.constant 0 : i32
        %gather3A_1123 = arith.constant 0 : i32
        %gather3A_1124 = tpu.memref_slice %arg9[%gather3A_1121, %gather3A_1122, %gather3A_1123] : memref<8x32x128xf32, #tpu.memory_space<vmem>> -> memref<1x32x128xf32, #tpu.memory_space<vmem>>
        %gather3A_1125 = tpu.memref_squeeze %gather3A_1124 : memref<1x32x128xf32, #tpu.memory_space<vmem>> -> memref<32x128xf32, #tpu.memory_space<vmem>>
        %gather3A_1126 = tpu.vector_load_idx %gather3A_1125[%iota3A, %broadcast_in_dim3A_1117] : memref<32x128xf32, #tpu.memory_space<vmem>>[vector<16xi32>, vector<16xi32>], vector<16xf32>,
        %gather3A_1127 = arith.constant 1 : i32
        %gather3A_1128 = arith.constant 0 : i32
        %gather3A_1129 = arith.constant 0 : i32
        %gather3A_1130 = tpu.memref_slice %arg9[%gather3A_1127, %gather3A_1128, %gather3A_1129] : memref<8x32x128xf32, #tpu.memory_space<vmem>> -> memref<1x32x128xf32, #tpu.memory_space<vmem>>
        %gather3A_1131 = tpu.memref_squeeze %gather3A_1130 : memref<1x32x128xf32, #tpu.memory_space<vmem>> -> memref<32x128xf32, #tpu.memory_space<vmem>>
        %gather3A_1132 = tpu.vector_load_idx %gather3A_1131[%add3A_6, %broadcast_in_dim3A_1117] : memref<32x128xf32, #tpu.memory_space<vmem>>[vector<16xi32>, vector<16xi32>], vector<16xf32>,
        tpu.vector_store_idx %arg10[%iota3A, %broadcast_in_dim3A_1120], %gather3A_1126 : memref<32x1024xf32, #tpu.memory_space<vmem>>[vector<16xi32>, vector<16xi32>], vector<16xf32>,
        tpu.vector_store_idx %arg10[%add3A_6, %broadcast_in_dim3A_1120], %gather3A_1132 : memref<32x1024xf32, #tpu.memory_space<vmem>>[vector<16xi32>, vector<16xi32>], vector<16xf32>,
        %slice3A_1133 = vector.extract_strided_slice %get3A_348 {offsets = [10], sizes = [1], strides = [1]} : vector<16xi32> to vector<1xi32>
        %squeeze3A_1134 = vector.extract %slice3A_1133[0] : i32 from vector<1xi32>
        %rem3A_1135 = arith.constant 128 : i32
        %rem3A_1136 = arith.remsi %squeeze3A_1134, %rem3A_1135 : i32
        %broadcast_in_dim3A_1137 = vector.broadcast %rem3A_1136 : i32 to vector<16xi32>
        %add3A_1138 = arith.constant 2 : i32
        %add3A_1139 = arith.addi %add3A_1092, %add3A_1138 : i32
        %broadcast_in_dim3A_1140 = vector.broadcast %add3A_1139 : i32 to vector<16xi32>
        %gather3A_1141 = arith.constant 2 : i32
        %gather3A_1142 = arith.constant 0 : i32
        %gather3A_1143 = arith.constant 0 : i32
        %gather3A_1144 = tpu.memref_slice %arg9[%gather3A_1141, %gather3A_1142, %gather3A_1143] : memref<8x32x128xf32, #tpu.memory_space<vmem>> -> memref<1x32x128xf32, #tpu.memory_space<vmem>>
        %gather3A_1145 = tpu.memref_squeeze %gather3A_1144 : memref<1x32x128xf32, #tpu.memory_space<vmem>> -> memref<32x128xf32, #tpu.memory_space<vmem>>
        %gather3A_1146 = tpu.vector_load_idx %gather3A_1145[%iota3A, %broadcast_in_dim3A_1137] : memref<32x128xf32, #tpu.memory_space<vmem>>[vector<16xi32>, vector<16xi32>], vector<16xf32>,
        %gather3A_1147 = arith.constant 2 : i32
        %gather3A_1148 = arith.constant 0 : i32
        %gather3A_1149 = arith.constant 0 : i32
        %gather3A_1150 = tpu.memref_slice %arg9[%gather3A_1147, %gather3A_1148, %gather3A_1149] : memref<8x32x128xf32, #tpu.memory_space<vmem>> -> memref<1x32x128xf32, #tpu.memory_space<vmem>>
        %gather3A_1151 = tpu.memref_squeeze %gather3A_1150 : memref<1x32x128xf32, #tpu.memory_space<vmem>> -> memref<32x128xf32, #tpu.memory_space<vmem>>
        %gather3A_1152 = tpu.vector_load_idx %gather3A_1151[%add3A_6, %broadcast_in_dim3A_1137] : memref<32x128xf32, #tpu.memory_space<vmem>>[vector<16xi32>, vector<16xi32>], vector<16xf32>,
        tpu.vector_store_idx %arg10[%iota3A, %broadcast_in_dim3A_1140], %gather3A_1146 : memref<32x1024xf32, #tpu.memory_space<vmem>>[vector<16xi32>, vector<16xi32>], vector<16xf32>,
        tpu.vector_store_idx %arg10[%add3A_6, %broadcast_in_dim3A_1140], %gather3A_1152 : memref<32x1024xf32, #tpu.memory_space<vmem>>[vector<16xi32>, vector<16xi32>], vector<16xf32>,
        %slice3A_1153 = vector.extract_strided_slice %get3A_348 {offsets = [11], sizes = [1], strides = [1]} : vector<16xi32> to vector<1xi32>
        %squeeze3A_1154 = vector.extract %slice3A_1153[0] : i32 from vector<1xi32>
        %rem3A_1155 = arith.constant 128 : i32
        %rem3A_1156 = arith.remsi %squeeze3A_1154, %rem3A_1155 : i32
        %broadcast_in_dim3A_1157 = vector.broadcast %rem3A_1156 : i32 to vector<16xi32>
        %add3A_1158 = arith.constant 3 : i32
        %add3A_1159 = arith.addi %add3A_1092, %add3A_1158 : i32
        %broadcast_in_dim3A_1160 = vector.broadcast %add3A_1159 : i32 to vector<16xi32>
        %gather3A_1161 = arith.constant 3 : i32
        %gather3A_1162 = arith.constant 0 : i32
        %gather3A_1163 = arith.constant 0 : i32
        %gather3A_1164 = tpu.memref_slice %arg9[%gather3A_1161, %gather3A_1162, %gather3A_1163] : memref<8x32x128xf32, #tpu.memory_space<vmem>> -> memref<1x32x128xf32, #tpu.memory_space<vmem>>
        %gather3A_1165 = tpu.memref_squeeze %gather3A_1164 : memref<1x32x128xf32, #tpu.memory_space<vmem>> -> memref<32x128xf32, #tpu.memory_space<vmem>>
        %gather3A_1166 = tpu.vector_load_idx %gather3A_1165[%iota3A, %broadcast_in_dim3A_1157] : memref<32x128xf32, #tpu.memory_space<vmem>>[vector<16xi32>, vector<16xi32>], vector<16xf32>,
        %gather3A_1167 = arith.constant 3 : i32
        %gather3A_1168 = arith.constant 0 : i32
        %gather3A_1169 = arith.constant 0 : i32
        %gather3A_1170 = tpu.memref_slice %arg9[%gather3A_1167, %gather3A_1168, %gather3A_1169] : memref<8x32x128xf32, #tpu.memory_space<vmem>> -> memref<1x32x128xf32, #tpu.memory_space<vmem>>
        %gather3A_1171 = tpu.memref_squeeze %gather3A_1170 : memref<1x32x128xf32, #tpu.memory_space<vmem>> -> memref<32x128xf32, #tpu.memory_space<vmem>>
        %gather3A_1172 = tpu.vector_load_idx %gather3A_1171[%add3A_6, %broadcast_in_dim3A_1157] : memref<32x128xf32, #tpu.memory_space<vmem>>[vector<16xi32>, vector<16xi32>], vector<16xf32>,
        tpu.vector_store_idx %arg10[%iota3A, %broadcast_in_dim3A_1160], %gather3A_1166 : memref<32x1024xf32, #tpu.memory_space<vmem>>[vector<16xi32>, vector<16xi32>], vector<16xf32>,
        tpu.vector_store_idx %arg10[%add3A_6, %broadcast_in_dim3A_1160], %gather3A_1172 : memref<32x1024xf32, #tpu.memory_space<vmem>>[vector<16xi32>, vector<16xi32>], vector<16xf32>,
        %slice3A_1173 = vector.extract_strided_slice %get3A_348 {offsets = [12], sizes = [1], strides = [1]} : vector<16xi32> to vector<1xi32>
        %squeeze3A_1174 = vector.extract %slice3A_1173[0] : i32 from vector<1xi32>
        %rem3A_1175 = arith.constant 128 : i32
        %rem3A_1176 = arith.remsi %squeeze3A_1174, %rem3A_1175 : i32
        %broadcast_in_dim3A_1177 = vector.broadcast %rem3A_1176 : i32 to vector<16xi32>
        %add3A_1178 = arith.constant 4 : i32
        %add3A_1179 = arith.addi %add3A_1092, %add3A_1178 : i32
        %broadcast_in_dim3A_1180 = vector.broadcast %add3A_1179 : i32 to vector<16xi32>
        %gather3A_1181 = arith.constant 4 : i32
        %gather3A_1182 = arith.constant 0 : i32
        %gather3A_1183 = arith.constant 0 : i32
        %gather3A_1184 = tpu.memref_slice %arg9[%gather3A_1181, %gather3A_1182, %gather3A_1183] : memref<8x32x128xf32, #tpu.memory_space<vmem>> -> memref<1x32x128xf32, #tpu.memory_space<vmem>>
        %gather3A_1185 = tpu.memref_squeeze %gather3A_1184 : memref<1x32x128xf32, #tpu.memory_space<vmem>> -> memref<32x128xf32, #tpu.memory_space<vmem>>
        %gather3A_1186 = tpu.vector_load_idx %gather3A_1185[%iota3A, %broadcast_in_dim3A_1177] : memref<32x128xf32, #tpu.memory_space<vmem>>[vector<16xi32>, vector<16xi32>], vector<16xf32>,
        %gather3A_1187 = arith.constant 4 : i32
        %gather3A_1188 = arith.constant 0 : i32
        %gather3A_1189 = arith.constant 0 : i32
        %gather3A_1190 = tpu.memref_slice %arg9[%gather3A_1187, %gather3A_1188, %gather3A_1189] : memref<8x32x128xf32, #tpu.memory_space<vmem>> -> memref<1x32x128xf32, #tpu.memory_space<vmem>>
        %gather3A_1191 = tpu.memref_squeeze %gather3A_1190 : memref<1x32x128xf32, #tpu.memory_space<vmem>> -> memref<32x128xf32, #tpu.memory_space<vmem>>
        %gather3A_1192 = tpu.vector_load_idx %gather3A_1191[%add3A_6, %broadcast_in_dim3A_1177] : memref<32x128xf32, #tpu.memory_space<vmem>>[vector<16xi32>, vector<16xi32>], vector<16xf32>,
        tpu.vector_store_idx %arg10[%iota3A, %broadcast_in_dim3A_1180], %gather3A_1186 : memref<32x1024xf32, #tpu.memory_space<vmem>>[vector<16xi32>, vector<16xi32>], vector<16xf32>,
        tpu.vector_store_idx %arg10[%add3A_6, %broadcast_in_dim3A_1180], %gather3A_1192 : memref<32x1024xf32, #tpu.memory_space<vmem>>[vector<16xi32>, vector<16xi32>], vector<16xf32>,
        %slice3A_1193 = vector.extract_strided_slice %get3A_348 {offsets = [13], sizes = [1], strides = [1]} : vector<16xi32> to vector<1xi32>
        %squeeze3A_1194 = vector.extract %slice3A_1193[0] : i32 from vector<1xi32>
        %rem3A_1195 = arith.constant 128 : i32
        %rem3A_1196 = arith.remsi %squeeze3A_1194, %rem3A_1195 : i32
        %broadcast_in_dim3A_1197 = vector.broadcast %rem3A_1196 : i32 to vector<16xi32>
        %add3A_1198 = arith.constant 5 : i32
        %add3A_1199 = arith.addi %add3A_1092, %add3A_1198 : i32
        %broadcast_in_dim3A_1200 = vector.broadcast %add3A_1199 : i32 to vector<16xi32>
        %gather3A_1201 = arith.constant 5 : i32
        %gather3A_1202 = arith.constant 0 : i32
        %gather3A_1203 = arith.constant 0 : i32
        %gather3A_1204 = tpu.memref_slice %arg9[%gather3A_1201, %gather3A_1202, %gather3A_1203] : memref<8x32x128xf32, #tpu.memory_space<vmem>> -> memref<1x32x128xf32, #tpu.memory_space<vmem>>
        %gather3A_1205 = tpu.memref_squeeze %gather3A_1204 : memref<1x32x128xf32, #tpu.memory_space<vmem>> -> memref<32x128xf32, #tpu.memory_space<vmem>>
        %gather3A_1206 = tpu.vector_load_idx %gather3A_1205[%iota3A, %broadcast_in_dim3A_1197] : memref<32x128xf32, #tpu.memory_space<vmem>>[vector<16xi32>, vector<16xi32>], vector<16xf32>,
        %gather3A_1207 = arith.constant 5 : i32
        %gather3A_1208 = arith.constant 0 : i32
        %gather3A_1209 = arith.constant 0 : i32
        %gather3A_1210 = tpu.memref_slice %arg9[%gather3A_1207, %gather3A_1208, %gather3A_1209] : memref<8x32x128xf32, #tpu.memory_space<vmem>> -> memref<1x32x128xf32, #tpu.memory_space<vmem>>
        %gather3A_1211 = tpu.memref_squeeze %gather3A_1210 : memref<1x32x128xf32, #tpu.memory_space<vmem>> -> memref<32x128xf32, #tpu.memory_space<vmem>>
        %gather3A_1212 = tpu.vector_load_idx %gather3A_1211[%add3A_6, %broadcast_in_dim3A_1197] : memref<32x128xf32, #tpu.memory_space<vmem>>[vector<16xi32>, vector<16xi32>], vector<16xf32>,
        tpu.vector_store_idx %arg10[%iota3A, %broadcast_in_dim3A_1200], %gather3A_1206 : memref<32x1024xf32, #tpu.memory_space<vmem>>[vector<16xi32>, vector<16xi32>], vector<16xf32>,
        tpu.vector_store_idx %arg10[%add3A_6, %broadcast_in_dim3A_1200], %gather3A_1212 : memref<32x1024xf32, #tpu.memory_space<vmem>>[vector<16xi32>, vector<16xi32>], vector<16xf32>,
        %slice3A_1213 = vector.extract_strided_slice %get3A_348 {offsets = [14], sizes = [1], strides = [1]} : vector<16xi32> to vector<1xi32>
        %squeeze3A_1214 = vector.extract %slice3A_1213[0] : i32 from vector<1xi32>
        %rem3A_1215 = arith.constant 128 : i32
        %rem3A_1216 = arith.remsi %squeeze3A_1214, %rem3A_1215 : i32
        %broadcast_in_dim3A_1217 = vector.broadcast %rem3A_1216 : i32 to vector<16xi32>
        %add3A_1218 = arith.constant 6 : i32
        %add3A_1219 = arith.addi %add3A_1092, %add3A_1218 : i32
        %broadcast_in_dim3A_1220 = vector.broadcast %add3A_1219 : i32 to vector<16xi32>
        %gather3A_1221 = arith.constant 6 : i32
        %gather3A_1222 = arith.constant 0 : i32
        %gather3A_1223 = arith.constant 0 : i32
        %gather3A_1224 = tpu.memref_slice %arg9[%gather3A_1221, %gather3A_1222, %gather3A_1223] : memref<8x32x128xf32, #tpu.memory_space<vmem>> -> memref<1x32x128xf32, #tpu.memory_space<vmem>>
        %gather3A_1225 = tpu.memref_squeeze %gather3A_1224 : memref<1x32x128xf32, #tpu.memory_space<vmem>> -> memref<32x128xf32, #tpu.memory_space<vmem>>
        %gather3A_1226 = tpu.vector_load_idx %gather3A_1225[%iota3A, %broadcast_in_dim3A_1217] : memref<32x128xf32, #tpu.memory_space<vmem>>[vector<16xi32>, vector<16xi32>], vector<16xf32>,
        %gather3A_1227 = arith.constant 6 : i32
        %gather3A_1228 = arith.constant 0 : i32
        %gather3A_1229 = arith.constant 0 : i32
        %gather3A_1230 = tpu.memref_slice %arg9[%gather3A_1227, %gather3A_1228, %gather3A_1229] : memref<8x32x128xf32, #tpu.memory_space<vmem>> -> memref<1x32x128xf32, #tpu.memory_space<vmem>>
        %gather3A_1231 = tpu.memref_squeeze %gather3A_1230 : memref<1x32x128xf32, #tpu.memory_space<vmem>> -> memref<32x128xf32, #tpu.memory_space<vmem>>
        %gather3A_1232 = tpu.vector_load_idx %gather3A_1231[%add3A_6, %broadcast_in_dim3A_1217] : memref<32x128xf32, #tpu.memory_space<vmem>>[vector<16xi32>, vector<16xi32>], vector<16xf32>,
        tpu.vector_store_idx %arg10[%iota3A, %broadcast_in_dim3A_1220], %gather3A_1226 : memref<32x1024xf32, #tpu.memory_space<vmem>>[vector<16xi32>, vector<16xi32>], vector<16xf32>,
        tpu.vector_store_idx %arg10[%add3A_6, %broadcast_in_dim3A_1220], %gather3A_1232 : memref<32x1024xf32, #tpu.memory_space<vmem>>[vector<16xi32>, vector<16xi32>], vector<16xf32>,
        %slice3A_1233 = vector.extract_strided_slice %get3A_348 {offsets = [15], sizes = [1], strides = [1]} : vector<16xi32> to vector<1xi32>
        %squeeze3A_1234 = vector.extract %slice3A_1233[0] : i32 from vector<1xi32>
        %rem3A_1235 = arith.constant 128 : i32
        %rem3A_1236 = arith.remsi %squeeze3A_1234, %rem3A_1235 : i32
        %broadcast_in_dim3A_1237 = vector.broadcast %rem3A_1236 : i32 to vector<16xi32>
        %add3A_1238 = arith.constant 7 : i32
        %add3A_1239 = arith.addi %add3A_1092, %add3A_1238 : i32
        %broadcast_in_dim3A_1240 = vector.broadcast %add3A_1239 : i32 to vector<16xi32>
        %gather3A_1241 = arith.constant 7 : i32
        %gather3A_1242 = arith.constant 0 : i32
        %gather3A_1243 = arith.constant 0 : i32
        %gather3A_1244 = tpu.memref_slice %arg9[%gather3A_1241, %gather3A_1242, %gather3A_1243] : memref<8x32x128xf32, #tpu.memory_space<vmem>> -> memref<1x32x128xf32, #tpu.memory_space<vmem>>
        %gather3A_1245 = tpu.memref_squeeze %gather3A_1244 : memref<1x32x128xf32, #tpu.memory_space<vmem>> -> memref<32x128xf32, #tpu.memory_space<vmem>>
        %gather3A_1246 = tpu.vector_load_idx %gather3A_1245[%iota3A, %broadcast_in_dim3A_1237] : memref<32x128xf32, #tpu.memory_space<vmem>>[vector<16xi32>, vector<16xi32>], vector<16xf32>,
        %gather3A_1247 = arith.constant 7 : i32
        %gather3A_1248 = arith.constant 0 : i32
        %gather3A_1249 = arith.constant 0 : i32
        %gather3A_1250 = tpu.memref_slice %arg9[%gather3A_1247, %gather3A_1248, %gather3A_1249] : memref<8x32x128xf32, #tpu.memory_space<vmem>> -> memref<1x32x128xf32, #tpu.memory_space<vmem>>
        %gather3A_1251 = tpu.memref_squeeze %gather3A_1250 : memref<1x32x128xf32, #tpu.memory_space<vmem>> -> memref<32x128xf32, #tpu.memory_space<vmem>>
        %gather3A_1252 = tpu.vector_load_idx %gather3A_1251[%add3A_6, %broadcast_in_dim3A_1237] : memref<32x128xf32, #tpu.memory_space<vmem>>[vector<16xi32>, vector<16xi32>], vector<16xf32>,
        tpu.vector_store_idx %arg10[%iota3A, %broadcast_in_dim3A_1240], %gather3A_1246 : memref<32x1024xf32, #tpu.memory_space<vmem>>[vector<16xi32>, vector<16xi32>], vector<16xf32>,
        tpu.vector_store_idx %arg10[%add3A_6, %broadcast_in_dim3A_1240], %gather3A_1252 : memref<32x1024xf32, #tpu.memory_space<vmem>>[vector<16xi32>, vector<16xi32>], vector<16xf32>,
      }
      %scan3A_343 = arith.constant 64 : i32
      "tpu.region"() ({
        %run_scoped3A = tpu.sem_alloc : memref<!tpu.dma_semaphore, #tpu.memory_space<semaphore_mem>>
        %dma_start3A_344 = arith.constant 32 : i32
        %dma_start3A_345 = tpu.memref_slice %arg6[%dma_start3A_344, %mul3A_3] : memref<64x16384xf32, #tpu.memory_space<hbm>> -> memref<32x1024xf32, #tpu.memory_space<hbm>>
        %dma_start3A_346 = arith.constant 32 : i32
        %dma_start3A_347 = tpu.memref_slice %arg6[%dma_start3A_346, %mul3A_3] : memref<64x16384xf32, #tpu.memory_space<hbm>> -> memref<32x1024xf32, #tpu.memory_space<hbm>>
        tpu.enqueue_dma source(%arg10 : memref<32x1024xf32, #tpu.memory_space<vmem>>) target(%dma_start3A_347 : memref<32x1024xf32, #tpu.memory_space<hbm>>) target_semaphore(%run_scoped3A : memref<!tpu.dma_semaphore, #tpu.memory_space<semaphore_mem>>)
        %dma_wait3A = arith.constant 32 : i32
        %dma_wait3A_348 = tpu.memref_slice %arg6[%dma_wait3A, %mul3A_3] : memref<64x16384xf32, #tpu.memory_space<hbm>> -> memref<32x1024xf32, #tpu.memory_space<hbm>>
        %dma_wait3A_349 = arith.constant 32 : i32
        %dma_wait3A_350 = tpu.memref_slice %arg6[%dma_wait3A_349, %mul3A_3] : memref<64x16384xf32, #tpu.memory_space<hbm>> -> memref<32x1024xf32, #tpu.memory_space<hbm>>
        tpu.wait_dma2 semaphore(%run_scoped3A : memref<!tpu.dma_semaphore, #tpu.memory_space<semaphore_mem>>) src(%arg10 : memref<32x1024xf32, #tpu.memory_space<vmem>>) dst(%dma_wait3A_350 : memref<32x1024xf32, #tpu.memory_space<hbm>>)
        tpu.yield
      }) : () -> ()
    } else {
    }
    return
  }
}

module attributes {stable_mosaic.version = 14 : i64} {
  func.func @_mlp_body(%arg0: i32, %arg1: memref<64x2048xf32, #tpu.memory_space<vmem>>, %arg2: memref<64x64xf32, #tpu.memory_space<vmem>>, %arg3: memref<64x1xf32, #tpu.memory_space<vmem>>, %arg4: memref<1x64xf32, #tpu.memory_space<vmem>>, %arg5: memref<1x1xf32, #tpu.memory_space<vmem>>, %arg6: memref<1x2048xf32, #tpu.memory_space<vmem>>) attributes {dimension_semantics = [#tpu.dimension_semantics<arbitrary>], iteration_bounds = array<i64: 8>, scalar_prefetch = 0 : i64, scratch_operands = 0 : i64, tpu.core_type = #tpu.core_type<tc>, window_params = [{transform_indices = @transform_0, window_bounds = array<i64: 64, 2048>}, {pipeline_mode = #tpu.pipeline_mode<synchronous>, transform_indices = @transform_1, window_bounds = array<i64: 64, 64>}, {pipeline_mode = #tpu.pipeline_mode<synchronous>, transform_indices = @transform_2, window_bounds = array<i64: 64, 1>}, {pipeline_mode = #tpu.pipeline_mode<synchronous>, transform_indices = @transform_3, window_bounds = array<i64: 1, 64>}, {pipeline_mode = #tpu.pipeline_mode<synchronous>, transform_indices = @transform_4, window_bounds = array<i64: 1, 1>}, {transform_indices = @transform_5, window_bounds = array<i64: 1, 2048>}]} {
    %get3A = arith.constant 0 : index
    %get3A_0 = arith.constant 0 : index
    %get3A_1 = vector.load %arg2[%get3A, %get3A_0] : memref<64x64xf32, #tpu.memory_space<vmem>>, vector<64x64xf32>
    %get3A_2 = arith.constant 0 : index
    %get3A_3 = arith.constant 0 : index
    %get3A_4 = vector.load %arg1[%get3A_2, %get3A_3] : memref<64x2048xf32, #tpu.memory_space<vmem>>, vector<64x2048xf32>
    %dot_general3A = arith.constant dense<0.000000e+00> : vector<64x2048xf32>
    %dot_general3A_5 = tpu.matmul %get3A_1, %get3A_4, %dot_general3A {dimension_numbers = #tpu.dot_dimension_numbers<[1], [0], [0], [1], [0, 0, 1, 1], [], []>, transpose_lhs_hint = false} : vector<64x64xf32>, vector<64x2048xf32>, vector<64x2048xf32> -> vector<64x2048xf32>
    %get3A_6 = arith.constant 0 : index
    %get3A_7 = arith.constant 0 : index
    %get3A_8 = vector.load %arg3[%get3A_6, %get3A_7] : memref<64x1xf32, #tpu.memory_space<vmem>>, vector<64x1xf32>
    %add3A = vector.broadcast %get3A_8 : vector<64x1xf32> to vector<64x2048xf32>
    %add3A_9 = arith.addf %dot_general3A_5, %add3A : vector<64x2048xf32>
    %max3A = arith.constant 0.000000e+00 : f32
    %max3A_10 = vector.broadcast %max3A : f32 to vector<64x2048xf32>
    %max3A_11 = arith.maximumf %add3A_9, %max3A_10 : vector<64x2048xf32>
    %get3A_12 = arith.constant 0 : index
    %get3A_13 = arith.constant 0 : index
    %get3A_14 = vector.load %arg4[%get3A_12, %get3A_13] : memref<1x64xf32, #tpu.memory_space<vmem>>, vector<1x64xf32>
    %dot_general3A_15 = arith.constant dense<0.000000e+00> : vector<1x2048xf32>
    %dot_general3A_16 = tpu.matmul %get3A_14, %max3A_11, %dot_general3A_15 {dimension_numbers = #tpu.dot_dimension_numbers<[1], [0], [0], [1], [0, 0, 1, 1], [], []>, transpose_lhs_hint = false} : vector<1x64xf32>, vector<64x2048xf32>, vector<1x2048xf32> -> vector<1x2048xf32>
    %get3A_17 = arith.constant 0 : index
    %get3A_18 = arith.constant 0 : index
    %get3A_19 = vector.load %arg5[%get3A_17, %get3A_18] : memref<1x1xf32, #tpu.memory_space<vmem>>, vector<1x1xf32>
    %get3A_20 = vector.extract %get3A_19[0, 0] : f32 from vector<1x1xf32>
    %add3A_21 = vector.broadcast %get3A_20 : f32 to vector<1x2048xf32>
    %add3A_22 = arith.addf %dot_general3A_16, %add3A_21 : vector<1x2048xf32>
    %swap3A = arith.constant 0 : index
    %swap3A_23 = arith.constant 0 : index
    %swap3A_24 = vector.load %arg6[%swap3A, %swap3A_23] : memref<1x2048xf32, #tpu.memory_space<vmem>>, vector<1x2048xf32>
    tpu.vector_store %arg6[%swap3A, %swap3A_23], %add3A_22 {strides = array<i32>} : memref<1x2048xf32, #tpu.memory_space<vmem>>, vector<1x2048xf32>,
    return
  }
  func.func @transform_0(%arg0: i32) -> (i32, i32) {
    %c0_i32 = arith.constant 0 : i32
    %c0_i32_0 = arith.constant 0 : i32
    return %c0_i32, %arg0 : i32, i32
  }
  func.func @transform_1(%arg0: i32) -> (i32, i32) {
    %c0_i32 = arith.constant 0 : i32
    %c0_i32_0 = arith.constant 0 : i32
    %c0_i32_1 = arith.constant 0 : i32
    return %c0_i32, %c0_i32_0 : i32, i32
  }
  func.func @transform_2(%arg0: i32) -> (i32, i32) {
    %c0_i32 = arith.constant 0 : i32
    %c0_i32_0 = arith.constant 0 : i32
    %c0_i32_1 = arith.constant 0 : i32
    return %c0_i32, %c0_i32_0 : i32, i32
  }
  func.func @transform_3(%arg0: i32) -> (i32, i32) {
    %c0_i32 = arith.constant 0 : i32
    %c0_i32_0 = arith.constant 0 : i32
    %c0_i32_1 = arith.constant 0 : i32
    return %c0_i32, %c0_i32_0 : i32, i32
  }
  func.func @transform_4(%arg0: i32) -> (i32, i32) {
    %c0_i32 = arith.constant 0 : i32
    %c0_i32_0 = arith.constant 0 : i32
    %c0_i32_1 = arith.constant 0 : i32
    return %c0_i32, %c0_i32_0 : i32, i32
  }
  func.func @transform_5(%arg0: i32) -> (i32, i32) {
    %c0_i32 = arith.constant 0 : i32
    %c0_i32_0 = arith.constant 0 : i32
    return %c0_i32, %arg0 : i32, i32
  }
}

</mosaic_0001>

<sc_bundles>
// kernel: kernel.4.cloned.1.call-start
scs
__scs_entry_jumppad:
0x0: {  	(pc) =	sbr.rel $0x88, $3  }
0x1: {  	(tag) =	ssettag $0x0;
	lr =	simm.s32 $0x1  }
0x2: {  	[smem:$0x3F99] =	sst lr;
	_ =	strace $0xD0000000  }
0x3: {  	_ = 	snop  }
0x4: {  	_ = 	snop  }
0x5: {  	_ = 	snop  }
0x6: {  	_ = 	snop  }
0x7: {  	_ = 	snop  }
__scs_overlays_trampoline_lowered:
0x8: {  	[smem:$0x3FA8] =	sst s0  }
0x9: {  	[smem:$0x3FA9] =	sst s1  }
0xa: {  	[smem:$0x3FAA] =	sst s2  }
0xb: {  	[smem:$0x3FAB] =	sst s3  }
0xc: {  	[smem:$0x3FAC] =	sst s4  }
0xd: {  	[smem:$0x3FAD] =	sst s5  }
0xe: {  	[smem:$0x3FAE] =	sst s6  }
0xf: {  	[smem:$0x3FAF] =	sst s7  }
0x10: {  	[smem:$0x3FB0] =	sst s8  }
0x11: {  	[smem:$0x3FB1] =	sst s9;
	s0 =	simm.s32 @!p0 $0x0  }
0x12: {  	s1 =	sld [smem:$0x3F97];
	s0 =	simm.s32 @p0 $0x1  }
0x13: {  	[smem:$0x3FB2] =	sst s0;
	s0 =	simm.s32 @!p1 $0x0  }
0x14: {  	s2 =	sld [smem:$0x3F96];
	s0 =	simm.s32 @p1 $0x1  }
0x15: {  	[smem:$0x3FB3] =	sst s0;
	s0 =	simm.s32 @!p2 $0x0  }
0x16: {  	s3 =	sld [smem:$0x3FDB];
	s0 =	simm.s32 @p2 $0x1  }
0x17: {  	s4 =	simm.s32 $0x1BF5;
	[smem:$0x3FB5] =	sst s0  }
0x18: {  	s0 =	sld [smem:$0x3F98];
	_ =	swait.ge [sflag:s4], $0x0  }
0x19: {  	s7 =	sld [smem:$0x3F99]  }
0x1a: {  	s8 =	sadd.s32 $0xFFFFE003, lr  }
0x1b: {  	s9 =	sadd.s32 $0xFFFFFEF7, lr;
	s5 =	simm.s32 $0xFFFFFFFF;
	p2 =	slt.u32 s8, $0xFFFFF086  }
0x1c: {  	p1 =	slt.u32 s9, $0xF7A;
	s5 =	simm.s32 @!p2 $0x0  }
0x1d: {  	s5 =	simm.s32 @p1 $0x1;
	p0 =	seq.s32 s7, s2  }
0x1e: {  	s7 =	smul.u32 @!p0 $0xF7A, s2;
	p2 =	seq.s32 @!p0 s5, $0x0  }
0x1f: {  	s9 =	smul.u32 $0xF7A, s1;
	s8 =	simm.s32 @!p0 $0x1BF5;
	p2 =	por !p2, p0  }
0x20: {  	[sflag:s8] =	ssyncset.s32 @!p0 $0xFFFFF086;
	s6 =	sadd.s32 @!p0 s3, s7;
	s7 =	simm.s32 @!p0 $0x108  }
0x21: {  	s3 =	sadd.s32 s3, s9;
	s6 =	sadd.s32 @!p0 $0x88, s6;
	s7 =	simm.s32 @p2 $0x1082  }
0x22: {  	[simem:s7], [sflag:s8] =	dma.local @!p0 [hbm:s6], $0xF7A  }
0x23: {  	s9 =	sor.u32 $0xD0000000, s2;
	s6 =	simm.s32 $0x108;
	_ =	swait.ge @!p0 [sflag:s8], $0x0  }
0x24: {  	s3 =	sadd.s32 $0x88, s3;
	s6 =	simm.s32 @!p1 $0x1082;
	[sflag:s4] =	ssyncset.s32 $0xFFFFF086  }
0x25: {  	[simem:s6], [sflag:s4] =	dma.local [hbm:s3], $0xF7A  }
0x26: {  	[smem:$0x3F99] =	sst s1;
	(tag) =	ssettag s2;
	_ =	strace s9  }
0x27: {  	s1 =	sld [smem:$0x3FA9]  }
0x28: {  	s2 =	sld [smem:$0x3FAA]  }
0x29: {  	s4 =	sld [smem:$0x3FAC]  }
0x2a: {  	p0 =	seq.s32 s5, $0x0;
	s5 =	sld [smem:$0x3FAD]  }
0x2b: {  	s6 =	sld [smem:$0x3FAE]  }
0x2c: {  	s7 =	sld [smem:$0x3FAF]  }
0x2d: {  	s3 =	simm.s32 $0x108;
	s8 =	sld [smem:$0x3FB0]  }
0x2e: {  	s3 =	simm.s32 @!p0 $0x1082;
	s9 =	sld [smem:$0x3FB1]  }
0x2f: {  	lr =	sadd.s32 s0, s3;
	s0 =	sld [smem:$0x3FA8]  }
0x30: {  	s3 =	sld [smem:$0x3FAB]  }
0x31: {  	[smem:$0x3FB4] =	sst s10  }
0x32: {  	s10 =	sld [smem:$0x3FB2];
	_ =	sdelay $0x3  }
0x33: {  	p0 =	seq.s32 s10, $0x1;
	s10 =	sld [smem:$0x3FB4];
	_ =	sdelay $0x3  }
0x34: {  	[smem:$0x3FB4] =	sst s10  }
0x35: {  	s10 =	sld [smem:$0x3FB3];
	_ =	sdelay $0x3  }
0x36: {  	p1 =	seq.s32 s10, $0x1;
	s10 =	sld [smem:$0x3FB4];
	_ =	sdelay $0x3  }
0x37: {  	[smem:$0x3FB4] =	sst s10  }
0x38: {  	s10 =	sld [smem:$0x3FB5]  }
0x39: {  	_ = 	snop;
	(pc) =	sbr.ind lr, $3  }
0x3a: {  	_ = 	snop  }
0x3b: {  	_ = 	snop  }
0x3c: {  	p2 =	seq.s32 s10, $0x1;
	s10 =	sld [smem:$0x3FB4]  }
0x3d: {  	_ =	shalt  }
0x3e: {  	_ =	shalt  }
0x3f: {  	_ =	shalt  }
0x40: {  	_ =	shalt  }
0x41: {  	_ =	shalt  }
0x42: {  	_ =	shalt  }
0x43: {  	_ =	shalt  }
0x44: {  	_ =	shalt  }
0x45: {  	_ =	shalt  }
0x46: {  	_ =	shalt  }
0x47: {  	_ =	shalt  }
0x48: {  	_ =	shalt  }
0x49: {  	_ =	shalt  }
0x4a: {  	_ =	shalt  }
0x4b: {  	_ =	shalt  }
0x4c: {  	_ =	shalt  }
0x4d: {  	_ =	shalt  }
0x4e: {  	_ =	shalt  }
0x4f: {  	_ =	shalt  }
0x50: {  	_ =	shalt  }
0x51: {  	_ =	shalt  }
0x52: {  	_ =	shalt  }
0x53: {  	_ =	shalt  }
0x54: {  	_ =	shalt  }
0x55: {  	_ =	shalt  }
0x56: {  	_ =	shalt  }
0x57: {  	_ =	shalt  }
0x58: {  	_ =	shalt  }
0x59: {  	_ =	shalt  }
0x5a: {  	_ =	shalt  }
0x5b: {  	_ =	shalt  }
0x5c: {  	_ =	shalt  }
0x5d: {  	_ =	shalt  }
0x5e: {  	_ =	shalt  }
0x5f: {  	_ =	shalt  }
0x60: {  	_ =	shalt  }
0x61: {  	_ =	shalt  }
0x62: {  	_ =	shalt  }
0x63: {  	_ =	shalt  }
0x64: {  	_ =	shalt  }
0x65: {  	_ =	shalt  }
0x66: {  	_ =	shalt  }
0x67: {  	_ =	shalt  }
0x68: {  	_ =	shalt  }
0x69: {  	_ =	shalt  }
0x6a: {  	_ =	shalt  }
0x6b: {  	_ =	shalt  }
0x6c: {  	_ =	shalt  }
0x6d: {  	_ =	shalt  }
0x6e: {  	_ =	shalt  }
0x6f: {  	_ =	shalt  }
0x70: {  	_ =	shalt  }
0x71: {  	_ =	shalt  }
0x72: {  	_ =	shalt  }
0x73: {  	_ =	shalt  }
0x74: {  	_ =	shalt  }
0x75: {  	_ =	shalt  }
0x76: {  	_ =	shalt  }
0x77: {  	_ =	shalt  }
0x78: {  	_ =	shalt  }
0x79: {  	_ =	shalt  }
0x7a: {  	_ =	shalt  }
0x7b: {  	_ =	shalt  }
0x7c: {  	_ =	shalt  }
0x7d: {  	_ =	shalt  }
0x7e: {  	_ =	shalt  }
0x7f: {  	_ =	shalt  }
0x80: {  	_ =	shalt  }
0x81: {  	_ =	shalt  }
0x82: {  	_ =	shalt  }
0x83: {  	_ =	shalt  }
0x84: {  	_ =	shalt  }
0x85: {  	_ =	shalt  }
0x86: {  	_ =	shalt  }
0x87: {  	_ =	shalt  }
.Lfunc_end0:
.L_simem_size_0:
called_computation_lowered:
.L_overlay_start_0:
0x88: {  	s2 =	sld [smem:$0x3FD9]  }
0x89: {  	s3 =	sld [smem:$0x3FFE];
	_ =	sdelay $0x1  }
0x8a: {  	s1 =	srdreg.scid  }
0x8b: {  	s0 =	sand.u32 $0x1, s1  }
0x8c: {  	s17 =	sshll.u32 s0, $0xA;
	s2 =	sadd.s32 s3, s2  }
0x8d: {  	s2 =	sadd.s32 s2, s17  }
0x8e: {  	[smem:$0x3FC0] =	sst s2  }
0x8f: {  	_ = 	snop  }
0x90: {  	s2 =	sld [smem:$0x3FC9]  }
0x91: {  	s18 =	sld [smem:$0x3FC8]  }
0x92: {  	s4 =	sld [smem:$0x3FC7]  }
0x93: {  	s5 =	sld [smem:$0x3FC6];
	(tm) =	ssettm $0x1  }
0x94: {  	s6 =	sld [smem:$0x3FFB];
	_ =	sdelay $0x3  }
0x95: {  	_ =	strace s6  }
0x96: {  	s6 =	sld [smem:$0x3FFC];
	_ =	sdelay $0x3  }
0x97: {  	_ =	strace s6  }
0x98: {  	s6 =	sld [smem:$0x3FFD];
	_ =	sdelay $0x3  }
0x99: {  	_ =	strace s6  }
0x9a: {  	_ =	strace $0x8FFFFFFF  }
0x9b: {  	s19 =	sld [smem:$0x3FDB];
	_ =	sdelay $0x1  }
0x9c: {  	s7 =	simm.s32 $_scs_section_size  }
0x9d: {  	s8 =	simm.s32 $_size__tile_overlayer_lowered;
	s9 =	simm.s32 $_tile_overlayer_lowered  }
0x9e: {  	s22 =	simm.s32 $0x1BFF;
	s21 =	sshll.u32 s9, $0x1;
	s6 =	sadd.s32 s7, s19  }
0x9f: {  	s10 =	simm.s32 $0x0;
	s20 =	sshll.u32 s8, $0x1;
	s8 =	sadd.s32 s21, s6  }
0xa0: {  	[timem:s10], [sflag:s22] =	dma.local [hbm:s8], s20  }
0xa1: {  	_ =	swait.ge [sflag:s22], s20  }
0xa2: {  	s7 =	ssub.s32 $0x0, s20;
	[sflag:s22] =	ssyncset.done $0x0  }
0xa3: {  	[sflag:s22] =	ssyncadd.s32 s7;
	_ =	sdelay $0x1  }
0xa4: {  	s23 =	simm.s32 $0x1B8B  }
0xa5: {  	_ =	swait.ge [sflag:s23], $0x1  }
0xa6: {  	[sflag:s23] =	ssyncset.done $0x0  }
0xa7: {  	s25 =	simm.s32 $0x1B8E;
	s24 =	sld [smem:$0x3FFE];
	[sflag:s23] =	ssyncadd.s32 $0xFFFFFFFF  }
0xa8: {  	s26 =	simm.s32 $execute0_lowered;
	[smem:$0x3FD2] =	sst s25  }
0xa9: {  	s8 =	sshll.u32 s26, $0x1;
	_ =	strace $0x80000046;
	[dreg:$0x1] =	wrdreg $0xFFFFFFFF  }
0xaa: {  	s28 =	simm.s32 $_size_execute0_lowered;
	s6 =	sadd.s32 s6, s8;
	[dreg:$0x0] =	wrdreg $0x0  }
0xab: {  	s8 =	sshll.u32 s28, $0x1;
	[dreg:$0x2] =	wrdreg s6  }
0xac: {  	[dreg:$0x3] =	wrdreg s8  }
0xad: {  	[dreg:$0x4] =	wrdreg $0xC0  }
0xae: {  	_ =	task [dreg:s10], $0x5FFFF  }
0xaf: {  	[dreg:$0x1] =	wrdreg $0xFFFFFFFF  }
0xb0: {  	[dreg:$0x0] =	wrdreg $0x60  }
0xb1: {  	[dreg:$0x2] =	wrdreg s2  }
0xb2: {  	[dreg:$0x3] =	wrdreg s18  }
0xb3: {  	[dreg:$0x4] =	wrdreg s4  }
0xb4: {  	[dreg:$0x5] =	wrdreg s5  }
0xb5: {  	[dreg:$0x6] =	wrdreg s24  }
0xb6: {  	[dreg:$0x7] =	wrdreg $0x9  }
0xb7: {  	_ =	task.clear_ibuf [dreg:s10], $0x8FFFF;
	_ =	strace $0x90000046  }
0xb8: {  	s29 =	simm.s32 $0x9;
	_ =	strace $0x80000048  }
0xb9: {  	_ =	swait.ge [sflag:s29], $0x1  }
0xba: {  	[sflag:s29] =	ssyncadd.s32 $0xFFFFFFFF  }
0xbb: {  	_ =	strace $0x90000048  }
0xbc: {  	_ =	sfence  }
0xbd: {  	s30 =	sld [smem:$0x0];
	_ =	sdelay $0x2  }
0xbe: {  	s31 =	sshll.u32 s1, $0xD;
	s1 =	sshrl.u32 s1, $0x2  }
0xbf: {  	s3 =	sand.u32 $0x4000, s31;
	s1 =	sadd.s32 s1, s30  }
0xc0: {  	s0 =	sor.u32 s3, s0;
	s1 =	sshll.u32 s1, $0x11  }
0xc1: {  	s0 =	sor.u32 s1, s0  }
0xc2: {  	s0 =	sadd.s32 $0x8F2B, s0  }
0xc3: {  	[sflag:s0] =	ssyncadd.remote.s32 $0x1  }
0xc4: {  	_ =	sfence.sel $0xFFFF  }
0xc5: {  	[dreg:$0x0] =	wrdreg $0xFFFFFFFF;
	(pc) =	sbr.abs _section_cstart, $3  }
0xc6: {  	[dreg:$0x1] =	wrdreg $0xFFFFFFFF  }
0xc7: {  	_ =	task.clear_ibuf [dreg:s10], $0x2FFFF;
	_ =	strace $0x9FFFFFFF  }
0xc8: {  	(tm) =	ssettm $0x7FFFFFFF  }
0xc9: {  	_ =	shalt  }
tec
execute0_lowered:
.L_overlay_start_1:
0x0: {  	(tag) =	ssettag $0x1  }
0x1: {  	s1 =	rddreg [dreg:$0x0]  }
0x2: {  	s3 =	rddreg [dreg:$0x1]  }
0x3: {  	s0 =	rddreg [dreg:$0x2]  }
0x4: {  	v0 =	vlaneseq.u32;
	s2 =	rddreg [dreg:$0x3];
	v1 =	vimm.s32 $0x2380  }
0x5: {  	s4 =	rddreg [dreg:$0x4];
	vm0 =	vcmask $0x300;
	v2 =	vimm.s32 $0x6380;
	vm1 =	vcmask $0x704  }
0x6: {  	s9 =	stileid.u32;
	s5 =	srdreg.scid;
	vm15 =	vcmask $0xB08;
	v1 =	vsel vm0, $0x0, v1;
	v2 =	vsel vm0, $0x4000, v2  }
0x7: {  	s7 =	simm.s32 $0x0;
	vm4 =	vcmask $0xF0C;
	s11 =	simm.s32 $0x1;
	s12 =	simm.s32 $0x7A1400;
	v1 =	vsel vm1, $0x80, v1;
	v2 =	vsel vm1, $0x4080, v2  }
0x8: {  	vm5 =	vcmask $0x1310;
	s13 =	simm.s32 $0x400;
	s29 =	simm.s32 $0x4400;
	s28 =	simm.s32 $0x7400;
	v1 =	vsel vm15, $0x100, v1;
	v2 =	vsel vm15, $0x4100, v2  }
0x9: {  	vm6 =	vcmask $0x1714;
	s15 =	simm.s32 $0xA400;
	s17 =	simm.s32 $0xB400;
	s19 =	simm.s32 $0xC400;
	v1 =	vsel vm4, $0x180, v1;
	v2 =	vsel vm4, $0x4180, v2  }
0xa: {  	vm7 =	vcmask $0x1B18;
	s21 =	simm.s32 $0xD400;
	s30 =	simm.s32 $0x10400;
	s6 =	sshll.u32 s9, $0x1;
	v1 =	vsel vm5, $0x200, v1;
	v2 =	vsel vm5, $0x4200, v2  }
0xb: {  	vm8 =	vcmask $0x1F1C;
	s31 =	simm.s32 $0x2;
	s5 =	sand.u32 $0x1, s5;
	s6 =	sand.u32 $0xE, s6;
	v1 =	vsel vm6, $0x280, v1;
	v2 =	vsel vm6, $0x4280, v2  }
0xc: {  	vm9 =	vcmask $0x2320;
	[smem:$0x7FF] =	sst s7;
	p0 =	sgt.u32 s9, $0x7;
	s6 =	sor.u32 s5, s6;
	v1 =	vsel vm7, $0x300, v1;
	v2 =	vsel vm7, $0x4300, v2  }
0xd: {  	vm10 =	vcmask $0x2724;
	s5 =	ssub.s32 $0x2, s5;
	s23 =	sshll.u32 s6, $0xA;
	s6 =	sshll.u32 s6, $0x7;
	v1 =	vsel vm8, $0x380, v1;
	v2 =	vsel vm8, $0x4380, v2  }
0xe: {  	vm11 =	vcmask $0x2B28;
	_ =	strace $0x80000047;
	s8 =	sshrl.u32 s5, $0x1;
	s3 =	sadd.s32 s3, s6;
	v1 =	vsel vm9, $0x2000, v1;
	v2 =	vsel vm9, $0x6000, v2  }
0xf: {  	vm12 =	vcmask $0x2F2C;
	s4 =	sadd.s32 s23, s4;
	s1 =	sadd.s32 s1, s6;
	[dreg:$0x6] =	wrdreg s3;
	v1 =	vsel vm10, $0x2080, v1;
	v2 =	vsel vm10, $0x6080, v2  }
.Ltmp0:
0x10: {  	vm13 =	vcmask $0x3330;
	s24 =	sadd.s32 $0x10C00, s4;
	[dreg:$0x8] =	wrdreg s1;
	v1 =	vsel vm11, $0x2100, v1;
	v2 =	vsel vm11, $0x6100, v2;
	(pc) =	sbr.rel .LBB2_1-.Ltmp0, $4  }
0x11: {  	vm14 =	vcmask $0x3734;
	s5 =	ssub.s32 s5, s8;
	s25 =	sadd.s32 $0xC00, s4;
	[dreg:$0x7] =	wrdreg s24;
	v1 =	vsel vm12, $0x2180, v1;
	v2 =	vsel vm12, $0x6180, v2  }
0x12: {  	v0 =	vmul.u32 $0x80, v0;
	s23 =	simm.s32 $0x8400;
	s26 =	smax.u32 s5, $0x1;
	[dreg:$0x9] =	wrdreg s25;
	v1 =	vsel vm13, $0x2200, v1;
	v2 =	vsel vm13, $0x6200, v2  }
0x13: {  	vm15 =	vcmask $0x3B38;
	s4 =	simm.s32 $0x3;
	s5 =	simm.s32 $0x0;
	[dreg:$0xa] =	wrdreg s26;
	v3 =	vsel vm14, $0x2280, v1;
	v4 =	vsel vm14, $0x6280, v2  }
0x14: {  	s25 =	simm.s32 $0x5400;
	s26 =	simm.s32 $0x6400;
	s24 =	simm.s32 $0x9400;
	v1 =	vor.u32 $0x800, v0;
	v2 =	vsel vm15, $0x2300, v3;
	v3 =	vsel vm15, $0x6300, v4  }
.LBB2_11:
0x15: {  	s1 =	rddreg [dreg:$0x7]  }
0x16: {  	s5 =	rddreg [dreg:$0xb]  }
.LBB2_12:
0x17: {  	s3 =	simm.s32 $0x2000;
	s4 =	simm.s32 $0x20000  }
0x18: {  	[hbm4b:s1+s3] =	stream.strided.scatter [tilespmem:s30], [sflag:$0x3], $0x8000, s4, s3, $0x38;
	[tilespmem:$0x18400] =	vst v63  }
0x19: {  	s4 =	simm.s32 $0x3  }
0x1a: {  	_ =	swait.ge [sflag:s4], $0x8000  }
0x1b: {  	s5 =	sadd.s32 $0x1, s5;
	s22 =	rddreg [dreg:$0xa]  }
0x1c: {  	p1 =	sne.s32 s5, s22  }
.Ltmp1:
0x1d: {  	_ = 	snop;
	(pc) =	sbr.rel @!p1 .LBB2_13-.Ltmp1, $3  }
0x1e: {  	_ =	sdelay $0x1  }
0x1f: {  	[sflag:s4] =	ssyncset.done $0x0  }
0x20: {  	[sflag:s4] =	ssyncadd.s32 $0xFFFF8000  }
.LBB2_1:
.Ltmp2:
0x21: {  	(pc) =	sbr.rel @p0 .LBB2_7-.Ltmp2, $2  }
0x22: {  	_ =	sdelay $0x2  }
0x23: {  	[dreg:$0xb] =	wrdreg s5;
	s1 =	simm.s32 $0x0  }
0x24: {  	s3 =	rddreg [dreg:$0x8]  }
0x25: {  	[tilespmem:s1], [sflag:$0x3] =	stream.linear.gather [hbm4b:s3+s1], $0x400, $0x38;
	[tilespmem:$0x18400] =	vst v63  }
0x26: {  	_ =	swait.ge [sflag:s4], $0x400  }
0x27: {  	[sflag:s4] =	ssyncset.done $0x0  }
0x28: {  	[sflag:s4] =	ssyncadd.s32 $0xFFFFFC00  }
0x29: {  	v4 =	vld [tilespmem:$0x0];
	_ =	sdelay $0x4  }
0x2a: {  	(v2sf) =	vpush v4, $0x0;
	_ =	sdelay $0x5  }
0x2b: {  	(v2sf) =	vpush v4, $0x1;
	_ =	sdelay $0x8  }
0x2c: {  	s4 =	spop (v2sf)  }
0x2d: {  	(v2sf) =	vpush v4, $0x2;
	s5 =	sand.u32 $0x7F, s4  }
0x2e: {  	s6 =	sshra.s32 s4, $0x1F;
	p2 =	slt.s32 s4, $0x1;
	p1 =	sne.s32 s5, $0x0  }
0x2f: {  	s3 =	sshrl.u32 s6, $0x19;
	p1 =	por !p2, !p1  }
0x30: {  	s1 =	sadd.s32 s3, s4;
	s3 =	simm.s32 $0x1;
	p1 =	por !p1, !p1  }
0x31: {  	s1 =	sshrl.u32 s1, $0x7;
	s3 =	simm.s32 @!p1 $0x0  }
0x32: {  	s7 =	spop (v2sf);
	s1 =	ssub.s32 s1, s3  }
0x33: {  	s8 =	sand.u32 $0x7F, s7;
	s9 =	sshra.s32 s7, $0x1F;
	s1 =	sshll.u32 s1, $0x7  }
0x34: {  	(v2sf) =	vpush v4, $0x3;
	p6 =	slt.s32 s7, $0x1;
	p5 =	sne.s32 s8, $0x0;
	s1 =	sand.u32 $0x1FFFFF80, s1  }
0x35: {  	p1 =	por !p6, !p5;
	s3 =	sshrl.u32 s9, $0x19;
	s1 =	sadd.s32 s0, s1  }
0x36: {  	[tilespmem:s13], [sflag:$0x1] =	stream.strided.gather [hbm4b:s1+s13], $0x1000, s12, s13, $0x38;
	[tilespmem:$0x18400] =	vst v63  }
0x37: {  	p1 =	por !p1, !p1;
	s1 =	sadd.s32 s3, s7;
	s3 =	simm.s32 $0x1  }
0x38: {  	s1 =	sshrl.u32 s1, $0x7;
	s3 =	simm.s32 @!p1 $0x0  }
0x39: {  	s1 =	ssub.s32 s1, s3  }
0x3a: {  	s1 =	sshll.u32 s1, $0x7  }
0x3b: {  	s1 =	sand.u32 $0x1FFFFF80, s1  }
0x3c: {  	s10 =	simm.s32 $0x1400;
	s1 =	sadd.s32 s0, s1;
	s14 =	spop (v2sf)  }
0x3d: {  	[tilespmem:s10], [sflag:$0x1] =	stream.strided.gather [hbm4b:s1+s13], $0x1000, s12, s13, $0x38;
	[tilespmem:$0x18400] =	vst v63  }
0x3e: {  	(v2sf) =	vpush v4, $0x4;
	s16 =	sand.u32 $0x7F, s14  }
0x3f: {  	s18 =	sshra.s32 s14, $0x1F;
	p4 =	slt.s32 s14, $0x1;
	p3 =	sne.s32 s16, $0x0  }
0x40: {  	s3 =	sshrl.u32 s18, $0x19;
	p1 =	por !p4, !p3  }
0x41: {  	s1 =	sadd.s32 s3, s14;
	s3 =	simm.s32 $0x1;
	p1 =	por !p1, !p1  }
0x42: {  	s1 =	sshrl.u32 s1, $0x7;
	s3 =	simm.s32 @!p1 $0x0  }
0x43: {  	s20 =	simm.s32 $0x2400;
	s22 =	spop (v2sf);
	s1 =	ssub.s32 s1, s3  }
0x44: {  	s4 =	sand.u32 $0x7F, s22;
	s5 =	sshra.s32 s22, $0x1F;
	s1 =	sshll.u32 s1, $0x7  }
0x45: {  	(v2sf) =	vpush v4, $0x5;
	p6 =	slt.s32 s22, $0x1;
	p5 =	sne.s32 s4, $0x0;
	s1 =	sand.u32 $0x1FFFFF80, s1  }
0x46: {  	p1 =	por !p6, !p5;
	s3 =	sshrl.u32 s5, $0x19;
	s1 =	sadd.s32 s0, s1  }
0x47: {  	[tilespmem:s20], [sflag:$0x1] =	stream.strided.gather [hbm4b:s1+s13], $0x1000, s12, s13, $0x38;
	[tilespmem:$0x18400] =	vst v63  }
0x48: {  	p1 =	por !p1, !p1;
	s1 =	sadd.s32 s3, s22;
	s3 =	simm.s32 $0x1  }
0x49: {  	s1 =	sshrl.u32 s1, $0x7;
	s3 =	simm.s32 @!p1 $0x0  }
0x4a: {  	s1 =	ssub.s32 s1, s3  }
0x4b: {  	s1 =	sshll.u32 s1, $0x7  }
0x4c: {  	s1 =	sand.u32 $0x1FFFFF80, s1  }
0x4d: {  	s6 =	simm.s32 $0x3400;
	s1 =	sadd.s32 s0, s1;
	s7 =	spop (v2sf)  }
0x4e: {  	[tilespmem:s6], [sflag:$0x1] =	stream.strided.gather [hbm4b:s1+s13], $0x1000, s12, s13, $0x38;
	[tilespmem:$0x18400] =	vst v63  }
0x4f: {  	(v2sf) =	vpush v4, $0x6;
	s8 =	sand.u32 $0x7F, s7  }
0x50: {  	s9 =	sshra.s32 s7, $0x1F;
	p4 =	slt.s32 s7, $0x1;
	p3 =	sne.s32 s8, $0x0  }
0x51: {  	s3 =	sshrl.u32 s9, $0x19;
	p1 =	por !p4, !p3  }
0x52: {  	s1 =	sadd.s32 s3, s7;
	s3 =	simm.s32 $0x1;
	p1 =	por !p1, !p1  }
0x53: {  	s1 =	sshrl.u32 s1, $0x7;
	s3 =	simm.s32 @!p1 $0x0  }
0x54: {  	s10 =	spop (v2sf);
	s1 =	ssub.s32 s1, s3  }
0x55: {  	s14 =	sand.u32 $0x7F, s10;
	s16 =	sshra.s32 s10, $0x1F;
	s1 =	sshll.u32 s1, $0x7  }
0x56: {  	p6 =	slt.s32 s10, $0x1;
	p5 =	sne.s32 s14, $0x0;
	s1 =	sand.u32 $0x1FFFFF80, s1  }
0x57: {  	p1 =	por !p6, !p5;
	s3 =	sshrl.u32 s16, $0x19;
	s1 =	sadd.s32 s0, s1  }
0x58: {  	[tilespmem:s29], [sflag:$0x1] =	stream.strided.gather [hbm4b:s1+s13], $0x1000, s12, s13, $0x38;
	[tilespmem:$0x18400] =	vst v63  }
0x59: {  	(v2sf) =	vpush v4, $0x7;
	p1 =	por !p1, !p1;
	s1 =	sadd.s32 s3, s10;
	s3 =	simm.s32 $0x1  }
0x5a: {  	s1 =	sshrl.u32 s1, $0x7;
	s3 =	simm.s32 @!p1 $0x0  }
0x5b: {  	s1 =	ssub.s32 s1, s3  }
0x5c: {  	s1 =	sshll.u32 s1, $0x7  }
0x5d: {  	s1 =	sand.u32 $0x1FFFFF80, s1  }
0x5e: {  	s18 =	spop (v2sf);
	s1 =	sadd.s32 s0, s1  }
0x5f: {  	[tilespmem:s25], [sflag:$0x1] =	stream.strided.gather [hbm4b:s1+s13], $0x1000, s12, s13, $0x38;
	[tilespmem:$0x18400] =	vst v63  }
0x60: {  	s20 =	sand.u32 $0x7F, s18  }
0x61: {  	s22 =	sshra.s32 s18, $0x1F;
	p4 =	slt.s32 s18, $0x1;
	p3 =	sne.s32 s20, $0x0  }
0x62: {  	s1 =	sshrl.u32 s22, $0x19;
	p1 =	por !p4, !p3  }
0x63: {  	s3 =	simm.s32 $0x1;
	s1 =	sadd.s32 s1, s18;
	p1 =	por !p1, !p1  }
0x64: {  	s1 =	sshrl.u32 s1, $0x7;
	s3 =	simm.s32 @!p1 $0x0  }
0x65: {  	s1 =	ssub.s32 s1, s3  }
0x66: {  	s1 =	sshll.u32 s1, $0x7  }
0x67: {  	s1 =	sand.u32 $0x1FFFFF80, s1  }
0x68: {  	s25 =	spop (v2sf);
	s1 =	sadd.s32 s0, s1  }
0x69: {  	[tilespmem:s26], [sflag:$0x1] =	stream.strided.gather [hbm4b:s1+s13], $0x1000, s12, s13, $0x38;
	[tilespmem:$0x18400] =	vst v63  }
0x6a: {  	s26 =	sand.u32 $0x7F, s25  }
0x6b: {  	s29 =	sshra.s32 s25, $0x1F;
	p6 =	slt.s32 s25, $0x1;
	p5 =	sne.s32 s26, $0x0  }
0x6c: {  	s3 =	sshrl.u32 s29, $0x19;
	p1 =	por !p6, !p5  }
0x6d: {  	s1 =	sadd.s32 s3, s25;
	s3 =	simm.s32 $0x1;
	p1 =	por !p1, !p1  }
0x6e: {  	s1 =	sshrl.u32 s1, $0x7;
	s3 =	simm.s32 @!p1 $0x0  }
.Ltmp3:
0x6f: {  	s1 =	ssub.s32 s1, s3;
	(pc) =	sbr.rel .LBB2_3-.Ltmp3, $4  }
0x70: {  	s1 =	sshll.u32 s1, $0x7  }
0x71: {  	s1 =	sand.u32 $0x1FFFFF80, s1  }
0x72: {  	s5 =	simm.s32 $0xF;
	s7 =	simm.s32 $0x10;
	s1 =	sadd.s32 s0, s1  }
0x73: {  	[tilespmem:s28], [sflag:$0x1] =	stream.strided.gather [hbm4b:s1+s13], $0x1000, s12, s13, $0x38;
	[tilespmem:$0x18400] =	vst v63  }
.LBB2_5:
0x74: {  	_ =	swait.ge [sflag:s31], $0x1000  }
0x75: {  	[sflag:s31] =	ssyncset.done $0x0  }
0x76: {  	[sflag:s31] =	ssyncadd.s32 $0xFFFFF000  }
0x77: {  	_ =	swait.ge [sflag:s31], $0x1000  }
0x78: {  	[sflag:s31] =	ssyncset.done $0x0  }
0x79: {  	[sflag:s31] =	ssyncadd.s32 $0xFFFFF000  }
0x7a: {  	_ =	swait.ge [sflag:s31], $0x1000  }
0x7b: {  	[sflag:s31] =	ssyncset.done $0x0  }
0x7c: {  	[sflag:s31] =	ssyncadd.s32 $0xFFFFF000  }
0x7d: {  	_ =	swait.ge [sflag:s31], $0x1000  }
0x7e: {  	[sflag:s31] =	ssyncset.done $0x0  }
0x7f: {  	[sflag:s31] =	ssyncadd.s32 $0xFFFFF000  }
0x80: {  	_ =	swait.ge [sflag:s31], $0x1000  }
0x81: {  	[sflag:s31] =	ssyncset.done $0x0  }
0x82: {  	[sflag:s31] =	ssyncadd.s32 $0xFFFFF000  }
0x83: {  	_ =	swait.ge [sflag:s31], $0x1000  }
0x84: {  	[sflag:s31] =	ssyncset.done $0x0  }
0x85: {  	[sflag:s31] =	ssyncadd.s32 $0xFFFFF000  }
0x86: {  	s3 =	ssub.s32 s3, s6;
	_ =	swait.ge [sflag:s31], $0x1000  }
0x87: {  	s24 =	sadd.s32 $0xFFFFFFF9, s5;
	v4 =	vadd.s32 s3, v0;
	[sflag:s31] =	ssyncset.done $0x0  }
0x88: {  	v5 =	vmov s24;
	v6 =	vadd.s32 s3, v1;
	[sflag:s31] =	ssyncadd.s32 $0xFFFFF000  }
0x89: {  	v7 =	vshll.u32 v5, $0x3;
	_ =	swait.ge [sflag:s31], $0x1000  }
0x8a: {  	v5 =	vand.u32 $0x78, v5;
	v7 =	vand.u32 $0x1C00, v7;
	[sflag:s31] =	ssyncset.done $0x0  }
0x8b: {  	s23 =	simm.s32 $0x8400;
	v5 =	vor.u32 v5, v7;
	[sflag:s31] =	ssyncadd.s32 $0xFFFFF000  }
0x8c: {  	v7 =	vor.u32 v2, v5;
	v4 =	vld.idx.msk [tilespmem:v4+s23+$0x0], $0xffff  }
0x8d: {  	s1 =	ssub.s32 s1, s9;
	v5 =	vor.u32 v3, v5;
	v6 =	vld.idx.msk [tilespmem:v6+s23+$0x0], $0xffff  }
0x8e: {  	s6 =	sadd.s32 $0xFFFFFFFA, s5;
	v8 =	vadd.s32 s1, v0  }
0x8f: {  	v9 =	vmov s6;
	v10 =	vadd.s32 s1, v1  }
0x90: {  	v11 =	vshll.u32 v9, $0x3  }
0x91: {  	v31 =	vand.u32 $0x1C00, v11;
	[tilespmem:v7+s30+$0x0] =	vst.idx.msk $0xffff, v4;
	v4 =	vand.u32 $0x79, v9  }
0x92: {  	s24 =	simm.s32 $0x9400;
	[tilespmem:v5+s30+$0x0] =	vst.idx.msk $0xffff, v6;
	v4 =	vor.u32 v4, v31  }
0x93: {  	v5 =	vld.idx.msk [tilespmem:v8+s24+$0x0], $0xffff;
	v32 =	vor.u32 v2, v4  }
0x94: {  	s9 =	ssub.s32 s8, s4;
	v33 =	vld.idx.msk [tilespmem:v10+s24+$0x0], $0xffff;
	v4 =	vor.u32 v3, v4  }
0x95: {  	s4 =	sadd.s32 $0xFFFFFFFB, s5;
	v34 =	vadd.s32 s9, v0  }
0x96: {  	v35 =	vmov s4;
	v36 =	vadd.s32 s9, v1  }
0x97: {  	v37 =	vshll.u32 v35, $0x3  }
0x98: {  	v38 =	vand.u32 $0x1C00, v37;
	[tilespmem:v32+s30+$0x0] =	vst.idx.msk $0xffff, v5;
	v5 =	vand.u32 $0x7A, v35  }
0x99: {  	s6 =	simm.s32 $0xA400;
	[tilespmem:v4+s30+$0x0] =	vst.idx.msk $0xffff, v33;
	v4 =	vor.u32 v5, v38  }
0x9a: {  	s8 =	ssub.s32 s10, s15;
	s15 =	simm.s32 $0xA400;
	v5 =	vld.idx.msk [tilespmem:v34+s6+$0x0], $0xffff;
	v6 =	vor.u32 v2, v4  }
0x9b: {  	v7 =	vld.idx.msk [tilespmem:v36+s15+$0x0], $0xffff;
	v4 =	vor.u32 v3, v4  }
0x9c: {  	s9 =	sadd.s32 $0xFFFFFFFC, s5;
	v39 =	vadd.s32 s8, v0  }
0x9d: {  	v41 =	vadd.s32 s8, v1;
	v40 =	vmov s9  }
0x9e: {  	v42 =	vshll.u32 v40, $0x3  }
0x9f: {  	v43 =	vand.u32 $0x1C00, v42;
	[tilespmem:v6+s30+$0x0] =	vst.idx.msk $0xffff, v5;
	v5 =	vand.u32 $0x7B, v40  }
0xa0: {  	s10 =	simm.s32 $0xB400;
	[tilespmem:v4+s30+$0x0] =	vst.idx.msk $0xffff, v7;
	v4 =	vor.u32 v5, v43  }
0xa1: {  	s14 =	ssub.s32 s14, s17;
	s17 =	simm.s32 $0xB400;
	v5 =	vld.idx.msk [tilespmem:v39+s10+$0x0], $0xffff;
	v6 =	vor.u32 v2, v4  }
0xa2: {  	v7 =	vld.idx.msk [tilespmem:v41+s17+$0x0], $0xffff;
	v4 =	vor.u32 v3, v4  }
0xa3: {  	s4 =	sadd.s32 $0xFFFFFFFD, s5;
	v44 =	vadd.s32 s14, v0  }
0xa4: {  	v46 =	vadd.s32 s14, v1;
	v45 =	vmov s4  }
0xa5: {  	v47 =	vshll.u32 v45, $0x3  }
0xa6: {  	v48 =	vand.u32 $0x1C00, v47;
	[tilespmem:v6+s30+$0x0] =	vst.idx.msk $0xffff, v5;
	v5 =	vand.u32 $0x7C, v45  }
0xa7: {  	s6 =	simm.s32 $0xC400;
	[tilespmem:v4+s30+$0x0] =	vst.idx.msk $0xffff, v7;
	v4 =	vor.u32 v5, v48  }
0xa8: {  	s8 =	ssub.s32 s16, s19;
	s19 =	simm.s32 $0xC400;
	v5 =	vld.idx.msk [tilespmem:v44+s6+$0x0], $0xffff;
	v6 =	vor.u32 v2, v4  }
0xa9: {  	v7 =	vld.idx.msk [tilespmem:v46+s19+$0x0], $0xffff;
	v4 =	vor.u32 v3, v4  }
0xaa: {  	s9 =	sadd.s32 $0xFFFFFFFE, s5;
	v49 =	vadd.s32 s8, v0  }
0xab: {  	v51 =	vadd.s32 s8, v1;
	v50 =	vmov s9  }
0xac: {  	v52 =	vshll.u32 v50, $0x3  }
0xad: {  	v53 =	vand.u32 $0x1C00, v52;
	[tilespmem:v6+s30+$0x0] =	vst.idx.msk $0xffff, v5;
	v5 =	vand.u32 $0x7D, v50  }
0xae: {  	s10 =	simm.s32 $0xD400;
	[tilespmem:v4+s30+$0x0] =	vst.idx.msk $0xffff, v7;
	v4 =	vor.u32 v5, v53  }
0xaf: {  	s14 =	ssub.s32 s18, s21;
	s21 =	simm.s32 $0xD400;
	v5 =	vld.idx.msk [tilespmem:v49+s10+$0x0], $0xffff;
	v6 =	vor.u32 v2, v4  }
0xb0: {  	v7 =	vld.idx.msk [tilespmem:v51+s21+$0x0], $0xffff;
	v4 =	vor.u32 v3, v4  }
0xb1: {  	s16 =	sadd.s32 $0xFFFFFFFF, s5;
	v54 =	vadd.s32 s14, v0  }
0xb2: {  	v55 =	vmov s16;
	v56 =	vadd.s32 s14, v1  }
0xb3: {  	v57 =	vshll.u32 v55, $0x3  }
0xb4: {  	v58 =	vand.u32 $0x1C00, v57;
	[tilespmem:v6+s30+$0x0] =	vst.idx.msk $0xffff, v5;
	v5 =	vand.u32 $0x7E, v55  }
0xb5: {  	s18 =	simm.s32 $0xE400;
	[tilespmem:v4+s30+$0x0] =	vst.idx.msk $0xffff, v7;
	v4 =	vor.u32 v5, v58  }
0xb6: {  	v5 =	vld.idx.msk [tilespmem:v54+s18+$0x0], $0xffff;
	v6 =	vor.u32 v2, v4  }
0xb7: {  	s20 =	ssub.s32 s20, s22;
	v7 =	vld.idx.msk [tilespmem:v56+s18+$0x0], $0xffff;
	v4 =	vor.u32 v3, v4  }
0xb8: {  	v59 =	vadd.s32 s20, v0  }
0xb9: {  	v61 =	vmov s5;
	v60 =	vadd.s32 s20, v1  }
0xba: {  	v62 =	vshll.u32 v61, $0x3  }
0xbb: {  	v63 =	vand.u32 $0x1C00, v62;
	[tilespmem:v6+s30+$0x0] =	vst.idx.msk $0xffff, v5;
	v5 =	vand.u32 $0x7F, v61  }
0xbc: {  	s22 =	simm.s32 $0xF400;
	[tilespmem:v4+s30+$0x0] =	vst.idx.msk $0xffff, v7;
	v4 =	vor.u32 v5, v63  }
0xbd: {  	s5 =	sadd.s32 $0x10, s5;
	v5 =	vld.idx.msk [tilespmem:v59+s22+$0x0], $0xffff;
	v6 =	vor.u32 v2, v4  }
0xbe: {  	p1 =	seq.s32 s5, $0x40F;
	v7 =	vld.idx.msk [tilespmem:v60+s22+$0x0], $0xffff;
	v4 =	vor.u32 v3, v4  }
.Ltmp4:
0xbf: {  	_ = 	snop;
	(pc) =	sbr.rel @p1 .LBB2_6-.Ltmp4, $3  }
0xc0: {  	_ =	sdelay $0x1  }
0xc1: {  	[tilespmem:v6+s30+$0x0] =	vst.idx.msk $0xffff, v5  }
0xc2: {  	s7 =	sadd.s32 $0x10, s7;
	[tilespmem:v4+s30+$0x0] =	vst.idx.msk $0xffff, v7  }
.LBB2_3:
0xc3: {  	v4 =	vld [tilespmem:s7+$0xFFFFFFF0];
	_ =	sdelay $0x4  }
0xc4: {  	(v2sf) =	vpush v4, $0x8;
	_ =	sdelay $0xd  }
0xc5: {  	(v2sf) =	vpush v4, $0x9  }
0xc6: {  	s3 =	spop (v2sf)  }
0xc7: {  	s1 =	sshra.s32 s3, $0x1F  }
0xc8: {  	s1 =	sshrl.u32 s1, $0x19  }
0xc9: {  	s1 =	sadd.s32 s1, s3  }
0xca: {  	s6 =	sand.u32 $0xFFFFFF80, s1  }
0xcb: {  	p1 =	slt.s32 s3, $0x1;
	p2 =	sne.s32 s3, s6  }
0xcc: {  	p1 =	por !p1, !p2  }
0xcd: {  	s4 =	simm.s32 $0x1;
	p1 =	por !p1, !p1  }
0xce: {  	s1 =	sshrl.u32 s1, $0x7;
	s4 =	simm.s32 @!p1 $0x0  }
0xcf: {  	s1 =	ssub.s32 s1, s4  }
0xd0: {  	(v2sf) =	vpush v4, $0xA;
	s1 =	sshll.u32 s1, $0x7  }
0xd1: {  	s1 =	sand.u32 $0x1FFFFF80, s1  }
0xd2: {  	s1 =	sadd.s32 s0, s1  }
0xd3: {  	[tilespmem:s23], [sflag:$0x2] =	stream.strided.gather [hbm4b:s1+s13], $0x1000, s12, s13, $0x38;
	[tilespmem:$0x18400] =	vst v63  }
0xd4: {  	s1 =	spop (v2sf)  }
0xd5: {  	s14 =	sshra.s32 s1, $0x1F  }
0xd6: {  	s4 =	sshrl.u32 s14, $0x19  }
0xd7: {  	s4 =	sadd.s32 s4, s1  }
0xd8: {  	s9 =	sand.u32 $0xFFFFFF80, s4  }
0xd9: {  	p5 =	slt.s32 s1, $0x1;
	p6 =	sne.s32 s1, s9  }
0xda: {  	p1 =	por !p5, !p6  }
0xdb: {  	s8 =	simm.s32 $0x1;
	p1 =	por !p1, !p1  }
0xdc: {  	s4 =	sshrl.u32 s4, $0x7;
	s8 =	simm.s32 @!p1 $0x0  }
0xdd: {  	s4 =	ssub.s32 s4, s8  }
0xde: {  	s4 =	sshll.u32 s4, $0x7  }
0xdf: {  	(v2sf) =	vpush v4, $0xB;
	s8 =	spop (v2sf);
	s4 =	sand.u32 $0x1FFFFF80, s4  }
0xe0: {  	s16 =	sshra.s32 s8, $0x1F;
	s4 =	sadd.s32 s0, s4  }
0xe1: {  	[tilespmem:s24], [sflag:$0x2] =	stream.strided.gather [hbm4b:s4+s13], $0x1000, s12, s13, $0x38;
	[tilespmem:$0x18400] =	vst v63  }
0xe2: {  	s4 =	sshrl.u32 s16, $0x19  }
0xe3: {  	s10 =	sadd.s32 s4, s8  }
0xe4: {  	s4 =	sand.u32 $0xFFFFFF80, s10  }
0xe5: {  	p3 =	slt.s32 s8, $0x1;
	p4 =	sne.s32 s8, s4  }
0xe6: {  	p1 =	por !p3, !p4  }
0xe7: {  	s14 =	simm.s32 $0x1;
	p1 =	por !p1, !p1  }
0xe8: {  	s10 =	sshrl.u32 s10, $0x7;
	s14 =	simm.s32 @!p1 $0x0  }
0xe9: {  	s10 =	ssub.s32 s10, s14  }
0xea: {  	s10 =	sshll.u32 s10, $0x7  }
0xeb: {  	s10 =	sand.u32 $0x1FFFFF80, s10  }
0xec: {  	s10 =	sadd.s32 s0, s10  }
0xed: {  	(v2sf) =	vpush v4, $0xC;
	[tilespmem:s15], [sflag:$0x2] =	stream.strided.gather [hbm4b:s10+s13], $0x1000, s12, s13, $0x38;
	[tilespmem:$0x18400] =	vst v63  }
0xee: {  	s10 =	spop (v2sf)  }
0xef: {  	s18 =	sshra.s32 s10, $0x1F  }
0xf0: {  	s14 =	sshrl.u32 s18, $0x19  }
0xf1: {  	s14 =	sadd.s32 s14, s10  }
0xf2: {  	s15 =	sand.u32 $0xFFFFFF80, s14  }
0xf3: {  	p5 =	slt.s32 s10, $0x1;
	p6 =	sne.s32 s10, s15  }
0xf4: {  	p1 =	por !p5, !p6  }
0xf5: {  	s16 =	simm.s32 $0x1;
	p1 =	por !p1, !p1  }
0xf6: {  	s14 =	sshrl.u32 s14, $0x7;
	s16 =	simm.s32 @!p1 $0x0  }
0xf7: {  	s14 =	ssub.s32 s14, s16  }
0xf8: {  	s14 =	sshll.u32 s14, $0x7  }
0xf9: {  	s14 =	sand.u32 $0x1FFFFF80, s14  }
0xfa: {  	s14 =	sadd.s32 s0, s14  }
0xfb: {  	(v2sf) =	vpush v4, $0xD;
	[tilespmem:s17], [sflag:$0x2] =	stream.strided.gather [hbm4b:s14+s13], $0x1000, s12, s13, $0x38;
	[tilespmem:$0x18400] =	vst v63  }
0xfc: {  	s14 =	spop (v2sf)  }
0xfd: {  	s20 =	sshra.s32 s14, $0x1F  }
0xfe: {  	s16 =	sshrl.u32 s20, $0x19  }
0xff: {  	s16 =	sadd.s32 s16, s14  }
0x100: {  	s17 =	sand.u32 $0xFFFFFF80, s16  }
0x101: {  	p3 =	slt.s32 s14, $0x1;
	p4 =	sne.s32 s14, s17  }
0x102: {  	p1 =	por !p3, !p4  }
0x103: {  	s18 =	simm.s32 $0x1;
	p1 =	por !p1, !p1  }
0x104: {  	s16 =	sshrl.u32 s16, $0x7;
	s18 =	simm.s32 @!p1 $0x0  }
0x105: {  	s16 =	ssub.s32 s16, s18  }
0x106: {  	s16 =	sshll.u32 s16, $0x7  }
0x107: {  	s16 =	sand.u32 $0x1FFFFF80, s16  }
0x108: {  	s16 =	sadd.s32 s0, s16  }
0x109: {  	(v2sf) =	vpush v4, $0xE;
	[tilespmem:s19], [sflag:$0x2] =	stream.strided.gather [hbm4b:s16+s13], $0x1000, s12, s13, $0x38;
	[tilespmem:$0x18400] =	vst v63  }
0x10a: {  	s16 =	spop (v2sf)  }
0x10b: {  	s22 =	sshra.s32 s16, $0x1F  }
0x10c: {  	s18 =	sshrl.u32 s22, $0x19  }
0x10d: {  	s18 =	sadd.s32 s18, s16  }
0x10e: {  	s19 =	sand.u32 $0xFFFFFF80, s18  }
0x10f: {  	p5 =	slt.s32 s16, $0x1;
	p6 =	sne.s32 s16, s19  }
0x110: {  	p1 =	por !p5, !p6  }
0x111: {  	s20 =	simm.s32 $0x1;
	p1 =	por !p1, !p1  }
0x112: {  	s18 =	sshrl.u32 s18, $0x7;
	s20 =	simm.s32 @!p1 $0x0  }
0x113: {  	s18 =	ssub.s32 s18, s20  }
0x114: {  	s18 =	sshll.u32 s18, $0x7  }
0x115: {  	s18 =	sand.u32 $0x1FFFFF80, s18  }
0x116: {  	s18 =	sadd.s32 s0, s18  }
0x117: {  	(v2sf) =	vpush v4, $0xF;
	[tilespmem:s21], [sflag:$0x2] =	stream.strided.gather [hbm4b:s18+s13], $0x1000, s12, s13, $0x38;
	[tilespmem:$0x18400] =	vst v63  }
0x118: {  	s18 =	spop (v2sf)  }
0x119: {  	s23 =	sshra.s32 s18, $0x1F  }
0x11a: {  	s20 =	sshrl.u32 s23, $0x19  }
0x11b: {  	s20 =	sadd.s32 s20, s18  }
0x11c: {  	s21 =	sand.u32 $0xFFFFFF80, s20  }
0x11d: {  	p3 =	slt.s32 s18, $0x1;
	p4 =	sne.s32 s18, s21  }
0x11e: {  	p1 =	por !p3, !p4  }
0x11f: {  	s22 =	simm.s32 $0x1;
	p1 =	por !p1, !p1  }
0x120: {  	s20 =	sshrl.u32 s20, $0x7;
	s22 =	simm.s32 @!p1 $0x0  }
0x121: {  	s20 =	ssub.s32 s20, s22  }
0x122: {  	s20 =	sshll.u32 s20, $0x7  }
0x123: {  	s20 =	sand.u32 $0x1FFFFF80, s20  }
0x124: {  	s25 =	simm.s32 $0xE400;
	s20 =	sadd.s32 s0, s20  }
0x125: {  	[tilespmem:s25], [sflag:$0x2] =	stream.strided.gather [hbm4b:s20+s13], $0x1000, s12, s13, $0x38;
	[tilespmem:$0x18400] =	vst v63  }
0x126: {  	s20 =	spop (v2sf)  }
0x127: {  	s24 =	sshra.s32 s20, $0x1F  }
0x128: {  	s22 =	sshrl.u32 s24, $0x19  }
0x129: {  	s25 =	sadd.s32 s22, s20  }
0x12a: {  	s22 =	sand.u32 $0xFFFFFF80, s25  }
0x12b: {  	p5 =	slt.s32 s20, $0x1;
	p6 =	sne.s32 s20, s22  }
0x12c: {  	p1 =	por !p5, !p6  }
0x12d: {  	s24 =	simm.s32 $0x1;
	p1 =	por !p1, !p1  }
0x12e: {  	s23 =	sshrl.u32 s25, $0x7;
	s24 =	simm.s32 @!p1 $0x0  }
0x12f: {  	s23 =	ssub.s32 s23, s24  }
0x130: {  	s23 =	sshll.u32 s23, $0x7  }
0x131: {  	s23 =	sand.u32 $0x1FFFFF80, s23  }
0x132: {  	s26 =	simm.s32 $0xF400;
	s23 =	sadd.s32 s0, s23  }
0x133: {  	[tilespmem:s26], [sflag:$0x2] =	stream.strided.gather [hbm4b:s23+s13], $0x1000, s12, s13, $0x38;
	[tilespmem:$0x18400] =	vst v63  }
0x134: {  	_ =	swait.ge [sflag:s11], $0x1000  }
0x135: {  	[sflag:s11] =	ssyncset.done $0x0  }
0x136: {  	[sflag:s11] =	ssyncadd.s32 $0xFFFFF000  }
0x137: {  	_ =	swait.ge [sflag:s11], $0x1000  }
0x138: {  	[sflag:s11] =	ssyncset.done $0x0  }
0x139: {  	[sflag:s11] =	ssyncadd.s32 $0xFFFFF000  }
0x13a: {  	_ =	swait.ge [sflag:s11], $0x1000  }
0x13b: {  	[sflag:s11] =	ssyncset.done $0x0  }
0x13c: {  	[sflag:s11] =	ssyncadd.s32 $0xFFFFF000  }
0x13d: {  	_ =	swait.ge [sflag:s11], $0x1000  }
0x13e: {  	[sflag:s11] =	ssyncset.done $0x0  }
0x13f: {  	[sflag:s11] =	ssyncadd.s32 $0xFFFFF000  }
0x140: {  	_ =	swait.ge [sflag:s11], $0x1000  }
0x141: {  	[sflag:s11] =	ssyncset.done $0x0  }
0x142: {  	[sflag:s11] =	ssyncadd.s32 $0xFFFFF000  }
0x143: {  	_ =	swait.ge [sflag:s11], $0x1000  }
0x144: {  	[sflag:s11] =	ssyncset.done $0x0  }
0x145: {  	[sflag:s11] =	ssyncadd.s32 $0xFFFFF000  }
0x146: {  	_ =	swait.ge [sflag:s11], $0x1000  }
0x147: {  	[sflag:s11] =	ssyncset.done $0x0  }
0x148: {  	[sflag:s11] =	ssyncadd.s32 $0xFFFFF000  }
0x149: {  	_ =	swait.ge [sflag:s11], $0x1000  }
0x14a: {  	(v2sf) =	vpush v4, $0x0;
	_ =	sdelay $0x6  }
0x14b: {  	(v2sf) =	vpush v4, $0x1;
	_ =	sdelay $0x6  }
0x14c: {  	(v2sf) =	vpush v4, $0x2  }
0x14d: {  	s26 =	spop (v2sf)  }
0x14e: {  	s25 =	sshra.s32 s26, $0x1F  }
0x14f: {  	s24 =	sshrl.u32 s25, $0x19  }
0x150: {  	s24 =	sadd.s32 s24, s26  }
0x151: {  	s24 =	sand.u32 $0xFFFFFF80, s24  }
0x152: {  	s23 =	ssub.s32 s26, s24  }
0x153: {  	(v2sf) =	vpush v4, $0x3;
	s26 =	sadd.s32 $0xFFFFFFF1, s5;
	v5 =	vadd.s32 s23, v0  }
0x154: {  	s25 =	spop (v2sf);
	v6 =	vmov s26;
	v7 =	vadd.s32 s23, v1  }
0x155: {  	s26 =	sshra.s32 s25, $0x1F;
	v8 =	vshll.u32 v6, $0x3  }
0x156: {  	[sflag:s11] =	ssyncset.done $0x0;
	v6 =	vand.u32 $0x70, v6;
	s24 =	sshrl.u32 s26, $0x19;
	v8 =	vand.u32 $0x1C00, v8  }
0x157: {  	[sflag:s11] =	ssyncadd.s32 $0xFFFFF000;
	s24 =	sadd.s32 s24, s25;
	v6 =	vor.u32 v6, v8  }
0x158: {  	s24 =	sand.u32 $0xFFFFFF80, s24;
	v8 =	vor.u32 v2, v6;
	v5 =	vld.idx.msk [tilespmem:v5+s13+$0x0], $0xffff  }
0x159: {  	v6 =	vor.u32 v3, v6;
	s23 =	ssub.s32 s25, s24;
	v7 =	vld.idx.msk [tilespmem:v7+s13+$0x0], $0xffff  }
0x15a: {  	(v2sf) =	vpush v4, $0x4;
	s25 =	sadd.s32 $0xFFFFFFF2, s5;
	v9 =	vadd.s32 s23, v0  }
0x15b: {  	v10 =	vmov s25;
	v11 =	vadd.s32 s23, v1;
	s23 =	spop (v2sf)  }
0x15c: {  	v12 =	vshll.u32 v10, $0x3;
	s26 =	sshra.s32 s23, $0x1F  }
0x15d: {  	v28 =	vand.u32 $0x1C00, v12;
	s24 =	sshrl.u32 s26, $0x19;
	[tilespmem:v8+s30+$0x0] =	vst.idx.msk $0xffff, v5;
	v5 =	vand.u32 $0x71, v10  }
0x15e: {  	s25 =	simm.s32 $0x1400;
	s24 =	sadd.s32 s24, s23;
	[tilespmem:v6+s30+$0x0] =	vst.idx.msk $0xffff, v7;
	v5 =	vor.u32 v5, v28  }
0x15f: {  	s24 =	sand.u32 $0xFFFFFF80, s24;
	v6 =	vld.idx.msk [tilespmem:v9+s25+$0x0], $0xffff;
	v29 =	vor.u32 v2, v5  }
0x160: {  	s23 =	ssub.s32 s23, s24;
	v30 =	vld.idx.msk [tilespmem:v11+s25+$0x0], $0xffff;
	v5 =	vor.u32 v3, v5  }
0x161: {  	(v2sf) =	vpush v4, $0x5;
	s26 =	sadd.s32 $0xFFFFFFF3, s5;
	v31 =	vadd.s32 s23, v0  }
0x162: {  	v32 =	vmov s26;
	v33 =	vadd.s32 s23, v1;
	s25 =	spop (v2sf)  }
0x163: {  	v34 =	vshll.u32 v32, $0x3;
	s26 =	sshra.s32 s25, $0x1F  }
0x164: {  	v35 =	vand.u32 $0x72, v32;
	v36 =	vand.u32 $0x1C00, v34;
	s24 =	sshrl.u32 s26, $0x19;
	[tilespmem:v29+s30+$0x0] =	vst.idx.msk $0xffff, v6  }
0x165: {  	s28 =	simm.s32 $0x2400;
	s24 =	sadd.s32 s24, s25;
	[tilespmem:v5+s30+$0x0] =	vst.idx.msk $0xffff, v30;
	v5 =	vor.u32 v35, v36  }
0x166: {  	s24 =	sand.u32 $0xFFFFFF80, s24;
	v37 =	vld.idx.msk [tilespmem:v31+s28+$0x0], $0xffff;
	v7 =	vor.u32 v2, v5  }
0x167: {  	s23 =	ssub.s32 s25, s24;
	v8 =	vld.idx.msk [tilespmem:v33+s28+$0x0], $0xffff;
	v5 =	vor.u32 v3, v5  }
0x168: {  	(v2sf) =	vpush v4, $0x6;
	s25 =	sadd.s32 $0xFFFFFFF4, s5;
	v38 =	vadd.s32 s23, v0  }
0x169: {  	s26 =	spop (v2sf);
	v39 =	vmov s25;
	v40 =	vadd.s32 s23, v1  }
0x16a: {  	s25 =	sshra.s32 s26, $0x1F;
	v41 =	vshll.u32 v39, $0x3  }
0x16b: {  	v42 =	vand.u32 $0x73, v39;
	s24 =	sshrl.u32 s25, $0x19;
	v43 =	vand.u32 $0x1C00, v41;
	[tilespmem:v7+s30+$0x0] =	vst.idx.msk $0xffff, v37  }
0x16c: {  	s29 =	simm.s32 $0x3400;
	s24 =	sadd.s32 s24, s26;
	[tilespmem:v5+s30+$0x0] =	vst.idx.msk $0xffff, v8;
	v5 =	vor.u32 v42, v43  }
0x16d: {  	s24 =	sand.u32 $0xFFFFFF80, s24;
	v44 =	vld.idx.msk [tilespmem:v38+s29+$0x0], $0xffff;
	v7 =	vor.u32 v2, v5  }
0x16e: {  	s23 =	ssub.s32 s26, s24;
	v8 =	vld.idx.msk [tilespmem:v40+s29+$0x0], $0xffff;
	v5 =	vor.u32 v3, v5  }
0x16f: {  	(v2sf) =	vpush v4, $0x7;
	s26 =	sadd.s32 $0xFFFFFFF5, s5;
	v45 =	vadd.s32 s23, v0  }
0x170: {  	s24 =	spop (v2sf);
	v4 =	vmov s26;
	v46 =	vadd.s32 s23, v1  }
0x171: {  	s25 =	sshra.s32 s24, $0x1F;
	v47 =	vshll.u32 v4, $0x3  }
0x172: {  	v4 =	vand.u32 $0x74, v4;
	s23 =	sshrl.u32 s25, $0x19;
	v48 =	vand.u32 $0x1C00, v47;
	[tilespmem:v7+s30+$0x0] =	vst.idx.msk $0xffff, v44  }
0x173: {  	s26 =	simm.s32 $0x4400;
	s23 =	sadd.s32 s23, s24;
	v4 =	vor.u32 v4, v48;
	[tilespmem:v5+s30+$0x0] =	vst.idx.msk $0xffff, v8  }
0x174: {  	s23 =	sand.u32 $0xFFFFFF80, s23;
	v6 =	vor.u32 v2, v4;
	v5 =	vld.idx.msk [tilespmem:v45+s26+$0x0], $0xffff  }
0x175: {  	v4 =	vor.u32 v3, v4;
	s23 =	ssub.s32 s24, s23;
	v7 =	vld.idx.msk [tilespmem:v46+s26+$0x0], $0xffff  }
0x176: {  	v49 =	vadd.s32 s23, v0;
	s26 =	sadd.s32 $0xFFFFFFF6, s5  }
0x177: {  	s24 =	spop (v2sf);
	v51 =	vadd.s32 s23, v1;
	v50 =	vmov s26  }
0x178: {  	s25 =	sshra.s32 s24, $0x1F;
	v52 =	vshll.u32 v50, $0x3  }
0x179: {  	s23 =	sshrl.u32 s25, $0x19;
	v53 =	vand.u32 $0x1C00, v52;
	[tilespmem:v6+s30+$0x0] =	vst.idx.msk $0xffff, v5;
	v5 =	vand.u32 $0x75, v50  }
0x17a: {  	s23 =	sadd.s32 s23, s24;
	s26 =	simm.s32 $0x5400;
	[tilespmem:v4+s30+$0x0] =	vst.idx.msk $0xffff, v7;
	v4 =	vor.u32 v5, v53  }
0x17b: {  	s23 =	sand.u32 $0xFFFFFF80, s23;
	v5 =	vld.idx.msk [tilespmem:v49+s26+$0x0], $0xffff;
	v6 =	vor.u32 v2, v4  }
0x17c: {  	s23 =	ssub.s32 s24, s23;
	v7 =	vld.idx.msk [tilespmem:v51+s26+$0x0], $0xffff;
	v4 =	vor.u32 v3, v4  }
0x17d: {  	v54 =	vadd.s32 s23, v0;
	s26 =	sadd.s32 $0xFFFFFFF7, s5  }
0x17e: {  	v56 =	vadd.s32 s23, v1;
	s23 =	spop (v2sf);
	v55 =	vmov s26  }
0x17f: {  	s26 =	sshra.s32 s23, $0x1F;
	v57 =	vshll.u32 v55, $0x3  }
0x180: {  	s24 =	sshrl.u32 s26, $0x19;
	v58 =	vand.u32 $0x1C00, v57;
	[tilespmem:v6+s30+$0x0] =	vst.idx.msk $0xffff, v5;
	v5 =	vand.u32 $0x76, v55  }
0x181: {  	s28 =	simm.s32 $0x6400;
	s24 =	sadd.s32 s24, s23;
	[tilespmem:v4+s30+$0x0] =	vst.idx.msk $0xffff, v7;
	v4 =	vor.u32 v5, v58  }
0x182: {  	s24 =	sand.u32 $0xFFFFFF80, s24;
	v5 =	vld.idx.msk [tilespmem:v54+s28+$0x0], $0xffff;
	v6 =	vor.u32 v2, v4  }
0x183: {  	s23 =	ssub.s32 s23, s24;
	v7 =	vld.idx.msk [tilespmem:v56+s28+$0x0], $0xffff;
	v4 =	vor.u32 v3, v4  }
0x184: {  	s24 =	sadd.s32 $0xFFFFFFF8, s5;
	v59 =	vadd.s32 s23, v0  }
0x185: {  	v60 =	vmov s24;
	v61 =	vadd.s32 s23, v1  }
0x186: {  	v62 =	vshll.u32 v60, $0x3  }
0x187: {  	v63 =	vand.u32 $0x1C00, v62;
	[tilespmem:v6+s30+$0x0] =	vst.idx.msk $0xffff, v5;
	v5 =	vand.u32 $0x77, v60  }
0x188: {  	s24 =	simm.s32 $0x7400;
	[tilespmem:v4+s30+$0x0] =	vst.idx.msk $0xffff, v7;
	v4 =	vor.u32 v5, v63  }
0x189: {  	v5 =	vld.idx.msk [tilespmem:v59+s24+$0x0], $0xffff;
	v6 =	vor.u32 v2, v4  }
0x18a: {  	p1 =	seq.s32 s5, $0x3FF;
	v7 =	vld.idx.msk [tilespmem:v61+s24+$0x0], $0xffff;
	v4 =	vor.u32 v3, v4  }
.Ltmp5:
0x18b: {  	_ = 	snop;
	(pc) =	sbr.rel @p1 .LBB2_5-.Ltmp5, $3  }
0x18c: {  	_ =	sdelay $0x1  }
0x18d: {  	s29 =	simm.s32 $0x4400;
	[tilespmem:v6+s30+$0x0] =	vst.idx.msk $0xffff, v5  }
0x18e: {  	s25 =	simm.s32 $0x5400;
	s26 =	simm.s32 $0x6400;
	s28 =	simm.s32 $0x7400;
	[tilespmem:v4+s30+$0x0] =	vst.idx.msk $0xffff, v7  }
0x18f: {  	v4 =	vld [tilespmem:s7+$0x0];
	_ =	sdelay $0x4  }
0x190: {  	(v2sf) =	vpush v4, $0x0;
	_ =	sdelay $0xa  }
0x191: {  	(v2sf) =	vpush v4, $0x1;
	_ =	sdelay $0x3  }
0x192: {  	s23 =	spop (v2sf)  }
0x193: {  	s24 =	sand.u32 $0x7F, s23  }
0x194: {  	p2 =	slt.s32 s23, $0x1;
	p1 =	sne.s32 s24, $0x0;
	s24 =	sshra.s32 s23, $0x1F  }
0x195: {  	s24 =	sshrl.u32 s24, $0x19;
	p1 =	por !p2, !p1  }
0x196: {  	s23 =	sadd.s32 s24, s23;
	p1 =	por !p1, !p1;
	s24 =	simm.s32 $0x1  }
0x197: {  	s23 =	sshrl.u32 s23, $0x7;
	s24 =	simm.s32 @!p1 $0x0  }
0x198: {  	s23 =	ssub.s32 s23, s24  }
0x199: {  	(v2sf) =	vpush v4, $0x2;
	s23 =	sshll.u32 s23, $0x7  }
0x19a: {  	s23 =	sand.u32 $0x1FFFFF80, s23  }
0x19b: {  	s23 =	sadd.s32 s0, s23  }
0x19c: {  	[tilespmem:s13], [sflag:$0x1] =	stream.strided.gather [hbm4b:s23+s13], $0x1000, s12, s13, $0x38;
	[tilespmem:$0x18400] =	vst v63  }
0x19d: {  	s23 =	spop (v2sf)  }
0x19e: {  	s24 =	sand.u32 $0x7F, s23  }
0x19f: {  	p6 =	slt.s32 s23, $0x1;
	p5 =	sne.s32 s24, $0x0;
	s24 =	sshra.s32 s23, $0x1F  }
0x1a0: {  	s24 =	sshrl.u32 s24, $0x19;
	p1 =	por !p6, !p5  }
0x1a1: {  	s23 =	sadd.s32 s24, s23;
	p1 =	por !p1, !p1;
	s24 =	simm.s32 $0x1  }
0x1a2: {  	s23 =	sshrl.u32 s23, $0x7;
	s24 =	simm.s32 @!p1 $0x0  }
0x1a3: {  	s23 =	ssub.s32 s23, s24  }
0x1a4: {  	(v2sf) =	vpush v4, $0x3;
	s23 =	sshll.u32 s23, $0x7  }
0x1a5: {  	s23 =	sand.u32 $0x1FFFFF80, s23  }
0x1a6: {  	s24 =	simm.s32 $0x1400;
	s23 =	sadd.s32 s0, s23  }
0x1a7: {  	[tilespmem:s24], [sflag:$0x1] =	stream.strided.gather [hbm4b:s23+s13], $0x1000, s12, s13, $0x38;
	[tilespmem:$0x18400] =	vst v63  }
0x1a8: {  	s23 =	spop (v2sf)  }
0x1a9: {  	s24 =	sand.u32 $0x7F, s23  }
0x1aa: {  	p4 =	slt.s32 s23, $0x1;
	p3 =	sne.s32 s24, $0x0;
	s24 =	sshra.s32 s23, $0x1F  }
0x1ab: {  	s24 =	sshrl.u32 s24, $0x19;
	p1 =	por !p4, !p3  }
0x1ac: {  	s23 =	sadd.s32 s24, s23;
	p1 =	por !p1, !p1;
	s24 =	simm.s32 $0x1  }
0x1ad: {  	s23 =	sshrl.u32 s23, $0x7;
	s24 =	simm.s32 @!p1 $0x0  }
0x1ae: {  	s23 =	ssub.s32 s23, s24  }
0x1af: {  	(v2sf) =	vpush v4, $0x4;
	s23 =	sshll.u32 s23, $0x7  }
0x1b0: {  	s23 =	sand.u32 $0x1FFFFF80, s23  }
0x1b1: {  	s24 =	simm.s32 $0x2400;
	s23 =	sadd.s32 s0, s23  }
0x1b2: {  	[tilespmem:s24], [sflag:$0x1] =	stream.strided.gather [hbm4b:s23+s13], $0x1000, s12, s13, $0x38;
	[tilespmem:$0x18400] =	vst v63  }
0x1b3: {  	s23 =	spop (v2sf)  }
0x1b4: {  	s24 =	sand.u32 $0x7F, s23  }
0x1b5: {  	p6 =	slt.s32 s23, $0x1;
	p5 =	sne.s32 s24, $0x0;
	s24 =	sshra.s32 s23, $0x1F  }
0x1b6: {  	s24 =	sshrl.u32 s24, $0x19;
	p1 =	por !p6, !p5  }
0x1b7: {  	s23 =	sadd.s32 s24, s23;
	p1 =	por !p1, !p1;
	s24 =	simm.s32 $0x1  }
0x1b8: {  	s23 =	sshrl.u32 s23, $0x7;
	s24 =	simm.s32 @!p1 $0x0  }
0x1b9: {  	s23 =	ssub.s32 s23, s24  }
0x1ba: {  	(v2sf) =	vpush v4, $0x5;
	s23 =	sshll.u32 s23, $0x7  }
0x1bb: {  	s23 =	sand.u32 $0x1FFFFF80, s23  }
0x1bc: {  	s24 =	simm.s32 $0x3400;
	s23 =	sadd.s32 s0, s23  }
0x1bd: {  	[tilespmem:s24], [sflag:$0x1] =	stream.strided.gather [hbm4b:s23+s13], $0x1000, s12, s13, $0x38;
	[tilespmem:$0x18400] =	vst v63  }
0x1be: {  	s23 =	spop (v2sf)  }
0x1bf: {  	s24 =	sand.u32 $0x7F, s23  }
0x1c0: {  	p4 =	slt.s32 s23, $0x1;
	p3 =	sne.s32 s24, $0x0;
	s24 =	sshra.s32 s23, $0x1F  }
0x1c1: {  	s24 =	sshrl.u32 s24, $0x19;
	p1 =	por !p4, !p3  }
0x1c2: {  	s23 =	sadd.s32 s24, s23;
	p1 =	por !p1, !p1;
	s24 =	simm.s32 $0x1  }
0x1c3: {  	(v2sf) =	vpush v4, $0x6;
	s23 =	sshrl.u32 s23, $0x7;
	s24 =	simm.s32 @!p1 $0x0  }
0x1c4: {  	s23 =	ssub.s32 s23, s24  }
0x1c5: {  	s23 =	sshll.u32 s23, $0x7  }
0x1c6: {  	s23 =	sand.u32 $0x1FFFFF80, s23  }
0x1c7: {  	s23 =	sadd.s32 s0, s23  }
0x1c8: {  	[tilespmem:s29], [sflag:$0x1] =	stream.strided.gather [hbm4b:s23+s13], $0x1000, s12, s13, $0x38;
	[tilespmem:$0x18400] =	vst v63  }
0x1c9: {  	s23 =	spop (v2sf)  }
0x1ca: {  	s24 =	sand.u32 $0x7F, s23  }
0x1cb: {  	p6 =	slt.s32 s23, $0x1;
	p5 =	sne.s32 s24, $0x0;
	s24 =	sshra.s32 s23, $0x1F  }
0x1cc: {  	s24 =	sshrl.u32 s24, $0x19;
	p1 =	por !p6, !p5  }
0x1cd: {  	s23 =	sadd.s32 s24, s23;
	p1 =	por !p1, !p1;
	s24 =	simm.s32 $0x1  }
0x1ce: {  	s23 =	sshrl.u32 s23, $0x7;
	s24 =	simm.s32 @!p1 $0x0  }
0x1cf: {  	(v2sf) =	vpush v4, $0x7;
	s23 =	ssub.s32 s23, s24  }
0x1d0: {  	s23 =	sshll.u32 s23, $0x7  }
0x1d1: {  	s23 =	sand.u32 $0x1FFFFF80, s23  }
0x1d2: {  	s24 =	spop (v2sf);
	s23 =	sadd.s32 s0, s23  }
0x1d3: {  	[tilespmem:s25], [sflag:$0x1] =	stream.strided.gather [hbm4b:s23+s13], $0x1000, s12, s13, $0x38;
	[tilespmem:$0x18400] =	vst v63  }
0x1d4: {  	s23 =	sand.u32 $0x7F, s24  }
0x1d5: {  	p4 =	slt.s32 s24, $0x1;
	p3 =	sne.s32 s23, $0x0;
	s23 =	sshra.s32 s24, $0x1F  }
0x1d6: {  	s23 =	sshrl.u32 s23, $0x19;
	p1 =	por !p4, !p3  }
0x1d7: {  	s23 =	sadd.s32 s23, s24;
	p1 =	por !p1, !p1;
	s24 =	simm.s32 $0x1  }
0x1d8: {  	s23 =	sshrl.u32 s23, $0x7;
	s24 =	simm.s32 @!p1 $0x0  }
0x1d9: {  	s23 =	ssub.s32 s23, s24  }
0x1da: {  	s23 =	sshll.u32 s23, $0x7  }
0x1db: {  	s23 =	sand.u32 $0x1FFFFF80, s23  }
0x1dc: {  	s23 =	sadd.s32 s0, s23  }
0x1dd: {  	[tilespmem:s26], [sflag:$0x1] =	stream.strided.gather [hbm4b:s23+s13], $0x1000, s12, s13, $0x38;
	[tilespmem:$0x18400] =	vst v63  }
0x1de: {  	s23 =	spop (v2sf)  }
0x1df: {  	s24 =	sand.u32 $0x7F, s23  }
0x1e0: {  	p6 =	slt.s32 s23, $0x1;
	p5 =	sne.s32 s24, $0x0;
	s24 =	sshra.s32 s23, $0x1F  }
0x1e1: {  	s24 =	sshrl.u32 s24, $0x19;
	p1 =	por !p6, !p5  }
0x1e2: {  	s23 =	sadd.s32 s24, s23;
	p1 =	por !p1, !p1;
	s24 =	simm.s32 $0x1  }
0x1e3: {  	s23 =	sshrl.u32 s23, $0x7;
	s24 =	simm.s32 @!p1 $0x0  }
.Ltmp6:
0x1e4: {  	s23 =	ssub.s32 s23, s24;
	(pc) =	sbr.rel .LBB2_5-.Ltmp6, $4  }
0x1e5: {  	s23 =	sshll.u32 s23, $0x7  }
0x1e6: {  	s23 =	sand.u32 $0x1FFFFF80, s23  }
0x1e7: {  	s23 =	sadd.s32 s0, s23  }
0x1e8: {  	[tilespmem:s28], [sflag:$0x1] =	stream.strided.gather [hbm4b:s23+s13], $0x1000, s12, s13, $0x38;
	[tilespmem:$0x18400] =	vst v63  }
.LBB2_7:
0x1e9: {  	s3 =	rddreg [dreg:$0x6]  }
0x1ea: {  	[tilespmem:s1], [sflag:$0x3] =	stream.linear.gather [hbm4b:s3+s1], $0x400, $0x38;
	[tilespmem:$0x18400] =	vst v63  }
0x1eb: {  	_ =	swait.ge [sflag:s4], $0x400  }
0x1ec: {  	[sflag:s4] =	ssyncset.done $0x0  }
0x1ed: {  	[sflag:s4] =	ssyncadd.s32 $0xFFFFFC00  }
0x1ee: {  	v4 =	vld [tilespmem:$0x0];
	_ =	sdelay $0x4  }
0x1ef: {  	(v2sf) =	vpush v4, $0x0;
	_ =	sdelay $0x5  }
0x1f0: {  	(v2sf) =	vpush v4, $0x1;
	_ =	sdelay $0x8  }
0x1f1: {  	s4 =	spop (v2sf)  }
0x1f2: {  	(v2sf) =	vpush v4, $0x2;
	s5 =	sand.u32 $0x7F, s4  }
0x1f3: {  	s6 =	sshra.s32 s4, $0x1F;
	p2 =	slt.s32 s4, $0x1;
	p1 =	sne.s32 s5, $0x0  }
0x1f4: {  	s3 =	sshrl.u32 s6, $0x19;
	p1 =	por !p2, !p1  }
0x1f5: {  	s1 =	sadd.s32 s3, s4;
	s3 =	simm.s32 $0x1;
	p1 =	por !p1, !p1  }
0x1f6: {  	s1 =	sshrl.u32 s1, $0x7;
	s3 =	simm.s32 @!p1 $0x0  }
0x1f7: {  	s7 =	spop (v2sf);
	s1 =	ssub.s32 s1, s3  }
0x1f8: {  	s8 =	sand.u32 $0x7F, s7;
	s9 =	sshra.s32 s7, $0x1F;
	s1 =	sshll.u32 s1, $0x7  }
0x1f9: {  	(v2sf) =	vpush v4, $0x3;
	p6 =	slt.s32 s7, $0x1;
	p5 =	sne.s32 s8, $0x0;
	s1 =	sand.u32 $0x1FFFFF80, s1  }
0x1fa: {  	p1 =	por !p6, !p5;
	s3 =	sshrl.u32 s9, $0x19;
	s1 =	sadd.s32 s2, s1  }
0x1fb: {  	[tilespmem:s13], [sflag:$0x1] =	stream.strided.gather [hbm4b:s1+s13], $0x1000, s12, s13, $0x38;
	[tilespmem:$0x18400] =	vst v63  }
0x1fc: {  	p1 =	por !p1, !p1;
	s1 =	sadd.s32 s3, s7;
	s3 =	simm.s32 $0x1  }
0x1fd: {  	s1 =	sshrl.u32 s1, $0x7;
	s3 =	simm.s32 @!p1 $0x0  }
0x1fe: {  	s1 =	ssub.s32 s1, s3  }
0x1ff: {  	s1 =	sshll.u32 s1, $0x7  }
0x200: {  	s1 =	sand.u32 $0x1FFFFF80, s1  }
0x201: {  	s10 =	simm.s32 $0x1400;
	s1 =	sadd.s32 s2, s1;
	s14 =	spop (v2sf)  }
0x202: {  	[tilespmem:s10], [sflag:$0x1] =	stream.strided.gather [hbm4b:s1+s13], $0x1000, s12, s13, $0x38;
	[tilespmem:$0x18400] =	vst v63  }
0x203: {  	(v2sf) =	vpush v4, $0x4;
	s16 =	sand.u32 $0x7F, s14  }
0x204: {  	s18 =	sshra.s32 s14, $0x1F;
	p4 =	slt.s32 s14, $0x1;
	p3 =	sne.s32 s16, $0x0  }
0x205: {  	s3 =	sshrl.u32 s18, $0x19;
	p1 =	por !p4, !p3  }
0x206: {  	s1 =	sadd.s32 s3, s14;
	s3 =	simm.s32 $0x1;
	p1 =	por !p1, !p1  }
0x207: {  	s1 =	sshrl.u32 s1, $0x7;
	s3 =	simm.s32 @!p1 $0x0  }
0x208: {  	s20 =	simm.s32 $0x2400;
	s22 =	spop (v2sf);
	s1 =	ssub.s32 s1, s3  }
0x209: {  	s4 =	sand.u32 $0x7F, s22;
	s5 =	sshra.s32 s22, $0x1F;
	s1 =	sshll.u32 s1, $0x7  }
0x20a: {  	(v2sf) =	vpush v4, $0x5;
	p6 =	slt.s32 s22, $0x1;
	p5 =	sne.s32 s4, $0x0;
	s1 =	sand.u32 $0x1FFFFF80, s1  }
0x20b: {  	p1 =	por !p6, !p5;
	s3 =	sshrl.u32 s5, $0x19;
	s1 =	sadd.s32 s2, s1  }
0x20c: {  	[tilespmem:s20], [sflag:$0x1] =	stream.strided.gather [hbm4b:s1+s13], $0x1000, s12, s13, $0x38;
	[tilespmem:$0x18400] =	vst v63  }
0x20d: {  	p1 =	por !p1, !p1;
	s1 =	sadd.s32 s3, s22;
	s3 =	simm.s32 $0x1  }
0x20e: {  	s1 =	sshrl.u32 s1, $0x7;
	s3 =	simm.s32 @!p1 $0x0  }
0x20f: {  	s1 =	ssub.s32 s1, s3  }
0x210: {  	s1 =	sshll.u32 s1, $0x7  }
0x211: {  	s1 =	sand.u32 $0x1FFFFF80, s1  }
0x212: {  	s6 =	simm.s32 $0x3400;
	s1 =	sadd.s32 s2, s1;
	s7 =	spop (v2sf)  }
0x213: {  	[tilespmem:s6], [sflag:$0x1] =	stream.strided.gather [hbm4b:s1+s13], $0x1000, s12, s13, $0x38;
	[tilespmem:$0x18400] =	vst v63  }
0x214: {  	(v2sf) =	vpush v4, $0x6;
	s8 =	sand.u32 $0x7F, s7  }
0x215: {  	s9 =	sshra.s32 s7, $0x1F;
	p4 =	slt.s32 s7, $0x1;
	p3 =	sne.s32 s8, $0x0  }
0x216: {  	s3 =	sshrl.u32 s9, $0x19;
	p1 =	por !p4, !p3  }
0x217: {  	s1 =	sadd.s32 s3, s7;
	s3 =	simm.s32 $0x1;
	p1 =	por !p1, !p1  }
0x218: {  	s1 =	sshrl.u32 s1, $0x7;
	s3 =	simm.s32 @!p1 $0x0  }
0x219: {  	s10 =	spop (v2sf);
	s1 =	ssub.s32 s1, s3  }
0x21a: {  	s14 =	sand.u32 $0x7F, s10;
	s16 =	sshra.s32 s10, $0x1F;
	s1 =	sshll.u32 s1, $0x7  }
0x21b: {  	p6 =	slt.s32 s10, $0x1;
	p5 =	sne.s32 s14, $0x0;
	s1 =	sand.u32 $0x1FFFFF80, s1  }
0x21c: {  	p1 =	por !p6, !p5;
	s3 =	sshrl.u32 s16, $0x19;
	s1 =	sadd.s32 s2, s1  }
0x21d: {  	[tilespmem:s29], [sflag:$0x1] =	stream.strided.gather [hbm4b:s1+s13], $0x1000, s12, s13, $0x38;
	[tilespmem:$0x18400] =	vst v63  }
0x21e: {  	(v2sf) =	vpush v4, $0x7;
	p1 =	por !p1, !p1;
	s1 =	sadd.s32 s3, s10;
	s3 =	simm.s32 $0x1  }
0x21f: {  	s1 =	sshrl.u32 s1, $0x7;
	s3 =	simm.s32 @!p1 $0x0  }
0x220: {  	s1 =	ssub.s32 s1, s3  }
0x221: {  	s1 =	sshll.u32 s1, $0x7  }
0x222: {  	s1 =	sand.u32 $0x1FFFFF80, s1  }
0x223: {  	s18 =	spop (v2sf);
	s1 =	sadd.s32 s2, s1  }
0x224: {  	[tilespmem:s25], [sflag:$0x1] =	stream.strided.gather [hbm4b:s1+s13], $0x1000, s12, s13, $0x38;
	[tilespmem:$0x18400] =	vst v63  }
0x225: {  	s20 =	sand.u32 $0x7F, s18  }
0x226: {  	s22 =	sshra.s32 s18, $0x1F;
	p4 =	slt.s32 s18, $0x1;
	p3 =	sne.s32 s20, $0x0  }
0x227: {  	s1 =	sshrl.u32 s22, $0x19;
	p1 =	por !p4, !p3  }
0x228: {  	s3 =	simm.s32 $0x1;
	s1 =	sadd.s32 s1, s18;
	p1 =	por !p1, !p1  }
0x229: {  	s1 =	sshrl.u32 s1, $0x7;
	s3 =	simm.s32 @!p1 $0x0  }
0x22a: {  	s1 =	ssub.s32 s1, s3  }
0x22b: {  	s1 =	sshll.u32 s1, $0x7  }
0x22c: {  	s1 =	sand.u32 $0x1FFFFF80, s1  }
0x22d: {  	s25 =	spop (v2sf);
	s1 =	sadd.s32 s2, s1  }
0x22e: {  	[tilespmem:s26], [sflag:$0x1] =	stream.strided.gather [hbm4b:s1+s13], $0x1000, s12, s13, $0x38;
	[tilespmem:$0x18400] =	vst v63  }
0x22f: {  	s26 =	sand.u32 $0x7F, s25  }
0x230: {  	s29 =	sshra.s32 s25, $0x1F;
	p6 =	slt.s32 s25, $0x1;
	p5 =	sne.s32 s26, $0x0  }
0x231: {  	s3 =	sshrl.u32 s29, $0x19;
	p1 =	por !p6, !p5  }
0x232: {  	s1 =	sadd.s32 s3, s25;
	s3 =	simm.s32 $0x1;
	p1 =	por !p1, !p1  }
0x233: {  	s1 =	sshrl.u32 s1, $0x7;
	s3 =	simm.s32 @!p1 $0x0  }
.Ltmp7:
0x234: {  	s1 =	ssub.s32 s1, s3;
	(pc) =	sbr.rel .LBB2_8-.Ltmp7, $4  }
0x235: {  	s1 =	sshll.u32 s1, $0x7  }
0x236: {  	s1 =	sand.u32 $0x1FFFFF80, s1  }
0x237: {  	s5 =	simm.s32 $0xF;
	s7 =	simm.s32 $0x10;
	s1 =	sadd.s32 s2, s1  }
0x238: {  	[tilespmem:s28], [sflag:$0x1] =	stream.strided.gather [hbm4b:s1+s13], $0x1000, s12, s13, $0x38;
	[tilespmem:$0x18400] =	vst v63  }
.LBB2_10:
0x239: {  	_ =	swait.ge [sflag:s31], $0x1000  }
0x23a: {  	[sflag:s31] =	ssyncset.done $0x0  }
0x23b: {  	[sflag:s31] =	ssyncadd.s32 $0xFFFFF000  }
0x23c: {  	_ =	swait.ge [sflag:s31], $0x1000  }
0x23d: {  	[sflag:s31] =	ssyncset.done $0x0  }
0x23e: {  	[sflag:s31] =	ssyncadd.s32 $0xFFFFF000  }
0x23f: {  	_ =	swait.ge [sflag:s31], $0x1000  }
0x240: {  	[sflag:s31] =	ssyncset.done $0x0  }
0x241: {  	[sflag:s31] =	ssyncadd.s32 $0xFFFFF000  }
0x242: {  	_ =	swait.ge [sflag:s31], $0x1000  }
0x243: {  	[sflag:s31] =	ssyncset.done $0x0  }
0x244: {  	[sflag:s31] =	ssyncadd.s32 $0xFFFFF000  }
0x245: {  	_ =	swait.ge [sflag:s31], $0x1000  }
0x246: {  	[sflag:s31] =	ssyncset.done $0x0  }
0x247: {  	[sflag:s31] =	ssyncadd.s32 $0xFFFFF000  }
0x248: {  	_ =	swait.ge [sflag:s31], $0x1000  }
0x249: {  	[sflag:s31] =	ssyncset.done $0x0  }
0x24a: {  	[sflag:s31] =	ssyncadd.s32 $0xFFFFF000  }
0x24b: {  	s3 =	ssub.s32 s3, s6;
	_ =	swait.ge [sflag:s31], $0x1000  }
0x24c: {  	s24 =	sadd.s32 $0xFFFFFFF9, s5;
	v4 =	vadd.s32 s3, v0;
	[sflag:s31] =	ssyncset.done $0x0  }
0x24d: {  	v5 =	vmov s24;
	v6 =	vadd.s32 s3, v1;
	[sflag:s31] =	ssyncadd.s32 $0xFFFFF000  }
0x24e: {  	v7 =	vshll.u32 v5, $0x3;
	_ =	swait.ge [sflag:s31], $0x1000  }
0x24f: {  	v5 =	vand.u32 $0x78, v5;
	v7 =	vand.u32 $0x1C00, v7;
	[sflag:s31] =	ssyncset.done $0x0  }
0x250: {  	s23 =	simm.s32 $0x8400;
	v5 =	vor.u32 v5, v7;
	[sflag:s31] =	ssyncadd.s32 $0xFFFFF000  }
0x251: {  	v7 =	vor.u32 v2, v5;
	v4 =	vld.idx.msk [tilespmem:v4+s23+$0x0], $0xffff  }
0x252: {  	s1 =	ssub.s32 s1, s9;
	v5 =	vor.u32 v3, v5;
	v6 =	vld.idx.msk [tilespmem:v6+s23+$0x0], $0xffff  }
0x253: {  	s6 =	sadd.s32 $0xFFFFFFFA, s5;
	v8 =	vadd.s32 s1, v0  }
0x254: {  	v9 =	vmov s6;
	v10 =	vadd.s32 s1, v1  }
0x255: {  	v11 =	vshll.u32 v9, $0x3  }
0x256: {  	v31 =	vand.u32 $0x1C00, v11;
	[tilespmem:v7+s30+$0x0] =	vst.idx.msk $0xffff, v4;
	v4 =	vand.u32 $0x79, v9  }
0x257: {  	s24 =	simm.s32 $0x9400;
	[tilespmem:v5+s30+$0x0] =	vst.idx.msk $0xffff, v6;
	v4 =	vor.u32 v4, v31  }
0x258: {  	v5 =	vld.idx.msk [tilespmem:v8+s24+$0x0], $0xffff;
	v32 =	vor.u32 v2, v4  }
0x259: {  	s9 =	ssub.s32 s8, s4;
	v33 =	vld.idx.msk [tilespmem:v10+s24+$0x0], $0xffff;
	v4 =	vor.u32 v3, v4  }
0x25a: {  	s4 =	sadd.s32 $0xFFFFFFFB, s5;
	v34 =	vadd.s32 s9, v0  }
0x25b: {  	v35 =	vmov s4;
	v36 =	vadd.s32 s9, v1  }
0x25c: {  	v37 =	vshll.u32 v35, $0x3  }
0x25d: {  	v38 =	vand.u32 $0x1C00, v37;
	[tilespmem:v32+s30+$0x0] =	vst.idx.msk $0xffff, v5;
	v5 =	vand.u32 $0x7A, v35  }
0x25e: {  	s6 =	simm.s32 $0xA400;
	[tilespmem:v4+s30+$0x0] =	vst.idx.msk $0xffff, v33;
	v4 =	vor.u32 v5, v38  }
0x25f: {  	s8 =	ssub.s32 s10, s15;
	s15 =	simm.s32 $0xA400;
	v5 =	vld.idx.msk [tilespmem:v34+s6+$0x0], $0xffff;
	v6 =	vor.u32 v2, v4  }
0x260: {  	v7 =	vld.idx.msk [tilespmem:v36+s15+$0x0], $0xffff;
	v4 =	vor.u32 v3, v4  }
0x261: {  	s9 =	sadd.s32 $0xFFFFFFFC, s5;
	v39 =	vadd.s32 s8, v0  }
0x262: {  	v41 =	vadd.s32 s8, v1;
	v40 =	vmov s9  }
0x263: {  	v42 =	vshll.u32 v40, $0x3  }
0x264: {  	v43 =	vand.u32 $0x1C00, v42;
	[tilespmem:v6+s30+$0x0] =	vst.idx.msk $0xffff, v5;
	v5 =	vand.u32 $0x7B, v40  }
0x265: {  	s10 =	simm.s32 $0xB400;
	[tilespmem:v4+s30+$0x0] =	vst.idx.msk $0xffff, v7;
	v4 =	vor.u32 v5, v43  }
0x266: {  	s14 =	ssub.s32 s14, s17;
	s17 =	simm.s32 $0xB400;
	v5 =	vld.idx.msk [tilespmem:v39+s10+$0x0], $0xffff;
	v6 =	vor.u32 v2, v4  }
0x267: {  	v7 =	vld.idx.msk [tilespmem:v41+s17+$0x0], $0xffff;
	v4 =	vor.u32 v3, v4  }
0x268: {  	s4 =	sadd.s32 $0xFFFFFFFD, s5;
	v44 =	vadd.s32 s14, v0  }
0x269: {  	v46 =	vadd.s32 s14, v1;
	v45 =	vmov s4  }
0x26a: {  	v47 =	vshll.u32 v45, $0x3  }
0x26b: {  	v48 =	vand.u32 $0x1C00, v47;
	[tilespmem:v6+s30+$0x0] =	vst.idx.msk $0xffff, v5;
	v5 =	vand.u32 $0x7C, v45  }
0x26c: {  	s6 =	simm.s32 $0xC400;
	[tilespmem:v4+s30+$0x0] =	vst.idx.msk $0xffff, v7;
	v4 =	vor.u32 v5, v48  }
0x26d: {  	s8 =	ssub.s32 s16, s19;
	s19 =	simm.s32 $0xC400;
	v5 =	vld.idx.msk [tilespmem:v44+s6+$0x0], $0xffff;
	v6 =	vor.u32 v2, v4  }
0x26e: {  	v7 =	vld.idx.msk [tilespmem:v46+s19+$0x0], $0xffff;
	v4 =	vor.u32 v3, v4  }
0x26f: {  	s9 =	sadd.s32 $0xFFFFFFFE, s5;
	v49 =	vadd.s32 s8, v0  }
0x270: {  	v51 =	vadd.s32 s8, v1;
	v50 =	vmov s9  }
0x271: {  	v52 =	vshll.u32 v50, $0x3  }
0x272: {  	v53 =	vand.u32 $0x1C00, v52;
	[tilespmem:v6+s30+$0x0] =	vst.idx.msk $0xffff, v5;
	v5 =	vand.u32 $0x7D, v50  }
0x273: {  	s10 =	simm.s32 $0xD400;
	[tilespmem:v4+s30+$0x0] =	vst.idx.msk $0xffff, v7;
	v4 =	vor.u32 v5, v53  }
0x274: {  	s14 =	ssub.s32 s18, s21;
	s21 =	simm.s32 $0xD400;
	v5 =	vld.idx.msk [tilespmem:v49+s10+$0x0], $0xffff;
	v6 =	vor.u32 v2, v4  }
0x275: {  	v7 =	vld.idx.msk [tilespmem:v51+s21+$0x0], $0xffff;
	v4 =	vor.u32 v3, v4  }
0x276: {  	s16 =	sadd.s32 $0xFFFFFFFF, s5;
	v54 =	vadd.s32 s14, v0  }
0x277: {  	v55 =	vmov s16;
	v56 =	vadd.s32 s14, v1  }
0x278: {  	v57 =	vshll.u32 v55, $0x3  }
0x279: {  	v58 =	vand.u32 $0x1C00, v57;
	[tilespmem:v6+s30+$0x0] =	vst.idx.msk $0xffff, v5;
	v5 =	vand.u32 $0x7E, v55  }
0x27a: {  	s18 =	simm.s32 $0xE400;
	[tilespmem:v4+s30+$0x0] =	vst.idx.msk $0xffff, v7;
	v4 =	vor.u32 v5, v58  }
0x27b: {  	v5 =	vld.idx.msk [tilespmem:v54+s18+$0x0], $0xffff;
	v6 =	vor.u32 v2, v4  }
0x27c: {  	s20 =	ssub.s32 s20, s22;
	v7 =	vld.idx.msk [tilespmem:v56+s18+$0x0], $0xffff;
	v4 =	vor.u32 v3, v4  }
0x27d: {  	v59 =	vadd.s32 s20, v0  }
0x27e: {  	v61 =	vmov s5;
	v60 =	vadd.s32 s20, v1  }
0x27f: {  	v62 =	vshll.u32 v61, $0x3  }
0x280: {  	v63 =	vand.u32 $0x1C00, v62;
	[tilespmem:v6+s30+$0x0] =	vst.idx.msk $0xffff, v5;
	v5 =	vand.u32 $0x7F, v61  }
0x281: {  	s22 =	simm.s32 $0xF400;
	[tilespmem:v4+s30+$0x0] =	vst.idx.msk $0xffff, v7;
	v4 =	vor.u32 v5, v63  }
0x282: {  	s5 =	sadd.s32 $0x10, s5;
	v5 =	vld.idx.msk [tilespmem:v59+s22+$0x0], $0xffff;
	v6 =	vor.u32 v2, v4  }
0x283: {  	p1 =	sne.s32 s5, $0x40F;
	v7 =	vld.idx.msk [tilespmem:v60+s22+$0x0], $0xffff;
	v4 =	vor.u32 v3, v4  }
.Ltmp8:
0x284: {  	_ = 	snop;
	(pc) =	sbr.rel @!p1 .LBB2_11-.Ltmp8, $3  }
0x285: {  	_ =	sdelay $0x1  }
0x286: {  	[tilespmem:v6+s30+$0x0] =	vst.idx.msk $0xffff, v5  }
0x287: {  	s7 =	sadd.s32 $0x10, s7;
	[tilespmem:v4+s30+$0x0] =	vst.idx.msk $0xffff, v7  }
.LBB2_8:
0x288: {  	v4 =	vld [tilespmem:s7+$0xFFFFFFF0];
	_ =	sdelay $0x4  }
0x289: {  	(v2sf) =	vpush v4, $0x8;
	_ =	sdelay $0xd  }
0x28a: {  	(v2sf) =	vpush v4, $0x9  }
0x28b: {  	s3 =	spop (v2sf)  }
0x28c: {  	s1 =	sshra.s32 s3, $0x1F  }
0x28d: {  	s1 =	sshrl.u32 s1, $0x19  }
0x28e: {  	s1 =	sadd.s32 s1, s3  }
0x28f: {  	s6 =	sand.u32 $0xFFFFFF80, s1  }
0x290: {  	p1 =	slt.s32 s3, $0x1;
	p2 =	sne.s32 s3, s6  }
0x291: {  	p1 =	por !p1, !p2  }
0x292: {  	s4 =	simm.s32 $0x1;
	p1 =	por !p1, !p1  }
0x293: {  	s1 =	sshrl.u32 s1, $0x7;
	s4 =	simm.s32 @!p1 $0x0  }
0x294: {  	s1 =	ssub.s32 s1, s4  }
0x295: {  	(v2sf) =	vpush v4, $0xA;
	s1 =	sshll.u32 s1, $0x7  }
0x296: {  	s1 =	sand.u32 $0x1FFFFF80, s1  }
0x297: {  	s1 =	sadd.s32 s2, s1  }
0x298: {  	[tilespmem:s23], [sflag:$0x2] =	stream.strided.gather [hbm4b:s1+s13], $0x1000, s12, s13, $0x38;
	[tilespmem:$0x18400] =	vst v63  }
0x299: {  	s1 =	spop (v2sf)  }
0x29a: {  	s14 =	sshra.s32 s1, $0x1F  }
0x29b: {  	s4 =	sshrl.u32 s14, $0x19  }
0x29c: {  	s4 =	sadd.s32 s4, s1  }
0x29d: {  	s9 =	sand.u32 $0xFFFFFF80, s4  }
0x29e: {  	p5 =	slt.s32 s1, $0x1;
	p6 =	sne.s32 s1, s9  }
0x29f: {  	p1 =	por !p5, !p6  }
0x2a0: {  	s8 =	simm.s32 $0x1;
	p1 =	por !p1, !p1  }
0x2a1: {  	s4 =	sshrl.u32 s4, $0x7;
	s8 =	simm.s32 @!p1 $0x0  }
0x2a2: {  	s4 =	ssub.s32 s4, s8  }
0x2a3: {  	s4 =	sshll.u32 s4, $0x7  }
0x2a4: {  	(v2sf) =	vpush v4, $0xB;
	s8 =	spop (v2sf);
	s4 =	sand.u32 $0x1FFFFF80, s4  }
0x2a5: {  	s16 =	sshra.s32 s8, $0x1F;
	s4 =	sadd.s32 s2, s4  }
0x2a6: {  	[tilespmem:s24], [sflag:$0x2] =	stream.strided.gather [hbm4b:s4+s13], $0x1000, s12, s13, $0x38;
	[tilespmem:$0x18400] =	vst v63  }
0x2a7: {  	s4 =	sshrl.u32 s16, $0x19  }
0x2a8: {  	s10 =	sadd.s32 s4, s8  }
0x2a9: {  	s4 =	sand.u32 $0xFFFFFF80, s10  }
0x2aa: {  	p3 =	slt.s32 s8, $0x1;
	p4 =	sne.s32 s8, s4  }
0x2ab: {  	p1 =	por !p3, !p4  }
0x2ac: {  	s14 =	simm.s32 $0x1;
	p1 =	por !p1, !p1  }
0x2ad: {  	s10 =	sshrl.u32 s10, $0x7;
	s14 =	simm.s32 @!p1 $0x0  }
0x2ae: {  	s10 =	ssub.s32 s10, s14  }
0x2af: {  	s10 =	sshll.u32 s10, $0x7  }
0x2b0: {  	s10 =	sand.u32 $0x1FFFFF80, s10  }
0x2b1: {  	s10 =	sadd.s32 s2, s10  }
0x2b2: {  	(v2sf) =	vpush v4, $0xC;
	[tilespmem:s15], [sflag:$0x2] =	stream.strided.gather [hbm4b:s10+s13], $0x1000, s12, s13, $0x38;
	[tilespmem:$0x18400] =	vst v63  }
0x2b3: {  	s10 =	spop (v2sf)  }
0x2b4: {  	s18 =	sshra.s32 s10, $0x1F  }
0x2b5: {  	s14 =	sshrl.u32 s18, $0x19  }
0x2b6: {  	s14 =	sadd.s32 s14, s10  }
0x2b7: {  	s15 =	sand.u32 $0xFFFFFF80, s14  }
0x2b8: {  	p5 =	slt.s32 s10, $0x1;
	p6 =	sne.s32 s10, s15  }
0x2b9: {  	p1 =	por !p5, !p6  }
0x2ba: {  	s16 =	simm.s32 $0x1;
	p1 =	por !p1, !p1  }
0x2bb: {  	s14 =	sshrl.u32 s14, $0x7;
	s16 =	simm.s32 @!p1 $0x0  }
0x2bc: {  	s14 =	ssub.s32 s14, s16  }
0x2bd: {  	s14 =	sshll.u32 s14, $0x7  }
0x2be: {  	s14 =	sand.u32 $0x1FFFFF80, s14  }
0x2bf: {  	s14 =	sadd.s32 s2, s14  }
0x2c0: {  	(v2sf) =	vpush v4, $0xD;
	[tilespmem:s17], [sflag:$0x2] =	stream.strided.gather [hbm4b:s14+s13], $0x1000, s12, s13, $0x38;
	[tilespmem:$0x18400] =	vst v63  }
0x2c1: {  	s14 =	spop (v2sf)  }
0x2c2: {  	s20 =	sshra.s32 s14, $0x1F  }
0x2c3: {  	s16 =	sshrl.u32 s20, $0x19  }
0x2c4: {  	s16 =	sadd.s32 s16, s14  }
0x2c5: {  	s17 =	sand.u32 $0xFFFFFF80, s16  }
0x2c6: {  	p3 =	slt.s32 s14, $0x1;
	p4 =	sne.s32 s14, s17  }
0x2c7: {  	p1 =	por !p3, !p4  }
0x2c8: {  	s18 =	simm.s32 $0x1;
	p1 =	por !p1, !p1  }
0x2c9: {  	s16 =	sshrl.u32 s16, $0x7;
	s18 =	simm.s32 @!p1 $0x0  }
0x2ca: {  	s16 =	ssub.s32 s16, s18  }
0x2cb: {  	s16 =	sshll.u32 s16, $0x7  }
0x2cc: {  	s16 =	sand.u32 $0x1FFFFF80, s16  }
0x2cd: {  	s16 =	sadd.s32 s2, s16  }
0x2ce: {  	(v2sf) =	vpush v4, $0xE;
	[tilespmem:s19], [sflag:$0x2] =	stream.strided.gather [hbm4b:s16+s13], $0x1000, s12, s13, $0x38;
	[tilespmem:$0x18400] =	vst v63  }
0x2cf: {  	s16 =	spop (v2sf)  }
0x2d0: {  	s22 =	sshra.s32 s16, $0x1F  }
0x2d1: {  	s18 =	sshrl.u32 s22, $0x19  }
0x2d2: {  	s18 =	sadd.s32 s18, s16  }
0x2d3: {  	s19 =	sand.u32 $0xFFFFFF80, s18  }
0x2d4: {  	p5 =	slt.s32 s16, $0x1;
	p6 =	sne.s32 s16, s19  }
0x2d5: {  	p1 =	por !p5, !p6  }
0x2d6: {  	s20 =	simm.s32 $0x1;
	p1 =	por !p1, !p1  }
0x2d7: {  	s18 =	sshrl.u32 s18, $0x7;
	s20 =	simm.s32 @!p1 $0x0  }
0x2d8: {  	s18 =	ssub.s32 s18, s20  }
0x2d9: {  	s18 =	sshll.u32 s18, $0x7  }
0x2da: {  	s18 =	sand.u32 $0x1FFFFF80, s18  }
0x2db: {  	s18 =	sadd.s32 s2, s18  }
0x2dc: {  	(v2sf) =	vpush v4, $0xF;
	[tilespmem:s21], [sflag:$0x2] =	stream.strided.gather [hbm4b:s18+s13], $0x1000, s12, s13, $0x38;
	[tilespmem:$0x18400] =	vst v63  }
0x2dd: {  	s18 =	spop (v2sf)  }
0x2de: {  	s23 =	sshra.s32 s18, $0x1F  }
0x2df: {  	s20 =	sshrl.u32 s23, $0x19  }
0x2e0: {  	s20 =	sadd.s32 s20, s18  }
0x2e1: {  	s21 =	sand.u32 $0xFFFFFF80, s20  }
0x2e2: {  	p3 =	slt.s32 s18, $0x1;
	p4 =	sne.s32 s18, s21  }
0x2e3: {  	p1 =	por !p3, !p4  }
0x2e4: {  	s22 =	simm.s32 $0x1;
	p1 =	por !p1, !p1  }
0x2e5: {  	s20 =	sshrl.u32 s20, $0x7;
	s22 =	simm.s32 @!p1 $0x0  }
0x2e6: {  	s20 =	ssub.s32 s20, s22  }
0x2e7: {  	s20 =	sshll.u32 s20, $0x7  }
0x2e8: {  	s20 =	sand.u32 $0x1FFFFF80, s20  }
0x2e9: {  	s25 =	simm.s32 $0xE400;
	s20 =	sadd.s32 s2, s20  }
0x2ea: {  	[tilespmem:s25], [sflag:$0x2] =	stream.strided.gather [hbm4b:s20+s13], $0x1000, s12, s13, $0x38;
	[tilespmem:$0x18400] =	vst v63  }
0x2eb: {  	s20 =	spop (v2sf)  }
0x2ec: {  	s24 =	sshra.s32 s20, $0x1F  }
0x2ed: {  	s22 =	sshrl.u32 s24, $0x19  }
0x2ee: {  	s25 =	sadd.s32 s22, s20  }
0x2ef: {  	s22 =	sand.u32 $0xFFFFFF80, s25  }
0x2f0: {  	p5 =	slt.s32 s20, $0x1;
	p6 =	sne.s32 s20, s22  }
0x2f1: {  	p1 =	por !p5, !p6  }
0x2f2: {  	s24 =	simm.s32 $0x1;
	p1 =	por !p1, !p1  }
0x2f3: {  	s23 =	sshrl.u32 s25, $0x7;
	s24 =	simm.s32 @!p1 $0x0  }
0x2f4: {  	s23 =	ssub.s32 s23, s24  }
0x2f5: {  	s23 =	sshll.u32 s23, $0x7  }
0x2f6: {  	s23 =	sand.u32 $0x1FFFFF80, s23  }
0x2f7: {  	s26 =	simm.s32 $0xF400;
	s23 =	sadd.s32 s2, s23  }
0x2f8: {  	[tilespmem:s26], [sflag:$0x2] =	stream.strided.gather [hbm4b:s23+s13], $0x1000, s12, s13, $0x38;
	[tilespmem:$0x18400] =	vst v63  }
0x2f9: {  	_ =	swait.ge [sflag:s11], $0x1000  }
0x2fa: {  	[sflag:s11] =	ssyncset.done $0x0  }
0x2fb: {  	[sflag:s11] =	ssyncadd.s32 $0xFFFFF000  }
0x2fc: {  	_ =	swait.ge [sflag:s11], $0x1000  }
0x2fd: {  	[sflag:s11] =	ssyncset.done $0x0  }
0x2fe: {  	[sflag:s11] =	ssyncadd.s32 $0xFFFFF000  }
0x2ff: {  	_ =	swait.ge [sflag:s11], $0x1000  }
0x300: {  	[sflag:s11] =	ssyncset.done $0x0  }
0x301: {  	[sflag:s11] =	ssyncadd.s32 $0xFFFFF000  }
0x302: {  	_ =	swait.ge [sflag:s11], $0x1000  }
0x303: {  	[sflag:s11] =	ssyncset.done $0x0  }
0x304: {  	[sflag:s11] =	ssyncadd.s32 $0xFFFFF000  }
0x305: {  	_ =	swait.ge [sflag:s11], $0x1000  }
0x306: {  	[sflag:s11] =	ssyncset.done $0x0  }
0x307: {  	[sflag:s11] =	ssyncadd.s32 $0xFFFFF000  }
0x308: {  	_ =	swait.ge [sflag:s11], $0x1000  }
0x309: {  	[sflag:s11] =	ssyncset.done $0x0  }
0x30a: {  	[sflag:s11] =	ssyncadd.s32 $0xFFFFF000  }
0x30b: {  	_ =	swait.ge [sflag:s11], $0x1000  }
0x30c: {  	[sflag:s11] =	ssyncset.done $0x0  }
0x30d: {  	[sflag:s11] =	ssyncadd.s32 $0xFFFFF000  }
0x30e: {  	_ =	swait.ge [sflag:s11], $0x1000  }
0x30f: {  	(v2sf) =	vpush v4, $0x0;
	_ =	sdelay $0x6  }
0x310: {  	(v2sf) =	vpush v4, $0x1;
	_ =	sdelay $0x6  }
0x311: {  	(v2sf) =	vpush v4, $0x2  }
0x312: {  	s26 =	spop (v2sf)  }
0x313: {  	s25 =	sshra.s32 s26, $0x1F  }
0x314: {  	s24 =	sshrl.u32 s25, $0x19  }
0x315: {  	s24 =	sadd.s32 s24, s26  }
0x316: {  	s24 =	sand.u32 $0xFFFFFF80, s24  }
0x317: {  	s23 =	ssub.s32 s26, s24  }
0x318: {  	(v2sf) =	vpush v4, $0x3;
	s26 =	sadd.s32 $0xFFFFFFF1, s5;
	v5 =	vadd.s32 s23, v0  }
0x319: {  	s25 =	spop (v2sf);
	v6 =	vmov s26;
	v7 =	vadd.s32 s23, v1  }
0x31a: {  	s26 =	sshra.s32 s25, $0x1F;
	v8 =	vshll.u32 v6, $0x3  }
0x31b: {  	[sflag:s11] =	ssyncset.done $0x0;
	v6 =	vand.u32 $0x70, v6;
	s24 =	sshrl.u32 s26, $0x19;
	v8 =	vand.u32 $0x1C00, v8  }
0x31c: {  	[sflag:s11] =	ssyncadd.s32 $0xFFFFF000;
	s24 =	sadd.s32 s24, s25;
	v6 =	vor.u32 v6, v8  }
0x31d: {  	s24 =	sand.u32 $0xFFFFFF80, s24;
	v8 =	vor.u32 v2, v6;
	v5 =	vld.idx.msk [tilespmem:v5+s13+$0x0], $0xffff  }
0x31e: {  	v6 =	vor.u32 v3, v6;
	s23 =	ssub.s32 s25, s24;
	v7 =	vld.idx.msk [tilespmem:v7+s13+$0x0], $0xffff  }
0x31f: {  	(v2sf) =	vpush v4, $0x4;
	s25 =	sadd.s32 $0xFFFFFFF2, s5;
	v9 =	vadd.s32 s23, v0  }
0x320: {  	v10 =	vmov s25;
	v11 =	vadd.s32 s23, v1;
	s23 =	spop (v2sf)  }
0x321: {  	v12 =	vshll.u32 v10, $0x3;
	s26 =	sshra.s32 s23, $0x1F  }
0x322: {  	v28 =	vand.u32 $0x1C00, v12;
	s24 =	sshrl.u32 s26, $0x19;
	[tilespmem:v8+s30+$0x0] =	vst.idx.msk $0xffff, v5;
	v5 =	vand.u32 $0x71, v10  }
0x323: {  	s25 =	simm.s32 $0x1400;
	s24 =	sadd.s32 s24, s23;
	[tilespmem:v6+s30+$0x0] =	vst.idx.msk $0xffff, v7;
	v5 =	vor.u32 v5, v28  }
0x324: {  	s24 =	sand.u32 $0xFFFFFF80, s24;
	v6 =	vld.idx.msk [tilespmem:v9+s25+$0x0], $0xffff;
	v29 =	vor.u32 v2, v5  }
0x325: {  	s23 =	ssub.s32 s23, s24;
	v30 =	vld.idx.msk [tilespmem:v11+s25+$0x0], $0xffff;
	v5 =	vor.u32 v3, v5  }
0x326: {  	(v2sf) =	vpush v4, $0x5;
	s26 =	sadd.s32 $0xFFFFFFF3, s5;
	v31 =	vadd.s32 s23, v0  }
0x327: {  	v32 =	vmov s26;
	v33 =	vadd.s32 s23, v1;
	s25 =	spop (v2sf)  }
0x328: {  	v34 =	vshll.u32 v32, $0x3;
	s26 =	sshra.s32 s25, $0x1F  }
0x329: {  	v35 =	vand.u32 $0x72, v32;
	v36 =	vand.u32 $0x1C00, v34;
	s24 =	sshrl.u32 s26, $0x19;
	[tilespmem:v29+s30+$0x0] =	vst.idx.msk $0xffff, v6  }
0x32a: {  	s28 =	simm.s32 $0x2400;
	s24 =	sadd.s32 s24, s25;
	[tilespmem:v5+s30+$0x0] =	vst.idx.msk $0xffff, v30;
	v5 =	vor.u32 v35, v36  }
0x32b: {  	s24 =	sand.u32 $0xFFFFFF80, s24;
	v37 =	vld.idx.msk [tilespmem:v31+s28+$0x0], $0xffff;
	v7 =	vor.u32 v2, v5  }
0x32c: {  	s23 =	ssub.s32 s25, s24;
	v8 =	vld.idx.msk [tilespmem:v33+s28+$0x0], $0xffff;
	v5 =	vor.u32 v3, v5  }
0x32d: {  	(v2sf) =	vpush v4, $0x6;
	s25 =	sadd.s32 $0xFFFFFFF4, s5;
	v38 =	vadd.s32 s23, v0  }
0x32e: {  	s26 =	spop (v2sf);
	v39 =	vmov s25;
	v40 =	vadd.s32 s23, v1  }
0x32f: {  	s25 =	sshra.s32 s26, $0x1F;
	v41 =	vshll.u32 v39, $0x3  }
0x330: {  	v42 =	vand.u32 $0x73, v39;
	s24 =	sshrl.u32 s25, $0x19;
	v43 =	vand.u32 $0x1C00, v41;
	[tilespmem:v7+s30+$0x0] =	vst.idx.msk $0xffff, v37  }
0x331: {  	s29 =	simm.s32 $0x3400;
	s24 =	sadd.s32 s24, s26;
	[tilespmem:v5+s30+$0x0] =	vst.idx.msk $0xffff, v8;
	v5 =	vor.u32 v42, v43  }
0x332: {  	s24 =	sand.u32 $0xFFFFFF80, s24;
	v44 =	vld.idx.msk [tilespmem:v38+s29+$0x0], $0xffff;
	v7 =	vor.u32 v2, v5  }
0x333: {  	s23 =	ssub.s32 s26, s24;
	v8 =	vld.idx.msk [tilespmem:v40+s29+$0x0], $0xffff;
	v5 =	vor.u32 v3, v5  }
0x334: {  	(v2sf) =	vpush v4, $0x7;
	s26 =	sadd.s32 $0xFFFFFFF5, s5;
	v45 =	vadd.s32 s23, v0  }
0x335: {  	s24 =	spop (v2sf);
	v4 =	vmov s26;
	v46 =	vadd.s32 s23, v1  }
0x336: {  	s25 =	sshra.s32 s24, $0x1F;
	v47 =	vshll.u32 v4, $0x3  }
0x337: {  	v4 =	vand.u32 $0x74, v4;
	s23 =	sshrl.u32 s25, $0x19;
	v48 =	vand.u32 $0x1C00, v47;
	[tilespmem:v7+s30+$0x0] =	vst.idx.msk $0xffff, v44  }
0x338: {  	s26 =	simm.s32 $0x4400;
	s23 =	sadd.s32 s23, s24;
	v4 =	vor.u32 v4, v48;
	[tilespmem:v5+s30+$0x0] =	vst.idx.msk $0xffff, v8  }
0x339: {  	s23 =	sand.u32 $0xFFFFFF80, s23;
	v6 =	vor.u32 v2, v4;
	v5 =	vld.idx.msk [tilespmem:v45+s26+$0x0], $0xffff  }
0x33a: {  	v4 =	vor.u32 v3, v4;
	s23 =	ssub.s32 s24, s23;
	v7 =	vld.idx.msk [tilespmem:v46+s26+$0x0], $0xffff  }
0x33b: {  	v49 =	vadd.s32 s23, v0;
	s26 =	sadd.s32 $0xFFFFFFF6, s5  }
0x33c: {  	s24 =	spop (v2sf);
	v51 =	vadd.s32 s23, v1;
	v50 =	vmov s26  }
0x33d: {  	s25 =	sshra.s32 s24, $0x1F;
	v52 =	vshll.u32 v50, $0x3  }
0x33e: {  	s23 =	sshrl.u32 s25, $0x19;
	v53 =	vand.u32 $0x1C00, v52;
	[tilespmem:v6+s30+$0x0] =	vst.idx.msk $0xffff, v5;
	v5 =	vand.u32 $0x75, v50  }
0x33f: {  	s23 =	sadd.s32 s23, s24;
	s26 =	simm.s32 $0x5400;
	[tilespmem:v4+s30+$0x0] =	vst.idx.msk $0xffff, v7;
	v4 =	vor.u32 v5, v53  }
0x340: {  	s23 =	sand.u32 $0xFFFFFF80, s23;
	v5 =	vld.idx.msk [tilespmem:v49+s26+$0x0], $0xffff;
	v6 =	vor.u32 v2, v4  }
0x341: {  	s23 =	ssub.s32 s24, s23;
	v7 =	vld.idx.msk [tilespmem:v51+s26+$0x0], $0xffff;
	v4 =	vor.u32 v3, v4  }
0x342: {  	v54 =	vadd.s32 s23, v0;
	s26 =	sadd.s32 $0xFFFFFFF7, s5  }
0x343: {  	v56 =	vadd.s32 s23, v1;
	s23 =	spop (v2sf);
	v55 =	vmov s26  }
0x344: {  	s26 =	sshra.s32 s23, $0x1F;
	v57 =	vshll.u32 v55, $0x3  }
0x345: {  	s24 =	sshrl.u32 s26, $0x19;
	v58 =	vand.u32 $0x1C00, v57;
	[tilespmem:v6+s30+$0x0] =	vst.idx.msk $0xffff, v5;
	v5 =	vand.u32 $0x76, v55  }
0x346: {  	s28 =	simm.s32 $0x6400;
	s24 =	sadd.s32 s24, s23;
	[tilespmem:v4+s30+$0x0] =	vst.idx.msk $0xffff, v7;
	v4 =	vor.u32 v5, v58  }
0x347: {  	s24 =	sand.u32 $0xFFFFFF80, s24;
	v5 =	vld.idx.msk [tilespmem:v54+s28+$0x0], $0xffff;
	v6 =	vor.u32 v2, v4  }
0x348: {  	s23 =	ssub.s32 s23, s24;
	v7 =	vld.idx.msk [tilespmem:v56+s28+$0x0], $0xffff;
	v4 =	vor.u32 v3, v4  }
0x349: {  	s24 =	sadd.s32 $0xFFFFFFF8, s5;
	v59 =	vadd.s32 s23, v0  }
0x34a: {  	v60 =	vmov s24;
	v61 =	vadd.s32 s23, v1  }
0x34b: {  	v62 =	vshll.u32 v60, $0x3  }
0x34c: {  	v63 =	vand.u32 $0x1C00, v62;
	[tilespmem:v6+s30+$0x0] =	vst.idx.msk $0xffff, v5;
	v5 =	vand.u32 $0x77, v60  }
0x34d: {  	s24 =	simm.s32 $0x7400;
	[tilespmem:v4+s30+$0x0] =	vst.idx.msk $0xffff, v7;
	v4 =	vor.u32 v5, v63  }
0x34e: {  	v5 =	vld.idx.msk [tilespmem:v59+s24+$0x0], $0xffff;
	v6 =	vor.u32 v2, v4  }
0x34f: {  	p1 =	seq.s32 s5, $0x3FF;
	v7 =	vld.idx.msk [tilespmem:v61+s24+$0x0], $0xffff;
	v4 =	vor.u32 v3, v4  }
.Ltmp9:
0x350: {  	_ = 	snop;
	(pc) =	sbr.rel @p1 .LBB2_10-.Ltmp9, $3  }
0x351: {  	_ =	sdelay $0x1  }
0x352: {  	s29 =	simm.s32 $0x4400;
	[tilespmem:v6+s30+$0x0] =	vst.idx.msk $0xffff, v5  }
0x353: {  	s25 =	simm.s32 $0x5400;
	s26 =	simm.s32 $0x6400;
	s28 =	simm.s32 $0x7400;
	[tilespmem:v4+s30+$0x0] =	vst.idx.msk $0xffff, v7  }
0x354: {  	v4 =	vld [tilespmem:s7+$0x0];
	_ =	sdelay $0x4  }
0x355: {  	(v2sf) =	vpush v4, $0x0;
	_ =	sdelay $0xa  }
0x356: {  	(v2sf) =	vpush v4, $0x1;
	_ =	sdelay $0x3  }
0x357: {  	s23 =	spop (v2sf)  }
0x358: {  	s24 =	sand.u32 $0x7F, s23  }
0x359: {  	p2 =	slt.s32 s23, $0x1;
	p1 =	sne.s32 s24, $0x0;
	s24 =	sshra.s32 s23, $0x1F  }
0x35a: {  	s24 =	sshrl.u32 s24, $0x19;
	p1 =	por !p2, !p1  }
0x35b: {  	s23 =	sadd.s32 s24, s23;
	p1 =	por !p1, !p1;
	s24 =	simm.s32 $0x1  }
0x35c: {  	s23 =	sshrl.u32 s23, $0x7;
	s24 =	simm.s32 @!p1 $0x0  }
0x35d: {  	s23 =	ssub.s32 s23, s24  }
0x35e: {  	(v2sf) =	vpush v4, $0x2;
	s23 =	sshll.u32 s23, $0x7  }
0x35f: {  	s23 =	sand.u32 $0x1FFFFF80, s23  }
0x360: {  	s23 =	sadd.s32 s2, s23  }
0x361: {  	[tilespmem:s13], [sflag:$0x1] =	stream.strided.gather [hbm4b:s23+s13], $0x1000, s12, s13, $0x38;
	[tilespmem:$0x18400] =	vst v63  }
0x362: {  	s23 =	spop (v2sf)  }
0x363: {  	s24 =	sand.u32 $0x7F, s23  }
0x364: {  	p6 =	slt.s32 s23, $0x1;
	p5 =	sne.s32 s24, $0x0;
	s24 =	sshra.s32 s23, $0x1F  }
0x365: {  	s24 =	sshrl.u32 s24, $0x19;
	p1 =	por !p6, !p5  }
0x366: {  	s23 =	sadd.s32 s24, s23;
	p1 =	por !p1, !p1;
	s24 =	simm.s32 $0x1  }
0x367: {  	s23 =	sshrl.u32 s23, $0x7;
	s24 =	simm.s32 @!p1 $0x0  }
0x368: {  	s23 =	ssub.s32 s23, s24  }
0x369: {  	(v2sf) =	vpush v4, $0x3;
	s23 =	sshll.u32 s23, $0x7  }
0x36a: {  	s23 =	sand.u32 $0x1FFFFF80, s23  }
0x36b: {  	s24 =	simm.s32 $0x1400;
	s23 =	sadd.s32 s2, s23  }
0x36c: {  	[tilespmem:s24], [sflag:$0x1] =	stream.strided.gather [hbm4b:s23+s13], $0x1000, s12, s13, $0x38;
	[tilespmem:$0x18400] =	vst v63  }
0x36d: {  	s23 =	spop (v2sf)  }
0x36e: {  	s24 =	sand.u32 $0x7F, s23  }
0x36f: {  	p4 =	slt.s32 s23, $0x1;
	p3 =	sne.s32 s24, $0x0;
	s24 =	sshra.s32 s23, $0x1F  }
0x370: {  	s24 =	sshrl.u32 s24, $0x19;
	p1 =	por !p4, !p3  }
0x371: {  	s23 =	sadd.s32 s24, s23;
	p1 =	por !p1, !p1;
	s24 =	simm.s32 $0x1  }
0x372: {  	s23 =	sshrl.u32 s23, $0x7;
	s24 =	simm.s32 @!p1 $0x0  }
0x373: {  	s23 =	ssub.s32 s23, s24  }
0x374: {  	(v2sf) =	vpush v4, $0x4;
	s23 =	sshll.u32 s23, $0x7  }
0x375: {  	s23 =	sand.u32 $0x1FFFFF80, s23  }
0x376: {  	s24 =	simm.s32 $0x2400;
	s23 =	sadd.s32 s2, s23  }
0x377: {  	[tilespmem:s24], [sflag:$0x1] =	stream.strided.gather [hbm4b:s23+s13], $0x1000, s12, s13, $0x38;
	[tilespmem:$0x18400] =	vst v63  }
0x378: {  	s23 =	spop (v2sf)  }
0x379: {  	s24 =	sand.u32 $0x7F, s23  }
0x37a: {  	p6 =	slt.s32 s23, $0x1;
	p5 =	sne.s32 s24, $0x0;
	s24 =	sshra.s32 s23, $0x1F  }
0x37b: {  	s24 =	sshrl.u32 s24, $0x19;
	p1 =	por !p6, !p5  }
0x37c: {  	s23 =	sadd.s32 s24, s23;
	p1 =	por !p1, !p1;
	s24 =	simm.s32 $0x1  }
0x37d: {  	s23 =	sshrl.u32 s23, $0x7;
	s24 =	simm.s32 @!p1 $0x0  }
0x37e: {  	s23 =	ssub.s32 s23, s24  }
0x37f: {  	(v2sf) =	vpush v4, $0x5;
	s23 =	sshll.u32 s23, $0x7  }
0x380: {  	s23 =	sand.u32 $0x1FFFFF80, s23  }
0x381: {  	s24 =	simm.s32 $0x3400;
	s23 =	sadd.s32 s2, s23  }
0x382: {  	[tilespmem:s24], [sflag:$0x1] =	stream.strided.gather [hbm4b:s23+s13], $0x1000, s12, s13, $0x38;
	[tilespmem:$0x18400] =	vst v63  }
0x383: {  	s23 =	spop (v2sf)  }
0x384: {  	s24 =	sand.u32 $0x7F, s23  }
0x385: {  	p4 =	slt.s32 s23, $0x1;
	p3 =	sne.s32 s24, $0x0;
	s24 =	sshra.s32 s23, $0x1F  }
0x386: {  	s24 =	sshrl.u32 s24, $0x19;
	p1 =	por !p4, !p3  }
0x387: {  	s23 =	sadd.s32 s24, s23;
	p1 =	por !p1, !p1;
	s24 =	simm.s32 $0x1  }
0x388: {  	(v2sf) =	vpush v4, $0x6;
	s23 =	sshrl.u32 s23, $0x7;
	s24 =	simm.s32 @!p1 $0x0  }
0x389: {  	s23 =	ssub.s32 s23, s24  }
0x38a: {  	s23 =	sshll.u32 s23, $0x7  }
0x38b: {  	s23 =	sand.u32 $0x1FFFFF80, s23  }
0x38c: {  	s23 =	sadd.s32 s2, s23  }
0x38d: {  	[tilespmem:s29], [sflag:$0x1] =	stream.strided.gather [hbm4b:s23+s13], $0x1000, s12, s13, $0x38;
	[tilespmem:$0x18400] =	vst v63  }
0x38e: {  	s23 =	spop (v2sf)  }
0x38f: {  	s24 =	sand.u32 $0x7F, s23  }
0x390: {  	p6 =	slt.s32 s23, $0x1;
	p5 =	sne.s32 s24, $0x0;
	s24 =	sshra.s32 s23, $0x1F  }
0x391: {  	s24 =	sshrl.u32 s24, $0x19;
	p1 =	por !p6, !p5  }
0x392: {  	s23 =	sadd.s32 s24, s23;
	p1 =	por !p1, !p1;
	s24 =	simm.s32 $0x1  }
0x393: {  	s23 =	sshrl.u32 s23, $0x7;
	s24 =	simm.s32 @!p1 $0x0  }
0x394: {  	(v2sf) =	vpush v4, $0x7;
	s23 =	ssub.s32 s23, s24  }
0x395: {  	s23 =	sshll.u32 s23, $0x7  }
0x396: {  	s23 =	sand.u32 $0x1FFFFF80, s23  }
0x397: {  	s24 =	spop (v2sf);
	s23 =	sadd.s32 s2, s23  }
0x398: {  	[tilespmem:s25], [sflag:$0x1] =	stream.strided.gather [hbm4b:s23+s13], $0x1000, s12, s13, $0x38;
	[tilespmem:$0x18400] =	vst v63  }
0x399: {  	s23 =	sand.u32 $0x7F, s24  }
0x39a: {  	p4 =	slt.s32 s24, $0x1;
	p3 =	sne.s32 s23, $0x0;
	s23 =	sshra.s32 s24, $0x1F  }
0x39b: {  	s23 =	sshrl.u32 s23, $0x19;
	p1 =	por !p4, !p3  }
0x39c: {  	s23 =	sadd.s32 s23, s24;
	p1 =	por !p1, !p1;
	s24 =	simm.s32 $0x1  }
0x39d: {  	s23 =	sshrl.u32 s23, $0x7;
	s24 =	simm.s32 @!p1 $0x0  }
0x39e: {  	s23 =	ssub.s32 s23, s24  }
0x39f: {  	s23 =	sshll.u32 s23, $0x7  }
0x3a0: {  	s23 =	sand.u32 $0x1FFFFF80, s23  }
0x3a1: {  	s23 =	sadd.s32 s2, s23  }
0x3a2: {  	[tilespmem:s26], [sflag:$0x1] =	stream.strided.gather [hbm4b:s23+s13], $0x1000, s12, s13, $0x38;
	[tilespmem:$0x18400] =	vst v63  }
0x3a3: {  	s23 =	spop (v2sf)  }
0x3a4: {  	s24 =	sand.u32 $0x7F, s23  }
0x3a5: {  	p6 =	slt.s32 s23, $0x1;
	p5 =	sne.s32 s24, $0x0;
	s24 =	sshra.s32 s23, $0x1F  }
0x3a6: {  	s24 =	sshrl.u32 s24, $0x19;
	p1 =	por !p6, !p5  }
0x3a7: {  	s23 =	sadd.s32 s24, s23;
	p1 =	por !p1, !p1;
	s24 =	simm.s32 $0x1  }
0x3a8: {  	s23 =	sshrl.u32 s23, $0x7;
	s24 =	simm.s32 @!p1 $0x0  }
.Ltmp10:
0x3a9: {  	s23 =	ssub.s32 s23, s24;
	(pc) =	sbr.rel .LBB2_10-.Ltmp10, $4  }
0x3aa: {  	s23 =	sshll.u32 s23, $0x7  }
0x3ab: {  	s23 =	sand.u32 $0x1FFFFF80, s23  }
0x3ac: {  	s23 =	sadd.s32 s2, s23  }
0x3ad: {  	[tilespmem:s28], [sflag:$0x1] =	stream.strided.gather [hbm4b:s23+s13], $0x1000, s12, s13, $0x38;
	[tilespmem:$0x18400] =	vst v63  }
.LBB2_6:
.Ltmp11:
0x3ae: {  	(pc) =	sbr.rel .LBB2_12-.Ltmp11, $3  }
0x3af: {  	_ =	sdelay $0x1  }
0x3b0: {  	s1 =	rddreg [dreg:$0x9]  }
0x3b1: {  	s5 =	rddreg [dreg:$0xb]  }
.LBB2_13:
0x3b2: {  	_ =	sfence.sel $0x180000  }
0x3b3: {  	[bflag:$0x0] =	sbarrier.arrive $0xFFFF  }
0x3b4: {  	_ =	strace $0x90000047  }
0x3b5: {  	s0 =	stileid.u32;
	[bflag:$0x2] =	sbarrier.arrive $0xFFFF  }
0x3b6: {  	p0 =	sne.s32 s0, $0x0;
	s0 =	rddreg [dreg:$0x5]  }
0x3b7: {  	s0 =	sadd.s32 @!p0 $0x100000, s0  }
0x3b8: {  	[sflag:s0] =	ssyncadd.tile.s32 @!p0 $0x1;
	_ =	shalt  }
.Lfunc_end2:
_tile_overlayer_lowered:
.L_overlay_start_2:
0x3b9: {  	(tag) =	ssettag $0x2  }
0x3ba: {  	s0 =	rddreg [dreg:$0x0];
	s2 =	stileid.u32  }
0x3bb: {  	s1 =	rddreg [dreg:$0x1];
	p0 =	sne.s32 s2, $0x0  }
0x3bc: {  	s3 =	rddreg [dreg:$0x2];
	[bflag:$0x3] =	sbarrier.arrive $0xFFFF;
	s2 =	simm.s32 @!p0 $0x1C03  }
0x3bd: {  	[timem:s3], [sflag:s2] =	dma.local @!p0 [hbm:s0], s1  }
0x3be: {  	s0 =	simm.s32 @!p0 $0x3  }
0x3bf: {  	_ =	swait.ge @!p0 [sflag:s0], s1  }
0x3c0: {  	s1 =	ssub.s32 @!p0 $0x0, s1;
	[sflag:s0] =	ssyncset.done @!p0 $0x0  }
0x3c1: {  	[sflag:s0] =	ssyncadd.s32 @!p0 s1  }
0x3c2: {  	[bflag:$0x3] =	sbarrier.arrive $0xFFFF  }
0x3c3: {  	_ =	shalt  }

</sc_bundles>
